<compile_context>
chip_gen: v7x
topology: tpu7x:2x2x1
jax: 0.10.2.dev20260603
libtpu: 0.0.44.dev20260713+nightly
codegen_flags: <defaults>
</compile_context>

<pallas_src>
import functools

import jax
import jax.numpy as jnp
from jax import lax
from jax.experimental import pallas as pl
from jax.experimental.pallas import tpu as pltpu
from jax.experimental.pallas import tpu_sc as plsc

B = 16384
D = 128
HALF = D // 2
L = 16
NC, NS = 2, 16
NW = NC * NS
BPW = B // NW
C = 128
CHUNKS = ((0, 32), (32, 96), (128, 128), (256, 128), (384, 128))

_mesh = plsc.VectorSubcoreMesh(core_axis_name="c", subcore_axis_name="s")


_PERM_DNUMS = lax.GatherDimensionNumbers(
    offset_dims=(), collapsed_slice_dims=(0,), start_index_map=(0,))


def _perm(v, idx):
    return lax.gather(v, idx[:, None], _PERM_DNUMS, (1,),
                      mode=lax.GatherScatterMode.PROMISE_IN_BOUNDS)


@functools.partial(
    pl.kernel,
    mesh=_mesh,
    out_type=jax.ShapeDtypeStruct((B,), jnp.float32),
    scratch_types=[
        pltpu.VMEM((BPW,), jnp.int32),
        pltpu.VMEM((BPW,), jnp.int32),
        pltpu.VMEM((BPW,), jnp.int32),
        pltpu.VMEM((2, C, D), jnp.float32),
        pltpu.VMEM((2, C, D), jnp.float32),
        pltpu.VMEM((2, C, D), jnp.float32),
        pltpu.VMEM((C // 2 * L,), jnp.float32),
        pltpu.VMEM((BPW,), jnp.float32),
        pltpu.SemaphoreType.DMA,
        pltpu.SemaphoreType.DMA,
        pltpu.SemaphoreType.DMA,
    ],
)
def _complex_score_sc(h_hbm, r_hbm, t_hbm, ent_hbm, rel_hbm, out_hbm,
                      idx_h, idx_r, idx_t, rows_h, rows_r, rows_t,
                      pairbuf, outb, sem0, sem1, sem_out):
    wid = lax.axis_index("s") * NC + lax.axis_index("c")
    base = wid * BPW

    lane = lax.iota(jnp.int32, L)
    inv = ((lane & 1) << 3) | ((lane & 2) << 1) | ((lane & 4) >> 1) | ((lane & 8) >> 3)
    fold_idx = {blk: lane ^ blk for blk in (8, 4, 2, 1)}
    merge_mask = {blk: (lane & blk) == 0 for blk in (8, 4, 2, 1)}
    sems = (sem0, sem1)

    f = CHUNKS[0][1]
    first = (
        pltpu.async_copy(h_hbm.at[pl.ds(base, f)], idx_h.at[pl.ds(0, f)], sem0),
        pltpu.async_copy(r_hbm.at[pl.ds(base, f)], idx_r.at[pl.ds(0, f)], sem0),
        pltpu.async_copy(t_hbm.at[pl.ds(base, f)], idx_t.at[pl.ds(0, f)], sem0),
    )
    for cp in first:
        cp.wait()

    def issue(ci):
        b = ci % 2
        co, size = CHUNKS[ci]
        s = sems[b]
        return (
            pltpu.async_copy(ent_hbm.at[idx_h.at[pl.ds(co, size)]],
                             rows_h.at[b, pl.ds(0, size)], s),
            pltpu.async_copy(rel_hbm.at[idx_r.at[pl.ds(co, size)]],
                             rows_r.at[b, pl.ds(0, size)], s),
            pltpu.async_copy(ent_hbm.at[idx_t.at[pl.ds(co, size)]],
                             rows_t.at[b, pl.ds(0, size)], s),
        )

    pending = [issue(0)]

    rest = (
        pltpu.async_copy(h_hbm.at[pl.ds(base + f, BPW - f)],
                         idx_h.at[pl.ds(f, BPW - f)], sem1),
        pltpu.async_copy(r_hbm.at[pl.ds(base + f, BPW - f)],
                         idx_r.at[pl.ds(f, BPW - f)], sem1),
        pltpu.async_copy(t_hbm.at[pl.ds(base + f, BPW - f)],
                         idx_t.at[pl.ds(f, BPW - f)], sem1),
    )
    for cp in rest:
        cp.wait()

    out_copies = []
    for ci in range(len(CHUNKS)):
        b = ci % 2
        co, size = CHUNKS[ci]
        if ci + 1 < len(CHUNKS):
            pending.append(issue(ci + 1))
        for cp in pending.pop(0):
            cp.wait()

        def row_acc(ro, b=b):
            acc = jnp.zeros((L,), jnp.float32)
            for j in range(HALF // L):
                hr = rows_h[b, ro, pl.ds(j * L, L)]
                hi = rows_h[b, ro, pl.ds(HALF + j * L, L)]
                rr = rows_r[b, ro, pl.ds(j * L, L)]
                ri = rows_r[b, ro, pl.ds(HALF + j * L, L)]
                tr = rows_t[b, ro, pl.ds(j * L, L)]
                ti = rows_t[b, ro, pl.ds(HALF + j * L, L)]
                a = hr * rr - hi * ri
                bb = hr * ri + hi * rr
                acc = acc + a * tr + bb * ti
            return acc

        def pair_body(q, b=b):
            a_v = row_acc(2 * q, b)
            b_v = row_acc(2 * q + 1, b)
            fa = a_v + _perm(a_v, fold_idx[L // 2])
            fb = b_v + _perm(b_v, fold_idx[L // 2])
            pairbuf[pl.ds(q * L, L)] = jnp.where(merge_mask[L // 2], fa, fb)

        def group_body(g, _, co=co):
            stack = []
            for q in range(L // 2):
                stack.append((1, pairbuf[pl.ds((g * (L // 2) + q) * L, L)]))
                while len(stack) >= 2 and stack[-1][0] == stack[-2][0]:
                    lvl, b_v = stack.pop()
                    _, a_v = stack.pop()
                    blk = (L // 2) >> lvl
                    fa = a_v + _perm(a_v, fold_idx[blk])
                    fb = b_v + _perm(b_v, fold_idx[blk])
                    stack.append((lvl + 1, jnp.where(merge_mask[blk], fa, fb)))
            res = _perm(stack[0][1], inv)
            outb[pl.ds(co + g * L, L)] = res
            return 0

        plsc.parallel_loop(0, size // 2, step=1, unroll=2)(pair_body)
        lax.fori_loop(0, size // L, group_body, 0)
        out_copies.append(pltpu.async_copy(
            outb.at[pl.ds(co, size)], out_hbm.at[pl.ds(base + co, size)],
            sem_out))

    for cp in out_copies:
        cp.wait()


def kernel(h, r, t, ent_table, rel_table):
    score = _complex_score_sc(h, r, t, ent_table, rel_table)
    return score[:, None]

# --- scband reference (transcript-rebuilt; emitter-appended) ---
"""Pipeline reference for scband-ins-model-compl-ex-16552803959074 (READ-ONLY COPY).

The authoritative reference and input builder live on the scoring server;
editing this copy changes nothing except your own understanding.
"""

import jax, jax.numpy as jnp
import numpy as np

N_ENT = 1000000
N_REL = 1000
D = 128
B = 16384

def setup_inputs(seed: int = 0) -> dict:
    key = jax.random.key(seed)
    k1, k2, k3, k4, k5 = jax.random.split(key, 5)
    ent_table = jax.random.normal(k1, (N_ENT, D), dtype=jnp.float32) * 0.05
    rel_table = jax.random.normal(k2, (N_REL, D), dtype=jnp.float32) * 0.05
    h = jax.random.randint(k3, (B,), 0, N_ENT, dtype=jnp.int32)
    r = jax.random.randint(k4, (B,), 0, N_REL, dtype=jnp.int32)
    t = jax.random.randint(k5, (B,), 0, N_ENT, dtype=jnp.int32)
    return {"h": h, "r": r, "t": t, "ent_table": ent_table, "rel_table": rel_table}

def _split_complex(emb):
    d = emb.shape[-1] // 2
    return emb[..., :d], emb[..., d:]

def reference(h, r, t, ent_table, rel_table):
    # BatchType.SINGLE path: gather then unsqueeze(1) -> [B, 1, D]
    h_emb = jnp.take(ent_table, h, axis=0)[:, None, :]
    r_emb = jnp.take(rel_table, r, axis=0)[:, None, :]
    t_emb = jnp.take(ent_table, t, axis=0)[:, None, :]
    h_real, h_imag = _split_complex(h_emb)
    r_real, r_imag = _split_complex(r_emb)
    t_real, t_imag = _split_complex(t_emb)
    score_real = (h_real * r_real * t_real
                  + h_real * r_imag * t_imag
                  + h_imag * r_real * t_imag
                  - h_imag * r_imag * t_real)
    score = jnp.sum(score_real, axis=-1)  # [B, 1]
    return score

if __name__ == "__main__":
    import jax
    _d = setup_inputs()
    print(jax.jit(kernel)(*tuple(_d.values())))

</pallas_src>

<mosaic_0001>
#map = affine_map<(d0, d1) -> (0)>
#map1 = affine_map<(d0, d1) -> (0, 0)>
module attributes {stable_mosaic.version = 14 : i64} {
  func.func @_complex_score_sc(%arg0: i32, %arg1: i32, %arg2: memref<16384xi32, #tpu.memory_space<hbm>>, %arg3: memref<16384xi32, #tpu.memory_space<hbm>>, %arg4: memref<16384xi32, #tpu.memory_space<hbm>>, %arg5: memref<1000000x128xf32, #tpu.memory_space<hbm>>, %arg6: memref<1000x128xf32, #tpu.memory_space<hbm>>, %arg7: memref<16384xf32, #tpu.memory_space<hbm>>, %arg8: memref<512xi32, #tpu.memory_space<vmem>>, %arg9: memref<512xi32, #tpu.memory_space<vmem>>, %arg10: memref<512xi32, #tpu.memory_space<vmem>>, %arg11: memref<2x128x128xf32, #tpu.memory_space<vmem>>, %arg12: memref<2x128x128xf32, #tpu.memory_space<vmem>>, %arg13: memref<2x128x128xf32, #tpu.memory_space<vmem>>, %arg14: memref<1024xf32, #tpu.memory_space<vmem>>, %arg15: memref<512xf32, #tpu.memory_space<vmem>>, %arg16: memref<!tpu.dma_semaphore, #tpu.memory_space<semaphore_mem>>, %arg17: memref<!tpu.dma_semaphore, #tpu.memory_space<semaphore_mem>>, %arg18: memref<!tpu.dma_semaphore, #tpu.memory_space<semaphore_mem>>) attributes {dimension_semantics = [#tpu.dimension_semantics<core_parallel>, #tpu.dimension_semantics<subcore_parallel>], iteration_bounds = array<i64: 2, 16>, scalar_prefetch = 0 : i64, scratch_operands = 11 : i64, tpu.core_type = #tpu.core_type<sc_vector_subcore>, window_params = [{transform_indices = #map}, {transform_indices = #map}, {transform_indices = #map}, {transform_indices = #map1}, {transform_indices = #map1}, {transform_indices = #map}]} {
    %mul3A = arith.constant 2 : i32
    %mul3A_0 = arith.muli %arg1, %mul3A : i32
    %add3A = arith.addi %mul3A_0, %arg0 : i32
    %mul3A_1 = arith.constant 512 : i32
    %mul3A_2 = arith.muli %add3A, %mul3A_1 : i32
    %iota3A = tpu.iota {dimensions = array<i32: 0>} : vector<16xi32>
    %and3A = arith.constant 1 : i32
    %and3A_3 = vector.broadcast %and3A : i32 to vector<16xi32>
    %and3A_4 = arith.andi %iota3A, %and3A_3 : vector<16xi32>
    %shift_left3A = arith.constant 3 : i32
    %shift_left3A_5 = vector.broadcast %shift_left3A : i32 to vector<16xi32>
    %shift_left3A_6 = arith.shli %and3A_4, %shift_left3A_5 : vector<16xi32>
    %and3A_7 = arith.constant 2 : i32
    %and3A_8 = vector.broadcast %and3A_7 : i32 to vector<16xi32>
    %and3A_9 = arith.andi %iota3A, %and3A_8 : vector<16xi32>
    %shift_left3A_10 = arith.constant 1 : i32
    %shift_left3A_11 = vector.broadcast %shift_left3A_10 : i32 to vector<16xi32>
    %shift_left3A_12 = arith.shli %and3A_9, %shift_left3A_11 : vector<16xi32>
    %or3A = arith.ori %shift_left3A_6, %shift_left3A_12 : vector<16xi32>
    %and3A_13 = arith.constant 4 : i32
    %and3A_14 = vector.broadcast %and3A_13 : i32 to vector<16xi32>
    %and3A_15 = arith.andi %iota3A, %and3A_14 : vector<16xi32>
    %shift_right_arithmetic3A = arith.constant 1 : i32
    %shift_right_arithmetic3A_16 = vector.broadcast %shift_right_arithmetic3A : i32 to vector<16xi32>
    %shift_right_arithmetic3A_17 = arith.shrsi %and3A_15, %shift_right_arithmetic3A_16 : vector<16xi32>
    %or3A_18 = arith.ori %or3A, %shift_right_arithmetic3A_17 : vector<16xi32>
    %and3A_19 = arith.constant 8 : i32
    %and3A_20 = vector.broadcast %and3A_19 : i32 to vector<16xi32>
    %and3A_21 = arith.andi %iota3A, %and3A_20 : vector<16xi32>
    %shift_right_arithmetic3A_22 = arith.constant 3 : i32
    %shift_right_arithmetic3A_23 = vector.broadcast %shift_right_arithmetic3A_22 : i32 to vector<16xi32>
    %shift_right_arithmetic3A_24 = arith.shrsi %and3A_21, %shift_right_arithmetic3A_23 : vector<16xi32>
    %or3A_25 = arith.ori %or3A_18, %shift_right_arithmetic3A_24 : vector<16xi32>
    %xor3A = arith.constant 8 : i32
    %xor3A_26 = vector.broadcast %xor3A : i32 to vector<16xi32>
    %xor3A_27 = arith.xori %iota3A, %xor3A_26 : vector<16xi32>
    %xor3A_28 = arith.constant 4 : i32
    %xor3A_29 = vector.broadcast %xor3A_28 : i32 to vector<16xi32>
    %xor3A_30 = arith.xori %iota3A, %xor3A_29 : vector<16xi32>
    %xor3A_31 = arith.constant 2 : i32
    %xor3A_32 = vector.broadcast %xor3A_31 : i32 to vector<16xi32>
    %xor3A_33 = arith.xori %iota3A, %xor3A_32 : vector<16xi32>
    %xor3A_34 = arith.constant 1 : i32
    %xor3A_35 = vector.broadcast %xor3A_34 : i32 to vector<16xi32>
    %xor3A_36 = arith.xori %iota3A, %xor3A_35 : vector<16xi32>
    %and3A_37 = arith.constant 8 : i32
    %and3A_38 = vector.broadcast %and3A_37 : i32 to vector<16xi32>
    %and3A_39 = arith.andi %iota3A, %and3A_38 : vector<16xi32>
    %eq3A = arith.constant 0 : i32
    %eq3A_40 = vector.broadcast %eq3A : i32 to vector<16xi32>
    %eq3A_41 = arith.cmpi eq, %and3A_39, %eq3A_40 : vector<16xi32>
    %and3A_42 = arith.constant 4 : i32
    %and3A_43 = vector.broadcast %and3A_42 : i32 to vector<16xi32>
    %and3A_44 = arith.andi %iota3A, %and3A_43 : vector<16xi32>
    %eq3A_45 = arith.constant 0 : i32
    %eq3A_46 = vector.broadcast %eq3A_45 : i32 to vector<16xi32>
    %eq3A_47 = arith.cmpi eq, %and3A_44, %eq3A_46 : vector<16xi32>
    %and3A_48 = arith.constant 2 : i32
    %and3A_49 = vector.broadcast %and3A_48 : i32 to vector<16xi32>
    %and3A_50 = arith.andi %iota3A, %and3A_49 : vector<16xi32>
    %eq3A_51 = arith.constant 0 : i32
    %eq3A_52 = vector.broadcast %eq3A_51 : i32 to vector<16xi32>
    %eq3A_53 = arith.cmpi eq, %and3A_50, %eq3A_52 : vector<16xi32>
    %and3A_54 = arith.constant 1 : i32
    %and3A_55 = vector.broadcast %and3A_54 : i32 to vector<16xi32>
    %and3A_56 = arith.andi %iota3A, %and3A_55 : vector<16xi32>
    %eq3A_57 = arith.constant 0 : i32
    %eq3A_58 = vector.broadcast %eq3A_57 : i32 to vector<16xi32>
    %eq3A_59 = arith.cmpi eq, %and3A_56, %eq3A_58 : vector<16xi32>
    %dma_start3A = arith.constant 0 : i32
    %dma_start3A_60 = tpu.memref_slice %arg8[%dma_start3A] : memref<512xi32, #tpu.memory_space<vmem>> -> memref<32xi32, #tpu.memory_space<vmem>>
    %dma_start3A_61 = tpu.memref_slice %arg2[%mul3A_2] : memref<16384xi32, #tpu.memory_space<hbm>> -> memref<32xi32, #tpu.memory_space<hbm>>
    %dma_start3A_62 = arith.constant 0 : i32
    %dma_start3A_63 = tpu.memref_slice %arg8[%dma_start3A_62] : memref<512xi32, #tpu.memory_space<vmem>> -> memref<32xi32, #tpu.memory_space<vmem>>
    %dma_start3A_64 = tpu.memref_slice %arg2[%mul3A_2] : memref<16384xi32, #tpu.memory_space<hbm>> -> memref<32xi32, #tpu.memory_space<hbm>>
    tpu.enqueue_dma source(%dma_start3A_64 : memref<32xi32, #tpu.memory_space<hbm>>) target(%dma_start3A_63 : memref<32xi32, #tpu.memory_space<vmem>>) target_semaphore(%arg16 : memref<!tpu.dma_semaphore, #tpu.memory_space<semaphore_mem>>)
    %dma_start3A_65 = arith.constant 0 : i32
    %dma_start3A_66 = tpu.memref_slice %arg9[%dma_start3A_65] : memref<512xi32, #tpu.memory_space<vmem>> -> memref<32xi32, #tpu.memory_space<vmem>>
    %dma_start3A_67 = tpu.memref_slice %arg3[%mul3A_2] : memref<16384xi32, #tpu.memory_space<hbm>> -> memref<32xi32, #tpu.memory_space<hbm>>
    %dma_start3A_68 = arith.constant 0 : i32
    %dma_start3A_69 = tpu.memref_slice %arg9[%dma_start3A_68] : memref<512xi32, #tpu.memory_space<vmem>> -> memref<32xi32, #tpu.memory_space<vmem>>
    %dma_start3A_70 = tpu.memref_slice %arg3[%mul3A_2] : memref<16384xi32, #tpu.memory_space<hbm>> -> memref<32xi32, #tpu.memory_space<hbm>>
    tpu.enqueue_dma source(%dma_start3A_70 : memref<32xi32, #tpu.memory_space<hbm>>) target(%dma_start3A_69 : memref<32xi32, #tpu.memory_space<vmem>>) target_semaphore(%arg16 : memref<!tpu.dma_semaphore, #tpu.memory_space<semaphore_mem>>)
    %dma_start3A_71 = arith.constant 0 : i32
    %dma_start3A_72 = tpu.memref_slice %arg10[%dma_start3A_71] : memref<512xi32, #tpu.memory_space<vmem>> -> memref<32xi32, #tpu.memory_space<vmem>>
    %dma_start3A_73 = tpu.memref_slice %arg4[%mul3A_2] : memref<16384xi32, #tpu.memory_space<hbm>> -> memref<32xi32, #tpu.memory_space<hbm>>
    %dma_start3A_74 = arith.constant 0 : i32
    %dma_start3A_75 = tpu.memref_slice %arg10[%dma_start3A_74] : memref<512xi32, #tpu.memory_space<vmem>> -> memref<32xi32, #tpu.memory_space<vmem>>
    %dma_start3A_76 = tpu.memref_slice %arg4[%mul3A_2] : memref<16384xi32, #tpu.memory_space<hbm>> -> memref<32xi32, #tpu.memory_space<hbm>>
    tpu.enqueue_dma source(%dma_start3A_76 : memref<32xi32, #tpu.memory_space<hbm>>) target(%dma_start3A_75 : memref<32xi32, #tpu.memory_space<vmem>>) target_semaphore(%arg16 : memref<!tpu.dma_semaphore, #tpu.memory_space<semaphore_mem>>)
    %dma_wait3A = arith.constant 0 : i32
    %dma_wait3A_77 = tpu.memref_slice %arg8[%dma_wait3A] : memref<512xi32, #tpu.memory_space<vmem>> -> memref<32xi32, #tpu.memory_space<vmem>>
    %dma_wait3A_78 = tpu.memref_slice %arg2[%mul3A_2] : memref<16384xi32, #tpu.memory_space<hbm>> -> memref<32xi32, #tpu.memory_space<hbm>>
    %dma_wait3A_79 = arith.constant 0 : i32
    %dma_wait3A_80 = tpu.memref_slice %arg8[%dma_wait3A_79] : memref<512xi32, #tpu.memory_space<vmem>> -> memref<32xi32, #tpu.memory_space<vmem>>
    %dma_wait3A_81 = tpu.memref_slice %arg2[%mul3A_2] : memref<16384xi32, #tpu.memory_space<hbm>> -> memref<32xi32, #tpu.memory_space<hbm>>
    tpu.wait_dma2 semaphore(%arg16 : memref<!tpu.dma_semaphore, #tpu.memory_space<semaphore_mem>>) src(%dma_wait3A_81 : memref<32xi32, #tpu.memory_space<hbm>>) dst(%dma_wait3A_80 : memref<32xi32, #tpu.memory_space<vmem>>)
    %dma_wait3A_82 = arith.constant 0 : i32
    %dma_wait3A_83 = tpu.memref_slice %arg9[%dma_wait3A_82] : memref<512xi32, #tpu.memory_space<vmem>> -> memref<32xi32, #tpu.memory_space<vmem>>
    %dma_wait3A_84 = tpu.memref_slice %arg3[%mul3A_2] : memref<16384xi32, #tpu.memory_space<hbm>> -> memref<32xi32, #tpu.memory_space<hbm>>
    %dma_wait3A_85 = arith.constant 0 : i32
    %dma_wait3A_86 = tpu.memref_slice %arg9[%dma_wait3A_85] : memref<512xi32, #tpu.memory_space<vmem>> -> memref<32xi32, #tpu.memory_space<vmem>>
    %dma_wait3A_87 = tpu.memref_slice %arg3[%mul3A_2] : memref<16384xi32, #tpu.memory_space<hbm>> -> memref<32xi32, #tpu.memory_space<hbm>>
    tpu.wait_dma2 semaphore(%arg16 : memref<!tpu.dma_semaphore, #tpu.memory_space<semaphore_mem>>) src(%dma_wait3A_87 : memref<32xi32, #tpu.memory_space<hbm>>) dst(%dma_wait3A_86 : memref<32xi32, #tpu.memory_space<vmem>>)
    %dma_wait3A_88 = arith.constant 0 : i32
    %dma_wait3A_89 = tpu.memref_slice %arg10[%dma_wait3A_88] : memref<512xi32, #tpu.memory_space<vmem>> -> memref<32xi32, #tpu.memory_space<vmem>>
    %dma_wait3A_90 = tpu.memref_slice %arg4[%mul3A_2] : memref<16384xi32, #tpu.memory_space<hbm>> -> memref<32xi32, #tpu.memory_space<hbm>>
    %dma_wait3A_91 = arith.constant 0 : i32
    %dma_wait3A_92 = tpu.memref_slice %arg10[%dma_wait3A_91] : memref<512xi32, #tpu.memory_space<vmem>> -> memref<32xi32, #tpu.memory_space<vmem>>
    %dma_wait3A_93 = tpu.memref_slice %arg4[%mul3A_2] : memref<16384xi32, #tpu.memory_space<hbm>> -> memref<32xi32, #tpu.memory_space<hbm>>
    tpu.wait_dma2 semaphore(%arg16 : memref<!tpu.dma_semaphore, #tpu.memory_space<semaphore_mem>>) src(%dma_wait3A_93 : memref<32xi32, #tpu.memory_space<hbm>>) dst(%dma_wait3A_92 : memref<32xi32, #tpu.memory_space<vmem>>)
    %dma_start3A_94 = arith.constant 0 : i32
    %dma_start3A_95 = arith.constant 0 : i32
    %dma_start3A_96 = arith.constant 0 : i32
    %dma_start3A_97 = tpu.memref_slice %arg11[%dma_start3A_94, %dma_start3A_95, %dma_start3A_96] : memref<2x128x128xf32, #tpu.memory_space<vmem>> -> memref<1x32x128xf32, #tpu.memory_space<vmem>>
    %dma_start3A_98 = tpu.memref_squeeze %dma_start3A_97 : memref<1x32x128xf32, #tpu.memory_space<vmem>> -> memref<32x128xf32, #tpu.memory_space<vmem>>
    %dma_start3A_99 = arith.constant 0 : i32
    %dma_start3A_100 = tpu.memref_slice %arg8[%dma_start3A_99] : memref<512xi32, #tpu.memory_space<vmem>> -> memref<32xi32, #tpu.memory_space<vmem>>
    %dma_start3A_101 = arith.constant 0 : i32
    %dma_start3A_102 = arith.constant 0 : i32
    %dma_start3A_103 = tpu.memref_slice %arg5[%dma_start3A_101, %dma_start3A_102] : memref<1000000x128xf32, #tpu.memory_space<hbm>> -> memref<1000000x128xf32, #tpu.memory_space<hbm>>
    tpu.enqueue_indirect_dma source(%dma_start3A_103 : memref<1000000x128xf32, #tpu.memory_space<hbm>>) target(%dma_start3A_98 : memref<32x128xf32, #tpu.memory_space<vmem>>) offsets(%dma_start3A_100 : memref<32xi32, #tpu.memory_space<vmem>>) semaphore(%arg16 : memref<!tpu.dma_semaphore, #tpu.memory_space<semaphore_mem>>)
    %dma_start3A_104 = arith.constant 0 : i32
    %dma_start3A_105 = arith.constant 0 : i32
    %dma_start3A_106 = arith.constant 0 : i32
    %dma_start3A_107 = tpu.memref_slice %arg12[%dma_start3A_104, %dma_start3A_105, %dma_start3A_106] : memref<2x128x128xf32, #tpu.memory_space<vmem>> -> memref<1x32x128xf32, #tpu.memory_space<vmem>>
    %dma_start3A_108 = tpu.memref_squeeze %dma_start3A_107 : memref<1x32x128xf32, #tpu.memory_space<vmem>> -> memref<32x128xf32, #tpu.memory_space<vmem>>
    %dma_start3A_109 = arith.constant 0 : i32
    %dma_start3A_110 = tpu.memref_slice %arg9[%dma_start3A_109] : memref<512xi32, #tpu.memory_space<vmem>> -> memref<32xi32, #tpu.memory_space<vmem>>
    %dma_start3A_111 = arith.constant 0 : i32
    %dma_start3A_112 = arith.constant 0 : i32
    %dma_start3A_113 = tpu.memref_slice %arg6[%dma_start3A_111, %dma_start3A_112] : memref<1000x128xf32, #tpu.memory_space<hbm>> -> memref<1000x128xf32, #tpu.memory_space<hbm>>
    tpu.enqueue_indirect_dma source(%dma_start3A_113 : memref<1000x128xf32, #tpu.memory_space<hbm>>) target(%dma_start3A_108 : memref<32x128xf32, #tpu.memory_space<vmem>>) offsets(%dma_start3A_110 : memref<32xi32, #tpu.memory_space<vmem>>) semaphore(%arg16 : memref<!tpu.dma_semaphore, #tpu.memory_space<semaphore_mem>>)
    %dma_start3A_114 = arith.constant 0 : i32
    %dma_start3A_115 = arith.constant 0 : i32
    %dma_start3A_116 = arith.constant 0 : i32
    %dma_start3A_117 = tpu.memref_slice %arg13[%dma_start3A_114, %dma_start3A_115, %dma_start3A_116] : memref<2x128x128xf32, #tpu.memory_space<vmem>> -> memref<1x32x128xf32, #tpu.memory_space<vmem>>
    %dma_start3A_118 = tpu.memref_squeeze %dma_start3A_117 : memref<1x32x128xf32, #tpu.memory_space<vmem>> -> memref<32x128xf32, #tpu.memory_space<vmem>>
    %dma_start3A_119 = arith.constant 0 : i32
    %dma_start3A_120 = tpu.memref_slice %arg10[%dma_start3A_119] : memref<512xi32, #tpu.memory_space<vmem>> -> memref<32xi32, #tpu.memory_space<vmem>>
    %dma_start3A_121 = arith.constant 0 : i32
    %dma_start3A_122 = arith.constant 0 : i32
    %dma_start3A_123 = tpu.memref_slice %arg5[%dma_start3A_121, %dma_start3A_122] : memref<1000000x128xf32, #tpu.memory_space<hbm>> -> memref<1000000x128xf32, #tpu.memory_space<hbm>>
    tpu.enqueue_indirect_dma source(%dma_start3A_123 : memref<1000000x128xf32, #tpu.memory_space<hbm>>) target(%dma_start3A_118 : memref<32x128xf32, #tpu.memory_space<vmem>>) offsets(%dma_start3A_120 : memref<32xi32, #tpu.memory_space<vmem>>) semaphore(%arg16 : memref<!tpu.dma_semaphore, #tpu.memory_space<semaphore_mem>>)
    %add3A_124 = arith.constant 32 : i32
    %add3A_125 = arith.addi %mul3A_2, %add3A_124 : i32
    %dma_start3A_126 = arith.constant 32 : i32
    %dma_start3A_127 = tpu.memref_slice %arg8[%dma_start3A_126] : memref<512xi32, #tpu.memory_space<vmem>> -> memref<480xi32, #tpu.memory_space<vmem>>
    %dma_start3A_128 = tpu.memref_slice %arg2[%add3A_125] : memref<16384xi32, #tpu.memory_space<hbm>> -> memref<480xi32, #tpu.memory_space<hbm>>
    %dma_start3A_129 = arith.constant 32 : i32
    %dma_start3A_130 = tpu.memref_slice %arg8[%dma_start3A_129] : memref<512xi32, #tpu.memory_space<vmem>> -> memref<480xi32, #tpu.memory_space<vmem>>
    %dma_start3A_131 = tpu.memref_slice %arg2[%add3A_125] : memref<16384xi32, #tpu.memory_space<hbm>> -> memref<480xi32, #tpu.memory_space<hbm>>
    tpu.enqueue_dma source(%dma_start3A_131 : memref<480xi32, #tpu.memory_space<hbm>>) target(%dma_start3A_130 : memref<480xi32, #tpu.memory_space<vmem>>) target_semaphore(%arg17 : memref<!tpu.dma_semaphore, #tpu.memory_space<semaphore_mem>>)
    %add3A_132 = arith.constant 32 : i32
    %add3A_133 = arith.addi %mul3A_2, %add3A_132 : i32
    %dma_start3A_134 = arith.constant 32 : i32
    %dma_start3A_135 = tpu.memref_slice %arg9[%dma_start3A_134] : memref<512xi32, #tpu.memory_space<vmem>> -> memref<480xi32, #tpu.memory_space<vmem>>
    %dma_start3A_136 = tpu.memref_slice %arg3[%add3A_133] : memref<16384xi32, #tpu.memory_space<hbm>> -> memref<480xi32, #tpu.memory_space<hbm>>
    %dma_start3A_137 = arith.constant 32 : i32
    %dma_start3A_138 = tpu.memref_slice %arg9[%dma_start3A_137] : memref<512xi32, #tpu.memory_space<vmem>> -> memref<480xi32, #tpu.memory_space<vmem>>
    %dma_start3A_139 = tpu.memref_slice %arg3[%add3A_133] : memref<16384xi32, #tpu.memory_space<hbm>> -> memref<480xi32, #tpu.memory_space<hbm>>
    tpu.enqueue_dma source(%dma_start3A_139 : memref<480xi32, #tpu.memory_space<hbm>>) target(%dma_start3A_138 : memref<480xi32, #tpu.memory_space<vmem>>) target_semaphore(%arg17 : memref<!tpu.dma_semaphore, #tpu.memory_space<semaphore_mem>>)
    %add3A_140 = arith.constant 32 : i32
    %add3A_141 = arith.addi %mul3A_2, %add3A_140 : i32
    %dma_start3A_142 = arith.constant 32 : i32
    %dma_start3A_143 = tpu.memref_slice %arg10[%dma_start3A_142] : memref<512xi32, #tpu.memory_space<vmem>> -> memref<480xi32, #tpu.memory_space<vmem>>
    %dma_start3A_144 = tpu.memref_slice %arg4[%add3A_141] : memref<16384xi32, #tpu.memory_space<hbm>> -> memref<480xi32, #tpu.memory_space<hbm>>
    %dma_start3A_145 = arith.constant 32 : i32
    %dma_start3A_146 = tpu.memref_slice %arg10[%dma_start3A_145] : memref<512xi32, #tpu.memory_space<vmem>> -> memref<480xi32, #tpu.memory_space<vmem>>
    %dma_start3A_147 = tpu.memref_slice %arg4[%add3A_141] : memref<16384xi32, #tpu.memory_space<hbm>> -> memref<480xi32, #tpu.memory_space<hbm>>
    tpu.enqueue_dma source(%dma_start3A_147 : memref<480xi32, #tpu.memory_space<hbm>>) target(%dma_start3A_146 : memref<480xi32, #tpu.memory_space<vmem>>) target_semaphore(%arg17 : memref<!tpu.dma_semaphore, #tpu.memory_space<semaphore_mem>>)
    %dma_wait3A_148 = arith.constant 32 : i32
    %dma_wait3A_149 = tpu.memref_slice %arg8[%dma_wait3A_148] : memref<512xi32, #tpu.memory_space<vmem>> -> memref<480xi32, #tpu.memory_space<vmem>>
    %dma_wait3A_150 = tpu.memref_slice %arg2[%add3A_125] : memref<16384xi32, #tpu.memory_space<hbm>> -> memref<480xi32, #tpu.memory_space<hbm>>
    %dma_wait3A_151 = arith.constant 32 : i32
    %dma_wait3A_152 = tpu.memref_slice %arg8[%dma_wait3A_151] : memref<512xi32, #tpu.memory_space<vmem>> -> memref<480xi32, #tpu.memory_space<vmem>>
    %dma_wait3A_153 = tpu.memref_slice %arg2[%add3A_125] : memref<16384xi32, #tpu.memory_space<hbm>> -> memref<480xi32, #tpu.memory_space<hbm>>
    tpu.wait_dma2 semaphore(%arg17 : memref<!tpu.dma_semaphore, #tpu.memory_space<semaphore_mem>>) src(%dma_wait3A_153 : memref<480xi32, #tpu.memory_space<hbm>>) dst(%dma_wait3A_152 : memref<480xi32, #tpu.memory_space<vmem>>)
    %dma_wait3A_154 = arith.constant 32 : i32
    %dma_wait3A_155 = tpu.memref_slice %arg9[%dma_wait3A_154] : memref<512xi32, #tpu.memory_space<vmem>> -> memref<480xi32, #tpu.memory_space<vmem>>
    %dma_wait3A_156 = tpu.memref_slice %arg3[%add3A_133] : memref<16384xi32, #tpu.memory_space<hbm>> -> memref<480xi32, #tpu.memory_space<hbm>>
    %dma_wait3A_157 = arith.constant 32 : i32
    %dma_wait3A_158 = tpu.memref_slice %arg9[%dma_wait3A_157] : memref<512xi32, #tpu.memory_space<vmem>> -> memref<480xi32, #tpu.memory_space<vmem>>
    %dma_wait3A_159 = tpu.memref_slice %arg3[%add3A_133] : memref<16384xi32, #tpu.memory_space<hbm>> -> memref<480xi32, #tpu.memory_space<hbm>>
    tpu.wait_dma2 semaphore(%arg17 : memref<!tpu.dma_semaphore, #tpu.memory_space<semaphore_mem>>) src(%dma_wait3A_159 : memref<480xi32, #tpu.memory_space<hbm>>) dst(%dma_wait3A_158 : memref<480xi32, #tpu.memory_space<vmem>>)
    %dma_wait3A_160 = arith.constant 32 : i32
    %dma_wait3A_161 = tpu.memref_slice %arg10[%dma_wait3A_160] : memref<512xi32, #tpu.memory_space<vmem>> -> memref<480xi32, #tpu.memory_space<vmem>>
    %dma_wait3A_162 = tpu.memref_slice %arg4[%add3A_141] : memref<16384xi32, #tpu.memory_space<hbm>> -> memref<480xi32, #tpu.memory_space<hbm>>
    %dma_wait3A_163 = arith.constant 32 : i32
    %dma_wait3A_164 = tpu.memref_slice %arg10[%dma_wait3A_163] : memref<512xi32, #tpu.memory_space<vmem>> -> memref<480xi32, #tpu.memory_space<vmem>>
    %dma_wait3A_165 = tpu.memref_slice %arg4[%add3A_141] : memref<16384xi32, #tpu.memory_space<hbm>> -> memref<480xi32, #tpu.memory_space<hbm>>
    tpu.wait_dma2 semaphore(%arg17 : memref<!tpu.dma_semaphore, #tpu.memory_space<semaphore_mem>>) src(%dma_wait3A_165 : memref<480xi32, #tpu.memory_space<hbm>>) dst(%dma_wait3A_164 : memref<480xi32, #tpu.memory_space<vmem>>)
    %dma_start3A_166 = arith.constant 1 : i32
    %dma_start3A_167 = arith.constant 0 : i32
    %dma_start3A_168 = arith.constant 0 : i32
    %dma_start3A_169 = tpu.memref_slice %arg11[%dma_start3A_166, %dma_start3A_167, %dma_start3A_168] : memref<2x128x128xf32, #tpu.memory_space<vmem>> -> memref<1x96x128xf32, #tpu.memory_space<vmem>>
    %dma_start3A_170 = tpu.memref_squeeze %dma_start3A_169 : memref<1x96x128xf32, #tpu.memory_space<vmem>> -> memref<96x128xf32, #tpu.memory_space<vmem>>
    %dma_start3A_171 = arith.constant 32 : i32
    %dma_start3A_172 = tpu.memref_slice %arg8[%dma_start3A_171] : memref<512xi32, #tpu.memory_space<vmem>> -> memref<96xi32, #tpu.memory_space<vmem>>
    %dma_start3A_173 = arith.constant 0 : i32
    %dma_start3A_174 = arith.constant 0 : i32
    %dma_start3A_175 = tpu.memref_slice %arg5[%dma_start3A_173, %dma_start3A_174] : memref<1000000x128xf32, #tpu.memory_space<hbm>> -> memref<1000000x128xf32, #tpu.memory_space<hbm>>
    tpu.enqueue_indirect_dma source(%dma_start3A_175 : memref<1000000x128xf32, #tpu.memory_space<hbm>>) target(%dma_start3A_170 : memref<96x128xf32, #tpu.memory_space<vmem>>) offsets(%dma_start3A_172 : memref<96xi32, #tpu.memory_space<vmem>>) semaphore(%arg17 : memref<!tpu.dma_semaphore, #tpu.memory_space<semaphore_mem>>)
    %dma_start3A_176 = arith.constant 1 : i32
    %dma_start3A_177 = arith.constant 0 : i32
    %dma_start3A_178 = arith.constant 0 : i32
    %dma_start3A_179 = tpu.memref_slice %arg12[%dma_start3A_176, %dma_start3A_177, %dma_start3A_178] : memref<2x128x128xf32, #tpu.memory_space<vmem>> -> memref<1x96x128xf32, #tpu.memory_space<vmem>>
    %dma_start3A_180 = tpu.memref_squeeze %dma_start3A_179 : memref<1x96x128xf32, #tpu.memory_space<vmem>> -> memref<96x128xf32, #tpu.memory_space<vmem>>
    %dma_start3A_181 = arith.constant 32 : i32
    %dma_start3A_182 = tpu.memref_slice %arg9[%dma_start3A_181] : memref<512xi32, #tpu.memory_space<vmem>> -> memref<96xi32, #tpu.memory_space<vmem>>
    %dma_start3A_183 = arith.constant 0 : i32
    %dma_start3A_184 = arith.constant 0 : i32
    %dma_start3A_185 = tpu.memref_slice %arg6[%dma_start3A_183, %dma_start3A_184] : memref<1000x128xf32, #tpu.memory_space<hbm>> -> memref<1000x128xf32, #tpu.memory_space<hbm>>
    tpu.enqueue_indirect_dma source(%dma_start3A_185 : memref<1000x128xf32, #tpu.memory_space<hbm>>) target(%dma_start3A_180 : memref<96x128xf32, #tpu.memory_space<vmem>>) offsets(%dma_start3A_182 : memref<96xi32, #tpu.memory_space<vmem>>) semaphore(%arg17 : memref<!tpu.dma_semaphore, #tpu.memory_space<semaphore_mem>>)
    %dma_start3A_186 = arith.constant 1 : i32
    %dma_start3A_187 = arith.constant 0 : i32
    %dma_start3A_188 = arith.constant 0 : i32
    %dma_start3A_189 = tpu.memref_slice %arg13[%dma_start3A_186, %dma_start3A_187, %dma_start3A_188] : memref<2x128x128xf32, #tpu.memory_space<vmem>> -> memref<1x96x128xf32, #tpu.memory_space<vmem>>
    %dma_start3A_190 = tpu.memref_squeeze %dma_start3A_189 : memref<1x96x128xf32, #tpu.memory_space<vmem>> -> memref<96x128xf32, #tpu.memory_space<vmem>>
    %dma_start3A_191 = arith.constant 32 : i32
    %dma_start3A_192 = tpu.memref_slice %arg10[%dma_start3A_191] : memref<512xi32, #tpu.memory_space<vmem>> -> memref<96xi32, #tpu.memory_space<vmem>>
    %dma_start3A_193 = arith.constant 0 : i32
    %dma_start3A_194 = arith.constant 0 : i32
    %dma_start3A_195 = tpu.memref_slice %arg5[%dma_start3A_193, %dma_start3A_194] : memref<1000000x128xf32, #tpu.memory_space<hbm>> -> memref<1000000x128xf32, #tpu.memory_space<hbm>>
    tpu.enqueue_indirect_dma source(%dma_start3A_195 : memref<1000000x128xf32, #tpu.memory_space<hbm>>) target(%dma_start3A_190 : memref<96x128xf32, #tpu.memory_space<vmem>>) offsets(%dma_start3A_192 : memref<96xi32, #tpu.memory_space<vmem>>) semaphore(%arg17 : memref<!tpu.dma_semaphore, #tpu.memory_space<semaphore_mem>>)
    %dma_wait3A_196 = arith.constant 0 : i32
    %dma_wait3A_197 = arith.constant 0 : i32
    %dma_wait3A_198 = arith.constant 0 : i32
    %dma_wait3A_199 = tpu.memref_slice %arg11[%dma_wait3A_196, %dma_wait3A_197, %dma_wait3A_198] : memref<2x128x128xf32, #tpu.memory_space<vmem>> -> memref<1x32x128xf32, #tpu.memory_space<vmem>>
    %dma_wait3A_200 = tpu.memref_squeeze %dma_wait3A_199 : memref<1x32x128xf32, #tpu.memory_space<vmem>> -> memref<32x128xf32, #tpu.memory_space<vmem>>
    %dma_wait3A_201 = arith.constant 0 : i32
    %dma_wait3A_202 = tpu.memref_slice %arg8[%dma_wait3A_201] : memref<512xi32, #tpu.memory_space<vmem>> -> memref<32xi32, #tpu.memory_space<vmem>>
    %dma_wait3A_203 = arith.constant 0 : i32
    %dma_wait3A_204 = arith.constant 0 : i32
    %dma_wait3A_205 = tpu.memref_slice %arg5[%dma_wait3A_203, %dma_wait3A_204] : memref<1000000x128xf32, #tpu.memory_space<hbm>> -> memref<1000000x128xf32, #tpu.memory_space<hbm>>
    tpu.wait_indirect_dma semaphore(%arg16 : memref<!tpu.dma_semaphore, #tpu.memory_space<semaphore_mem>>) src(%dma_wait3A_205 : memref<1000000x128xf32, #tpu.memory_space<hbm>>) dst(%dma_wait3A_200 : memref<32x128xf32, #tpu.memory_space<vmem>>)
    %dma_wait3A_206 = arith.constant 0 : i32
    %dma_wait3A_207 = arith.constant 0 : i32
    %dma_wait3A_208 = arith.constant 0 : i32
    %dma_wait3A_209 = tpu.memref_slice %arg12[%dma_wait3A_206, %dma_wait3A_207, %dma_wait3A_208] : memref<2x128x128xf32, #tpu.memory_space<vmem>> -> memref<1x32x128xf32, #tpu.memory_space<vmem>>
    %dma_wait3A_210 = tpu.memref_squeeze %dma_wait3A_209 : memref<1x32x128xf32, #tpu.memory_space<vmem>> -> memref<32x128xf32, #tpu.memory_space<vmem>>
    %dma_wait3A_211 = arith.constant 0 : i32
    %dma_wait3A_212 = tpu.memref_slice %arg9[%dma_wait3A_211] : memref<512xi32, #tpu.memory_space<vmem>> -> memref<32xi32, #tpu.memory_space<vmem>>
    %dma_wait3A_213 = arith.constant 0 : i32
    %dma_wait3A_214 = arith.constant 0 : i32
    %dma_wait3A_215 = tpu.memref_slice %arg6[%dma_wait3A_213, %dma_wait3A_214] : memref<1000x128xf32, #tpu.memory_space<hbm>> -> memref<1000x128xf32, #tpu.memory_space<hbm>>
    tpu.wait_indirect_dma semaphore(%arg16 : memref<!tpu.dma_semaphore, #tpu.memory_space<semaphore_mem>>) src(%dma_wait3A_215 : memref<1000x128xf32, #tpu.memory_space<hbm>>) dst(%dma_wait3A_210 : memref<32x128xf32, #tpu.memory_space<vmem>>)
    %dma_wait3A_216 = arith.constant 0 : i32
    %dma_wait3A_217 = arith.constant 0 : i32
    %dma_wait3A_218 = arith.constant 0 : i32
    %dma_wait3A_219 = tpu.memref_slice %arg13[%dma_wait3A_216, %dma_wait3A_217, %dma_wait3A_218] : memref<2x128x128xf32, #tpu.memory_space<vmem>> -> memref<1x32x128xf32, #tpu.memory_space<vmem>>
    %dma_wait3A_220 = tpu.memref_squeeze %dma_wait3A_219 : memref<1x32x128xf32, #tpu.memory_space<vmem>> -> memref<32x128xf32, #tpu.memory_space<vmem>>
    %dma_wait3A_221 = arith.constant 0 : i32
    %dma_wait3A_222 = tpu.memref_slice %arg10[%dma_wait3A_221] : memref<512xi32, #tpu.memory_space<vmem>> -> memref<32xi32, #tpu.memory_space<vmem>>
    %dma_wait3A_223 = arith.constant 0 : i32
    %dma_wait3A_224 = arith.constant 0 : i32
    %dma_wait3A_225 = tpu.memref_slice %arg5[%dma_wait3A_223, %dma_wait3A_224] : memref<1000000x128xf32, #tpu.memory_space<hbm>> -> memref<1000000x128xf32, #tpu.memory_space<hbm>>
    tpu.wait_indirect_dma semaphore(%arg16 : memref<!tpu.dma_semaphore, #tpu.memory_space<semaphore_mem>>) src(%dma_wait3A_225 : memref<1000000x128xf32, #tpu.memory_space<hbm>>) dst(%dma_wait3A_220 : memref<32x128xf32, #tpu.memory_space<vmem>>)
    %parallel_loop3A = arith.constant 0 : i32
    %parallel_loop3A_226 = arith.constant 16 : i32
    %parallel_loop3A_227 = arith.constant 1 : i32
    scf.for %parallel_loop3A_554 = %parallel_loop3A to %parallel_loop3A_226 step %parallel_loop3A_227  : i32 {
      %parallel_loop3A_555 = arith.constant 2 : i32
      %parallel_loop3A_556 = arith.muli %parallel_loop3A_555, %parallel_loop3A_554 : i32
      %parallel_loop3A_557 = arith.constant 0.000000e+00 : f32
      %parallel_loop3A_558 = vector.broadcast %parallel_loop3A_557 : f32 to vector<16xf32>
      %parallel_loop3A_559 = arith.constant 0 : i32
      %parallel_loop3A_560 = arith.index_cast %parallel_loop3A_559 : i32 to index
      %parallel_loop3A_561 = arith.index_cast %parallel_loop3A_556 : i32 to index
      %parallel_loop3A_562 = arith.constant 0 : index
      %parallel_loop3A_563 = tpu.vector_load %arg11[%parallel_loop3A_560, %parallel_loop3A_561, %parallel_loop3A_562] {strides = array<i32>} : memref<2x128x128xf32, #tpu.memory_space<vmem>>, vector<1x1x16xf32>,
      %parallel_loop3A_564 = vector.shape_cast %parallel_loop3A_563 : vector<1x1x16xf32> to vector<16xf32>
      %parallel_loop3A_565 = arith.constant 0 : i32
      %parallel_loop3A_566 = arith.index_cast %parallel_loop3A_565 : i32 to index
      %parallel_loop3A_567 = arith.index_cast %parallel_loop3A_556 : i32 to index
      %parallel_loop3A_568 = arith.constant 64 : index
      %parallel_loop3A_569 = tpu.vector_load %arg11[%parallel_loop3A_566, %parallel_loop3A_567, %parallel_loop3A_568] {strides = array<i32>} : memref<2x128x128xf32, #tpu.memory_space<vmem>>, vector<1x1x16xf32>,
      %parallel_loop3A_570 = vector.shape_cast %parallel_loop3A_569 : vector<1x1x16xf32> to vector<16xf32>
      %parallel_loop3A_571 = arith.constant 0 : i32
      %parallel_loop3A_572 = arith.index_cast %parallel_loop3A_571 : i32 to index
      %parallel_loop3A_573 = arith.index_cast %parallel_loop3A_556 : i32 to index
      %parallel_loop3A_574 = arith.constant 0 : index
      %parallel_loop3A_575 = tpu.vector_load %arg12[%parallel_loop3A_572, %parallel_loop3A_573, %parallel_loop3A_574] {strides = array<i32>} : memref<2x128x128xf32, #tpu.memory_space<vmem>>, vector<1x1x16xf32>,
      %parallel_loop3A_576 = vector.shape_cast %parallel_loop3A_575 : vector<1x1x16xf32> to vector<16xf32>
      %parallel_loop3A_577 = arith.constant 0 : i32
      %parallel_loop3A_578 = arith.index_cast %parallel_loop3A_577 : i32 to index
      %parallel_loop3A_579 = arith.index_cast %parallel_loop3A_556 : i32 to index
      %parallel_loop3A_580 = arith.constant 64 : index
      %parallel_loop3A_581 = tpu.vector_load %arg12[%parallel_loop3A_578, %parallel_loop3A_579, %parallel_loop3A_580] {strides = array<i32>} : memref<2x128x128xf32, #tpu.memory_space<vmem>>, vector<1x1x16xf32>,
      %parallel_loop3A_582 = vector.shape_cast %parallel_loop3A_581 : vector<1x1x16xf32> to vector<16xf32>
      %parallel_loop3A_583 = arith.constant 0 : i32
      %parallel_loop3A_584 = arith.index_cast %parallel_loop3A_583 : i32 to index
      %parallel_loop3A_585 = arith.index_cast %parallel_loop3A_556 : i32 to index
      %parallel_loop3A_586 = arith.constant 0 : index
      %parallel_loop3A_587 = tpu.vector_load %arg13[%parallel_loop3A_584, %parallel_loop3A_585, %parallel_loop3A_586] {strides = array<i32>} : memref<2x128x128xf32, #tpu.memory_space<vmem>>, vector<1x1x16xf32>,
      %parallel_loop3A_588 = vector.shape_cast %parallel_loop3A_587 : vector<1x1x16xf32> to vector<16xf32>
      %parallel_loop3A_589 = arith.constant 0 : i32
      %parallel_loop3A_590 = arith.index_cast %parallel_loop3A_589 : i32 to index
      %parallel_loop3A_591 = arith.index_cast %parallel_loop3A_556 : i32 to index
      %parallel_loop3A_592 = arith.constant 64 : index
      %parallel_loop3A_593 = tpu.vector_load %arg13[%parallel_loop3A_590, %parallel_loop3A_591, %parallel_loop3A_592] {strides = array<i32>} : memref<2x128x128xf32, #tpu.memory_space<vmem>>, vector<1x1x16xf32>,
      %parallel_loop3A_594 = vector.shape_cast %parallel_loop3A_593 : vector<1x1x16xf32> to vector<16xf32>
      %parallel_loop3A_595 = arith.mulf %parallel_loop3A_564, %parallel_loop3A_576 : vector<16xf32>
      %parallel_loop3A_596 = arith.mulf %parallel_loop3A_570, %parallel_loop3A_582 : vector<16xf32>
      %parallel_loop3A_597 = arith.subf %parallel_loop3A_595, %parallel_loop3A_596 : vector<16xf32>
      %parallel_loop3A_598 = arith.mulf %parallel_loop3A_564, %parallel_loop3A_582 : vector<16xf32>
      %parallel_loop3A_599 = arith.mulf %parallel_loop3A_570, %parallel_loop3A_576 : vector<16xf32>
      %parallel_loop3A_600 = arith.addf %parallel_loop3A_598, %parallel_loop3A_599 : vector<16xf32>
      %parallel_loop3A_601 = arith.mulf %parallel_loop3A_597, %parallel_loop3A_588 : vector<16xf32>
      %parallel_loop3A_602 = arith.addf %parallel_loop3A_558, %parallel_loop3A_601 : vector<16xf32>
      %parallel_loop3A_603 = arith.mulf %parallel_loop3A_600, %parallel_loop3A_594 : vector<16xf32>
      %parallel_loop3A_604 = arith.addf %parallel_loop3A_602, %parallel_loop3A_603 : vector<16xf32>
      %parallel_loop3A_605 = arith.constant 0 : i32
      %parallel_loop3A_606 = arith.index_cast %parallel_loop3A_605 : i32 to index
      %parallel_loop3A_607 = arith.index_cast %parallel_loop3A_556 : i32 to index
      %parallel_loop3A_608 = arith.constant 16 : index
      %parallel_loop3A_609 = tpu.vector_load %arg11[%parallel_loop3A_606, %parallel_loop3A_607, %parallel_loop3A_608] {strides = array<i32>} : memref<2x128x128xf32, #tpu.memory_space<vmem>>, vector<1x1x16xf32>,
      %parallel_loop3A_610 = vector.shape_cast %parallel_loop3A_609 : vector<1x1x16xf32> to vector<16xf32>
      %parallel_loop3A_611 = arith.constant 0 : i32
      %parallel_loop3A_612 = arith.index_cast %parallel_loop3A_611 : i32 to index
      %parallel_loop3A_613 = arith.index_cast %parallel_loop3A_556 : i32 to index
      %parallel_loop3A_614 = arith.constant 80 : index
      %parallel_loop3A_615 = tpu.vector_load %arg11[%parallel_loop3A_612, %parallel_loop3A_613, %parallel_loop3A_614] {strides = array<i32>} : memref<2x128x128xf32, #tpu.memory_space<vmem>>, vector<1x1x16xf32>,
      %parallel_loop3A_616 = vector.shape_cast %parallel_loop3A_615 : vector<1x1x16xf32> to vector<16xf32>
      %parallel_loop3A_617 = arith.constant 0 : i32
      %parallel_loop3A_618 = arith.index_cast %parallel_loop3A_617 : i32 to index
      %parallel_loop3A_619 = arith.index_cast %parallel_loop3A_556 : i32 to index
      %parallel_loop3A_620 = arith.constant 16 : index
      %parallel_loop3A_621 = tpu.vector_load %arg12[%parallel_loop3A_618, %parallel_loop3A_619, %parallel_loop3A_620] {strides = array<i32>} : memref<2x128x128xf32, #tpu.memory_space<vmem>>, vector<1x1x16xf32>,
      %parallel_loop3A_622 = vector.shape_cast %parallel_loop3A_621 : vector<1x1x16xf32> to vector<16xf32>
      %parallel_loop3A_623 = arith.constant 0 : i32
      %parallel_loop3A_624 = arith.index_cast %parallel_loop3A_623 : i32 to index
      %parallel_loop3A_625 = arith.index_cast %parallel_loop3A_556 : i32 to index
      %parallel_loop3A_626 = arith.constant 80 : index
      %parallel_loop3A_627 = tpu.vector_load %arg12[%parallel_loop3A_624, %parallel_loop3A_625, %parallel_loop3A_626] {strides = array<i32>} : memref<2x128x128xf32, #tpu.memory_space<vmem>>, vector<1x1x16xf32>,
      %parallel_loop3A_628 = vector.shape_cast %parallel_loop3A_627 : vector<1x1x16xf32> to vector<16xf32>
      %parallel_loop3A_629 = arith.constant 0 : i32
      %parallel_loop3A_630 = arith.index_cast %parallel_loop3A_629 : i32 to index
      %parallel_loop3A_631 = arith.index_cast %parallel_loop3A_556 : i32 to index
      %parallel_loop3A_632 = arith.constant 16 : index
      %parallel_loop3A_633 = tpu.vector_load %arg13[%parallel_loop3A_630, %parallel_loop3A_631, %parallel_loop3A_632] {strides = array<i32>} : memref<2x128x128xf32, #tpu.memory_space<vmem>>, vector<1x1x16xf32>,
      %parallel_loop3A_634 = vector.shape_cast %parallel_loop3A_633 : vector<1x1x16xf32> to vector<16xf32>
      %parallel_loop3A_635 = arith.constant 0 : i32
      %parallel_loop3A_636 = arith.index_cast %parallel_loop3A_635 : i32 to index
      %parallel_loop3A_637 = arith.index_cast %parallel_loop3A_556 : i32 to index
      %parallel_loop3A_638 = arith.constant 80 : index
      %parallel_loop3A_639 = tpu.vector_load %arg13[%parallel_loop3A_636, %parallel_loop3A_637, %parallel_loop3A_638] {strides = array<i32>} : memref<2x128x128xf32, #tpu.memory_space<vmem>>, vector<1x1x16xf32>,
      %parallel_loop3A_640 = vector.shape_cast %parallel_loop3A_639 : vector<1x1x16xf32> to vector<16xf32>
      %parallel_loop3A_641 = arith.mulf %parallel_loop3A_610, %parallel_loop3A_622 : vector<16xf32>
      %parallel_loop3A_642 = arith.mulf %parallel_loop3A_616, %parallel_loop3A_628 : vector<16xf32>
      %parallel_loop3A_643 = arith.subf %parallel_loop3A_641, %parallel_loop3A_642 : vector<16xf32>
      %parallel_loop3A_644 = arith.mulf %parallel_loop3A_610, %parallel_loop3A_628 : vector<16xf32>
      %parallel_loop3A_645 = arith.mulf %parallel_loop3A_616, %parallel_loop3A_622 : vector<16xf32>
      %parallel_loop3A_646 = arith.addf %parallel_loop3A_644, %parallel_loop3A_645 : vector<16xf32>
      %parallel_loop3A_647 = arith.mulf %parallel_loop3A_643, %parallel_loop3A_634 : vector<16xf32>
      %parallel_loop3A_648 = arith.addf %parallel_loop3A_604, %parallel_loop3A_647 : vector<16xf32>
      %parallel_loop3A_649 = arith.mulf %parallel_loop3A_646, %parallel_loop3A_640 : vector<16xf32>
      %parallel_loop3A_650 = arith.addf %parallel_loop3A_648, %parallel_loop3A_649 : vector<16xf32>
      %parallel_loop3A_651 = arith.constant 0 : i32
      %parallel_loop3A_652 = arith.index_cast %parallel_loop3A_651 : i32 to index
      %parallel_loop3A_653 = arith.index_cast %parallel_loop3A_556 : i32 to index
      %parallel_loop3A_654 = arith.constant 32 : index
      %parallel_loop3A_655 = tpu.vector_load %arg11[%parallel_loop3A_652, %parallel_loop3A_653, %parallel_loop3A_654] {strides = array<i32>} : memref<2x128x128xf32, #tpu.memory_space<vmem>>, vector<1x1x16xf32>,
      %parallel_loop3A_656 = vector.shape_cast %parallel_loop3A_655 : vector<1x1x16xf32> to vector<16xf32>
      %parallel_loop3A_657 = arith.constant 0 : i32
      %parallel_loop3A_658 = arith.index_cast %parallel_loop3A_657 : i32 to index
      %parallel_loop3A_659 = arith.index_cast %parallel_loop3A_556 : i32 to index
      %parallel_loop3A_660 = arith.constant 96 : index
      %parallel_loop3A_661 = tpu.vector_load %arg11[%parallel_loop3A_658, %parallel_loop3A_659, %parallel_loop3A_660] {strides = array<i32>} : memref<2x128x128xf32, #tpu.memory_space<vmem>>, vector<1x1x16xf32>,
      %parallel_loop3A_662 = vector.shape_cast %parallel_loop3A_661 : vector<1x1x16xf32> to vector<16xf32>
      %parallel_loop3A_663 = arith.constant 0 : i32
      %parallel_loop3A_664 = arith.index_cast %parallel_loop3A_663 : i32 to index
      %parallel_loop3A_665 = arith.index_cast %parallel_loop3A_556 : i32 to index
      %parallel_loop3A_666 = arith.constant 32 : index
      %parallel_loop3A_667 = tpu.vector_load %arg12[%parallel_loop3A_664, %parallel_loop3A_665, %parallel_loop3A_666] {strides = array<i32>} : memref<2x128x128xf32, #tpu.memory_space<vmem>>, vector<1x1x16xf32>,
      %parallel_loop3A_668 = vector.shape_cast %parallel_loop3A_667 : vector<1x1x16xf32> to vector<16xf32>
      %parallel_loop3A_669 = arith.constant 0 : i32
      %parallel_loop3A_670 = arith.index_cast %parallel_loop3A_669 : i32 to index
      %parallel_loop3A_671 = arith.index_cast %parallel_loop3A_556 : i32 to index
      %parallel_loop3A_672 = arith.constant 96 : index
      %parallel_loop3A_673 = tpu.vector_load %arg12[%parallel_loop3A_670, %parallel_loop3A_671, %parallel_loop3A_672] {strides = array<i32>} : memref<2x128x128xf32, #tpu.memory_space<vmem>>, vector<1x1x16xf32>,
      %parallel_loop3A_674 = vector.shape_cast %parallel_loop3A_673 : vector<1x1x16xf32> to vector<16xf32>
      %parallel_loop3A_675 = arith.constant 0 : i32
      %parallel_loop3A_676 = arith.index_cast %parallel_loop3A_675 : i32 to index
      %parallel_loop3A_677 = arith.index_cast %parallel_loop3A_556 : i32 to index
      %parallel_loop3A_678 = arith.constant 32 : index
      %parallel_loop3A_679 = tpu.vector_load %arg13[%parallel_loop3A_676, %parallel_loop3A_677, %parallel_loop3A_678] {strides = array<i32>} : memref<2x128x128xf32, #tpu.memory_space<vmem>>, vector<1x1x16xf32>,
      %parallel_loop3A_680 = vector.shape_cast %parallel_loop3A_679 : vector<1x1x16xf32> to vector<16xf32>
      %parallel_loop3A_681 = arith.constant 0 : i32
      %parallel_loop3A_682 = arith.index_cast %parallel_loop3A_681 : i32 to index
      %parallel_loop3A_683 = arith.index_cast %parallel_loop3A_556 : i32 to index
      %parallel_loop3A_684 = arith.constant 96 : index
      %parallel_loop3A_685 = tpu.vector_load %arg13[%parallel_loop3A_682, %parallel_loop3A_683, %parallel_loop3A_684] {strides = array<i32>} : memref<2x128x128xf32, #tpu.memory_space<vmem>>, vector<1x1x16xf32>,
      %parallel_loop3A_686 = vector.shape_cast %parallel_loop3A_685 : vector<1x1x16xf32> to vector<16xf32>
      %parallel_loop3A_687 = arith.mulf %parallel_loop3A_656, %parallel_loop3A_668 : vector<16xf32>
      %parallel_loop3A_688 = arith.mulf %parallel_loop3A_662, %parallel_loop3A_674 : vector<16xf32>
      %parallel_loop3A_689 = arith.subf %parallel_loop3A_687, %parallel_loop3A_688 : vector<16xf32>
      %parallel_loop3A_690 = arith.mulf %parallel_loop3A_656, %parallel_loop3A_674 : vector<16xf32>
      %parallel_loop3A_691 = arith.mulf %parallel_loop3A_662, %parallel_loop3A_668 : vector<16xf32>
      %parallel_loop3A_692 = arith.addf %parallel_loop3A_690, %parallel_loop3A_691 : vector<16xf32>
      %parallel_loop3A_693 = arith.mulf %parallel_loop3A_689, %parallel_loop3A_680 : vector<16xf32>
      %parallel_loop3A_694 = arith.addf %parallel_loop3A_650, %parallel_loop3A_693 : vector<16xf32>
      %parallel_loop3A_695 = arith.mulf %parallel_loop3A_692, %parallel_loop3A_686 : vector<16xf32>
      %parallel_loop3A_696 = arith.addf %parallel_loop3A_694, %parallel_loop3A_695 : vector<16xf32>
      %parallel_loop3A_697 = arith.constant 0 : i32
      %parallel_loop3A_698 = arith.index_cast %parallel_loop3A_697 : i32 to index
      %parallel_loop3A_699 = arith.index_cast %parallel_loop3A_556 : i32 to index
      %parallel_loop3A_700 = arith.constant 48 : index
      %parallel_loop3A_701 = tpu.vector_load %arg11[%parallel_loop3A_698, %parallel_loop3A_699, %parallel_loop3A_700] {strides = array<i32>} : memref<2x128x128xf32, #tpu.memory_space<vmem>>, vector<1x1x16xf32>,
      %parallel_loop3A_702 = vector.shape_cast %parallel_loop3A_701 : vector<1x1x16xf32> to vector<16xf32>
      %parallel_loop3A_703 = arith.constant 0 : i32
      %parallel_loop3A_704 = arith.index_cast %parallel_loop3A_703 : i32 to index
      %parallel_loop3A_705 = arith.index_cast %parallel_loop3A_556 : i32 to index
      %parallel_loop3A_706 = arith.constant 112 : index
      %parallel_loop3A_707 = tpu.vector_load %arg11[%parallel_loop3A_704, %parallel_loop3A_705, %parallel_loop3A_706] {strides = array<i32>} : memref<2x128x128xf32, #tpu.memory_space<vmem>>, vector<1x1x16xf32>,
      %parallel_loop3A_708 = vector.shape_cast %parallel_loop3A_707 : vector<1x1x16xf32> to vector<16xf32>
      %parallel_loop3A_709 = arith.constant 0 : i32
      %parallel_loop3A_710 = arith.index_cast %parallel_loop3A_709 : i32 to index
      %parallel_loop3A_711 = arith.index_cast %parallel_loop3A_556 : i32 to index
      %parallel_loop3A_712 = arith.constant 48 : index
      %parallel_loop3A_713 = tpu.vector_load %arg12[%parallel_loop3A_710, %parallel_loop3A_711, %parallel_loop3A_712] {strides = array<i32>} : memref<2x128x128xf32, #tpu.memory_space<vmem>>, vector<1x1x16xf32>,
      %parallel_loop3A_714 = vector.shape_cast %parallel_loop3A_713 : vector<1x1x16xf32> to vector<16xf32>
      %parallel_loop3A_715 = arith.constant 0 : i32
      %parallel_loop3A_716 = arith.index_cast %parallel_loop3A_715 : i32 to index
      %parallel_loop3A_717 = arith.index_cast %parallel_loop3A_556 : i32 to index
      %parallel_loop3A_718 = arith.constant 112 : index
      %parallel_loop3A_719 = tpu.vector_load %arg12[%parallel_loop3A_716, %parallel_loop3A_717, %parallel_loop3A_718] {strides = array<i32>} : memref<2x128x128xf32, #tpu.memory_space<vmem>>, vector<1x1x16xf32>,
      %parallel_loop3A_720 = vector.shape_cast %parallel_loop3A_719 : vector<1x1x16xf32> to vector<16xf32>
      %parallel_loop3A_721 = arith.constant 0 : i32
      %parallel_loop3A_722 = arith.index_cast %parallel_loop3A_721 : i32 to index
      %parallel_loop3A_723 = arith.index_cast %parallel_loop3A_556 : i32 to index
      %parallel_loop3A_724 = arith.constant 48 : index
      %parallel_loop3A_725 = tpu.vector_load %arg13[%parallel_loop3A_722, %parallel_loop3A_723, %parallel_loop3A_724] {strides = array<i32>} : memref<2x128x128xf32, #tpu.memory_space<vmem>>, vector<1x1x16xf32>,
      %parallel_loop3A_726 = vector.shape_cast %parallel_loop3A_725 : vector<1x1x16xf32> to vector<16xf32>
      %parallel_loop3A_727 = arith.constant 0 : i32
      %parallel_loop3A_728 = arith.index_cast %parallel_loop3A_727 : i32 to index
      %parallel_loop3A_729 = arith.index_cast %parallel_loop3A_556 : i32 to index
      %parallel_loop3A_730 = arith.constant 112 : index
      %parallel_loop3A_731 = tpu.vector_load %arg13[%parallel_loop3A_728, %parallel_loop3A_729, %parallel_loop3A_730] {strides = array<i32>} : memref<2x128x128xf32, #tpu.memory_space<vmem>>, vector<1x1x16xf32>,
      %parallel_loop3A_732 = vector.shape_cast %parallel_loop3A_731 : vector<1x1x16xf32> to vector<16xf32>
      %parallel_loop3A_733 = arith.mulf %parallel_loop3A_702, %parallel_loop3A_714 : vector<16xf32>
      %parallel_loop3A_734 = arith.mulf %parallel_loop3A_708, %parallel_loop3A_720 : vector<16xf32>
      %parallel_loop3A_735 = arith.subf %parallel_loop3A_733, %parallel_loop3A_734 : vector<16xf32>
      %parallel_loop3A_736 = arith.mulf %parallel_loop3A_702, %parallel_loop3A_720 : vector<16xf32>
      %parallel_loop3A_737 = arith.mulf %parallel_loop3A_708, %parallel_loop3A_714 : vector<16xf32>
      %parallel_loop3A_738 = arith.addf %parallel_loop3A_736, %parallel_loop3A_737 : vector<16xf32>
      %parallel_loop3A_739 = arith.mulf %parallel_loop3A_735, %parallel_loop3A_726 : vector<16xf32>
      %parallel_loop3A_740 = arith.addf %parallel_loop3A_696, %parallel_loop3A_739 : vector<16xf32>
      %parallel_loop3A_741 = arith.mulf %parallel_loop3A_738, %parallel_loop3A_732 : vector<16xf32>
      %parallel_loop3A_742 = arith.addf %parallel_loop3A_740, %parallel_loop3A_741 : vector<16xf32>
      %parallel_loop3A_743 = arith.constant 2 : i32
      %parallel_loop3A_744 = arith.muli %parallel_loop3A_743, %parallel_loop3A_554 : i32
      %parallel_loop3A_745 = arith.constant 1 : i32
      %parallel_loop3A_746 = arith.addi %parallel_loop3A_744, %parallel_loop3A_745 : i32
      %parallel_loop3A_747 = arith.constant 0.000000e+00 : f32
      %parallel_loop3A_748 = vector.broadcast %parallel_loop3A_747 : f32 to vector<16xf32>
      %parallel_loop3A_749 = arith.constant 0 : i32
      %parallel_loop3A_750 = arith.index_cast %parallel_loop3A_749 : i32 to index
      %parallel_loop3A_751 = arith.index_cast %parallel_loop3A_746 : i32 to index
      %parallel_loop3A_752 = arith.constant 0 : index
      %parallel_loop3A_753 = tpu.vector_load %arg11[%parallel_loop3A_750, %parallel_loop3A_751, %parallel_loop3A_752] {strides = array<i32>} : memref<2x128x128xf32, #tpu.memory_space<vmem>>, vector<1x1x16xf32>,
      %parallel_loop3A_754 = vector.shape_cast %parallel_loop3A_753 : vector<1x1x16xf32> to vector<16xf32>
      %parallel_loop3A_755 = arith.constant 0 : i32
      %parallel_loop3A_756 = arith.index_cast %parallel_loop3A_755 : i32 to index
      %parallel_loop3A_757 = arith.index_cast %parallel_loop3A_746 : i32 to index
      %parallel_loop3A_758 = arith.constant 64 : index
      %parallel_loop3A_759 = tpu.vector_load %arg11[%parallel_loop3A_756, %parallel_loop3A_757, %parallel_loop3A_758] {strides = array<i32>} : memref<2x128x128xf32, #tpu.memory_space<vmem>>, vector<1x1x16xf32>,
      %parallel_loop3A_760 = vector.shape_cast %parallel_loop3A_759 : vector<1x1x16xf32> to vector<16xf32>
      %parallel_loop3A_761 = arith.constant 0 : i32
      %parallel_loop3A_762 = arith.index_cast %parallel_loop3A_761 : i32 to index
      %parallel_loop3A_763 = arith.index_cast %parallel_loop3A_746 : i32 to index
      %parallel_loop3A_764 = arith.constant 0 : index
      %parallel_loop3A_765 = tpu.vector_load %arg12[%parallel_loop3A_762, %parallel_loop3A_763, %parallel_loop3A_764] {strides = array<i32>} : memref<2x128x128xf32, #tpu.memory_space<vmem>>, vector<1x1x16xf32>,
      %parallel_loop3A_766 = vector.shape_cast %parallel_loop3A_765 : vector<1x1x16xf32> to vector<16xf32>
      %parallel_loop3A_767 = arith.constant 0 : i32
      %parallel_loop3A_768 = arith.index_cast %parallel_loop3A_767 : i32 to index
      %parallel_loop3A_769 = arith.index_cast %parallel_loop3A_746 : i32 to index
      %parallel_loop3A_770 = arith.constant 64 : index
      %parallel_loop3A_771 = tpu.vector_load %arg12[%parallel_loop3A_768, %parallel_loop3A_769, %parallel_loop3A_770] {strides = array<i32>} : memref<2x128x128xf32, #tpu.memory_space<vmem>>, vector<1x1x16xf32>,
      %parallel_loop3A_772 = vector.shape_cast %parallel_loop3A_771 : vector<1x1x16xf32> to vector<16xf32>
      %parallel_loop3A_773 = arith.constant 0 : i32
      %parallel_loop3A_774 = arith.index_cast %parallel_loop3A_773 : i32 to index
      %parallel_loop3A_775 = arith.index_cast %parallel_loop3A_746 : i32 to index
      %parallel_loop3A_776 = arith.constant 0 : index
      %parallel_loop3A_777 = tpu.vector_load %arg13[%parallel_loop3A_774, %parallel_loop3A_775, %parallel_loop3A_776] {strides = array<i32>} : memref<2x128x128xf32, #tpu.memory_space<vmem>>, vector<1x1x16xf32>,
      %parallel_loop3A_778 = vector.shape_cast %parallel_loop3A_777 : vector<1x1x16xf32> to vector<16xf32>
      %parallel_loop3A_779 = arith.constant 0 : i32
      %parallel_loop3A_780 = arith.index_cast %parallel_loop3A_779 : i32 to index
      %parallel_loop3A_781 = arith.index_cast %parallel_loop3A_746 : i32 to index
      %parallel_loop3A_782 = arith.constant 64 : index
      %parallel_loop3A_783 = tpu.vector_load %arg13[%parallel_loop3A_780, %parallel_loop3A_781, %parallel_loop3A_782] {strides = array<i32>} : memref<2x128x128xf32, #tpu.memory_space<vmem>>, vector<1x1x16xf32>,
      %parallel_loop3A_784 = vector.shape_cast %parallel_loop3A_783 : vector<1x1x16xf32> to vector<16xf32>
      %parallel_loop3A_785 = arith.mulf %parallel_loop3A_754, %parallel_loop3A_766 : vector<16xf32>
      %parallel_loop3A_786 = arith.mulf %parallel_loop3A_760, %parallel_loop3A_772 : vector<16xf32>
      %parallel_loop3A_787 = arith.subf %parallel_loop3A_785, %parallel_loop3A_786 : vector<16xf32>
      %parallel_loop3A_788 = arith.mulf %parallel_loop3A_754, %parallel_loop3A_772 : vector<16xf32>
      %parallel_loop3A_789 = arith.mulf %parallel_loop3A_760, %parallel_loop3A_766 : vector<16xf32>
      %parallel_loop3A_790 = arith.addf %parallel_loop3A_788, %parallel_loop3A_789 : vector<16xf32>
      %parallel_loop3A_791 = arith.mulf %parallel_loop3A_787, %parallel_loop3A_778 : vector<16xf32>
      %parallel_loop3A_792 = arith.addf %parallel_loop3A_748, %parallel_loop3A_791 : vector<16xf32>
      %parallel_loop3A_793 = arith.mulf %parallel_loop3A_790, %parallel_loop3A_784 : vector<16xf32>
      %parallel_loop3A_794 = arith.addf %parallel_loop3A_792, %parallel_loop3A_793 : vector<16xf32>
      %parallel_loop3A_795 = arith.constant 0 : i32
      %parallel_loop3A_796 = arith.index_cast %parallel_loop3A_795 : i32 to index
      %parallel_loop3A_797 = arith.index_cast %parallel_loop3A_746 : i32 to index
      %parallel_loop3A_798 = arith.constant 16 : index
      %parallel_loop3A_799 = tpu.vector_load %arg11[%parallel_loop3A_796, %parallel_loop3A_797, %parallel_loop3A_798] {strides = array<i32>} : memref<2x128x128xf32, #tpu.memory_space<vmem>>, vector<1x1x16xf32>,
      %parallel_loop3A_800 = vector.shape_cast %parallel_loop3A_799 : vector<1x1x16xf32> to vector<16xf32>
      %parallel_loop3A_801 = arith.constant 0 : i32
      %parallel_loop3A_802 = arith.index_cast %parallel_loop3A_801 : i32 to index
      %parallel_loop3A_803 = arith.index_cast %parallel_loop3A_746 : i32 to index
      %parallel_loop3A_804 = arith.constant 80 : index
      %parallel_loop3A_805 = tpu.vector_load %arg11[%parallel_loop3A_802, %parallel_loop3A_803, %parallel_loop3A_804] {strides = array<i32>} : memref<2x128x128xf32, #tpu.memory_space<vmem>>, vector<1x1x16xf32>,
      %parallel_loop3A_806 = vector.shape_cast %parallel_loop3A_805 : vector<1x1x16xf32> to vector<16xf32>
      %parallel_loop3A_807 = arith.constant 0 : i32
      %parallel_loop3A_808 = arith.index_cast %parallel_loop3A_807 : i32 to index
      %parallel_loop3A_809 = arith.index_cast %parallel_loop3A_746 : i32 to index
      %parallel_loop3A_810 = arith.constant 16 : index
      %parallel_loop3A_811 = tpu.vector_load %arg12[%parallel_loop3A_808, %parallel_loop3A_809, %parallel_loop3A_810] {strides = array<i32>} : memref<2x128x128xf32, #tpu.memory_space<vmem>>, vector<1x1x16xf32>,
      %parallel_loop3A_812 = vector.shape_cast %parallel_loop3A_811 : vector<1x1x16xf32> to vector<16xf32>
      %parallel_loop3A_813 = arith.constant 0 : i32
      %parallel_loop3A_814 = arith.index_cast %parallel_loop3A_813 : i32 to index
      %parallel_loop3A_815 = arith.index_cast %parallel_loop3A_746 : i32 to index
      %parallel_loop3A_816 = arith.constant 80 : index
      %parallel_loop3A_817 = tpu.vector_load %arg12[%parallel_loop3A_814, %parallel_loop3A_815, %parallel_loop3A_816] {strides = array<i32>} : memref<2x128x128xf32, #tpu.memory_space<vmem>>, vector<1x1x16xf32>,
      %parallel_loop3A_818 = vector.shape_cast %parallel_loop3A_817 : vector<1x1x16xf32> to vector<16xf32>
      %parallel_loop3A_819 = arith.constant 0 : i32
      %parallel_loop3A_820 = arith.index_cast %parallel_loop3A_819 : i32 to index
      %parallel_loop3A_821 = arith.index_cast %parallel_loop3A_746 : i32 to index
      %parallel_loop3A_822 = arith.constant 16 : index
      %parallel_loop3A_823 = tpu.vector_load %arg13[%parallel_loop3A_820, %parallel_loop3A_821, %parallel_loop3A_822] {strides = array<i32>} : memref<2x128x128xf32, #tpu.memory_space<vmem>>, vector<1x1x16xf32>,
      %parallel_loop3A_824 = vector.shape_cast %parallel_loop3A_823 : vector<1x1x16xf32> to vector<16xf32>
      %parallel_loop3A_825 = arith.constant 0 : i32
      %parallel_loop3A_826 = arith.index_cast %parallel_loop3A_825 : i32 to index
      %parallel_loop3A_827 = arith.index_cast %parallel_loop3A_746 : i32 to index
      %parallel_loop3A_828 = arith.constant 80 : index
      %parallel_loop3A_829 = tpu.vector_load %arg13[%parallel_loop3A_826, %parallel_loop3A_827, %parallel_loop3A_828] {strides = array<i32>} : memref<2x128x128xf32, #tpu.memory_space<vmem>>, vector<1x1x16xf32>,
      %parallel_loop3A_830 = vector.shape_cast %parallel_loop3A_829 : vector<1x1x16xf32> to vector<16xf32>
      %parallel_loop3A_831 = arith.mulf %parallel_loop3A_800, %parallel_loop3A_812 : vector<16xf32>
      %parallel_loop3A_832 = arith.mulf %parallel_loop3A_806, %parallel_loop3A_818 : vector<16xf32>
      %parallel_loop3A_833 = arith.subf %parallel_loop3A_831, %parallel_loop3A_832 : vector<16xf32>
      %parallel_loop3A_834 = arith.mulf %parallel_loop3A_800, %parallel_loop3A_818 : vector<16xf32>
      %parallel_loop3A_835 = arith.mulf %parallel_loop3A_806, %parallel_loop3A_812 : vector<16xf32>
      %parallel_loop3A_836 = arith.addf %parallel_loop3A_834, %parallel_loop3A_835 : vector<16xf32>
      %parallel_loop3A_837 = arith.mulf %parallel_loop3A_833, %parallel_loop3A_824 : vector<16xf32>
      %parallel_loop3A_838 = arith.addf %parallel_loop3A_794, %parallel_loop3A_837 : vector<16xf32>
      %parallel_loop3A_839 = arith.mulf %parallel_loop3A_836, %parallel_loop3A_830 : vector<16xf32>
      %parallel_loop3A_840 = arith.addf %parallel_loop3A_838, %parallel_loop3A_839 : vector<16xf32>
      %parallel_loop3A_841 = arith.constant 0 : i32
      %parallel_loop3A_842 = arith.index_cast %parallel_loop3A_841 : i32 to index
      %parallel_loop3A_843 = arith.index_cast %parallel_loop3A_746 : i32 to index
      %parallel_loop3A_844 = arith.constant 32 : index
      %parallel_loop3A_845 = tpu.vector_load %arg11[%parallel_loop3A_842, %parallel_loop3A_843, %parallel_loop3A_844] {strides = array<i32>} : memref<2x128x128xf32, #tpu.memory_space<vmem>>, vector<1x1x16xf32>,
      %parallel_loop3A_846 = vector.shape_cast %parallel_loop3A_845 : vector<1x1x16xf32> to vector<16xf32>
      %parallel_loop3A_847 = arith.constant 0 : i32
      %parallel_loop3A_848 = arith.index_cast %parallel_loop3A_847 : i32 to index
      %parallel_loop3A_849 = arith.index_cast %parallel_loop3A_746 : i32 to index
      %parallel_loop3A_850 = arith.constant 96 : index
      %parallel_loop3A_851 = tpu.vector_load %arg11[%parallel_loop3A_848, %parallel_loop3A_849, %parallel_loop3A_850] {strides = array<i32>} : memref<2x128x128xf32, #tpu.memory_space<vmem>>, vector<1x1x16xf32>,
      %parallel_loop3A_852 = vector.shape_cast %parallel_loop3A_851 : vector<1x1x16xf32> to vector<16xf32>
      %parallel_loop3A_853 = arith.constant 0 : i32
      %parallel_loop3A_854 = arith.index_cast %parallel_loop3A_853 : i32 to index
      %parallel_loop3A_855 = arith.index_cast %parallel_loop3A_746 : i32 to index
      %parallel_loop3A_856 = arith.constant 32 : index
      %parallel_loop3A_857 = tpu.vector_load %arg12[%parallel_loop3A_854, %parallel_loop3A_855, %parallel_loop3A_856] {strides = array<i32>} : memref<2x128x128xf32, #tpu.memory_space<vmem>>, vector<1x1x16xf32>,
      %parallel_loop3A_858 = vector.shape_cast %parallel_loop3A_857 : vector<1x1x16xf32> to vector<16xf32>
      %parallel_loop3A_859 = arith.constant 0 : i32
      %parallel_loop3A_860 = arith.index_cast %parallel_loop3A_859 : i32 to index
      %parallel_loop3A_861 = arith.index_cast %parallel_loop3A_746 : i32 to index
      %parallel_loop3A_862 = arith.constant 96 : index
      %parallel_loop3A_863 = tpu.vector_load %arg12[%parallel_loop3A_860, %parallel_loop3A_861, %parallel_loop3A_862] {strides = array<i32>} : memref<2x128x128xf32, #tpu.memory_space<vmem>>, vector<1x1x16xf32>,
      %parallel_loop3A_864 = vector.shape_cast %parallel_loop3A_863 : vector<1x1x16xf32> to vector<16xf32>
      %parallel_loop3A_865 = arith.constant 0 : i32
      %parallel_loop3A_866 = arith.index_cast %parallel_loop3A_865 : i32 to index
      %parallel_loop3A_867 = arith.index_cast %parallel_loop3A_746 : i32 to index
      %parallel_loop3A_868 = arith.constant 32 : index
      %parallel_loop3A_869 = tpu.vector_load %arg13[%parallel_loop3A_866, %parallel_loop3A_867, %parallel_loop3A_868] {strides = array<i32>} : memref<2x128x128xf32, #tpu.memory_space<vmem>>, vector<1x1x16xf32>,
      %parallel_loop3A_870 = vector.shape_cast %parallel_loop3A_869 : vector<1x1x16xf32> to vector<16xf32>
      %parallel_loop3A_871 = arith.constant 0 : i32
      %parallel_loop3A_872 = arith.index_cast %parallel_loop3A_871 : i32 to index
      %parallel_loop3A_873 = arith.index_cast %parallel_loop3A_746 : i32 to index
      %parallel_loop3A_874 = arith.constant 96 : index
      %parallel_loop3A_875 = tpu.vector_load %arg13[%parallel_loop3A_872, %parallel_loop3A_873, %parallel_loop3A_874] {strides = array<i32>} : memref<2x128x128xf32, #tpu.memory_space<vmem>>, vector<1x1x16xf32>,
      %parallel_loop3A_876 = vector.shape_cast %parallel_loop3A_875 : vector<1x1x16xf32> to vector<16xf32>
      %parallel_loop3A_877 = arith.mulf %parallel_loop3A_846, %parallel_loop3A_858 : vector<16xf32>
      %parallel_loop3A_878 = arith.mulf %parallel_loop3A_852, %parallel_loop3A_864 : vector<16xf32>
      %parallel_loop3A_879 = arith.subf %parallel_loop3A_877, %parallel_loop3A_878 : vector<16xf32>
      %parallel_loop3A_880 = arith.mulf %parallel_loop3A_846, %parallel_loop3A_864 : vector<16xf32>
      %parallel_loop3A_881 = arith.mulf %parallel_loop3A_852, %parallel_loop3A_858 : vector<16xf32>
      %parallel_loop3A_882 = arith.addf %parallel_loop3A_880, %parallel_loop3A_881 : vector<16xf32>
      %parallel_loop3A_883 = arith.mulf %parallel_loop3A_879, %parallel_loop3A_870 : vector<16xf32>
      %parallel_loop3A_884 = arith.addf %parallel_loop3A_840, %parallel_loop3A_883 : vector<16xf32>
      %parallel_loop3A_885 = arith.mulf %parallel_loop3A_882, %parallel_loop3A_876 : vector<16xf32>
      %parallel_loop3A_886 = arith.addf %parallel_loop3A_884, %parallel_loop3A_885 : vector<16xf32>
      %parallel_loop3A_887 = arith.constant 0 : i32
      %parallel_loop3A_888 = arith.index_cast %parallel_loop3A_887 : i32 to index
      %parallel_loop3A_889 = arith.index_cast %parallel_loop3A_746 : i32 to index
      %parallel_loop3A_890 = arith.constant 48 : index
      %parallel_loop3A_891 = tpu.vector_load %arg11[%parallel_loop3A_888, %parallel_loop3A_889, %parallel_loop3A_890] {strides = array<i32>} : memref<2x128x128xf32, #tpu.memory_space<vmem>>, vector<1x1x16xf32>,
      %parallel_loop3A_892 = vector.shape_cast %parallel_loop3A_891 : vector<1x1x16xf32> to vector<16xf32>
      %parallel_loop3A_893 = arith.constant 0 : i32
      %parallel_loop3A_894 = arith.index_cast %parallel_loop3A_893 : i32 to index
      %parallel_loop3A_895 = arith.index_cast %parallel_loop3A_746 : i32 to index
      %parallel_loop3A_896 = arith.constant 112 : index
      %parallel_loop3A_897 = tpu.vector_load %arg11[%parallel_loop3A_894, %parallel_loop3A_895, %parallel_loop3A_896] {strides = array<i32>} : memref<2x128x128xf32, #tpu.memory_space<vmem>>, vector<1x1x16xf32>,
      %parallel_loop3A_898 = vector.shape_cast %parallel_loop3A_897 : vector<1x1x16xf32> to vector<16xf32>
      %parallel_loop3A_899 = arith.constant 0 : i32
      %parallel_loop3A_900 = arith.index_cast %parallel_loop3A_899 : i32 to index
      %parallel_loop3A_901 = arith.index_cast %parallel_loop3A_746 : i32 to index
      %parallel_loop3A_902 = arith.constant 48 : index
      %parallel_loop3A_903 = tpu.vector_load %arg12[%parallel_loop3A_900, %parallel_loop3A_901, %parallel_loop3A_902] {strides = array<i32>} : memref<2x128x128xf32, #tpu.memory_space<vmem>>, vector<1x1x16xf32>,
      %parallel_loop3A_904 = vector.shape_cast %parallel_loop3A_903 : vector<1x1x16xf32> to vector<16xf32>
      %parallel_loop3A_905 = arith.constant 0 : i32
      %parallel_loop3A_906 = arith.index_cast %parallel_loop3A_905 : i32 to index
      %parallel_loop3A_907 = arith.index_cast %parallel_loop3A_746 : i32 to index
      %parallel_loop3A_908 = arith.constant 112 : index
      %parallel_loop3A_909 = tpu.vector_load %arg12[%parallel_loop3A_906, %parallel_loop3A_907, %parallel_loop3A_908] {strides = array<i32>} : memref<2x128x128xf32, #tpu.memory_space<vmem>>, vector<1x1x16xf32>,
      %parallel_loop3A_910 = vector.shape_cast %parallel_loop3A_909 : vector<1x1x16xf32> to vector<16xf32>
      %parallel_loop3A_911 = arith.constant 0 : i32
      %parallel_loop3A_912 = arith.index_cast %parallel_loop3A_911 : i32 to index
      %parallel_loop3A_913 = arith.index_cast %parallel_loop3A_746 : i32 to index
      %parallel_loop3A_914 = arith.constant 48 : index
      %parallel_loop3A_915 = tpu.vector_load %arg13[%parallel_loop3A_912, %parallel_loop3A_913, %parallel_loop3A_914] {strides = array<i32>} : memref<2x128x128xf32, #tpu.memory_space<vmem>>, vector<1x1x16xf32>,
      %parallel_loop3A_916 = vector.shape_cast %parallel_loop3A_915 : vector<1x1x16xf32> to vector<16xf32>
      %parallel_loop3A_917 = arith.constant 0 : i32
      %parallel_loop3A_918 = arith.index_cast %parallel_loop3A_917 : i32 to index
      %parallel_loop3A_919 = arith.index_cast %parallel_loop3A_746 : i32 to index
      %parallel_loop3A_920 = arith.constant 112 : index
      %parallel_loop3A_921 = tpu.vector_load %arg13[%parallel_loop3A_918, %parallel_loop3A_919, %parallel_loop3A_920] {strides = array<i32>} : memref<2x128x128xf32, #tpu.memory_space<vmem>>, vector<1x1x16xf32>,
      %parallel_loop3A_922 = vector.shape_cast %parallel_loop3A_921 : vector<1x1x16xf32> to vector<16xf32>
      %parallel_loop3A_923 = arith.mulf %parallel_loop3A_892, %parallel_loop3A_904 : vector<16xf32>
      %parallel_loop3A_924 = arith.mulf %parallel_loop3A_898, %parallel_loop3A_910 : vector<16xf32>
      %parallel_loop3A_925 = arith.subf %parallel_loop3A_923, %parallel_loop3A_924 : vector<16xf32>
      %parallel_loop3A_926 = arith.mulf %parallel_loop3A_892, %parallel_loop3A_910 : vector<16xf32>
      %parallel_loop3A_927 = arith.mulf %parallel_loop3A_898, %parallel_loop3A_904 : vector<16xf32>
      %parallel_loop3A_928 = arith.addf %parallel_loop3A_926, %parallel_loop3A_927 : vector<16xf32>
      %parallel_loop3A_929 = arith.mulf %parallel_loop3A_925, %parallel_loop3A_916 : vector<16xf32>
      %parallel_loop3A_930 = arith.addf %parallel_loop3A_886, %parallel_loop3A_929 : vector<16xf32>
      %parallel_loop3A_931 = arith.mulf %parallel_loop3A_928, %parallel_loop3A_922 : vector<16xf32>
      %parallel_loop3A_932 = arith.addf %parallel_loop3A_930, %parallel_loop3A_931 : vector<16xf32>
      %parallel_loop3A_933 = vector.shape_cast %xor3A_27 : vector<16xi32> to vector<16x1xi32>
      %parallel_loop3A_934 = vector.shape_cast %parallel_loop3A_933 : vector<16x1xi32> to vector<16xi32>
      %parallel_loop3A_935 = tpu.dynamic_gather %parallel_loop3A_742[%parallel_loop3A_934] in [0] : vector<16xf32>, vector<16xi32> -> vector<16xf32>
      %parallel_loop3A_936 = arith.addf %parallel_loop3A_742, %parallel_loop3A_935 : vector<16xf32>
      %parallel_loop3A_937 = vector.shape_cast %xor3A_27 : vector<16xi32> to vector<16x1xi32>
      %parallel_loop3A_938 = vector.shape_cast %parallel_loop3A_937 : vector<16x1xi32> to vector<16xi32>
      %parallel_loop3A_939 = tpu.dynamic_gather %parallel_loop3A_932[%parallel_loop3A_938] in [0] : vector<16xf32>, vector<16xi32> -> vector<16xf32>
      %parallel_loop3A_940 = arith.addf %parallel_loop3A_932, %parallel_loop3A_939 : vector<16xf32>
      %parallel_loop3A_941 = arith.select %eq3A_41, %parallel_loop3A_936, %parallel_loop3A_940 : vector<16xi1>, vector<16xf32>
      %parallel_loop3A_942 = arith.constant 16 : i32
      %parallel_loop3A_943 = arith.muli %parallel_loop3A_554, %parallel_loop3A_942 : i32
      %parallel_loop3A_944 = arith.index_cast %parallel_loop3A_943 : i32 to index
      %parallel_loop3A_945 = tpu.vector_load %arg14[%parallel_loop3A_944] {strides = array<i32>} : memref<1024xf32, #tpu.memory_space<vmem>>, vector<16xf32>,
      %parallel_loop3A_946 = vector.shape_cast %parallel_loop3A_945 : vector<16xf32> to vector<16xf32>
      %parallel_loop3A_947 = vector.shape_cast %parallel_loop3A_941 : vector<16xf32> to vector<16xf32>
      tpu.vector_store %arg14[%parallel_loop3A_944], %parallel_loop3A_947 {strides = array<i32>} : memref<1024xf32, #tpu.memory_space<vmem>>, vector<16xf32>,
    } {sc.loop_unroll_factor = 2 : i64, sc.parallel_access}
    %scan3A = arith.constant 0 : i32
    %scan3A_228 = arith.constant 0 : i32
    %scan3A_229 = arith.constant 2 : i32
    %scan3A_230 = arith.addi %scan3A_228, %scan3A_229 : i32
    %scan3A_231 = arith.constant 1 : i32
    %scan3A_232 = scf.for %scan3A_554 = %scan3A_228 to %scan3A_230 step %scan3A_231 iter_args(%scan3A_555 = %scan3A) -> (i32)  : i32 {
      %mul3A_556 = arith.constant 8 : i32
      %mul3A_557 = arith.muli %scan3A_554, %mul3A_556 : i32
      %add3A_558 = arith.constant 0 : i32
      %add3A_559 = arith.addi %mul3A_557, %add3A_558 : i32
      %mul3A_560 = arith.constant 16 : i32
      %mul3A_561 = arith.muli %add3A_559, %mul3A_560 : i32
      %get3A = arith.index_cast %mul3A_561 : i32 to index
      %get3A_562 = tpu.vector_load %arg14[%get3A] {strides = array<i32>} : memref<1024xf32, #tpu.memory_space<vmem>>, vector<16xf32>,
      %get3A_563 = vector.shape_cast %get3A_562 : vector<16xf32> to vector<16xf32>
      %mul3A_564 = arith.constant 8 : i32
      %mul3A_565 = arith.muli %scan3A_554, %mul3A_564 : i32
      %add3A_566 = arith.constant 1 : i32
      %add3A_567 = arith.addi %mul3A_565, %add3A_566 : i32
      %mul3A_568 = arith.constant 16 : i32
      %mul3A_569 = arith.muli %add3A_567, %mul3A_568 : i32
      %get3A_570 = arith.index_cast %mul3A_569 : i32 to index
      %get3A_571 = tpu.vector_load %arg14[%get3A_570] {strides = array<i32>} : memref<1024xf32, #tpu.memory_space<vmem>>, vector<16xf32>,
      %get3A_572 = vector.shape_cast %get3A_571 : vector<16xf32> to vector<16xf32>
      %broadcast_in_dim3A = vector.shape_cast %xor3A_30 : vector<16xi32> to vector<16x1xi32>
      %gather3A = vector.shape_cast %broadcast_in_dim3A : vector<16x1xi32> to vector<16xi32>
      %gather3A_573 = tpu.dynamic_gather %get3A_563[%gather3A] in [0] : vector<16xf32>, vector<16xi32> -> vector<16xf32>
      %add3A_574 = arith.addf %get3A_563, %gather3A_573 : vector<16xf32>
      %broadcast_in_dim3A_575 = vector.shape_cast %xor3A_30 : vector<16xi32> to vector<16x1xi32>
      %gather3A_576 = vector.shape_cast %broadcast_in_dim3A_575 : vector<16x1xi32> to vector<16xi32>
      %gather3A_577 = tpu.dynamic_gather %get3A_572[%gather3A_576] in [0] : vector<16xf32>, vector<16xi32> -> vector<16xf32>
      %add3A_578 = arith.addf %get3A_572, %gather3A_577 : vector<16xf32>
      %select_n3A = arith.select %eq3A_47, %add3A_574, %add3A_578 : vector<16xi1>, vector<16xf32>
      %mul3A_579 = arith.constant 8 : i32
      %mul3A_580 = arith.muli %scan3A_554, %mul3A_579 : i32
      %add3A_581 = arith.constant 2 : i32
      %add3A_582 = arith.addi %mul3A_580, %add3A_581 : i32
      %mul3A_583 = arith.constant 16 : i32
      %mul3A_584 = arith.muli %add3A_582, %mul3A_583 : i32
      %get3A_585 = arith.index_cast %mul3A_584 : i32 to index
      %get3A_586 = tpu.vector_load %arg14[%get3A_585] {strides = array<i32>} : memref<1024xf32, #tpu.memory_space<vmem>>, vector<16xf32>,
      %get3A_587 = vector.shape_cast %get3A_586 : vector<16xf32> to vector<16xf32>
      %mul3A_588 = arith.constant 8 : i32
      %mul3A_589 = arith.muli %scan3A_554, %mul3A_588 : i32
      %add3A_590 = arith.constant 3 : i32
      %add3A_591 = arith.addi %mul3A_589, %add3A_590 : i32
      %mul3A_592 = arith.constant 16 : i32
      %mul3A_593 = arith.muli %add3A_591, %mul3A_592 : i32
      %get3A_594 = arith.index_cast %mul3A_593 : i32 to index
      %get3A_595 = tpu.vector_load %arg14[%get3A_594] {strides = array<i32>} : memref<1024xf32, #tpu.memory_space<vmem>>, vector<16xf32>,
      %get3A_596 = vector.shape_cast %get3A_595 : vector<16xf32> to vector<16xf32>
      %broadcast_in_dim3A_597 = vector.shape_cast %xor3A_30 : vector<16xi32> to vector<16x1xi32>
      %gather3A_598 = vector.shape_cast %broadcast_in_dim3A_597 : vector<16x1xi32> to vector<16xi32>
      %gather3A_599 = tpu.dynamic_gather %get3A_587[%gather3A_598] in [0] : vector<16xf32>, vector<16xi32> -> vector<16xf32>
      %add3A_600 = arith.addf %get3A_587, %gather3A_599 : vector<16xf32>
      %broadcast_in_dim3A_601 = vector.shape_cast %xor3A_30 : vector<16xi32> to vector<16x1xi32>
      %gather3A_602 = vector.shape_cast %broadcast_in_dim3A_601 : vector<16x1xi32> to vector<16xi32>
      %gather3A_603 = tpu.dynamic_gather %get3A_596[%gather3A_602] in [0] : vector<16xf32>, vector<16xi32> -> vector<16xf32>
      %add3A_604 = arith.addf %get3A_596, %gather3A_603 : vector<16xf32>
      %select_n3A_605 = arith.select %eq3A_47, %add3A_600, %add3A_604 : vector<16xi1>, vector<16xf32>
      %broadcast_in_dim3A_606 = vector.shape_cast %xor3A_33 : vector<16xi32> to vector<16x1xi32>
      %gather3A_607 = vector.shape_cast %broadcast_in_dim3A_606 : vector<16x1xi32> to vector<16xi32>
      %gather3A_608 = tpu.dynamic_gather %select_n3A[%gather3A_607] in [0] : vector<16xf32>, vector<16xi32> -> vector<16xf32>
      %add3A_609 = arith.addf %select_n3A, %gather3A_608 : vector<16xf32>
      %broadcast_in_dim3A_610 = vector.shape_cast %xor3A_33 : vector<16xi32> to vector<16x1xi32>
      %gather3A_611 = vector.shape_cast %broadcast_in_dim3A_610 : vector<16x1xi32> to vector<16xi32>
      %gather3A_612 = tpu.dynamic_gather %select_n3A_605[%gather3A_611] in [0] : vector<16xf32>, vector<16xi32> -> vector<16xf32>
      %add3A_613 = arith.addf %select_n3A_605, %gather3A_612 : vector<16xf32>
      %select_n3A_614 = arith.select %eq3A_53, %add3A_609, %add3A_613 : vector<16xi1>, vector<16xf32>
      %mul3A_615 = arith.constant 8 : i32
      %mul3A_616 = arith.muli %scan3A_554, %mul3A_615 : i32
      %add3A_617 = arith.constant 4 : i32
      %add3A_618 = arith.addi %mul3A_616, %add3A_617 : i32
      %mul3A_619 = arith.constant 16 : i32
      %mul3A_620 = arith.muli %add3A_618, %mul3A_619 : i32
      %get3A_621 = arith.index_cast %mul3A_620 : i32 to index
      %get3A_622 = tpu.vector_load %arg14[%get3A_621] {strides = array<i32>} : memref<1024xf32, #tpu.memory_space<vmem>>, vector<16xf32>,
      %get3A_623 = vector.shape_cast %get3A_622 : vector<16xf32> to vector<16xf32>
      %mul3A_624 = arith.constant 8 : i32
      %mul3A_625 = arith.muli %scan3A_554, %mul3A_624 : i32
      %add3A_626 = arith.constant 5 : i32
      %add3A_627 = arith.addi %mul3A_625, %add3A_626 : i32
      %mul3A_628 = arith.constant 16 : i32
      %mul3A_629 = arith.muli %add3A_627, %mul3A_628 : i32
      %get3A_630 = arith.index_cast %mul3A_629 : i32 to index
      %get3A_631 = tpu.vector_load %arg14[%get3A_630] {strides = array<i32>} : memref<1024xf32, #tpu.memory_space<vmem>>, vector<16xf32>,
      %get3A_632 = vector.shape_cast %get3A_631 : vector<16xf32> to vector<16xf32>
      %broadcast_in_dim3A_633 = vector.shape_cast %xor3A_30 : vector<16xi32> to vector<16x1xi32>
      %gather3A_634 = vector.shape_cast %broadcast_in_dim3A_633 : vector<16x1xi32> to vector<16xi32>
      %gather3A_635 = tpu.dynamic_gather %get3A_623[%gather3A_634] in [0] : vector<16xf32>, vector<16xi32> -> vector<16xf32>
      %add3A_636 = arith.addf %get3A_623, %gather3A_635 : vector<16xf32>
      %broadcast_in_dim3A_637 = vector.shape_cast %xor3A_30 : vector<16xi32> to vector<16x1xi32>
      %gather3A_638 = vector.shape_cast %broadcast_in_dim3A_637 : vector<16x1xi32> to vector<16xi32>
      %gather3A_639 = tpu.dynamic_gather %get3A_632[%gather3A_638] in [0] : vector<16xf32>, vector<16xi32> -> vector<16xf32>
      %add3A_640 = arith.addf %get3A_632, %gather3A_639 : vector<16xf32>
      %select_n3A_641 = arith.select %eq3A_47, %add3A_636, %add3A_640 : vector<16xi1>, vector<16xf32>
      %mul3A_642 = arith.constant 8 : i32
      %mul3A_643 = arith.muli %scan3A_554, %mul3A_642 : i32
      %add3A_644 = arith.constant 6 : i32
      %add3A_645 = arith.addi %mul3A_643, %add3A_644 : i32
      %mul3A_646 = arith.constant 16 : i32
      %mul3A_647 = arith.muli %add3A_645, %mul3A_646 : i32
      %get3A_648 = arith.index_cast %mul3A_647 : i32 to index
      %get3A_649 = tpu.vector_load %arg14[%get3A_648] {strides = array<i32>} : memref<1024xf32, #tpu.memory_space<vmem>>, vector<16xf32>,
      %get3A_650 = vector.shape_cast %get3A_649 : vector<16xf32> to vector<16xf32>
      %mul3A_651 = arith.constant 8 : i32
      %mul3A_652 = arith.muli %scan3A_554, %mul3A_651 : i32
      %add3A_653 = arith.constant 7 : i32
      %add3A_654 = arith.addi %mul3A_652, %add3A_653 : i32
      %mul3A_655 = arith.constant 16 : i32
      %mul3A_656 = arith.muli %add3A_654, %mul3A_655 : i32
      %get3A_657 = arith.index_cast %mul3A_656 : i32 to index
      %get3A_658 = tpu.vector_load %arg14[%get3A_657] {strides = array<i32>} : memref<1024xf32, #tpu.memory_space<vmem>>, vector<16xf32>,
      %get3A_659 = vector.shape_cast %get3A_658 : vector<16xf32> to vector<16xf32>
      %broadcast_in_dim3A_660 = vector.shape_cast %xor3A_30 : vector<16xi32> to vector<16x1xi32>
      %gather3A_661 = vector.shape_cast %broadcast_in_dim3A_660 : vector<16x1xi32> to vector<16xi32>
      %gather3A_662 = tpu.dynamic_gather %get3A_650[%gather3A_661] in [0] : vector<16xf32>, vector<16xi32> -> vector<16xf32>
      %add3A_663 = arith.addf %get3A_650, %gather3A_662 : vector<16xf32>
      %broadcast_in_dim3A_664 = vector.shape_cast %xor3A_30 : vector<16xi32> to vector<16x1xi32>
      %gather3A_665 = vector.shape_cast %broadcast_in_dim3A_664 : vector<16x1xi32> to vector<16xi32>
      %gather3A_666 = tpu.dynamic_gather %get3A_659[%gather3A_665] in [0] : vector<16xf32>, vector<16xi32> -> vector<16xf32>
      %add3A_667 = arith.addf %get3A_659, %gather3A_666 : vector<16xf32>
      %select_n3A_668 = arith.select %eq3A_47, %add3A_663, %add3A_667 : vector<16xi1>, vector<16xf32>
      %broadcast_in_dim3A_669 = vector.shape_cast %xor3A_33 : vector<16xi32> to vector<16x1xi32>
      %gather3A_670 = vector.shape_cast %broadcast_in_dim3A_669 : vector<16x1xi32> to vector<16xi32>
      %gather3A_671 = tpu.dynamic_gather %select_n3A_641[%gather3A_670] in [0] : vector<16xf32>, vector<16xi32> -> vector<16xf32>
      %add3A_672 = arith.addf %select_n3A_641, %gather3A_671 : vector<16xf32>
      %broadcast_in_dim3A_673 = vector.shape_cast %xor3A_33 : vector<16xi32> to vector<16x1xi32>
      %gather3A_674 = vector.shape_cast %broadcast_in_dim3A_673 : vector<16x1xi32> to vector<16xi32>
      %gather3A_675 = tpu.dynamic_gather %select_n3A_668[%gather3A_674] in [0] : vector<16xf32>, vector<16xi32> -> vector<16xf32>
      %add3A_676 = arith.addf %select_n3A_668, %gather3A_675 : vector<16xf32>
      %select_n3A_677 = arith.select %eq3A_53, %add3A_672, %add3A_676 : vector<16xi1>, vector<16xf32>
      %broadcast_in_dim3A_678 = vector.shape_cast %xor3A_36 : vector<16xi32> to vector<16x1xi32>
      %gather3A_679 = vector.shape_cast %broadcast_in_dim3A_678 : vector<16x1xi32> to vector<16xi32>
      %gather3A_680 = tpu.dynamic_gather %select_n3A_614[%gather3A_679] in [0] : vector<16xf32>, vector<16xi32> -> vector<16xf32>
      %add3A_681 = arith.addf %select_n3A_614, %gather3A_680 : vector<16xf32>
      %broadcast_in_dim3A_682 = vector.shape_cast %xor3A_36 : vector<16xi32> to vector<16x1xi32>
      %gather3A_683 = vector.shape_cast %broadcast_in_dim3A_682 : vector<16x1xi32> to vector<16xi32>
      %gather3A_684 = tpu.dynamic_gather %select_n3A_677[%gather3A_683] in [0] : vector<16xf32>, vector<16xi32> -> vector<16xf32>
      %add3A_685 = arith.addf %select_n3A_677, %gather3A_684 : vector<16xf32>
      %select_n3A_686 = arith.select %eq3A_59, %add3A_681, %add3A_685 : vector<16xi1>, vector<16xf32>
      %broadcast_in_dim3A_687 = vector.shape_cast %or3A_25 : vector<16xi32> to vector<16x1xi32>
      %gather3A_688 = vector.shape_cast %broadcast_in_dim3A_687 : vector<16x1xi32> to vector<16xi32>
      %gather3A_689 = tpu.dynamic_gather %select_n3A_686[%gather3A_688] in [0] : vector<16xf32>, vector<16xi32> -> vector<16xf32>
      %mul3A_690 = arith.constant 16 : i32
      %mul3A_691 = arith.muli %scan3A_554, %mul3A_690 : i32
      %add3A_692 = arith.constant 0 : i32
      %add3A_693 = arith.addi %add3A_692, %mul3A_691 : i32
      %swap3A = arith.index_cast %add3A_693 : i32 to index
      %swap3A_694 = tpu.vector_load %arg15[%swap3A] {strides = array<i32>} : memref<512xf32, #tpu.memory_space<vmem>>, vector<16xf32>,
      %swap3A_695 = vector.shape_cast %swap3A_694 : vector<16xf32> to vector<16xf32>
      %swap3A_696 = vector.shape_cast %gather3A_689 : vector<16xf32> to vector<16xf32>
      tpu.vector_store %arg15[%swap3A], %swap3A_696 {strides = array<i32>} : memref<512xf32, #tpu.memory_space<vmem>>, vector<16xf32>,
      %scan3A_697 = arith.constant 0 : i32
      scf.yield %scan3A_697 : i32
    }
    %scan3A_233 = arith.constant 2 : i32
    %add3A_234 = arith.constant 0 : i32
    %add3A_235 = arith.addi %mul3A_2, %add3A_234 : i32
    %dma_start3A_236 = arith.constant 0 : i32
    %dma_start3A_237 = tpu.memref_slice %arg15[%dma_start3A_236] : memref<512xf32, #tpu.memory_space<vmem>> -> memref<32xf32, #tpu.memory_space<vmem>>
    %dma_start3A_238 = tpu.memref_slice %arg7[%add3A_235] : memref<16384xf32, #tpu.memory_space<hbm>> -> memref<32xf32, #tpu.memory_space<hbm>>
    %dma_start3A_239 = tpu.memref_slice %arg7[%add3A_235] : memref<16384xf32, #tpu.memory_space<hbm>> -> memref<32xf32, #tpu.memory_space<hbm>>
    %dma_start3A_240 = arith.constant 0 : i32
    %dma_start3A_241 = tpu.memref_slice %arg15[%dma_start3A_240] : memref<512xf32, #tpu.memory_space<vmem>> -> memref<32xf32, #tpu.memory_space<vmem>>
    tpu.enqueue_dma source(%dma_start3A_241 : memref<32xf32, #tpu.memory_space<vmem>>) target(%dma_start3A_239 : memref<32xf32, #tpu.memory_space<hbm>>) target_semaphore(%arg18 : memref<!tpu.dma_semaphore, #tpu.memory_space<semaphore_mem>>)
    %dma_start3A_242 = arith.constant 0 : i32
    %dma_start3A_243 = arith.constant 0 : i32
    %dma_start3A_244 = arith.constant 0 : i32
    %dma_start3A_245 = tpu.memref_slice %arg11[%dma_start3A_242, %dma_start3A_243, %dma_start3A_244] : memref<2x128x128xf32, #tpu.memory_space<vmem>> -> memref<1x128x128xf32, #tpu.memory_space<vmem>>
    %dma_start3A_246 = tpu.memref_squeeze %dma_start3A_245 : memref<1x128x128xf32, #tpu.memory_space<vmem>> -> memref<128x128xf32, #tpu.memory_space<vmem>>
    %dma_start3A_247 = arith.constant 128 : i32
    %dma_start3A_248 = tpu.memref_slice %arg8[%dma_start3A_247] : memref<512xi32, #tpu.memory_space<vmem>> -> memref<128xi32, #tpu.memory_space<vmem>>
    %dma_start3A_249 = arith.constant 0 : i32
    %dma_start3A_250 = arith.constant 0 : i32
    %dma_start3A_251 = tpu.memref_slice %arg5[%dma_start3A_249, %dma_start3A_250] : memref<1000000x128xf32, #tpu.memory_space<hbm>> -> memref<1000000x128xf32, #tpu.memory_space<hbm>>
    tpu.enqueue_indirect_dma source(%dma_start3A_251 : memref<1000000x128xf32, #tpu.memory_space<hbm>>) target(%dma_start3A_246 : memref<128x128xf32, #tpu.memory_space<vmem>>) offsets(%dma_start3A_248 : memref<128xi32, #tpu.memory_space<vmem>>) semaphore(%arg16 : memref<!tpu.dma_semaphore, #tpu.memory_space<semaphore_mem>>)
    %dma_start3A_252 = arith.constant 0 : i32
    %dma_start3A_253 = arith.constant 0 : i32
    %dma_start3A_254 = arith.constant 0 : i32
    %dma_start3A_255 = tpu.memref_slice %arg12[%dma_start3A_252, %dma_start3A_253, %dma_start3A_254] : memref<2x128x128xf32, #tpu.memory_space<vmem>> -> memref<1x128x128xf32, #tpu.memory_space<vmem>>
    %dma_start3A_256 = tpu.memref_squeeze %dma_start3A_255 : memref<1x128x128xf32, #tpu.memory_space<vmem>> -> memref<128x128xf32, #tpu.memory_space<vmem>>
    %dma_start3A_257 = arith.constant 128 : i32
    %dma_start3A_258 = tpu.memref_slice %arg9[%dma_start3A_257] : memref<512xi32, #tpu.memory_space<vmem>> -> memref<128xi32, #tpu.memory_space<vmem>>
    %dma_start3A_259 = arith.constant 0 : i32
    %dma_start3A_260 = arith.constant 0 : i32
    %dma_start3A_261 = tpu.memref_slice %arg6[%dma_start3A_259, %dma_start3A_260] : memref<1000x128xf32, #tpu.memory_space<hbm>> -> memref<1000x128xf32, #tpu.memory_space<hbm>>
    tpu.enqueue_indirect_dma source(%dma_start3A_261 : memref<1000x128xf32, #tpu.memory_space<hbm>>) target(%dma_start3A_256 : memref<128x128xf32, #tpu.memory_space<vmem>>) offsets(%dma_start3A_258 : memref<128xi32, #tpu.memory_space<vmem>>) semaphore(%arg16 : memref<!tpu.dma_semaphore, #tpu.memory_space<semaphore_mem>>)
    %dma_start3A_262 = arith.constant 0 : i32
    %dma_start3A_263 = arith.constant 0 : i32
    %dma_start3A_264 = arith.constant 0 : i32
    %dma_start3A_265 = tpu.memref_slice %arg13[%dma_start3A_262, %dma_start3A_263, %dma_start3A_264] : memref<2x128x128xf32, #tpu.memory_space<vmem>> -> memref<1x128x128xf32, #tpu.memory_space<vmem>>
    %dma_start3A_266 = tpu.memref_squeeze %dma_start3A_265 : memref<1x128x128xf32, #tpu.memory_space<vmem>> -> memref<128x128xf32, #tpu.memory_space<vmem>>
    %dma_start3A_267 = arith.constant 128 : i32
    %dma_start3A_268 = tpu.memref_slice %arg10[%dma_start3A_267] : memref<512xi32, #tpu.memory_space<vmem>> -> memref<128xi32, #tpu.memory_space<vmem>>
    %dma_start3A_269 = arith.constant 0 : i32
    %dma_start3A_270 = arith.constant 0 : i32
    %dma_start3A_271 = tpu.memref_slice %arg5[%dma_start3A_269, %dma_start3A_270] : memref<1000000x128xf32, #tpu.memory_space<hbm>> -> memref<1000000x128xf32, #tpu.memory_space<hbm>>
    tpu.enqueue_indirect_dma source(%dma_start3A_271 : memref<1000000x128xf32, #tpu.memory_space<hbm>>) target(%dma_start3A_266 : memref<128x128xf32, #tpu.memory_space<vmem>>) offsets(%dma_start3A_268 : memref<128xi32, #tpu.memory_space<vmem>>) semaphore(%arg16 : memref<!tpu.dma_semaphore, #tpu.memory_space<semaphore_mem>>)
    %dma_wait3A_272 = arith.constant 1 : i32
    %dma_wait3A_273 = arith.constant 0 : i32
    %dma_wait3A_274 = arith.constant 0 : i32
    %dma_wait3A_275 = tpu.memref_slice %arg11[%dma_wait3A_272, %dma_wait3A_273, %dma_wait3A_274] : memref<2x128x128xf32, #tpu.memory_space<vmem>> -> memref<1x96x128xf32, #tpu.memory_space<vmem>>
    %dma_wait3A_276 = tpu.memref_squeeze %dma_wait3A_275 : memref<1x96x128xf32, #tpu.memory_space<vmem>> -> memref<96x128xf32, #tpu.memory_space<vmem>>
    %dma_wait3A_277 = arith.constant 32 : i32
    %dma_wait3A_278 = tpu.memref_slice %arg8[%dma_wait3A_277] : memref<512xi32, #tpu.memory_space<vmem>> -> memref<96xi32, #tpu.memory_space<vmem>>
    %dma_wait3A_279 = arith.constant 0 : i32
    %dma_wait3A_280 = arith.constant 0 : i32
    %dma_wait3A_281 = tpu.memref_slice %arg5[%dma_wait3A_279, %dma_wait3A_280] : memref<1000000x128xf32, #tpu.memory_space<hbm>> -> memref<1000000x128xf32, #tpu.memory_space<hbm>>
    tpu.wait_indirect_dma semaphore(%arg17 : memref<!tpu.dma_semaphore, #tpu.memory_space<semaphore_mem>>) src(%dma_wait3A_281 : memref<1000000x128xf32, #tpu.memory_space<hbm>>) dst(%dma_wait3A_276 : memref<96x128xf32, #tpu.memory_space<vmem>>)
    %dma_wait3A_282 = arith.constant 1 : i32
    %dma_wait3A_283 = arith.constant 0 : i32
    %dma_wait3A_284 = arith.constant 0 : i32
    %dma_wait3A_285 = tpu.memref_slice %arg12[%dma_wait3A_282, %dma_wait3A_283, %dma_wait3A_284] : memref<2x128x128xf32, #tpu.memory_space<vmem>> -> memref<1x96x128xf32, #tpu.memory_space<vmem>>
    %dma_wait3A_286 = tpu.memref_squeeze %dma_wait3A_285 : memref<1x96x128xf32, #tpu.memory_space<vmem>> -> memref<96x128xf32, #tpu.memory_space<vmem>>
    %dma_wait3A_287 = arith.constant 32 : i32
    %dma_wait3A_288 = tpu.memref_slice %arg9[%dma_wait3A_287] : memref<512xi32, #tpu.memory_space<vmem>> -> memref<96xi32, #tpu.memory_space<vmem>>
    %dma_wait3A_289 = arith.constant 0 : i32
    %dma_wait3A_290 = arith.constant 0 : i32
    %dma_wait3A_291 = tpu.memref_slice %arg6[%dma_wait3A_289, %dma_wait3A_290] : memref<1000x128xf32, #tpu.memory_space<hbm>> -> memref<1000x128xf32, #tpu.memory_space<hbm>>
    tpu.wait_indirect_dma semaphore(%arg17 : memref<!tpu.dma_semaphore, #tpu.memory_space<semaphore_mem>>) src(%dma_wait3A_291 : memref<1000x128xf32, #tpu.memory_space<hbm>>) dst(%dma_wait3A_286 : memref<96x128xf32, #tpu.memory_space<vmem>>)
    %dma_wait3A_292 = arith.constant 1 : i32
    %dma_wait3A_293 = arith.constant 0 : i32
    %dma_wait3A_294 = arith.constant 0 : i32
    %dma_wait3A_295 = tpu.memref_slice %arg13[%dma_wait3A_292, %dma_wait3A_293, %dma_wait3A_294] : memref<2x128x128xf32, #tpu.memory_space<vmem>> -> memref<1x96x128xf32, #tpu.memory_space<vmem>>
    %dma_wait3A_296 = tpu.memref_squeeze %dma_wait3A_295 : memref<1x96x128xf32, #tpu.memory_space<vmem>> -> memref<96x128xf32, #tpu.memory_space<vmem>>
    %dma_wait3A_297 = arith.constant 32 : i32
    %dma_wait3A_298 = tpu.memref_slice %arg10[%dma_wait3A_297] : memref<512xi32, #tpu.memory_space<vmem>> -> memref<96xi32, #tpu.memory_space<vmem>>
    %dma_wait3A_299 = arith.constant 0 : i32
    %dma_wait3A_300 = arith.constant 0 : i32
    %dma_wait3A_301 = tpu.memref_slice %arg5[%dma_wait3A_299, %dma_wait3A_300] : memref<1000000x128xf32, #tpu.memory_space<hbm>> -> memref<1000000x128xf32, #tpu.memory_space<hbm>>
    tpu.wait_indirect_dma semaphore(%arg17 : memref<!tpu.dma_semaphore, #tpu.memory_space<semaphore_mem>>) src(%dma_wait3A_301 : memref<1000000x128xf32, #tpu.memory_space<hbm>>) dst(%dma_wait3A_296 : memref<96x128xf32, #tpu.memory_space<vmem>>)
    %parallel_loop3A_302 = arith.constant 0 : i32
    %parallel_loop3A_303 = arith.constant 48 : i32
    %parallel_loop3A_304 = arith.constant 1 : i32
    scf.for %parallel_loop3A_554 = %parallel_loop3A_302 to %parallel_loop3A_303 step %parallel_loop3A_304  : i32 {
      %parallel_loop3A_555 = arith.constant 2 : i32
      %parallel_loop3A_556 = arith.muli %parallel_loop3A_555, %parallel_loop3A_554 : i32
      %parallel_loop3A_557 = arith.constant 0.000000e+00 : f32
      %parallel_loop3A_558 = vector.broadcast %parallel_loop3A_557 : f32 to vector<16xf32>
      %parallel_loop3A_559 = arith.constant 1 : i32
      %parallel_loop3A_560 = arith.index_cast %parallel_loop3A_559 : i32 to index
      %parallel_loop3A_561 = arith.index_cast %parallel_loop3A_556 : i32 to index
      %parallel_loop3A_562 = arith.constant 0 : index
      %parallel_loop3A_563 = tpu.vector_load %arg11[%parallel_loop3A_560, %parallel_loop3A_561, %parallel_loop3A_562] {strides = array<i32>} : memref<2x128x128xf32, #tpu.memory_space<vmem>>, vector<1x1x16xf32>,
      %parallel_loop3A_564 = vector.shape_cast %parallel_loop3A_563 : vector<1x1x16xf32> to vector<16xf32>
      %parallel_loop3A_565 = arith.constant 1 : i32
      %parallel_loop3A_566 = arith.index_cast %parallel_loop3A_565 : i32 to index
      %parallel_loop3A_567 = arith.index_cast %parallel_loop3A_556 : i32 to index
      %parallel_loop3A_568 = arith.constant 64 : index
      %parallel_loop3A_569 = tpu.vector_load %arg11[%parallel_loop3A_566, %parallel_loop3A_567, %parallel_loop3A_568] {strides = array<i32>} : memref<2x128x128xf32, #tpu.memory_space<vmem>>, vector<1x1x16xf32>,
      %parallel_loop3A_570 = vector.shape_cast %parallel_loop3A_569 : vector<1x1x16xf32> to vector<16xf32>
      %parallel_loop3A_571 = arith.constant 1 : i32
      %parallel_loop3A_572 = arith.index_cast %parallel_loop3A_571 : i32 to index
      %parallel_loop3A_573 = arith.index_cast %parallel_loop3A_556 : i32 to index
      %parallel_loop3A_574 = arith.constant 0 : index
      %parallel_loop3A_575 = tpu.vector_load %arg12[%parallel_loop3A_572, %parallel_loop3A_573, %parallel_loop3A_574] {strides = array<i32>} : memref<2x128x128xf32, #tpu.memory_space<vmem>>, vector<1x1x16xf32>,
      %parallel_loop3A_576 = vector.shape_cast %parallel_loop3A_575 : vector<1x1x16xf32> to vector<16xf32>
      %parallel_loop3A_577 = arith.constant 1 : i32
      %parallel_loop3A_578 = arith.index_cast %parallel_loop3A_577 : i32 to index
      %parallel_loop3A_579 = arith.index_cast %parallel_loop3A_556 : i32 to index
      %parallel_loop3A_580 = arith.constant 64 : index
      %parallel_loop3A_581 = tpu.vector_load %arg12[%parallel_loop3A_578, %parallel_loop3A_579, %parallel_loop3A_580] {strides = array<i32>} : memref<2x128x128xf32, #tpu.memory_space<vmem>>, vector<1x1x16xf32>,
      %parallel_loop3A_582 = vector.shape_cast %parallel_loop3A_581 : vector<1x1x16xf32> to vector<16xf32>
      %parallel_loop3A_583 = arith.constant 1 : i32
      %parallel_loop3A_584 = arith.index_cast %parallel_loop3A_583 : i32 to index
      %parallel_loop3A_585 = arith.index_cast %parallel_loop3A_556 : i32 to index
      %parallel_loop3A_586 = arith.constant 0 : index
      %parallel_loop3A_587 = tpu.vector_load %arg13[%parallel_loop3A_584, %parallel_loop3A_585, %parallel_loop3A_586] {strides = array<i32>} : memref<2x128x128xf32, #tpu.memory_space<vmem>>, vector<1x1x16xf32>,
      %parallel_loop3A_588 = vector.shape_cast %parallel_loop3A_587 : vector<1x1x16xf32> to vector<16xf32>
      %parallel_loop3A_589 = arith.constant 1 : i32
      %parallel_loop3A_590 = arith.index_cast %parallel_loop3A_589 : i32 to index
      %parallel_loop3A_591 = arith.index_cast %parallel_loop3A_556 : i32 to index
      %parallel_loop3A_592 = arith.constant 64 : index
      %parallel_loop3A_593 = tpu.vector_load %arg13[%parallel_loop3A_590, %parallel_loop3A_591, %parallel_loop3A_592] {strides = array<i32>} : memref<2x128x128xf32, #tpu.memory_space<vmem>>, vector<1x1x16xf32>,
      %parallel_loop3A_594 = vector.shape_cast %parallel_loop3A_593 : vector<1x1x16xf32> to vector<16xf32>
      %parallel_loop3A_595 = arith.mulf %parallel_loop3A_564, %parallel_loop3A_576 : vector<16xf32>
      %parallel_loop3A_596 = arith.mulf %parallel_loop3A_570, %parallel_loop3A_582 : vector<16xf32>
      %parallel_loop3A_597 = arith.subf %parallel_loop3A_595, %parallel_loop3A_596 : vector<16xf32>
      %parallel_loop3A_598 = arith.mulf %parallel_loop3A_564, %parallel_loop3A_582 : vector<16xf32>
      %parallel_loop3A_599 = arith.mulf %parallel_loop3A_570, %parallel_loop3A_576 : vector<16xf32>
      %parallel_loop3A_600 = arith.addf %parallel_loop3A_598, %parallel_loop3A_599 : vector<16xf32>
      %parallel_loop3A_601 = arith.mulf %parallel_loop3A_597, %parallel_loop3A_588 : vector<16xf32>
      %parallel_loop3A_602 = arith.addf %parallel_loop3A_558, %parallel_loop3A_601 : vector<16xf32>
      %parallel_loop3A_603 = arith.mulf %parallel_loop3A_600, %parallel_loop3A_594 : vector<16xf32>
      %parallel_loop3A_604 = arith.addf %parallel_loop3A_602, %parallel_loop3A_603 : vector<16xf32>
      %parallel_loop3A_605 = arith.constant 1 : i32
      %parallel_loop3A_606 = arith.index_cast %parallel_loop3A_605 : i32 to index
      %parallel_loop3A_607 = arith.index_cast %parallel_loop3A_556 : i32 to index
      %parallel_loop3A_608 = arith.constant 16 : index
      %parallel_loop3A_609 = tpu.vector_load %arg11[%parallel_loop3A_606, %parallel_loop3A_607, %parallel_loop3A_608] {strides = array<i32>} : memref<2x128x128xf32, #tpu.memory_space<vmem>>, vector<1x1x16xf32>,
      %parallel_loop3A_610 = vector.shape_cast %parallel_loop3A_609 : vector<1x1x16xf32> to vector<16xf32>
      %parallel_loop3A_611 = arith.constant 1 : i32
      %parallel_loop3A_612 = arith.index_cast %parallel_loop3A_611 : i32 to index
      %parallel_loop3A_613 = arith.index_cast %parallel_loop3A_556 : i32 to index
      %parallel_loop3A_614 = arith.constant 80 : index
      %parallel_loop3A_615 = tpu.vector_load %arg11[%parallel_loop3A_612, %parallel_loop3A_613, %parallel_loop3A_614] {strides = array<i32>} : memref<2x128x128xf32, #tpu.memory_space<vmem>>, vector<1x1x16xf32>,
      %parallel_loop3A_616 = vector.shape_cast %parallel_loop3A_615 : vector<1x1x16xf32> to vector<16xf32>
      %parallel_loop3A_617 = arith.constant 1 : i32
      %parallel_loop3A_618 = arith.index_cast %parallel_loop3A_617 : i32 to index
      %parallel_loop3A_619 = arith.index_cast %parallel_loop3A_556 : i32 to index
      %parallel_loop3A_620 = arith.constant 16 : index
      %parallel_loop3A_621 = tpu.vector_load %arg12[%parallel_loop3A_618, %parallel_loop3A_619, %parallel_loop3A_620] {strides = array<i32>} : memref<2x128x128xf32, #tpu.memory_space<vmem>>, vector<1x1x16xf32>,
      %parallel_loop3A_622 = vector.shape_cast %parallel_loop3A_621 : vector<1x1x16xf32> to vector<16xf32>
      %parallel_loop3A_623 = arith.constant 1 : i32
      %parallel_loop3A_624 = arith.index_cast %parallel_loop3A_623 : i32 to index
      %parallel_loop3A_625 = arith.index_cast %parallel_loop3A_556 : i32 to index
      %parallel_loop3A_626 = arith.constant 80 : index
      %parallel_loop3A_627 = tpu.vector_load %arg12[%parallel_loop3A_624, %parallel_loop3A_625, %parallel_loop3A_626] {strides = array<i32>} : memref<2x128x128xf32, #tpu.memory_space<vmem>>, vector<1x1x16xf32>,
      %parallel_loop3A_628 = vector.shape_cast %parallel_loop3A_627 : vector<1x1x16xf32> to vector<16xf32>
      %parallel_loop3A_629 = arith.constant 1 : i32
      %parallel_loop3A_630 = arith.index_cast %parallel_loop3A_629 : i32 to index
      %parallel_loop3A_631 = arith.index_cast %parallel_loop3A_556 : i32 to index
      %parallel_loop3A_632 = arith.constant 16 : index
      %parallel_loop3A_633 = tpu.vector_load %arg13[%parallel_loop3A_630, %parallel_loop3A_631, %parallel_loop3A_632] {strides = array<i32>} : memref<2x128x128xf32, #tpu.memory_space<vmem>>, vector<1x1x16xf32>,
      %parallel_loop3A_634 = vector.shape_cast %parallel_loop3A_633 : vector<1x1x16xf32> to vector<16xf32>
      %parallel_loop3A_635 = arith.constant 1 : i32
      %parallel_loop3A_636 = arith.index_cast %parallel_loop3A_635 : i32 to index
      %parallel_loop3A_637 = arith.index_cast %parallel_loop3A_556 : i32 to index
      %parallel_loop3A_638 = arith.constant 80 : index
      %parallel_loop3A_639 = tpu.vector_load %arg13[%parallel_loop3A_636, %parallel_loop3A_637, %parallel_loop3A_638] {strides = array<i32>} : memref<2x128x128xf32, #tpu.memory_space<vmem>>, vector<1x1x16xf32>,
      %parallel_loop3A_640 = vector.shape_cast %parallel_loop3A_639 : vector<1x1x16xf32> to vector<16xf32>
      %parallel_loop3A_641 = arith.mulf %parallel_loop3A_610, %parallel_loop3A_622 : vector<16xf32>
      %parallel_loop3A_642 = arith.mulf %parallel_loop3A_616, %parallel_loop3A_628 : vector<16xf32>
      %parallel_loop3A_643 = arith.subf %parallel_loop3A_641, %parallel_loop3A_642 : vector<16xf32>
      %parallel_loop3A_644 = arith.mulf %parallel_loop3A_610, %parallel_loop3A_628 : vector<16xf32>
      %parallel_loop3A_645 = arith.mulf %parallel_loop3A_616, %parallel_loop3A_622 : vector<16xf32>
      %parallel_loop3A_646 = arith.addf %parallel_loop3A_644, %parallel_loop3A_645 : vector<16xf32>
      %parallel_loop3A_647 = arith.mulf %parallel_loop3A_643, %parallel_loop3A_634 : vector<16xf32>
      %parallel_loop3A_648 = arith.addf %parallel_loop3A_604, %parallel_loop3A_647 : vector<16xf32>
      %parallel_loop3A_649 = arith.mulf %parallel_loop3A_646, %parallel_loop3A_640 : vector<16xf32>
      %parallel_loop3A_650 = arith.addf %parallel_loop3A_648, %parallel_loop3A_649 : vector<16xf32>
      %parallel_loop3A_651 = arith.constant 1 : i32
      %parallel_loop3A_652 = arith.index_cast %parallel_loop3A_651 : i32 to index
      %parallel_loop3A_653 = arith.index_cast %parallel_loop3A_556 : i32 to index
      %parallel_loop3A_654 = arith.constant 32 : index
      %parallel_loop3A_655 = tpu.vector_load %arg11[%parallel_loop3A_652, %parallel_loop3A_653, %parallel_loop3A_654] {strides = array<i32>} : memref<2x128x128xf32, #tpu.memory_space<vmem>>, vector<1x1x16xf32>,
      %parallel_loop3A_656 = vector.shape_cast %parallel_loop3A_655 : vector<1x1x16xf32> to vector<16xf32>
      %parallel_loop3A_657 = arith.constant 1 : i32
      %parallel_loop3A_658 = arith.index_cast %parallel_loop3A_657 : i32 to index
      %parallel_loop3A_659 = arith.index_cast %parallel_loop3A_556 : i32 to index
      %parallel_loop3A_660 = arith.constant 96 : index
      %parallel_loop3A_661 = tpu.vector_load %arg11[%parallel_loop3A_658, %parallel_loop3A_659, %parallel_loop3A_660] {strides = array<i32>} : memref<2x128x128xf32, #tpu.memory_space<vmem>>, vector<1x1x16xf32>,
      %parallel_loop3A_662 = vector.shape_cast %parallel_loop3A_661 : vector<1x1x16xf32> to vector<16xf32>
      %parallel_loop3A_663 = arith.constant 1 : i32
      %parallel_loop3A_664 = arith.index_cast %parallel_loop3A_663 : i32 to index
      %parallel_loop3A_665 = arith.index_cast %parallel_loop3A_556 : i32 to index
      %parallel_loop3A_666 = arith.constant 32 : index
      %parallel_loop3A_667 = tpu.vector_load %arg12[%parallel_loop3A_664, %parallel_loop3A_665, %parallel_loop3A_666] {strides = array<i32>} : memref<2x128x128xf32, #tpu.memory_space<vmem>>, vector<1x1x16xf32>,
      %parallel_loop3A_668 = vector.shape_cast %parallel_loop3A_667 : vector<1x1x16xf32> to vector<16xf32>
      %parallel_loop3A_669 = arith.constant 1 : i32
      %parallel_loop3A_670 = arith.index_cast %parallel_loop3A_669 : i32 to index
      %parallel_loop3A_671 = arith.index_cast %parallel_loop3A_556 : i32 to index
      %parallel_loop3A_672 = arith.constant 96 : index
      %parallel_loop3A_673 = tpu.vector_load %arg12[%parallel_loop3A_670, %parallel_loop3A_671, %parallel_loop3A_672] {strides = array<i32>} : memref<2x128x128xf32, #tpu.memory_space<vmem>>, vector<1x1x16xf32>,
      %parallel_loop3A_674 = vector.shape_cast %parallel_loop3A_673 : vector<1x1x16xf32> to vector<16xf32>
      %parallel_loop3A_675 = arith.constant 1 : i32
      %parallel_loop3A_676 = arith.index_cast %parallel_loop3A_675 : i32 to index
      %parallel_loop3A_677 = arith.index_cast %parallel_loop3A_556 : i32 to index
      %parallel_loop3A_678 = arith.constant 32 : index
      %parallel_loop3A_679 = tpu.vector_load %arg13[%parallel_loop3A_676, %parallel_loop3A_677, %parallel_loop3A_678] {strides = array<i32>} : memref<2x128x128xf32, #tpu.memory_space<vmem>>, vector<1x1x16xf32>,
      %parallel_loop3A_680 = vector.shape_cast %parallel_loop3A_679 : vector<1x1x16xf32> to vector<16xf32>
      %parallel_loop3A_681 = arith.constant 1 : i32
      %parallel_loop3A_682 = arith.index_cast %parallel_loop3A_681 : i32 to index
      %parallel_loop3A_683 = arith.index_cast %parallel_loop3A_556 : i32 to index
      %parallel_loop3A_684 = arith.constant 96 : index
      %parallel_loop3A_685 = tpu.vector_load %arg13[%parallel_loop3A_682, %parallel_loop3A_683, %parallel_loop3A_684] {strides = array<i32>} : memref<2x128x128xf32, #tpu.memory_space<vmem>>, vector<1x1x16xf32>,
      %parallel_loop3A_686 = vector.shape_cast %parallel_loop3A_685 : vector<1x1x16xf32> to vector<16xf32>
      %parallel_loop3A_687 = arith.mulf %parallel_loop3A_656, %parallel_loop3A_668 : vector<16xf32>
      %parallel_loop3A_688 = arith.mulf %parallel_loop3A_662, %parallel_loop3A_674 : vector<16xf32>
      %parallel_loop3A_689 = arith.subf %parallel_loop3A_687, %parallel_loop3A_688 : vector<16xf32>
      %parallel_loop3A_690 = arith.mulf %parallel_loop3A_656, %parallel_loop3A_674 : vector<16xf32>
      %parallel_loop3A_691 = arith.mulf %parallel_loop3A_662, %parallel_loop3A_668 : vector<16xf32>
      %parallel_loop3A_692 = arith.addf %parallel_loop3A_690, %parallel_loop3A_691 : vector<16xf32>
      %parallel_loop3A_693 = arith.mulf %parallel_loop3A_689, %parallel_loop3A_680 : vector<16xf32>
      %parallel_loop3A_694 = arith.addf %parallel_loop3A_650, %parallel_loop3A_693 : vector<16xf32>
      %parallel_loop3A_695 = arith.mulf %parallel_loop3A_692, %parallel_loop3A_686 : vector<16xf32>
      %parallel_loop3A_696 = arith.addf %parallel_loop3A_694, %parallel_loop3A_695 : vector<16xf32>
      %parallel_loop3A_697 = arith.constant 1 : i32
      %parallel_loop3A_698 = arith.index_cast %parallel_loop3A_697 : i32 to index
      %parallel_loop3A_699 = arith.index_cast %parallel_loop3A_556 : i32 to index
      %parallel_loop3A_700 = arith.constant 48 : index
      %parallel_loop3A_701 = tpu.vector_load %arg11[%parallel_loop3A_698, %parallel_loop3A_699, %parallel_loop3A_700] {strides = array<i32>} : memref<2x128x128xf32, #tpu.memory_space<vmem>>, vector<1x1x16xf32>,
      %parallel_loop3A_702 = vector.shape_cast %parallel_loop3A_701 : vector<1x1x16xf32> to vector<16xf32>
      %parallel_loop3A_703 = arith.constant 1 : i32
      %parallel_loop3A_704 = arith.index_cast %parallel_loop3A_703 : i32 to index
      %parallel_loop3A_705 = arith.index_cast %parallel_loop3A_556 : i32 to index
      %parallel_loop3A_706 = arith.constant 112 : index
      %parallel_loop3A_707 = tpu.vector_load %arg11[%parallel_loop3A_704, %parallel_loop3A_705, %parallel_loop3A_706] {strides = array<i32>} : memref<2x128x128xf32, #tpu.memory_space<vmem>>, vector<1x1x16xf32>,
      %parallel_loop3A_708 = vector.shape_cast %parallel_loop3A_707 : vector<1x1x16xf32> to vector<16xf32>
      %parallel_loop3A_709 = arith.constant 1 : i32
      %parallel_loop3A_710 = arith.index_cast %parallel_loop3A_709 : i32 to index
      %parallel_loop3A_711 = arith.index_cast %parallel_loop3A_556 : i32 to index
      %parallel_loop3A_712 = arith.constant 48 : index
      %parallel_loop3A_713 = tpu.vector_load %arg12[%parallel_loop3A_710, %parallel_loop3A_711, %parallel_loop3A_712] {strides = array<i32>} : memref<2x128x128xf32, #tpu.memory_space<vmem>>, vector<1x1x16xf32>,
      %parallel_loop3A_714 = vector.shape_cast %parallel_loop3A_713 : vector<1x1x16xf32> to vector<16xf32>
      %parallel_loop3A_715 = arith.constant 1 : i32
      %parallel_loop3A_716 = arith.index_cast %parallel_loop3A_715 : i32 to index
      %parallel_loop3A_717 = arith.index_cast %parallel_loop3A_556 : i32 to index
      %parallel_loop3A_718 = arith.constant 112 : index
      %parallel_loop3A_719 = tpu.vector_load %arg12[%parallel_loop3A_716, %parallel_loop3A_717, %parallel_loop3A_718] {strides = array<i32>} : memref<2x128x128xf32, #tpu.memory_space<vmem>>, vector<1x1x16xf32>,
      %parallel_loop3A_720 = vector.shape_cast %parallel_loop3A_719 : vector<1x1x16xf32> to vector<16xf32>
      %parallel_loop3A_721 = arith.constant 1 : i32
      %parallel_loop3A_722 = arith.index_cast %parallel_loop3A_721 : i32 to index
      %parallel_loop3A_723 = arith.index_cast %parallel_loop3A_556 : i32 to index
      %parallel_loop3A_724 = arith.constant 48 : index
      %parallel_loop3A_725 = tpu.vector_load %arg13[%parallel_loop3A_722, %parallel_loop3A_723, %parallel_loop3A_724] {strides = array<i32>} : memref<2x128x128xf32, #tpu.memory_space<vmem>>, vector<1x1x16xf32>,
      %parallel_loop3A_726 = vector.shape_cast %parallel_loop3A_725 : vector<1x1x16xf32> to vector<16xf32>
      %parallel_loop3A_727 = arith.constant 1 : i32
      %parallel_loop3A_728 = arith.index_cast %parallel_loop3A_727 : i32 to index
      %parallel_loop3A_729 = arith.index_cast %parallel_loop3A_556 : i32 to index
      %parallel_loop3A_730 = arith.constant 112 : index
      %parallel_loop3A_731 = tpu.vector_load %arg13[%parallel_loop3A_728, %parallel_loop3A_729, %parallel_loop3A_730] {strides = array<i32>} : memref<2x128x128xf32, #tpu.memory_space<vmem>>, vector<1x1x16xf32>,
      %parallel_loop3A_732 = vector.shape_cast %parallel_loop3A_731 : vector<1x1x16xf32> to vector<16xf32>
      %parallel_loop3A_733 = arith.mulf %parallel_loop3A_702, %parallel_loop3A_714 : vector<16xf32>
      %parallel_loop3A_734 = arith.mulf %parallel_loop3A_708, %parallel_loop3A_720 : vector<16xf32>
      %parallel_loop3A_735 = arith.subf %parallel_loop3A_733, %parallel_loop3A_734 : vector<16xf32>
      %parallel_loop3A_736 = arith.mulf %parallel_loop3A_702, %parallel_loop3A_720 : vector<16xf32>
      %parallel_loop3A_737 = arith.mulf %parallel_loop3A_708, %parallel_loop3A_714 : vector<16xf32>
      %parallel_loop3A_738 = arith.addf %parallel_loop3A_736, %parallel_loop3A_737 : vector<16xf32>
      %parallel_loop3A_739 = arith.mulf %parallel_loop3A_735, %parallel_loop3A_726 : vector<16xf32>
      %parallel_loop3A_740 = arith.addf %parallel_loop3A_696, %parallel_loop3A_739 : vector<16xf32>
      %parallel_loop3A_741 = arith.mulf %parallel_loop3A_738, %parallel_loop3A_732 : vector<16xf32>
      %parallel_loop3A_742 = arith.addf %parallel_loop3A_740, %parallel_loop3A_741 : vector<16xf32>
      %parallel_loop3A_743 = arith.constant 2 : i32
      %parallel_loop3A_744 = arith.muli %parallel_loop3A_743, %parallel_loop3A_554 : i32
      %parallel_loop3A_745 = arith.constant 1 : i32
      %parallel_loop3A_746 = arith.addi %parallel_loop3A_744, %parallel_loop3A_745 : i32
      %parallel_loop3A_747 = arith.constant 0.000000e+00 : f32
      %parallel_loop3A_748 = vector.broadcast %parallel_loop3A_747 : f32 to vector<16xf32>
      %parallel_loop3A_749 = arith.constant 1 : i32
      %parallel_loop3A_750 = arith.index_cast %parallel_loop3A_749 : i32 to index
      %parallel_loop3A_751 = arith.index_cast %parallel_loop3A_746 : i32 to index
      %parallel_loop3A_752 = arith.constant 0 : index
      %parallel_loop3A_753 = tpu.vector_load %arg11[%parallel_loop3A_750, %parallel_loop3A_751, %parallel_loop3A_752] {strides = array<i32>} : memref<2x128x128xf32, #tpu.memory_space<vmem>>, vector<1x1x16xf32>,
      %parallel_loop3A_754 = vector.shape_cast %parallel_loop3A_753 : vector<1x1x16xf32> to vector<16xf32>
      %parallel_loop3A_755 = arith.constant 1 : i32
      %parallel_loop3A_756 = arith.index_cast %parallel_loop3A_755 : i32 to index
      %parallel_loop3A_757 = arith.index_cast %parallel_loop3A_746 : i32 to index
      %parallel_loop3A_758 = arith.constant 64 : index
      %parallel_loop3A_759 = tpu.vector_load %arg11[%parallel_loop3A_756, %parallel_loop3A_757, %parallel_loop3A_758] {strides = array<i32>} : memref<2x128x128xf32, #tpu.memory_space<vmem>>, vector<1x1x16xf32>,
      %parallel_loop3A_760 = vector.shape_cast %parallel_loop3A_759 : vector<1x1x16xf32> to vector<16xf32>
      %parallel_loop3A_761 = arith.constant 1 : i32
      %parallel_loop3A_762 = arith.index_cast %parallel_loop3A_761 : i32 to index
      %parallel_loop3A_763 = arith.index_cast %parallel_loop3A_746 : i32 to index
      %parallel_loop3A_764 = arith.constant 0 : index
      %parallel_loop3A_765 = tpu.vector_load %arg12[%parallel_loop3A_762, %parallel_loop3A_763, %parallel_loop3A_764] {strides = array<i32>} : memref<2x128x128xf32, #tpu.memory_space<vmem>>, vector<1x1x16xf32>,
      %parallel_loop3A_766 = vector.shape_cast %parallel_loop3A_765 : vector<1x1x16xf32> to vector<16xf32>
      %parallel_loop3A_767 = arith.constant 1 : i32
      %parallel_loop3A_768 = arith.index_cast %parallel_loop3A_767 : i32 to index
      %parallel_loop3A_769 = arith.index_cast %parallel_loop3A_746 : i32 to index
      %parallel_loop3A_770 = arith.constant 64 : index
      %parallel_loop3A_771 = tpu.vector_load %arg12[%parallel_loop3A_768, %parallel_loop3A_769, %parallel_loop3A_770] {strides = array<i32>} : memref<2x128x128xf32, #tpu.memory_space<vmem>>, vector<1x1x16xf32>,
      %parallel_loop3A_772 = vector.shape_cast %parallel_loop3A_771 : vector<1x1x16xf32> to vector<16xf32>
      %parallel_loop3A_773 = arith.constant 1 : i32
      %parallel_loop3A_774 = arith.index_cast %parallel_loop3A_773 : i32 to index
      %parallel_loop3A_775 = arith.index_cast %parallel_loop3A_746 : i32 to index
      %parallel_loop3A_776 = arith.constant 0 : index
      %parallel_loop3A_777 = tpu.vector_load %arg13[%parallel_loop3A_774, %parallel_loop3A_775, %parallel_loop3A_776] {strides = array<i32>} : memref<2x128x128xf32, #tpu.memory_space<vmem>>, vector<1x1x16xf32>,
      %parallel_loop3A_778 = vector.shape_cast %parallel_loop3A_777 : vector<1x1x16xf32> to vector<16xf32>
      %parallel_loop3A_779 = arith.constant 1 : i32
      %parallel_loop3A_780 = arith.index_cast %parallel_loop3A_779 : i32 to index
      %parallel_loop3A_781 = arith.index_cast %parallel_loop3A_746 : i32 to index
      %parallel_loop3A_782 = arith.constant 64 : index
      %parallel_loop3A_783 = tpu.vector_load %arg13[%parallel_loop3A_780, %parallel_loop3A_781, %parallel_loop3A_782] {strides = array<i32>} : memref<2x128x128xf32, #tpu.memory_space<vmem>>, vector<1x1x16xf32>,
      %parallel_loop3A_784 = vector.shape_cast %parallel_loop3A_783 : vector<1x1x16xf32> to vector<16xf32>
      %parallel_loop3A_785 = arith.mulf %parallel_loop3A_754, %parallel_loop3A_766 : vector<16xf32>
      %parallel_loop3A_786 = arith.mulf %parallel_loop3A_760, %parallel_loop3A_772 : vector<16xf32>
      %parallel_loop3A_787 = arith.subf %parallel_loop3A_785, %parallel_loop3A_786 : vector<16xf32>
      %parallel_loop3A_788 = arith.mulf %parallel_loop3A_754, %parallel_loop3A_772 : vector<16xf32>
      %parallel_loop3A_789 = arith.mulf %parallel_loop3A_760, %parallel_loop3A_766 : vector<16xf32>
      %parallel_loop3A_790 = arith.addf %parallel_loop3A_788, %parallel_loop3A_789 : vector<16xf32>
      %parallel_loop3A_791 = arith.mulf %parallel_loop3A_787, %parallel_loop3A_778 : vector<16xf32>
      %parallel_loop3A_792 = arith.addf %parallel_loop3A_748, %parallel_loop3A_791 : vector<16xf32>
      %parallel_loop3A_793 = arith.mulf %parallel_loop3A_790, %parallel_loop3A_784 : vector<16xf32>
      %parallel_loop3A_794 = arith.addf %parallel_loop3A_792, %parallel_loop3A_793 : vector<16xf32>
      %parallel_loop3A_795 = arith.constant 1 : i32
      %parallel_loop3A_796 = arith.index_cast %parallel_loop3A_795 : i32 to index
      %parallel_loop3A_797 = arith.index_cast %parallel_loop3A_746 : i32 to index
      %parallel_loop3A_798 = arith.constant 16 : index
      %parallel_loop3A_799 = tpu.vector_load %arg11[%parallel_loop3A_796, %parallel_loop3A_797, %parallel_loop3A_798] {strides = array<i32>} : memref<2x128x128xf32, #tpu.memory_space<vmem>>, vector<1x1x16xf32>,
      %parallel_loop3A_800 = vector.shape_cast %parallel_loop3A_799 : vector<1x1x16xf32> to vector<16xf32>
      %parallel_loop3A_801 = arith.constant 1 : i32
      %parallel_loop3A_802 = arith.index_cast %parallel_loop3A_801 : i32 to index
      %parallel_loop3A_803 = arith.index_cast %parallel_loop3A_746 : i32 to index
      %parallel_loop3A_804 = arith.constant 80 : index
      %parallel_loop3A_805 = tpu.vector_load %arg11[%parallel_loop3A_802, %parallel_loop3A_803, %parallel_loop3A_804] {strides = array<i32>} : memref<2x128x128xf32, #tpu.memory_space<vmem>>, vector<1x1x16xf32>,
      %parallel_loop3A_806 = vector.shape_cast %parallel_loop3A_805 : vector<1x1x16xf32> to vector<16xf32>
      %parallel_loop3A_807 = arith.constant 1 : i32
      %parallel_loop3A_808 = arith.index_cast %parallel_loop3A_807 : i32 to index
      %parallel_loop3A_809 = arith.index_cast %parallel_loop3A_746 : i32 to index
      %parallel_loop3A_810 = arith.constant 16 : index
      %parallel_loop3A_811 = tpu.vector_load %arg12[%parallel_loop3A_808, %parallel_loop3A_809, %parallel_loop3A_810] {strides = array<i32>} : memref<2x128x128xf32, #tpu.memory_space<vmem>>, vector<1x1x16xf32>,
      %parallel_loop3A_812 = vector.shape_cast %parallel_loop3A_811 : vector<1x1x16xf32> to vector<16xf32>
      %parallel_loop3A_813 = arith.constant 1 : i32
      %parallel_loop3A_814 = arith.index_cast %parallel_loop3A_813 : i32 to index
      %parallel_loop3A_815 = arith.index_cast %parallel_loop3A_746 : i32 to index
      %parallel_loop3A_816 = arith.constant 80 : index
      %parallel_loop3A_817 = tpu.vector_load %arg12[%parallel_loop3A_814, %parallel_loop3A_815, %parallel_loop3A_816] {strides = array<i32>} : memref<2x128x128xf32, #tpu.memory_space<vmem>>, vector<1x1x16xf32>,
      %parallel_loop3A_818 = vector.shape_cast %parallel_loop3A_817 : vector<1x1x16xf32> to vector<16xf32>
      %parallel_loop3A_819 = arith.constant 1 : i32
      %parallel_loop3A_820 = arith.index_cast %parallel_loop3A_819 : i32 to index
      %parallel_loop3A_821 = arith.index_cast %parallel_loop3A_746 : i32 to index
      %parallel_loop3A_822 = arith.constant 16 : index
      %parallel_loop3A_823 = tpu.vector_load %arg13[%parallel_loop3A_820, %parallel_loop3A_821, %parallel_loop3A_822] {strides = array<i32>} : memref<2x128x128xf32, #tpu.memory_space<vmem>>, vector<1x1x16xf32>,
      %parallel_loop3A_824 = vector.shape_cast %parallel_loop3A_823 : vector<1x1x16xf32> to vector<16xf32>
      %parallel_loop3A_825 = arith.constant 1 : i32
      %parallel_loop3A_826 = arith.index_cast %parallel_loop3A_825 : i32 to index
      %parallel_loop3A_827 = arith.index_cast %parallel_loop3A_746 : i32 to index
      %parallel_loop3A_828 = arith.constant 80 : index
      %parallel_loop3A_829 = tpu.vector_load %arg13[%parallel_loop3A_826, %parallel_loop3A_827, %parallel_loop3A_828] {strides = array<i32>} : memref<2x128x128xf32, #tpu.memory_space<vmem>>, vector<1x1x16xf32>,
      %parallel_loop3A_830 = vector.shape_cast %parallel_loop3A_829 : vector<1x1x16xf32> to vector<16xf32>
      %parallel_loop3A_831 = arith.mulf %parallel_loop3A_800, %parallel_loop3A_812 : vector<16xf32>
      %parallel_loop3A_832 = arith.mulf %parallel_loop3A_806, %parallel_loop3A_818 : vector<16xf32>
      %parallel_loop3A_833 = arith.subf %parallel_loop3A_831, %parallel_loop3A_832 : vector<16xf32>
      %parallel_loop3A_834 = arith.mulf %parallel_loop3A_800, %parallel_loop3A_818 : vector<16xf32>
      %parallel_loop3A_835 = arith.mulf %parallel_loop3A_806, %parallel_loop3A_812 : vector<16xf32>
      %parallel_loop3A_836 = arith.addf %parallel_loop3A_834, %parallel_loop3A_835 : vector<16xf32>
      %parallel_loop3A_837 = arith.mulf %parallel_loop3A_833, %parallel_loop3A_824 : vector<16xf32>
      %parallel_loop3A_838 = arith.addf %parallel_loop3A_794, %parallel_loop3A_837 : vector<16xf32>
      %parallel_loop3A_839 = arith.mulf %parallel_loop3A_836, %parallel_loop3A_830 : vector<16xf32>
      %parallel_loop3A_840 = arith.addf %parallel_loop3A_838, %parallel_loop3A_839 : vector<16xf32>
      %parallel_loop3A_841 = arith.constant 1 : i32
      %parallel_loop3A_842 = arith.index_cast %parallel_loop3A_841 : i32 to index
      %parallel_loop3A_843 = arith.index_cast %parallel_loop3A_746 : i32 to index
      %parallel_loop3A_844 = arith.constant 32 : index
      %parallel_loop3A_845 = tpu.vector_load %arg11[%parallel_loop3A_842, %parallel_loop3A_843, %parallel_loop3A_844] {strides = array<i32>} : memref<2x128x128xf32, #tpu.memory_space<vmem>>, vector<1x1x16xf32>,
      %parallel_loop3A_846 = vector.shape_cast %parallel_loop3A_845 : vector<1x1x16xf32> to vector<16xf32>
      %parallel_loop3A_847 = arith.constant 1 : i32
      %parallel_loop3A_848 = arith.index_cast %parallel_loop3A_847 : i32 to index
      %parallel_loop3A_849 = arith.index_cast %parallel_loop3A_746 : i32 to index
      %parallel_loop3A_850 = arith.constant 96 : index
      %parallel_loop3A_851 = tpu.vector_load %arg11[%parallel_loop3A_848, %parallel_loop3A_849, %parallel_loop3A_850] {strides = array<i32>} : memref<2x128x128xf32, #tpu.memory_space<vmem>>, vector<1x1x16xf32>,
      %parallel_loop3A_852 = vector.shape_cast %parallel_loop3A_851 : vector<1x1x16xf32> to vector<16xf32>
      %parallel_loop3A_853 = arith.constant 1 : i32
      %parallel_loop3A_854 = arith.index_cast %parallel_loop3A_853 : i32 to index
      %parallel_loop3A_855 = arith.index_cast %parallel_loop3A_746 : i32 to index
      %parallel_loop3A_856 = arith.constant 32 : index
      %parallel_loop3A_857 = tpu.vector_load %arg12[%parallel_loop3A_854, %parallel_loop3A_855, %parallel_loop3A_856] {strides = array<i32>} : memref<2x128x128xf32, #tpu.memory_space<vmem>>, vector<1x1x16xf32>,
      %parallel_loop3A_858 = vector.shape_cast %parallel_loop3A_857 : vector<1x1x16xf32> to vector<16xf32>
      %parallel_loop3A_859 = arith.constant 1 : i32
      %parallel_loop3A_860 = arith.index_cast %parallel_loop3A_859 : i32 to index
      %parallel_loop3A_861 = arith.index_cast %parallel_loop3A_746 : i32 to index
      %parallel_loop3A_862 = arith.constant 96 : index
      %parallel_loop3A_863 = tpu.vector_load %arg12[%parallel_loop3A_860, %parallel_loop3A_861, %parallel_loop3A_862] {strides = array<i32>} : memref<2x128x128xf32, #tpu.memory_space<vmem>>, vector<1x1x16xf32>,
      %parallel_loop3A_864 = vector.shape_cast %parallel_loop3A_863 : vector<1x1x16xf32> to vector<16xf32>
      %parallel_loop3A_865 = arith.constant 1 : i32
      %parallel_loop3A_866 = arith.index_cast %parallel_loop3A_865 : i32 to index
      %parallel_loop3A_867 = arith.index_cast %parallel_loop3A_746 : i32 to index
      %parallel_loop3A_868 = arith.constant 32 : index
      %parallel_loop3A_869 = tpu.vector_load %arg13[%parallel_loop3A_866, %parallel_loop3A_867, %parallel_loop3A_868] {strides = array<i32>} : memref<2x128x128xf32, #tpu.memory_space<vmem>>, vector<1x1x16xf32>,
      %parallel_loop3A_870 = vector.shape_cast %parallel_loop3A_869 : vector<1x1x16xf32> to vector<16xf32>
      %parallel_loop3A_871 = arith.constant 1 : i32
      %parallel_loop3A_872 = arith.index_cast %parallel_loop3A_871 : i32 to index
      %parallel_loop3A_873 = arith.index_cast %parallel_loop3A_746 : i32 to index
      %parallel_loop3A_874 = arith.constant 96 : index
      %parallel_loop3A_875 = tpu.vector_load %arg13[%parallel_loop3A_872, %parallel_loop3A_873, %parallel_loop3A_874] {strides = array<i32>} : memref<2x128x128xf32, #tpu.memory_space<vmem>>, vector<1x1x16xf32>,
      %parallel_loop3A_876 = vector.shape_cast %parallel_loop3A_875 : vector<1x1x16xf32> to vector<16xf32>
      %parallel_loop3A_877 = arith.mulf %parallel_loop3A_846, %parallel_loop3A_858 : vector<16xf32>
      %parallel_loop3A_878 = arith.mulf %parallel_loop3A_852, %parallel_loop3A_864 : vector<16xf32>
      %parallel_loop3A_879 = arith.subf %parallel_loop3A_877, %parallel_loop3A_878 : vector<16xf32>
      %parallel_loop3A_880 = arith.mulf %parallel_loop3A_846, %parallel_loop3A_864 : vector<16xf32>
      %parallel_loop3A_881 = arith.mulf %parallel_loop3A_852, %parallel_loop3A_858 : vector<16xf32>
      %parallel_loop3A_882 = arith.addf %parallel_loop3A_880, %parallel_loop3A_881 : vector<16xf32>
      %parallel_loop3A_883 = arith.mulf %parallel_loop3A_879, %parallel_loop3A_870 : vector<16xf32>
      %parallel_loop3A_884 = arith.addf %parallel_loop3A_840, %parallel_loop3A_883 : vector<16xf32>
      %parallel_loop3A_885 = arith.mulf %parallel_loop3A_882, %parallel_loop3A_876 : vector<16xf32>
      %parallel_loop3A_886 = arith.addf %parallel_loop3A_884, %parallel_loop3A_885 : vector<16xf32>
      %parallel_loop3A_887 = arith.constant 1 : i32
      %parallel_loop3A_888 = arith.index_cast %parallel_loop3A_887 : i32 to index
      %parallel_loop3A_889 = arith.index_cast %parallel_loop3A_746 : i32 to index
      %parallel_loop3A_890 = arith.constant 48 : index
      %parallel_loop3A_891 = tpu.vector_load %arg11[%parallel_loop3A_888, %parallel_loop3A_889, %parallel_loop3A_890] {strides = array<i32>} : memref<2x128x128xf32, #tpu.memory_space<vmem>>, vector<1x1x16xf32>,
      %parallel_loop3A_892 = vector.shape_cast %parallel_loop3A_891 : vector<1x1x16xf32> to vector<16xf32>
      %parallel_loop3A_893 = arith.constant 1 : i32
      %parallel_loop3A_894 = arith.index_cast %parallel_loop3A_893 : i32 to index
      %parallel_loop3A_895 = arith.index_cast %parallel_loop3A_746 : i32 to index
      %parallel_loop3A_896 = arith.constant 112 : index
      %parallel_loop3A_897 = tpu.vector_load %arg11[%parallel_loop3A_894, %parallel_loop3A_895, %parallel_loop3A_896] {strides = array<i32>} : memref<2x128x128xf32, #tpu.memory_space<vmem>>, vector<1x1x16xf32>,
      %parallel_loop3A_898 = vector.shape_cast %parallel_loop3A_897 : vector<1x1x16xf32> to vector<16xf32>
      %parallel_loop3A_899 = arith.constant 1 : i32
      %parallel_loop3A_900 = arith.index_cast %parallel_loop3A_899 : i32 to index
      %parallel_loop3A_901 = arith.index_cast %parallel_loop3A_746 : i32 to index
      %parallel_loop3A_902 = arith.constant 48 : index
      %parallel_loop3A_903 = tpu.vector_load %arg12[%parallel_loop3A_900, %parallel_loop3A_901, %parallel_loop3A_902] {strides = array<i32>} : memref<2x128x128xf32, #tpu.memory_space<vmem>>, vector<1x1x16xf32>,
      %parallel_loop3A_904 = vector.shape_cast %parallel_loop3A_903 : vector<1x1x16xf32> to vector<16xf32>
      %parallel_loop3A_905 = arith.constant 1 : i32
      %parallel_loop3A_906 = arith.index_cast %parallel_loop3A_905 : i32 to index
      %parallel_loop3A_907 = arith.index_cast %parallel_loop3A_746 : i32 to index
      %parallel_loop3A_908 = arith.constant 112 : index
      %parallel_loop3A_909 = tpu.vector_load %arg12[%parallel_loop3A_906, %parallel_loop3A_907, %parallel_loop3A_908] {strides = array<i32>} : memref<2x128x128xf32, #tpu.memory_space<vmem>>, vector<1x1x16xf32>,
      %parallel_loop3A_910 = vector.shape_cast %parallel_loop3A_909 : vector<1x1x16xf32> to vector<16xf32>
      %parallel_loop3A_911 = arith.constant 1 : i32
      %parallel_loop3A_912 = arith.index_cast %parallel_loop3A_911 : i32 to index
      %parallel_loop3A_913 = arith.index_cast %parallel_loop3A_746 : i32 to index
      %parallel_loop3A_914 = arith.constant 48 : index
      %parallel_loop3A_915 = tpu.vector_load %arg13[%parallel_loop3A_912, %parallel_loop3A_913, %parallel_loop3A_914] {strides = array<i32>} : memref<2x128x128xf32, #tpu.memory_space<vmem>>, vector<1x1x16xf32>,
      %parallel_loop3A_916 = vector.shape_cast %parallel_loop3A_915 : vector<1x1x16xf32> to vector<16xf32>
      %parallel_loop3A_917 = arith.constant 1 : i32
      %parallel_loop3A_918 = arith.index_cast %parallel_loop3A_917 : i32 to index
      %parallel_loop3A_919 = arith.index_cast %parallel_loop3A_746 : i32 to index
      %parallel_loop3A_920 = arith.constant 112 : index
      %parallel_loop3A_921 = tpu.vector_load %arg13[%parallel_loop3A_918, %parallel_loop3A_919, %parallel_loop3A_920] {strides = array<i32>} : memref<2x128x128xf32, #tpu.memory_space<vmem>>, vector<1x1x16xf32>,
      %parallel_loop3A_922 = vector.shape_cast %parallel_loop3A_921 : vector<1x1x16xf32> to vector<16xf32>
      %parallel_loop3A_923 = arith.mulf %parallel_loop3A_892, %parallel_loop3A_904 : vector<16xf32>
      %parallel_loop3A_924 = arith.mulf %parallel_loop3A_898, %parallel_loop3A_910 : vector<16xf32>
      %parallel_loop3A_925 = arith.subf %parallel_loop3A_923, %parallel_loop3A_924 : vector<16xf32>
      %parallel_loop3A_926 = arith.mulf %parallel_loop3A_892, %parallel_loop3A_910 : vector<16xf32>
      %parallel_loop3A_927 = arith.mulf %parallel_loop3A_898, %parallel_loop3A_904 : vector<16xf32>
      %parallel_loop3A_928 = arith.addf %parallel_loop3A_926, %parallel_loop3A_927 : vector<16xf32>
      %parallel_loop3A_929 = arith.mulf %parallel_loop3A_925, %parallel_loop3A_916 : vector<16xf32>
      %parallel_loop3A_930 = arith.addf %parallel_loop3A_886, %parallel_loop3A_929 : vector<16xf32>
      %parallel_loop3A_931 = arith.mulf %parallel_loop3A_928, %parallel_loop3A_922 : vector<16xf32>
      %parallel_loop3A_932 = arith.addf %parallel_loop3A_930, %parallel_loop3A_931 : vector<16xf32>
      %parallel_loop3A_933 = vector.shape_cast %xor3A_27 : vector<16xi32> to vector<16x1xi32>
      %parallel_loop3A_934 = vector.shape_cast %parallel_loop3A_933 : vector<16x1xi32> to vector<16xi32>
      %parallel_loop3A_935 = tpu.dynamic_gather %parallel_loop3A_742[%parallel_loop3A_934] in [0] : vector<16xf32>, vector<16xi32> -> vector<16xf32>
      %parallel_loop3A_936 = arith.addf %parallel_loop3A_742, %parallel_loop3A_935 : vector<16xf32>
      %parallel_loop3A_937 = vector.shape_cast %xor3A_27 : vector<16xi32> to vector<16x1xi32>
      %parallel_loop3A_938 = vector.shape_cast %parallel_loop3A_937 : vector<16x1xi32> to vector<16xi32>
      %parallel_loop3A_939 = tpu.dynamic_gather %parallel_loop3A_932[%parallel_loop3A_938] in [0] : vector<16xf32>, vector<16xi32> -> vector<16xf32>
      %parallel_loop3A_940 = arith.addf %parallel_loop3A_932, %parallel_loop3A_939 : vector<16xf32>
      %parallel_loop3A_941 = arith.select %eq3A_41, %parallel_loop3A_936, %parallel_loop3A_940 : vector<16xi1>, vector<16xf32>
      %parallel_loop3A_942 = arith.constant 16 : i32
      %parallel_loop3A_943 = arith.muli %parallel_loop3A_554, %parallel_loop3A_942 : i32
      %parallel_loop3A_944 = arith.index_cast %parallel_loop3A_943 : i32 to index
      %parallel_loop3A_945 = tpu.vector_load %arg14[%parallel_loop3A_944] {strides = array<i32>} : memref<1024xf32, #tpu.memory_space<vmem>>, vector<16xf32>,
      %parallel_loop3A_946 = vector.shape_cast %parallel_loop3A_945 : vector<16xf32> to vector<16xf32>
      %parallel_loop3A_947 = vector.shape_cast %parallel_loop3A_941 : vector<16xf32> to vector<16xf32>
      tpu.vector_store %arg14[%parallel_loop3A_944], %parallel_loop3A_947 {strides = array<i32>} : memref<1024xf32, #tpu.memory_space<vmem>>, vector<16xf32>,
    } {sc.loop_unroll_factor = 2 : i64, sc.parallel_access}
    %scan3A_305 = arith.constant 0 : i32
    %scan3A_306 = arith.constant 0 : i32
    %scan3A_307 = arith.constant 6 : i32
    %scan3A_308 = arith.addi %scan3A_306, %scan3A_307 : i32
    %scan3A_309 = arith.constant 1 : i32
    %scan3A_310 = scf.for %scan3A_554 = %scan3A_306 to %scan3A_308 step %scan3A_309 iter_args(%scan3A_555 = %scan3A_305) -> (i32)  : i32 {
      %mul3A_556 = arith.constant 8 : i32
      %mul3A_557 = arith.muli %scan3A_554, %mul3A_556 : i32
      %add3A_558 = arith.constant 0 : i32
      %add3A_559 = arith.addi %mul3A_557, %add3A_558 : i32
      %mul3A_560 = arith.constant 16 : i32
      %mul3A_561 = arith.muli %add3A_559, %mul3A_560 : i32
      %get3A = arith.index_cast %mul3A_561 : i32 to index
      %get3A_562 = tpu.vector_load %arg14[%get3A] {strides = array<i32>} : memref<1024xf32, #tpu.memory_space<vmem>>, vector<16xf32>,
      %get3A_563 = vector.shape_cast %get3A_562 : vector<16xf32> to vector<16xf32>
      %mul3A_564 = arith.constant 8 : i32
      %mul3A_565 = arith.muli %scan3A_554, %mul3A_564 : i32
      %add3A_566 = arith.constant 1 : i32
      %add3A_567 = arith.addi %mul3A_565, %add3A_566 : i32
      %mul3A_568 = arith.constant 16 : i32
      %mul3A_569 = arith.muli %add3A_567, %mul3A_568 : i32
      %get3A_570 = arith.index_cast %mul3A_569 : i32 to index
      %get3A_571 = tpu.vector_load %arg14[%get3A_570] {strides = array<i32>} : memref<1024xf32, #tpu.memory_space<vmem>>, vector<16xf32>,
      %get3A_572 = vector.shape_cast %get3A_571 : vector<16xf32> to vector<16xf32>
      %broadcast_in_dim3A = vector.shape_cast %xor3A_30 : vector<16xi32> to vector<16x1xi32>
      %gather3A = vector.shape_cast %broadcast_in_dim3A : vector<16x1xi32> to vector<16xi32>
      %gather3A_573 = tpu.dynamic_gather %get3A_563[%gather3A] in [0] : vector<16xf32>, vector<16xi32> -> vector<16xf32>
      %add3A_574 = arith.addf %get3A_563, %gather3A_573 : vector<16xf32>
      %broadcast_in_dim3A_575 = vector.shape_cast %xor3A_30 : vector<16xi32> to vector<16x1xi32>
      %gather3A_576 = vector.shape_cast %broadcast_in_dim3A_575 : vector<16x1xi32> to vector<16xi32>
      %gather3A_577 = tpu.dynamic_gather %get3A_572[%gather3A_576] in [0] : vector<16xf32>, vector<16xi32> -> vector<16xf32>
      %add3A_578 = arith.addf %get3A_572, %gather3A_577 : vector<16xf32>
      %select_n3A = arith.select %eq3A_47, %add3A_574, %add3A_578 : vector<16xi1>, vector<16xf32>
      %mul3A_579 = arith.constant 8 : i32
      %mul3A_580 = arith.muli %scan3A_554, %mul3A_579 : i32
      %add3A_581 = arith.constant 2 : i32
      %add3A_582 = arith.addi %mul3A_580, %add3A_581 : i32
      %mul3A_583 = arith.constant 16 : i32
      %mul3A_584 = arith.muli %add3A_582, %mul3A_583 : i32
      %get3A_585 = arith.index_cast %mul3A_584 : i32 to index
      %get3A_586 = tpu.vector_load %arg14[%get3A_585] {strides = array<i32>} : memref<1024xf32, #tpu.memory_space<vmem>>, vector<16xf32>,
      %get3A_587 = vector.shape_cast %get3A_586 : vector<16xf32> to vector<16xf32>
      %mul3A_588 = arith.constant 8 : i32
      %mul3A_589 = arith.muli %scan3A_554, %mul3A_588 : i32
      %add3A_590 = arith.constant 3 : i32
      %add3A_591 = arith.addi %mul3A_589, %add3A_590 : i32
      %mul3A_592 = arith.constant 16 : i32
      %mul3A_593 = arith.muli %add3A_591, %mul3A_592 : i32
      %get3A_594 = arith.index_cast %mul3A_593 : i32 to index
      %get3A_595 = tpu.vector_load %arg14[%get3A_594] {strides = array<i32>} : memref<1024xf32, #tpu.memory_space<vmem>>, vector<16xf32>,
      %get3A_596 = vector.shape_cast %get3A_595 : vector<16xf32> to vector<16xf32>
      %broadcast_in_dim3A_597 = vector.shape_cast %xor3A_30 : vector<16xi32> to vector<16x1xi32>
      %gather3A_598 = vector.shape_cast %broadcast_in_dim3A_597 : vector<16x1xi32> to vector<16xi32>
      %gather3A_599 = tpu.dynamic_gather %get3A_587[%gather3A_598] in [0] : vector<16xf32>, vector<16xi32> -> vector<16xf32>
      %add3A_600 = arith.addf %get3A_587, %gather3A_599 : vector<16xf32>
      %broadcast_in_dim3A_601 = vector.shape_cast %xor3A_30 : vector<16xi32> to vector<16x1xi32>
      %gather3A_602 = vector.shape_cast %broadcast_in_dim3A_601 : vector<16x1xi32> to vector<16xi32>
      %gather3A_603 = tpu.dynamic_gather %get3A_596[%gather3A_602] in [0] : vector<16xf32>, vector<16xi32> -> vector<16xf32>
      %add3A_604 = arith.addf %get3A_596, %gather3A_603 : vector<16xf32>
      %select_n3A_605 = arith.select %eq3A_47, %add3A_600, %add3A_604 : vector<16xi1>, vector<16xf32>
      %broadcast_in_dim3A_606 = vector.shape_cast %xor3A_33 : vector<16xi32> to vector<16x1xi32>
      %gather3A_607 = vector.shape_cast %broadcast_in_dim3A_606 : vector<16x1xi32> to vector<16xi32>
      %gather3A_608 = tpu.dynamic_gather %select_n3A[%gather3A_607] in [0] : vector<16xf32>, vector<16xi32> -> vector<16xf32>
      %add3A_609 = arith.addf %select_n3A, %gather3A_608 : vector<16xf32>
      %broadcast_in_dim3A_610 = vector.shape_cast %xor3A_33 : vector<16xi32> to vector<16x1xi32>
      %gather3A_611 = vector.shape_cast %broadcast_in_dim3A_610 : vector<16x1xi32> to vector<16xi32>
      %gather3A_612 = tpu.dynamic_gather %select_n3A_605[%gather3A_611] in [0] : vector<16xf32>, vector<16xi32> -> vector<16xf32>
      %add3A_613 = arith.addf %select_n3A_605, %gather3A_612 : vector<16xf32>
      %select_n3A_614 = arith.select %eq3A_53, %add3A_609, %add3A_613 : vector<16xi1>, vector<16xf32>
      %mul3A_615 = arith.constant 8 : i32
      %mul3A_616 = arith.muli %scan3A_554, %mul3A_615 : i32
      %add3A_617 = arith.constant 4 : i32
      %add3A_618 = arith.addi %mul3A_616, %add3A_617 : i32
      %mul3A_619 = arith.constant 16 : i32
      %mul3A_620 = arith.muli %add3A_618, %mul3A_619 : i32
      %get3A_621 = arith.index_cast %mul3A_620 : i32 to index
      %get3A_622 = tpu.vector_load %arg14[%get3A_621] {strides = array<i32>} : memref<1024xf32, #tpu.memory_space<vmem>>, vector<16xf32>,
      %get3A_623 = vector.shape_cast %get3A_622 : vector<16xf32> to vector<16xf32>
      %mul3A_624 = arith.constant 8 : i32
      %mul3A_625 = arith.muli %scan3A_554, %mul3A_624 : i32
      %add3A_626 = arith.constant 5 : i32
      %add3A_627 = arith.addi %mul3A_625, %add3A_626 : i32
      %mul3A_628 = arith.constant 16 : i32
      %mul3A_629 = arith.muli %add3A_627, %mul3A_628 : i32
      %get3A_630 = arith.index_cast %mul3A_629 : i32 to index
      %get3A_631 = tpu.vector_load %arg14[%get3A_630] {strides = array<i32>} : memref<1024xf32, #tpu.memory_space<vmem>>, vector<16xf32>,
      %get3A_632 = vector.shape_cast %get3A_631 : vector<16xf32> to vector<16xf32>
      %broadcast_in_dim3A_633 = vector.shape_cast %xor3A_30 : vector<16xi32> to vector<16x1xi32>
      %gather3A_634 = vector.shape_cast %broadcast_in_dim3A_633 : vector<16x1xi32> to vector<16xi32>
      %gather3A_635 = tpu.dynamic_gather %get3A_623[%gather3A_634] in [0] : vector<16xf32>, vector<16xi32> -> vector<16xf32>
      %add3A_636 = arith.addf %get3A_623, %gather3A_635 : vector<16xf32>
      %broadcast_in_dim3A_637 = vector.shape_cast %xor3A_30 : vector<16xi32> to vector<16x1xi32>
      %gather3A_638 = vector.shape_cast %broadcast_in_dim3A_637 : vector<16x1xi32> to vector<16xi32>
      %gather3A_639 = tpu.dynamic_gather %get3A_632[%gather3A_638] in [0] : vector<16xf32>, vector<16xi32> -> vector<16xf32>
      %add3A_640 = arith.addf %get3A_632, %gather3A_639 : vector<16xf32>
      %select_n3A_641 = arith.select %eq3A_47, %add3A_636, %add3A_640 : vector<16xi1>, vector<16xf32>
      %mul3A_642 = arith.constant 8 : i32
      %mul3A_643 = arith.muli %scan3A_554, %mul3A_642 : i32
      %add3A_644 = arith.constant 6 : i32
      %add3A_645 = arith.addi %mul3A_643, %add3A_644 : i32
      %mul3A_646 = arith.constant 16 : i32
      %mul3A_647 = arith.muli %add3A_645, %mul3A_646 : i32
      %get3A_648 = arith.index_cast %mul3A_647 : i32 to index
      %get3A_649 = tpu.vector_load %arg14[%get3A_648] {strides = array<i32>} : memref<1024xf32, #tpu.memory_space<vmem>>, vector<16xf32>,
      %get3A_650 = vector.shape_cast %get3A_649 : vector<16xf32> to vector<16xf32>
      %mul3A_651 = arith.constant 8 : i32
      %mul3A_652 = arith.muli %scan3A_554, %mul3A_651 : i32
      %add3A_653 = arith.constant 7 : i32
      %add3A_654 = arith.addi %mul3A_652, %add3A_653 : i32
      %mul3A_655 = arith.constant 16 : i32
      %mul3A_656 = arith.muli %add3A_654, %mul3A_655 : i32
      %get3A_657 = arith.index_cast %mul3A_656 : i32 to index
      %get3A_658 = tpu.vector_load %arg14[%get3A_657] {strides = array<i32>} : memref<1024xf32, #tpu.memory_space<vmem>>, vector<16xf32>,
      %get3A_659 = vector.shape_cast %get3A_658 : vector<16xf32> to vector<16xf32>
      %broadcast_in_dim3A_660 = vector.shape_cast %xor3A_30 : vector<16xi32> to vector<16x1xi32>
      %gather3A_661 = vector.shape_cast %broadcast_in_dim3A_660 : vector<16x1xi32> to vector<16xi32>
      %gather3A_662 = tpu.dynamic_gather %get3A_650[%gather3A_661] in [0] : vector<16xf32>, vector<16xi32> -> vector<16xf32>
      %add3A_663 = arith.addf %get3A_650, %gather3A_662 : vector<16xf32>
      %broadcast_in_dim3A_664 = vector.shape_cast %xor3A_30 : vector<16xi32> to vector<16x1xi32>
      %gather3A_665 = vector.shape_cast %broadcast_in_dim3A_664 : vector<16x1xi32> to vector<16xi32>
      %gather3A_666 = tpu.dynamic_gather %get3A_659[%gather3A_665] in [0] : vector<16xf32>, vector<16xi32> -> vector<16xf32>
      %add3A_667 = arith.addf %get3A_659, %gather3A_666 : vector<16xf32>
      %select_n3A_668 = arith.select %eq3A_47, %add3A_663, %add3A_667 : vector<16xi1>, vector<16xf32>
      %broadcast_in_dim3A_669 = vector.shape_cast %xor3A_33 : vector<16xi32> to vector<16x1xi32>
      %gather3A_670 = vector.shape_cast %broadcast_in_dim3A_669 : vector<16x1xi32> to vector<16xi32>
      %gather3A_671 = tpu.dynamic_gather %select_n3A_641[%gather3A_670] in [0] : vector<16xf32>, vector<16xi32> -> vector<16xf32>
      %add3A_672 = arith.addf %select_n3A_641, %gather3A_671 : vector<16xf32>
      %broadcast_in_dim3A_673 = vector.shape_cast %xor3A_33 : vector<16xi32> to vector<16x1xi32>
      %gather3A_674 = vector.shape_cast %broadcast_in_dim3A_673 : vector<16x1xi32> to vector<16xi32>
      %gather3A_675 = tpu.dynamic_gather %select_n3A_668[%gather3A_674] in [0] : vector<16xf32>, vector<16xi32> -> vector<16xf32>
      %add3A_676 = arith.addf %select_n3A_668, %gather3A_675 : vector<16xf32>
      %select_n3A_677 = arith.select %eq3A_53, %add3A_672, %add3A_676 : vector<16xi1>, vector<16xf32>
      %broadcast_in_dim3A_678 = vector.shape_cast %xor3A_36 : vector<16xi32> to vector<16x1xi32>
      %gather3A_679 = vector.shape_cast %broadcast_in_dim3A_678 : vector<16x1xi32> to vector<16xi32>
      %gather3A_680 = tpu.dynamic_gather %select_n3A_614[%gather3A_679] in [0] : vector<16xf32>, vector<16xi32> -> vector<16xf32>
      %add3A_681 = arith.addf %select_n3A_614, %gather3A_680 : vector<16xf32>
      %broadcast_in_dim3A_682 = vector.shape_cast %xor3A_36 : vector<16xi32> to vector<16x1xi32>
      %gather3A_683 = vector.shape_cast %broadcast_in_dim3A_682 : vector<16x1xi32> to vector<16xi32>
      %gather3A_684 = tpu.dynamic_gather %select_n3A_677[%gather3A_683] in [0] : vector<16xf32>, vector<16xi32> -> vector<16xf32>
      %add3A_685 = arith.addf %select_n3A_677, %gather3A_684 : vector<16xf32>
      %select_n3A_686 = arith.select %eq3A_59, %add3A_681, %add3A_685 : vector<16xi1>, vector<16xf32>
      %broadcast_in_dim3A_687 = vector.shape_cast %or3A_25 : vector<16xi32> to vector<16x1xi32>
      %gather3A_688 = vector.shape_cast %broadcast_in_dim3A_687 : vector<16x1xi32> to vector<16xi32>
      %gather3A_689 = tpu.dynamic_gather %select_n3A_686[%gather3A_688] in [0] : vector<16xf32>, vector<16xi32> -> vector<16xf32>
      %mul3A_690 = arith.constant 16 : i32
      %mul3A_691 = arith.muli %scan3A_554, %mul3A_690 : i32
      %add3A_692 = arith.constant 32 : i32
      %add3A_693 = arith.addi %add3A_692, %mul3A_691 : i32
      %swap3A = arith.index_cast %add3A_693 : i32 to index
      %swap3A_694 = tpu.vector_load %arg15[%swap3A] {strides = array<i32>} : memref<512xf32, #tpu.memory_space<vmem>>, vector<16xf32>,
      %swap3A_695 = vector.shape_cast %swap3A_694 : vector<16xf32> to vector<16xf32>
      %swap3A_696 = vector.shape_cast %gather3A_689 : vector<16xf32> to vector<16xf32>
      tpu.vector_store %arg15[%swap3A], %swap3A_696 {strides = array<i32>} : memref<512xf32, #tpu.memory_space<vmem>>, vector<16xf32>,
      %scan3A_697 = arith.constant 0 : i32
      scf.yield %scan3A_697 : i32
    }
    %scan3A_311 = arith.constant 6 : i32
    %add3A_312 = arith.constant 32 : i32
    %add3A_313 = arith.addi %mul3A_2, %add3A_312 : i32
    %dma_start3A_314 = arith.constant 32 : i32
    %dma_start3A_315 = tpu.memref_slice %arg15[%dma_start3A_314] : memref<512xf32, #tpu.memory_space<vmem>> -> memref<96xf32, #tpu.memory_space<vmem>>
    %dma_start3A_316 = tpu.memref_slice %arg7[%add3A_313] : memref<16384xf32, #tpu.memory_space<hbm>> -> memref<96xf32, #tpu.memory_space<hbm>>
    %dma_start3A_317 = tpu.memref_slice %arg7[%add3A_313] : memref<16384xf32, #tpu.memory_space<hbm>> -> memref<96xf32, #tpu.memory_space<hbm>>
    %dma_start3A_318 = arith.constant 32 : i32
    %dma_start3A_319 = tpu.memref_slice %arg15[%dma_start3A_318] : memref<512xf32, #tpu.memory_space<vmem>> -> memref<96xf32, #tpu.memory_space<vmem>>
    tpu.enqueue_dma source(%dma_start3A_319 : memref<96xf32, #tpu.memory_space<vmem>>) target(%dma_start3A_317 : memref<96xf32, #tpu.memory_space<hbm>>) target_semaphore(%arg18 : memref<!tpu.dma_semaphore, #tpu.memory_space<semaphore_mem>>)
    %dma_start3A_320 = arith.constant 1 : i32
    %dma_start3A_321 = arith.constant 0 : i32
    %dma_start3A_322 = arith.constant 0 : i32
    %dma_start3A_323 = tpu.memref_slice %arg11[%dma_start3A_320, %dma_start3A_321, %dma_start3A_322] : memref<2x128x128xf32, #tpu.memory_space<vmem>> -> memref<1x128x128xf32, #tpu.memory_space<vmem>>
    %dma_start3A_324 = tpu.memref_squeeze %dma_start3A_323 : memref<1x128x128xf32, #tpu.memory_space<vmem>> -> memref<128x128xf32, #tpu.memory_space<vmem>>
    %dma_start3A_325 = arith.constant 256 : i32
    %dma_start3A_326 = tpu.memref_slice %arg8[%dma_start3A_325] : memref<512xi32, #tpu.memory_space<vmem>> -> memref<128xi32, #tpu.memory_space<vmem>>
    %dma_start3A_327 = arith.constant 0 : i32
    %dma_start3A_328 = arith.constant 0 : i32
    %dma_start3A_329 = tpu.memref_slice %arg5[%dma_start3A_327, %dma_start3A_328] : memref<1000000x128xf32, #tpu.memory_space<hbm>> -> memref<1000000x128xf32, #tpu.memory_space<hbm>>
    tpu.enqueue_indirect_dma source(%dma_start3A_329 : memref<1000000x128xf32, #tpu.memory_space<hbm>>) target(%dma_start3A_324 : memref<128x128xf32, #tpu.memory_space<vmem>>) offsets(%dma_start3A_326 : memref<128xi32, #tpu.memory_space<vmem>>) semaphore(%arg17 : memref<!tpu.dma_semaphore, #tpu.memory_space<semaphore_mem>>)
    %dma_start3A_330 = arith.constant 1 : i32
    %dma_start3A_331 = arith.constant 0 : i32
    %dma_start3A_332 = arith.constant 0 : i32
    %dma_start3A_333 = tpu.memref_slice %arg12[%dma_start3A_330, %dma_start3A_331, %dma_start3A_332] : memref<2x128x128xf32, #tpu.memory_space<vmem>> -> memref<1x128x128xf32, #tpu.memory_space<vmem>>
    %dma_start3A_334 = tpu.memref_squeeze %dma_start3A_333 : memref<1x128x128xf32, #tpu.memory_space<vmem>> -> memref<128x128xf32, #tpu.memory_space<vmem>>
    %dma_start3A_335 = arith.constant 256 : i32
    %dma_start3A_336 = tpu.memref_slice %arg9[%dma_start3A_335] : memref<512xi32, #tpu.memory_space<vmem>> -> memref<128xi32, #tpu.memory_space<vmem>>
    %dma_start3A_337 = arith.constant 0 : i32
    %dma_start3A_338 = arith.constant 0 : i32
    %dma_start3A_339 = tpu.memref_slice %arg6[%dma_start3A_337, %dma_start3A_338] : memref<1000x128xf32, #tpu.memory_space<hbm>> -> memref<1000x128xf32, #tpu.memory_space<hbm>>
    tpu.enqueue_indirect_dma source(%dma_start3A_339 : memref<1000x128xf32, #tpu.memory_space<hbm>>) target(%dma_start3A_334 : memref<128x128xf32, #tpu.memory_space<vmem>>) offsets(%dma_start3A_336 : memref<128xi32, #tpu.memory_space<vmem>>) semaphore(%arg17 : memref<!tpu.dma_semaphore, #tpu.memory_space<semaphore_mem>>)
    %dma_start3A_340 = arith.constant 1 : i32
    %dma_start3A_341 = arith.constant 0 : i32
    %dma_start3A_342 = arith.constant 0 : i32
    %dma_start3A_343 = tpu.memref_slice %arg13[%dma_start3A_340, %dma_start3A_341, %dma_start3A_342] : memref<2x128x128xf32, #tpu.memory_space<vmem>> -> memref<1x128x128xf32, #tpu.memory_space<vmem>>
    %dma_start3A_344 = tpu.memref_squeeze %dma_start3A_343 : memref<1x128x128xf32, #tpu.memory_space<vmem>> -> memref<128x128xf32, #tpu.memory_space<vmem>>
    %dma_start3A_345 = arith.constant 256 : i32
    %dma_start3A_346 = tpu.memref_slice %arg10[%dma_start3A_345] : memref<512xi32, #tpu.memory_space<vmem>> -> memref<128xi32, #tpu.memory_space<vmem>>
    %dma_start3A_347 = arith.constant 0 : i32
    %dma_start3A_348 = arith.constant 0 : i32
    %dma_start3A_349 = tpu.memref_slice %arg5[%dma_start3A_347, %dma_start3A_348] : memref<1000000x128xf32, #tpu.memory_space<hbm>> -> memref<1000000x128xf32, #tpu.memory_space<hbm>>
    tpu.enqueue_indirect_dma source(%dma_start3A_349 : memref<1000000x128xf32, #tpu.memory_space<hbm>>) target(%dma_start3A_344 : memref<128x128xf32, #tpu.memory_space<vmem>>) offsets(%dma_start3A_346 : memref<128xi32, #tpu.memory_space<vmem>>) semaphore(%arg17 : memref<!tpu.dma_semaphore, #tpu.memory_space<semaphore_mem>>)
    %dma_wait3A_350 = arith.constant 0 : i32
    %dma_wait3A_351 = arith.constant 0 : i32
    %dma_wait3A_352 = arith.constant 0 : i32
    %dma_wait3A_353 = tpu.memref_slice %arg11[%dma_wait3A_350, %dma_wait3A_351, %dma_wait3A_352] : memref<2x128x128xf32, #tpu.memory_space<vmem>> -> memref<1x128x128xf32, #tpu.memory_space<vmem>>
    %dma_wait3A_354 = tpu.memref_squeeze %dma_wait3A_353 : memref<1x128x128xf32, #tpu.memory_space<vmem>> -> memref<128x128xf32, #tpu.memory_space<vmem>>
    %dma_wait3A_355 = arith.constant 128 : i32
    %dma_wait3A_356 = tpu.memref_slice %arg8[%dma_wait3A_355] : memref<512xi32, #tpu.memory_space<vmem>> -> memref<128xi32, #tpu.memory_space<vmem>>
    %dma_wait3A_357 = arith.constant 0 : i32
    %dma_wait3A_358 = arith.constant 0 : i32
    %dma_wait3A_359 = tpu.memref_slice %arg5[%dma_wait3A_357, %dma_wait3A_358] : memref<1000000x128xf32, #tpu.memory_space<hbm>> -> memref<1000000x128xf32, #tpu.memory_space<hbm>>
    tpu.wait_indirect_dma semaphore(%arg16 : memref<!tpu.dma_semaphore, #tpu.memory_space<semaphore_mem>>) src(%dma_wait3A_359 : memref<1000000x128xf32, #tpu.memory_space<hbm>>) dst(%dma_wait3A_354 : memref<128x128xf32, #tpu.memory_space<vmem>>)
    %dma_wait3A_360 = arith.constant 0 : i32
    %dma_wait3A_361 = arith.constant 0 : i32
    %dma_wait3A_362 = arith.constant 0 : i32
    %dma_wait3A_363 = tpu.memref_slice %arg12[%dma_wait3A_360, %dma_wait3A_361, %dma_wait3A_362] : memref<2x128x128xf32, #tpu.memory_space<vmem>> -> memref<1x128x128xf32, #tpu.memory_space<vmem>>
    %dma_wait3A_364 = tpu.memref_squeeze %dma_wait3A_363 : memref<1x128x128xf32, #tpu.memory_space<vmem>> -> memref<128x128xf32, #tpu.memory_space<vmem>>
    %dma_wait3A_365 = arith.constant 128 : i32
    %dma_wait3A_366 = tpu.memref_slice %arg9[%dma_wait3A_365] : memref<512xi32, #tpu.memory_space<vmem>> -> memref<128xi32, #tpu.memory_space<vmem>>
    %dma_wait3A_367 = arith.constant 0 : i32
    %dma_wait3A_368 = arith.constant 0 : i32
    %dma_wait3A_369 = tpu.memref_slice %arg6[%dma_wait3A_367, %dma_wait3A_368] : memref<1000x128xf32, #tpu.memory_space<hbm>> -> memref<1000x128xf32, #tpu.memory_space<hbm>>
    tpu.wait_indirect_dma semaphore(%arg16 : memref<!tpu.dma_semaphore, #tpu.memory_space<semaphore_mem>>) src(%dma_wait3A_369 : memref<1000x128xf32, #tpu.memory_space<hbm>>) dst(%dma_wait3A_364 : memref<128x128xf32, #tpu.memory_space<vmem>>)
    %dma_wait3A_370 = arith.constant 0 : i32
    %dma_wait3A_371 = arith.constant 0 : i32
    %dma_wait3A_372 = arith.constant 0 : i32
    %dma_wait3A_373 = tpu.memref_slice %arg13[%dma_wait3A_370, %dma_wait3A_371, %dma_wait3A_372] : memref<2x128x128xf32, #tpu.memory_space<vmem>> -> memref<1x128x128xf32, #tpu.memory_space<vmem>>
    %dma_wait3A_374 = tpu.memref_squeeze %dma_wait3A_373 : memref<1x128x128xf32, #tpu.memory_space<vmem>> -> memref<128x128xf32, #tpu.memory_space<vmem>>
    %dma_wait3A_375 = arith.constant 128 : i32
    %dma_wait3A_376 = tpu.memref_slice %arg10[%dma_wait3A_375] : memref<512xi32, #tpu.memory_space<vmem>> -> memref<128xi32, #tpu.memory_space<vmem>>
    %dma_wait3A_377 = arith.constant 0 : i32
    %dma_wait3A_378 = arith.constant 0 : i32
    %dma_wait3A_379 = tpu.memref_slice %arg5[%dma_wait3A_377, %dma_wait3A_378] : memref<1000000x128xf32, #tpu.memory_space<hbm>> -> memref<1000000x128xf32, #tpu.memory_space<hbm>>
    tpu.wait_indirect_dma semaphore(%arg16 : memref<!tpu.dma_semaphore, #tpu.memory_space<semaphore_mem>>) src(%dma_wait3A_379 : memref<1000000x128xf32, #tpu.memory_space<hbm>>) dst(%dma_wait3A_374 : memref<128x128xf32, #tpu.memory_space<vmem>>)
    %parallel_loop3A_380 = arith.constant 0 : i32
    %parallel_loop3A_381 = arith.constant 64 : i32
    %parallel_loop3A_382 = arith.constant 1 : i32
    scf.for %parallel_loop3A_554 = %parallel_loop3A_380 to %parallel_loop3A_381 step %parallel_loop3A_382  : i32 {
      %parallel_loop3A_555 = arith.constant 2 : i32
      %parallel_loop3A_556 = arith.muli %parallel_loop3A_555, %parallel_loop3A_554 : i32
      %parallel_loop3A_557 = arith.constant 0.000000e+00 : f32
      %parallel_loop3A_558 = vector.broadcast %parallel_loop3A_557 : f32 to vector<16xf32>
      %parallel_loop3A_559 = arith.constant 0 : i32
      %parallel_loop3A_560 = arith.index_cast %parallel_loop3A_559 : i32 to index
      %parallel_loop3A_561 = arith.index_cast %parallel_loop3A_556 : i32 to index
      %parallel_loop3A_562 = arith.constant 0 : index
      %parallel_loop3A_563 = tpu.vector_load %arg11[%parallel_loop3A_560, %parallel_loop3A_561, %parallel_loop3A_562] {strides = array<i32>} : memref<2x128x128xf32, #tpu.memory_space<vmem>>, vector<1x1x16xf32>,
      %parallel_loop3A_564 = vector.shape_cast %parallel_loop3A_563 : vector<1x1x16xf32> to vector<16xf32>
      %parallel_loop3A_565 = arith.constant 0 : i32
      %parallel_loop3A_566 = arith.index_cast %parallel_loop3A_565 : i32 to index
      %parallel_loop3A_567 = arith.index_cast %parallel_loop3A_556 : i32 to index
      %parallel_loop3A_568 = arith.constant 64 : index
      %parallel_loop3A_569 = tpu.vector_load %arg11[%parallel_loop3A_566, %parallel_loop3A_567, %parallel_loop3A_568] {strides = array<i32>} : memref<2x128x128xf32, #tpu.memory_space<vmem>>, vector<1x1x16xf32>,
      %parallel_loop3A_570 = vector.shape_cast %parallel_loop3A_569 : vector<1x1x16xf32> to vector<16xf32>
      %parallel_loop3A_571 = arith.constant 0 : i32
      %parallel_loop3A_572 = arith.index_cast %parallel_loop3A_571 : i32 to index
      %parallel_loop3A_573 = arith.index_cast %parallel_loop3A_556 : i32 to index
      %parallel_loop3A_574 = arith.constant 0 : index
      %parallel_loop3A_575 = tpu.vector_load %arg12[%parallel_loop3A_572, %parallel_loop3A_573, %parallel_loop3A_574] {strides = array<i32>} : memref<2x128x128xf32, #tpu.memory_space<vmem>>, vector<1x1x16xf32>,
      %parallel_loop3A_576 = vector.shape_cast %parallel_loop3A_575 : vector<1x1x16xf32> to vector<16xf32>
      %parallel_loop3A_577 = arith.constant 0 : i32
      %parallel_loop3A_578 = arith.index_cast %parallel_loop3A_577 : i32 to index
      %parallel_loop3A_579 = arith.index_cast %parallel_loop3A_556 : i32 to index
      %parallel_loop3A_580 = arith.constant 64 : index
      %parallel_loop3A_581 = tpu.vector_load %arg12[%parallel_loop3A_578, %parallel_loop3A_579, %parallel_loop3A_580] {strides = array<i32>} : memref<2x128x128xf32, #tpu.memory_space<vmem>>, vector<1x1x16xf32>,
      %parallel_loop3A_582 = vector.shape_cast %parallel_loop3A_581 : vector<1x1x16xf32> to vector<16xf32>
      %parallel_loop3A_583 = arith.constant 0 : i32
      %parallel_loop3A_584 = arith.index_cast %parallel_loop3A_583 : i32 to index
      %parallel_loop3A_585 = arith.index_cast %parallel_loop3A_556 : i32 to index
      %parallel_loop3A_586 = arith.constant 0 : index
      %parallel_loop3A_587 = tpu.vector_load %arg13[%parallel_loop3A_584, %parallel_loop3A_585, %parallel_loop3A_586] {strides = array<i32>} : memref<2x128x128xf32, #tpu.memory_space<vmem>>, vector<1x1x16xf32>,
      %parallel_loop3A_588 = vector.shape_cast %parallel_loop3A_587 : vector<1x1x16xf32> to vector<16xf32>
      %parallel_loop3A_589 = arith.constant 0 : i32
      %parallel_loop3A_590 = arith.index_cast %parallel_loop3A_589 : i32 to index
      %parallel_loop3A_591 = arith.index_cast %parallel_loop3A_556 : i32 to index
      %parallel_loop3A_592 = arith.constant 64 : index
      %parallel_loop3A_593 = tpu.vector_load %arg13[%parallel_loop3A_590, %parallel_loop3A_591, %parallel_loop3A_592] {strides = array<i32>} : memref<2x128x128xf32, #tpu.memory_space<vmem>>, vector<1x1x16xf32>,
      %parallel_loop3A_594 = vector.shape_cast %parallel_loop3A_593 : vector<1x1x16xf32> to vector<16xf32>
      %parallel_loop3A_595 = arith.mulf %parallel_loop3A_564, %parallel_loop3A_576 : vector<16xf32>
      %parallel_loop3A_596 = arith.mulf %parallel_loop3A_570, %parallel_loop3A_582 : vector<16xf32>
      %parallel_loop3A_597 = arith.subf %parallel_loop3A_595, %parallel_loop3A_596 : vector<16xf32>
      %parallel_loop3A_598 = arith.mulf %parallel_loop3A_564, %parallel_loop3A_582 : vector<16xf32>
      %parallel_loop3A_599 = arith.mulf %parallel_loop3A_570, %parallel_loop3A_576 : vector<16xf32>
      %parallel_loop3A_600 = arith.addf %parallel_loop3A_598, %parallel_loop3A_599 : vector<16xf32>
      %parallel_loop3A_601 = arith.mulf %parallel_loop3A_597, %parallel_loop3A_588 : vector<16xf32>
      %parallel_loop3A_602 = arith.addf %parallel_loop3A_558, %parallel_loop3A_601 : vector<16xf32>
      %parallel_loop3A_603 = arith.mulf %parallel_loop3A_600, %parallel_loop3A_594 : vector<16xf32>
      %parallel_loop3A_604 = arith.addf %parallel_loop3A_602, %parallel_loop3A_603 : vector<16xf32>
      %parallel_loop3A_605 = arith.constant 0 : i32
      %parallel_loop3A_606 = arith.index_cast %parallel_loop3A_605 : i32 to index
      %parallel_loop3A_607 = arith.index_cast %parallel_loop3A_556 : i32 to index
      %parallel_loop3A_608 = arith.constant 16 : index
      %parallel_loop3A_609 = tpu.vector_load %arg11[%parallel_loop3A_606, %parallel_loop3A_607, %parallel_loop3A_608] {strides = array<i32>} : memref<2x128x128xf32, #tpu.memory_space<vmem>>, vector<1x1x16xf32>,
      %parallel_loop3A_610 = vector.shape_cast %parallel_loop3A_609 : vector<1x1x16xf32> to vector<16xf32>
      %parallel_loop3A_611 = arith.constant 0 : i32
      %parallel_loop3A_612 = arith.index_cast %parallel_loop3A_611 : i32 to index
      %parallel_loop3A_613 = arith.index_cast %parallel_loop3A_556 : i32 to index
      %parallel_loop3A_614 = arith.constant 80 : index
      %parallel_loop3A_615 = tpu.vector_load %arg11[%parallel_loop3A_612, %parallel_loop3A_613, %parallel_loop3A_614] {strides = array<i32>} : memref<2x128x128xf32, #tpu.memory_space<vmem>>, vector<1x1x16xf32>,
      %parallel_loop3A_616 = vector.shape_cast %parallel_loop3A_615 : vector<1x1x16xf32> to vector<16xf32>
      %parallel_loop3A_617 = arith.constant 0 : i32
      %parallel_loop3A_618 = arith.index_cast %parallel_loop3A_617 : i32 to index
      %parallel_loop3A_619 = arith.index_cast %parallel_loop3A_556 : i32 to index
      %parallel_loop3A_620 = arith.constant 16 : index
      %parallel_loop3A_621 = tpu.vector_load %arg12[%parallel_loop3A_618, %parallel_loop3A_619, %parallel_loop3A_620] {strides = array<i32>} : memref<2x128x128xf32, #tpu.memory_space<vmem>>, vector<1x1x16xf32>,
      %parallel_loop3A_622 = vector.shape_cast %parallel_loop3A_621 : vector<1x1x16xf32> to vector<16xf32>
      %parallel_loop3A_623 = arith.constant 0 : i32
      %parallel_loop3A_624 = arith.index_cast %parallel_loop3A_623 : i32 to index
      %parallel_loop3A_625 = arith.index_cast %parallel_loop3A_556 : i32 to index
      %parallel_loop3A_626 = arith.constant 80 : index
      %parallel_loop3A_627 = tpu.vector_load %arg12[%parallel_loop3A_624, %parallel_loop3A_625, %parallel_loop3A_626] {strides = array<i32>} : memref<2x128x128xf32, #tpu.memory_space<vmem>>, vector<1x1x16xf32>,
      %parallel_loop3A_628 = vector.shape_cast %parallel_loop3A_627 : vector<1x1x16xf32> to vector<16xf32>
      %parallel_loop3A_629 = arith.constant 0 : i32
      %parallel_loop3A_630 = arith.index_cast %parallel_loop3A_629 : i32 to index
      %parallel_loop3A_631 = arith.index_cast %parallel_loop3A_556 : i32 to index
      %parallel_loop3A_632 = arith.constant 16 : index
      %parallel_loop3A_633 = tpu.vector_load %arg13[%parallel_loop3A_630, %parallel_loop3A_631, %parallel_loop3A_632] {strides = array<i32>} : memref<2x128x128xf32, #tpu.memory_space<vmem>>, vector<1x1x16xf32>,
      %parallel_loop3A_634 = vector.shape_cast %parallel_loop3A_633 : vector<1x1x16xf32> to vector<16xf32>
      %parallel_loop3A_635 = arith.constant 0 : i32
      %parallel_loop3A_636 = arith.index_cast %parallel_loop3A_635 : i32 to index
      %parallel_loop3A_637 = arith.index_cast %parallel_loop3A_556 : i32 to index
      %parallel_loop3A_638 = arith.constant 80 : index
      %parallel_loop3A_639 = tpu.vector_load %arg13[%parallel_loop3A_636, %parallel_loop3A_637, %parallel_loop3A_638] {strides = array<i32>} : memref<2x128x128xf32, #tpu.memory_space<vmem>>, vector<1x1x16xf32>,
      %parallel_loop3A_640 = vector.shape_cast %parallel_loop3A_639 : vector<1x1x16xf32> to vector<16xf32>
      %parallel_loop3A_641 = arith.mulf %parallel_loop3A_610, %parallel_loop3A_622 : vector<16xf32>
      %parallel_loop3A_642 = arith.mulf %parallel_loop3A_616, %parallel_loop3A_628 : vector<16xf32>
      %parallel_loop3A_643 = arith.subf %parallel_loop3A_641, %parallel_loop3A_642 : vector<16xf32>
      %parallel_loop3A_644 = arith.mulf %parallel_loop3A_610, %parallel_loop3A_628 : vector<16xf32>
      %parallel_loop3A_645 = arith.mulf %parallel_loop3A_616, %parallel_loop3A_622 : vector<16xf32>
      %parallel_loop3A_646 = arith.addf %parallel_loop3A_644, %parallel_loop3A_645 : vector<16xf32>
      %parallel_loop3A_647 = arith.mulf %parallel_loop3A_643, %parallel_loop3A_634 : vector<16xf32>
      %parallel_loop3A_648 = arith.addf %parallel_loop3A_604, %parallel_loop3A_647 : vector<16xf32>
      %parallel_loop3A_649 = arith.mulf %parallel_loop3A_646, %parallel_loop3A_640 : vector<16xf32>
      %parallel_loop3A_650 = arith.addf %parallel_loop3A_648, %parallel_loop3A_649 : vector<16xf32>
      %parallel_loop3A_651 = arith.constant 0 : i32
      %parallel_loop3A_652 = arith.index_cast %parallel_loop3A_651 : i32 to index
      %parallel_loop3A_653 = arith.index_cast %parallel_loop3A_556 : i32 to index
      %parallel_loop3A_654 = arith.constant 32 : index
      %parallel_loop3A_655 = tpu.vector_load %arg11[%parallel_loop3A_652, %parallel_loop3A_653, %parallel_loop3A_654] {strides = array<i32>} : memref<2x128x128xf32, #tpu.memory_space<vmem>>, vector<1x1x16xf32>,
      %parallel_loop3A_656 = vector.shape_cast %parallel_loop3A_655 : vector<1x1x16xf32> to vector<16xf32>
      %parallel_loop3A_657 = arith.constant 0 : i32
      %parallel_loop3A_658 = arith.index_cast %parallel_loop3A_657 : i32 to index
      %parallel_loop3A_659 = arith.index_cast %parallel_loop3A_556 : i32 to index
      %parallel_loop3A_660 = arith.constant 96 : index
      %parallel_loop3A_661 = tpu.vector_load %arg11[%parallel_loop3A_658, %parallel_loop3A_659, %parallel_loop3A_660] {strides = array<i32>} : memref<2x128x128xf32, #tpu.memory_space<vmem>>, vector<1x1x16xf32>,
      %parallel_loop3A_662 = vector.shape_cast %parallel_loop3A_661 : vector<1x1x16xf32> to vector<16xf32>
      %parallel_loop3A_663 = arith.constant 0 : i32
      %parallel_loop3A_664 = arith.index_cast %parallel_loop3A_663 : i32 to index
      %parallel_loop3A_665 = arith.index_cast %parallel_loop3A_556 : i32 to index
      %parallel_loop3A_666 = arith.constant 32 : index
      %parallel_loop3A_667 = tpu.vector_load %arg12[%parallel_loop3A_664, %parallel_loop3A_665, %parallel_loop3A_666] {strides = array<i32>} : memref<2x128x128xf32, #tpu.memory_space<vmem>>, vector<1x1x16xf32>,
      %parallel_loop3A_668 = vector.shape_cast %parallel_loop3A_667 : vector<1x1x16xf32> to vector<16xf32>
      %parallel_loop3A_669 = arith.constant 0 : i32
      %parallel_loop3A_670 = arith.index_cast %parallel_loop3A_669 : i32 to index
      %parallel_loop3A_671 = arith.index_cast %parallel_loop3A_556 : i32 to index
      %parallel_loop3A_672 = arith.constant 96 : index
      %parallel_loop3A_673 = tpu.vector_load %arg12[%parallel_loop3A_670, %parallel_loop3A_671, %parallel_loop3A_672] {strides = array<i32>} : memref<2x128x128xf32, #tpu.memory_space<vmem>>, vector<1x1x16xf32>,
      %parallel_loop3A_674 = vector.shape_cast %parallel_loop3A_673 : vector<1x1x16xf32> to vector<16xf32>
      %parallel_loop3A_675 = arith.constant 0 : i32
      %parallel_loop3A_676 = arith.index_cast %parallel_loop3A_675 : i32 to index
      %parallel_loop3A_677 = arith.index_cast %parallel_loop3A_556 : i32 to index
      %parallel_loop3A_678 = arith.constant 32 : index
      %parallel_loop3A_679 = tpu.vector_load %arg13[%parallel_loop3A_676, %parallel_loop3A_677, %parallel_loop3A_678] {strides = array<i32>} : memref<2x128x128xf32, #tpu.memory_space<vmem>>, vector<1x1x16xf32>,
      %parallel_loop3A_680 = vector.shape_cast %parallel_loop3A_679 : vector<1x1x16xf32> to vector<16xf32>
      %parallel_loop3A_681 = arith.constant 0 : i32
      %parallel_loop3A_682 = arith.index_cast %parallel_loop3A_681 : i32 to index
      %parallel_loop3A_683 = arith.index_cast %parallel_loop3A_556 : i32 to index
      %parallel_loop3A_684 = arith.constant 96 : index
      %parallel_loop3A_685 = tpu.vector_load %arg13[%parallel_loop3A_682, %parallel_loop3A_683, %parallel_loop3A_684] {strides = array<i32>} : memref<2x128x128xf32, #tpu.memory_space<vmem>>, vector<1x1x16xf32>,
      %parallel_loop3A_686 = vector.shape_cast %parallel_loop3A_685 : vector<1x1x16xf32> to vector<16xf32>
      %parallel_loop3A_687 = arith.mulf %parallel_loop3A_656, %parallel_loop3A_668 : vector<16xf32>
      %parallel_loop3A_688 = arith.mulf %parallel_loop3A_662, %parallel_loop3A_674 : vector<16xf32>
      %parallel_loop3A_689 = arith.subf %parallel_loop3A_687, %parallel_loop3A_688 : vector<16xf32>
      %parallel_loop3A_690 = arith.mulf %parallel_loop3A_656, %parallel_loop3A_674 : vector<16xf32>
      %parallel_loop3A_691 = arith.mulf %parallel_loop3A_662, %parallel_loop3A_668 : vector<16xf32>
      %parallel_loop3A_692 = arith.addf %parallel_loop3A_690, %parallel_loop3A_691 : vector<16xf32>
      %parallel_loop3A_693 = arith.mulf %parallel_loop3A_689, %parallel_loop3A_680 : vector<16xf32>
      %parallel_loop3A_694 = arith.addf %parallel_loop3A_650, %parallel_loop3A_693 : vector<16xf32>
      %parallel_loop3A_695 = arith.mulf %parallel_loop3A_692, %parallel_loop3A_686 : vector<16xf32>
      %parallel_loop3A_696 = arith.addf %parallel_loop3A_694, %parallel_loop3A_695 : vector<16xf32>
      %parallel_loop3A_697 = arith.constant 0 : i32
      %parallel_loop3A_698 = arith.index_cast %parallel_loop3A_697 : i32 to index
      %parallel_loop3A_699 = arith.index_cast %parallel_loop3A_556 : i32 to index
      %parallel_loop3A_700 = arith.constant 48 : index
      %parallel_loop3A_701 = tpu.vector_load %arg11[%parallel_loop3A_698, %parallel_loop3A_699, %parallel_loop3A_700] {strides = array<i32>} : memref<2x128x128xf32, #tpu.memory_space<vmem>>, vector<1x1x16xf32>,
      %parallel_loop3A_702 = vector.shape_cast %parallel_loop3A_701 : vector<1x1x16xf32> to vector<16xf32>
      %parallel_loop3A_703 = arith.constant 0 : i32
      %parallel_loop3A_704 = arith.index_cast %parallel_loop3A_703 : i32 to index
      %parallel_loop3A_705 = arith.index_cast %parallel_loop3A_556 : i32 to index
      %parallel_loop3A_706 = arith.constant 112 : index
      %parallel_loop3A_707 = tpu.vector_load %arg11[%parallel_loop3A_704, %parallel_loop3A_705, %parallel_loop3A_706] {strides = array<i32>} : memref<2x128x128xf32, #tpu.memory_space<vmem>>, vector<1x1x16xf32>,
      %parallel_loop3A_708 = vector.shape_cast %parallel_loop3A_707 : vector<1x1x16xf32> to vector<16xf32>
      %parallel_loop3A_709 = arith.constant 0 : i32
      %parallel_loop3A_710 = arith.index_cast %parallel_loop3A_709 : i32 to index
      %parallel_loop3A_711 = arith.index_cast %parallel_loop3A_556 : i32 to index
      %parallel_loop3A_712 = arith.constant 48 : index
      %parallel_loop3A_713 = tpu.vector_load %arg12[%parallel_loop3A_710, %parallel_loop3A_711, %parallel_loop3A_712] {strides = array<i32>} : memref<2x128x128xf32, #tpu.memory_space<vmem>>, vector<1x1x16xf32>,
      %parallel_loop3A_714 = vector.shape_cast %parallel_loop3A_713 : vector<1x1x16xf32> to vector<16xf32>
      %parallel_loop3A_715 = arith.constant 0 : i32
      %parallel_loop3A_716 = arith.index_cast %parallel_loop3A_715 : i32 to index
      %parallel_loop3A_717 = arith.index_cast %parallel_loop3A_556 : i32 to index
      %parallel_loop3A_718 = arith.constant 112 : index
      %parallel_loop3A_719 = tpu.vector_load %arg12[%parallel_loop3A_716, %parallel_loop3A_717, %parallel_loop3A_718] {strides = array<i32>} : memref<2x128x128xf32, #tpu.memory_space<vmem>>, vector<1x1x16xf32>,
      %parallel_loop3A_720 = vector.shape_cast %parallel_loop3A_719 : vector<1x1x16xf32> to vector<16xf32>
      %parallel_loop3A_721 = arith.constant 0 : i32
      %parallel_loop3A_722 = arith.index_cast %parallel_loop3A_721 : i32 to index
      %parallel_loop3A_723 = arith.index_cast %parallel_loop3A_556 : i32 to index
      %parallel_loop3A_724 = arith.constant 48 : index
      %parallel_loop3A_725 = tpu.vector_load %arg13[%parallel_loop3A_722, %parallel_loop3A_723, %parallel_loop3A_724] {strides = array<i32>} : memref<2x128x128xf32, #tpu.memory_space<vmem>>, vector<1x1x16xf32>,
      %parallel_loop3A_726 = vector.shape_cast %parallel_loop3A_725 : vector<1x1x16xf32> to vector<16xf32>
      %parallel_loop3A_727 = arith.constant 0 : i32
      %parallel_loop3A_728 = arith.index_cast %parallel_loop3A_727 : i32 to index
      %parallel_loop3A_729 = arith.index_cast %parallel_loop3A_556 : i32 to index
      %parallel_loop3A_730 = arith.constant 112 : index
      %parallel_loop3A_731 = tpu.vector_load %arg13[%parallel_loop3A_728, %parallel_loop3A_729, %parallel_loop3A_730] {strides = array<i32>} : memref<2x128x128xf32, #tpu.memory_space<vmem>>, vector<1x1x16xf32>,
      %parallel_loop3A_732 = vector.shape_cast %parallel_loop3A_731 : vector<1x1x16xf32> to vector<16xf32>
      %parallel_loop3A_733 = arith.mulf %parallel_loop3A_702, %parallel_loop3A_714 : vector<16xf32>
      %parallel_loop3A_734 = arith.mulf %parallel_loop3A_708, %parallel_loop3A_720 : vector<16xf32>
      %parallel_loop3A_735 = arith.subf %parallel_loop3A_733, %parallel_loop3A_734 : vector<16xf32>
      %parallel_loop3A_736 = arith.mulf %parallel_loop3A_702, %parallel_loop3A_720 : vector<16xf32>
      %parallel_loop3A_737 = arith.mulf %parallel_loop3A_708, %parallel_loop3A_714 : vector<16xf32>
      %parallel_loop3A_738 = arith.addf %parallel_loop3A_736, %parallel_loop3A_737 : vector<16xf32>
      %parallel_loop3A_739 = arith.mulf %parallel_loop3A_735, %parallel_loop3A_726 : vector<16xf32>
      %parallel_loop3A_740 = arith.addf %parallel_loop3A_696, %parallel_loop3A_739 : vector<16xf32>
      %parallel_loop3A_741 = arith.mulf %parallel_loop3A_738, %parallel_loop3A_732 : vector<16xf32>
      %parallel_loop3A_742 = arith.addf %parallel_loop3A_740, %parallel_loop3A_741 : vector<16xf32>
      %parallel_loop3A_743 = arith.constant 2 : i32
      %parallel_loop3A_744 = arith.muli %parallel_loop3A_743, %parallel_loop3A_554 : i32
      %parallel_loop3A_745 = arith.constant 1 : i32
      %parallel_loop3A_746 = arith.addi %parallel_loop3A_744, %parallel_loop3A_745 : i32
      %parallel_loop3A_747 = arith.constant 0.000000e+00 : f32
      %parallel_loop3A_748 = vector.broadcast %parallel_loop3A_747 : f32 to vector<16xf32>
      %parallel_loop3A_749 = arith.constant 0 : i32
      %parallel_loop3A_750 = arith.index_cast %parallel_loop3A_749 : i32 to index
      %parallel_loop3A_751 = arith.index_cast %parallel_loop3A_746 : i32 to index
      %parallel_loop3A_752 = arith.constant 0 : index
      %parallel_loop3A_753 = tpu.vector_load %arg11[%parallel_loop3A_750, %parallel_loop3A_751, %parallel_loop3A_752] {strides = array<i32>} : memref<2x128x128xf32, #tpu.memory_space<vmem>>, vector<1x1x16xf32>,
      %parallel_loop3A_754 = vector.shape_cast %parallel_loop3A_753 : vector<1x1x16xf32> to vector<16xf32>
      %parallel_loop3A_755 = arith.constant 0 : i32
      %parallel_loop3A_756 = arith.index_cast %parallel_loop3A_755 : i32 to index
      %parallel_loop3A_757 = arith.index_cast %parallel_loop3A_746 : i32 to index
      %parallel_loop3A_758 = arith.constant 64 : index
      %parallel_loop3A_759 = tpu.vector_load %arg11[%parallel_loop3A_756, %parallel_loop3A_757, %parallel_loop3A_758] {strides = array<i32>} : memref<2x128x128xf32, #tpu.memory_space<vmem>>, vector<1x1x16xf32>,
      %parallel_loop3A_760 = vector.shape_cast %parallel_loop3A_759 : vector<1x1x16xf32> to vector<16xf32>
      %parallel_loop3A_761 = arith.constant 0 : i32
      %parallel_loop3A_762 = arith.index_cast %parallel_loop3A_761 : i32 to index
      %parallel_loop3A_763 = arith.index_cast %parallel_loop3A_746 : i32 to index
      %parallel_loop3A_764 = arith.constant 0 : index
      %parallel_loop3A_765 = tpu.vector_load %arg12[%parallel_loop3A_762, %parallel_loop3A_763, %parallel_loop3A_764] {strides = array<i32>} : memref<2x128x128xf32, #tpu.memory_space<vmem>>, vector<1x1x16xf32>,
      %parallel_loop3A_766 = vector.shape_cast %parallel_loop3A_765 : vector<1x1x16xf32> to vector<16xf32>
      %parallel_loop3A_767 = arith.constant 0 : i32
      %parallel_loop3A_768 = arith.index_cast %parallel_loop3A_767 : i32 to index
      %parallel_loop3A_769 = arith.index_cast %parallel_loop3A_746 : i32 to index
      %parallel_loop3A_770 = arith.constant 64 : index
      %parallel_loop3A_771 = tpu.vector_load %arg12[%parallel_loop3A_768, %parallel_loop3A_769, %parallel_loop3A_770] {strides = array<i32>} : memref<2x128x128xf32, #tpu.memory_space<vmem>>, vector<1x1x16xf32>,
      %parallel_loop3A_772 = vector.shape_cast %parallel_loop3A_771 : vector<1x1x16xf32> to vector<16xf32>
      %parallel_loop3A_773 = arith.constant 0 : i32
      %parallel_loop3A_774 = arith.index_cast %parallel_loop3A_773 : i32 to index
      %parallel_loop3A_775 = arith.index_cast %parallel_loop3A_746 : i32 to index
      %parallel_loop3A_776 = arith.constant 0 : index
      %parallel_loop3A_777 = tpu.vector_load %arg13[%parallel_loop3A_774, %parallel_loop3A_775, %parallel_loop3A_776] {strides = array<i32>} : memref<2x128x128xf32, #tpu.memory_space<vmem>>, vector<1x1x16xf32>,
      %parallel_loop3A_778 = vector.shape_cast %parallel_loop3A_777 : vector<1x1x16xf32> to vector<16xf32>
      %parallel_loop3A_779 = arith.constant 0 : i32
      %parallel_loop3A_780 = arith.index_cast %parallel_loop3A_779 : i32 to index
      %parallel_loop3A_781 = arith.index_cast %parallel_loop3A_746 : i32 to index
      %parallel_loop3A_782 = arith.constant 64 : index
      %parallel_loop3A_783 = tpu.vector_load %arg13[%parallel_loop3A_780, %parallel_loop3A_781, %parallel_loop3A_782] {strides = array<i32>} : memref<2x128x128xf32, #tpu.memory_space<vmem>>, vector<1x1x16xf32>,
      %parallel_loop3A_784 = vector.shape_cast %parallel_loop3A_783 : vector<1x1x16xf32> to vector<16xf32>
      %parallel_loop3A_785 = arith.mulf %parallel_loop3A_754, %parallel_loop3A_766 : vector<16xf32>
      %parallel_loop3A_786 = arith.mulf %parallel_loop3A_760, %parallel_loop3A_772 : vector<16xf32>
      %parallel_loop3A_787 = arith.subf %parallel_loop3A_785, %parallel_loop3A_786 : vector<16xf32>
      %parallel_loop3A_788 = arith.mulf %parallel_loop3A_754, %parallel_loop3A_772 : vector<16xf32>
      %parallel_loop3A_789 = arith.mulf %parallel_loop3A_760, %parallel_loop3A_766 : vector<16xf32>
      %parallel_loop3A_790 = arith.addf %parallel_loop3A_788, %parallel_loop3A_789 : vector<16xf32>
      %parallel_loop3A_791 = arith.mulf %parallel_loop3A_787, %parallel_loop3A_778 : vector<16xf32>
      %parallel_loop3A_792 = arith.addf %parallel_loop3A_748, %parallel_loop3A_791 : vector<16xf32>
      %parallel_loop3A_793 = arith.mulf %parallel_loop3A_790, %parallel_loop3A_784 : vector<16xf32>
      %parallel_loop3A_794 = arith.addf %parallel_loop3A_792, %parallel_loop3A_793 : vector<16xf32>
      %parallel_loop3A_795 = arith.constant 0 : i32
      %parallel_loop3A_796 = arith.index_cast %parallel_loop3A_795 : i32 to index
      %parallel_loop3A_797 = arith.index_cast %parallel_loop3A_746 : i32 to index
      %parallel_loop3A_798 = arith.constant 16 : index
      %parallel_loop3A_799 = tpu.vector_load %arg11[%parallel_loop3A_796, %parallel_loop3A_797, %parallel_loop3A_798] {strides = array<i32>} : memref<2x128x128xf32, #tpu.memory_space<vmem>>, vector<1x1x16xf32>,
      %parallel_loop3A_800 = vector.shape_cast %parallel_loop3A_799 : vector<1x1x16xf32> to vector<16xf32>
      %parallel_loop3A_801 = arith.constant 0 : i32
      %parallel_loop3A_802 = arith.index_cast %parallel_loop3A_801 : i32 to index
      %parallel_loop3A_803 = arith.index_cast %parallel_loop3A_746 : i32 to index
      %parallel_loop3A_804 = arith.constant 80 : index
      %parallel_loop3A_805 = tpu.vector_load %arg11[%parallel_loop3A_802, %parallel_loop3A_803, %parallel_loop3A_804] {strides = array<i32>} : memref<2x128x128xf32, #tpu.memory_space<vmem>>, vector<1x1x16xf32>,
      %parallel_loop3A_806 = vector.shape_cast %parallel_loop3A_805 : vector<1x1x16xf32> to vector<16xf32>
      %parallel_loop3A_807 = arith.constant 0 : i32
      %parallel_loop3A_808 = arith.index_cast %parallel_loop3A_807 : i32 to index
      %parallel_loop3A_809 = arith.index_cast %parallel_loop3A_746 : i32 to index
      %parallel_loop3A_810 = arith.constant 16 : index
      %parallel_loop3A_811 = tpu.vector_load %arg12[%parallel_loop3A_808, %parallel_loop3A_809, %parallel_loop3A_810] {strides = array<i32>} : memref<2x128x128xf32, #tpu.memory_space<vmem>>, vector<1x1x16xf32>,
      %parallel_loop3A_812 = vector.shape_cast %parallel_loop3A_811 : vector<1x1x16xf32> to vector<16xf32>
      %parallel_loop3A_813 = arith.constant 0 : i32
      %parallel_loop3A_814 = arith.index_cast %parallel_loop3A_813 : i32 to index
      %parallel_loop3A_815 = arith.index_cast %parallel_loop3A_746 : i32 to index
      %parallel_loop3A_816 = arith.constant 80 : index
      %parallel_loop3A_817 = tpu.vector_load %arg12[%parallel_loop3A_814, %parallel_loop3A_815, %parallel_loop3A_816] {strides = array<i32>} : memref<2x128x128xf32, #tpu.memory_space<vmem>>, vector<1x1x16xf32>,
      %parallel_loop3A_818 = vector.shape_cast %parallel_loop3A_817 : vector<1x1x16xf32> to vector<16xf32>
      %parallel_loop3A_819 = arith.constant 0 : i32
      %parallel_loop3A_820 = arith.index_cast %parallel_loop3A_819 : i32 to index
      %parallel_loop3A_821 = arith.index_cast %parallel_loop3A_746 : i32 to index
      %parallel_loop3A_822 = arith.constant 16 : index
      %parallel_loop3A_823 = tpu.vector_load %arg13[%parallel_loop3A_820, %parallel_loop3A_821, %parallel_loop3A_822] {strides = array<i32>} : memref<2x128x128xf32, #tpu.memory_space<vmem>>, vector<1x1x16xf32>,
      %parallel_loop3A_824 = vector.shape_cast %parallel_loop3A_823 : vector<1x1x16xf32> to vector<16xf32>
      %parallel_loop3A_825 = arith.constant 0 : i32
      %parallel_loop3A_826 = arith.index_cast %parallel_loop3A_825 : i32 to index
      %parallel_loop3A_827 = arith.index_cast %parallel_loop3A_746 : i32 to index
      %parallel_loop3A_828 = arith.constant 80 : index
      %parallel_loop3A_829 = tpu.vector_load %arg13[%parallel_loop3A_826, %parallel_loop3A_827, %parallel_loop3A_828] {strides = array<i32>} : memref<2x128x128xf32, #tpu.memory_space<vmem>>, vector<1x1x16xf32>,
      %parallel_loop3A_830 = vector.shape_cast %parallel_loop3A_829 : vector<1x1x16xf32> to vector<16xf32>
      %parallel_loop3A_831 = arith.mulf %parallel_loop3A_800, %parallel_loop3A_812 : vector<16xf32>
      %parallel_loop3A_832 = arith.mulf %parallel_loop3A_806, %parallel_loop3A_818 : vector<16xf32>
      %parallel_loop3A_833 = arith.subf %parallel_loop3A_831, %parallel_loop3A_832 : vector<16xf32>
      %parallel_loop3A_834 = arith.mulf %parallel_loop3A_800, %parallel_loop3A_818 : vector<16xf32>
      %parallel_loop3A_835 = arith.mulf %parallel_loop3A_806, %parallel_loop3A_812 : vector<16xf32>
      %parallel_loop3A_836 = arith.addf %parallel_loop3A_834, %parallel_loop3A_835 : vector<16xf32>
      %parallel_loop3A_837 = arith.mulf %parallel_loop3A_833, %parallel_loop3A_824 : vector<16xf32>
      %parallel_loop3A_838 = arith.addf %parallel_loop3A_794, %parallel_loop3A_837 : vector<16xf32>
      %parallel_loop3A_839 = arith.mulf %parallel_loop3A_836, %parallel_loop3A_830 : vector<16xf32>
      %parallel_loop3A_840 = arith.addf %parallel_loop3A_838, %parallel_loop3A_839 : vector<16xf32>
      %parallel_loop3A_841 = arith.constant 0 : i32
      %parallel_loop3A_842 = arith.index_cast %parallel_loop3A_841 : i32 to index
      %parallel_loop3A_843 = arith.index_cast %parallel_loop3A_746 : i32 to index
      %parallel_loop3A_844 = arith.constant 32 : index
      %parallel_loop3A_845 = tpu.vector_load %arg11[%parallel_loop3A_842, %parallel_loop3A_843, %parallel_loop3A_844] {strides = array<i32>} : memref<2x128x128xf32, #tpu.memory_space<vmem>>, vector<1x1x16xf32>,
      %parallel_loop3A_846 = vector.shape_cast %parallel_loop3A_845 : vector<1x1x16xf32> to vector<16xf32>
      %parallel_loop3A_847 = arith.constant 0 : i32
      %parallel_loop3A_848 = arith.index_cast %parallel_loop3A_847 : i32 to index
      %parallel_loop3A_849 = arith.index_cast %parallel_loop3A_746 : i32 to index
      %parallel_loop3A_850 = arith.constant 96 : index
      %parallel_loop3A_851 = tpu.vector_load %arg11[%parallel_loop3A_848, %parallel_loop3A_849, %parallel_loop3A_850] {strides = array<i32>} : memref<2x128x128xf32, #tpu.memory_space<vmem>>, vector<1x1x16xf32>,
      %parallel_loop3A_852 = vector.shape_cast %parallel_loop3A_851 : vector<1x1x16xf32> to vector<16xf32>
      %parallel_loop3A_853 = arith.constant 0 : i32
      %parallel_loop3A_854 = arith.index_cast %parallel_loop3A_853 : i32 to index
      %parallel_loop3A_855 = arith.index_cast %parallel_loop3A_746 : i32 to index
      %parallel_loop3A_856 = arith.constant 32 : index
      %parallel_loop3A_857 = tpu.vector_load %arg12[%parallel_loop3A_854, %parallel_loop3A_855, %parallel_loop3A_856] {strides = array<i32>} : memref<2x128x128xf32, #tpu.memory_space<vmem>>, vector<1x1x16xf32>,
      %parallel_loop3A_858 = vector.shape_cast %parallel_loop3A_857 : vector<1x1x16xf32> to vector<16xf32>
      %parallel_loop3A_859 = arith.constant 0 : i32
      %parallel_loop3A_860 = arith.index_cast %parallel_loop3A_859 : i32 to index
      %parallel_loop3A_861 = arith.index_cast %parallel_loop3A_746 : i32 to index
      %parallel_loop3A_862 = arith.constant 96 : index
      %parallel_loop3A_863 = tpu.vector_load %arg12[%parallel_loop3A_860, %parallel_loop3A_861, %parallel_loop3A_862] {strides = array<i32>} : memref<2x128x128xf32, #tpu.memory_space<vmem>>, vector<1x1x16xf32>,
      %parallel_loop3A_864 = vector.shape_cast %parallel_loop3A_863 : vector<1x1x16xf32> to vector<16xf32>
      %parallel_loop3A_865 = arith.constant 0 : i32
      %parallel_loop3A_866 = arith.index_cast %parallel_loop3A_865 : i32 to index
      %parallel_loop3A_867 = arith.index_cast %parallel_loop3A_746 : i32 to index
      %parallel_loop3A_868 = arith.constant 32 : index
      %parallel_loop3A_869 = tpu.vector_load %arg13[%parallel_loop3A_866, %parallel_loop3A_867, %parallel_loop3A_868] {strides = array<i32>} : memref<2x128x128xf32, #tpu.memory_space<vmem>>, vector<1x1x16xf32>,
      %parallel_loop3A_870 = vector.shape_cast %parallel_loop3A_869 : vector<1x1x16xf32> to vector<16xf32>
      %parallel_loop3A_871 = arith.constant 0 : i32
      %parallel_loop3A_872 = arith.index_cast %parallel_loop3A_871 : i32 to index
      %parallel_loop3A_873 = arith.index_cast %parallel_loop3A_746 : i32 to index
      %parallel_loop3A_874 = arith.constant 96 : index
      %parallel_loop3A_875 = tpu.vector_load %arg13[%parallel_loop3A_872, %parallel_loop3A_873, %parallel_loop3A_874] {strides = array<i32>} : memref<2x128x128xf32, #tpu.memory_space<vmem>>, vector<1x1x16xf32>,
      %parallel_loop3A_876 = vector.shape_cast %parallel_loop3A_875 : vector<1x1x16xf32> to vector<16xf32>
      %parallel_loop3A_877 = arith.mulf %parallel_loop3A_846, %parallel_loop3A_858 : vector<16xf32>
      %parallel_loop3A_878 = arith.mulf %parallel_loop3A_852, %parallel_loop3A_864 : vector<16xf32>
      %parallel_loop3A_879 = arith.subf %parallel_loop3A_877, %parallel_loop3A_878 : vector<16xf32>
      %parallel_loop3A_880 = arith.mulf %parallel_loop3A_846, %parallel_loop3A_864 : vector<16xf32>
      %parallel_loop3A_881 = arith.mulf %parallel_loop3A_852, %parallel_loop3A_858 : vector<16xf32>
      %parallel_loop3A_882 = arith.addf %parallel_loop3A_880, %parallel_loop3A_881 : vector<16xf32>
      %parallel_loop3A_883 = arith.mulf %parallel_loop3A_879, %parallel_loop3A_870 : vector<16xf32>
      %parallel_loop3A_884 = arith.addf %parallel_loop3A_840, %parallel_loop3A_883 : vector<16xf32>
      %parallel_loop3A_885 = arith.mulf %parallel_loop3A_882, %parallel_loop3A_876 : vector<16xf32>
      %parallel_loop3A_886 = arith.addf %parallel_loop3A_884, %parallel_loop3A_885 : vector<16xf32>
      %parallel_loop3A_887 = arith.constant 0 : i32
      %parallel_loop3A_888 = arith.index_cast %parallel_loop3A_887 : i32 to index
      %parallel_loop3A_889 = arith.index_cast %parallel_loop3A_746 : i32 to index
      %parallel_loop3A_890 = arith.constant 48 : index
      %parallel_loop3A_891 = tpu.vector_load %arg11[%parallel_loop3A_888, %parallel_loop3A_889, %parallel_loop3A_890] {strides = array<i32>} : memref<2x128x128xf32, #tpu.memory_space<vmem>>, vector<1x1x16xf32>,
      %parallel_loop3A_892 = vector.shape_cast %parallel_loop3A_891 : vector<1x1x16xf32> to vector<16xf32>
      %parallel_loop3A_893 = arith.constant 0 : i32
      %parallel_loop3A_894 = arith.index_cast %parallel_loop3A_893 : i32 to index
      %parallel_loop3A_895 = arith.index_cast %parallel_loop3A_746 : i32 to index
      %parallel_loop3A_896 = arith.constant 112 : index
      %parallel_loop3A_897 = tpu.vector_load %arg11[%parallel_loop3A_894, %parallel_loop3A_895, %parallel_loop3A_896] {strides = array<i32>} : memref<2x128x128xf32, #tpu.memory_space<vmem>>, vector<1x1x16xf32>,
      %parallel_loop3A_898 = vector.shape_cast %parallel_loop3A_897 : vector<1x1x16xf32> to vector<16xf32>
      %parallel_loop3A_899 = arith.constant 0 : i32
      %parallel_loop3A_900 = arith.index_cast %parallel_loop3A_899 : i32 to index
      %parallel_loop3A_901 = arith.index_cast %parallel_loop3A_746 : i32 to index
      %parallel_loop3A_902 = arith.constant 48 : index
      %parallel_loop3A_903 = tpu.vector_load %arg12[%parallel_loop3A_900, %parallel_loop3A_901, %parallel_loop3A_902] {strides = array<i32>} : memref<2x128x128xf32, #tpu.memory_space<vmem>>, vector<1x1x16xf32>,
      %parallel_loop3A_904 = vector.shape_cast %parallel_loop3A_903 : vector<1x1x16xf32> to vector<16xf32>
      %parallel_loop3A_905 = arith.constant 0 : i32
      %parallel_loop3A_906 = arith.index_cast %parallel_loop3A_905 : i32 to index
      %parallel_loop3A_907 = arith.index_cast %parallel_loop3A_746 : i32 to index
      %parallel_loop3A_908 = arith.constant 112 : index
      %parallel_loop3A_909 = tpu.vector_load %arg12[%parallel_loop3A_906, %parallel_loop3A_907, %parallel_loop3A_908] {strides = array<i32>} : memref<2x128x128xf32, #tpu.memory_space<vmem>>, vector<1x1x16xf32>,
      %parallel_loop3A_910 = vector.shape_cast %parallel_loop3A_909 : vector<1x1x16xf32> to vector<16xf32>
      %parallel_loop3A_911 = arith.constant 0 : i32
      %parallel_loop3A_912 = arith.index_cast %parallel_loop3A_911 : i32 to index
      %parallel_loop3A_913 = arith.index_cast %parallel_loop3A_746 : i32 to index
      %parallel_loop3A_914 = arith.constant 48 : index
      %parallel_loop3A_915 = tpu.vector_load %arg13[%parallel_loop3A_912, %parallel_loop3A_913, %parallel_loop3A_914] {strides = array<i32>} : memref<2x128x128xf32, #tpu.memory_space<vmem>>, vector<1x1x16xf32>,
      %parallel_loop3A_916 = vector.shape_cast %parallel_loop3A_915 : vector<1x1x16xf32> to vector<16xf32>
      %parallel_loop3A_917 = arith.constant 0 : i32
      %parallel_loop3A_918 = arith.index_cast %parallel_loop3A_917 : i32 to index
      %parallel_loop3A_919 = arith.index_cast %parallel_loop3A_746 : i32 to index
      %parallel_loop3A_920 = arith.constant 112 : index
      %parallel_loop3A_921 = tpu.vector_load %arg13[%parallel_loop3A_918, %parallel_loop3A_919, %parallel_loop3A_920] {strides = array<i32>} : memref<2x128x128xf32, #tpu.memory_space<vmem>>, vector<1x1x16xf32>,
      %parallel_loop3A_922 = vector.shape_cast %parallel_loop3A_921 : vector<1x1x16xf32> to vector<16xf32>
      %parallel_loop3A_923 = arith.mulf %parallel_loop3A_892, %parallel_loop3A_904 : vector<16xf32>
      %parallel_loop3A_924 = arith.mulf %parallel_loop3A_898, %parallel_loop3A_910 : vector<16xf32>
      %parallel_loop3A_925 = arith.subf %parallel_loop3A_923, %parallel_loop3A_924 : vector<16xf32>
      %parallel_loop3A_926 = arith.mulf %parallel_loop3A_892, %parallel_loop3A_910 : vector<16xf32>
      %parallel_loop3A_927 = arith.mulf %parallel_loop3A_898, %parallel_loop3A_904 : vector<16xf32>
      %parallel_loop3A_928 = arith.addf %parallel_loop3A_926, %parallel_loop3A_927 : vector<16xf32>
      %parallel_loop3A_929 = arith.mulf %parallel_loop3A_925, %parallel_loop3A_916 : vector<16xf32>
      %parallel_loop3A_930 = arith.addf %parallel_loop3A_886, %parallel_loop3A_929 : vector<16xf32>
      %parallel_loop3A_931 = arith.mulf %parallel_loop3A_928, %parallel_loop3A_922 : vector<16xf32>
      %parallel_loop3A_932 = arith.addf %parallel_loop3A_930, %parallel_loop3A_931 : vector<16xf32>
      %parallel_loop3A_933 = vector.shape_cast %xor3A_27 : vector<16xi32> to vector<16x1xi32>
      %parallel_loop3A_934 = vector.shape_cast %parallel_loop3A_933 : vector<16x1xi32> to vector<16xi32>
      %parallel_loop3A_935 = tpu.dynamic_gather %parallel_loop3A_742[%parallel_loop3A_934] in [0] : vector<16xf32>, vector<16xi32> -> vector<16xf32>
      %parallel_loop3A_936 = arith.addf %parallel_loop3A_742, %parallel_loop3A_935 : vector<16xf32>
      %parallel_loop3A_937 = vector.shape_cast %xor3A_27 : vector<16xi32> to vector<16x1xi32>
      %parallel_loop3A_938 = vector.shape_cast %parallel_loop3A_937 : vector<16x1xi32> to vector<16xi32>
      %parallel_loop3A_939 = tpu.dynamic_gather %parallel_loop3A_932[%parallel_loop3A_938] in [0] : vector<16xf32>, vector<16xi32> -> vector<16xf32>
      %parallel_loop3A_940 = arith.addf %parallel_loop3A_932, %parallel_loop3A_939 : vector<16xf32>
      %parallel_loop3A_941 = arith.select %eq3A_41, %parallel_loop3A_936, %parallel_loop3A_940 : vector<16xi1>, vector<16xf32>
      %parallel_loop3A_942 = arith.constant 16 : i32
      %parallel_loop3A_943 = arith.muli %parallel_loop3A_554, %parallel_loop3A_942 : i32
      %parallel_loop3A_944 = arith.index_cast %parallel_loop3A_943 : i32 to index
      %parallel_loop3A_945 = tpu.vector_load %arg14[%parallel_loop3A_944] {strides = array<i32>} : memref<1024xf32, #tpu.memory_space<vmem>>, vector<16xf32>,
      %parallel_loop3A_946 = vector.shape_cast %parallel_loop3A_945 : vector<16xf32> to vector<16xf32>
      %parallel_loop3A_947 = vector.shape_cast %parallel_loop3A_941 : vector<16xf32> to vector<16xf32>
      tpu.vector_store %arg14[%parallel_loop3A_944], %parallel_loop3A_947 {strides = array<i32>} : memref<1024xf32, #tpu.memory_space<vmem>>, vector<16xf32>,
    } {sc.loop_unroll_factor = 2 : i64, sc.parallel_access}
    %scan3A_383 = arith.constant 0 : i32
    %scan3A_384 = arith.constant 0 : i32
    %scan3A_385 = arith.constant 8 : i32
    %scan3A_386 = arith.addi %scan3A_384, %scan3A_385 : i32
    %scan3A_387 = arith.constant 1 : i32
    %scan3A_388 = scf.for %scan3A_554 = %scan3A_384 to %scan3A_386 step %scan3A_387 iter_args(%scan3A_555 = %scan3A_383) -> (i32)  : i32 {
      %mul3A_556 = arith.constant 8 : i32
      %mul3A_557 = arith.muli %scan3A_554, %mul3A_556 : i32
      %add3A_558 = arith.constant 0 : i32
      %add3A_559 = arith.addi %mul3A_557, %add3A_558 : i32
      %mul3A_560 = arith.constant 16 : i32
      %mul3A_561 = arith.muli %add3A_559, %mul3A_560 : i32
      %get3A = arith.index_cast %mul3A_561 : i32 to index
      %get3A_562 = tpu.vector_load %arg14[%get3A] {strides = array<i32>} : memref<1024xf32, #tpu.memory_space<vmem>>, vector<16xf32>,
      %get3A_563 = vector.shape_cast %get3A_562 : vector<16xf32> to vector<16xf32>
      %mul3A_564 = arith.constant 8 : i32
      %mul3A_565 = arith.muli %scan3A_554, %mul3A_564 : i32
      %add3A_566 = arith.constant 1 : i32
      %add3A_567 = arith.addi %mul3A_565, %add3A_566 : i32
      %mul3A_568 = arith.constant 16 : i32
      %mul3A_569 = arith.muli %add3A_567, %mul3A_568 : i32
      %get3A_570 = arith.index_cast %mul3A_569 : i32 to index
      %get3A_571 = tpu.vector_load %arg14[%get3A_570] {strides = array<i32>} : memref<1024xf32, #tpu.memory_space<vmem>>, vector<16xf32>,
      %get3A_572 = vector.shape_cast %get3A_571 : vector<16xf32> to vector<16xf32>
      %broadcast_in_dim3A = vector.shape_cast %xor3A_30 : vector<16xi32> to vector<16x1xi32>
      %gather3A = vector.shape_cast %broadcast_in_dim3A : vector<16x1xi32> to vector<16xi32>
      %gather3A_573 = tpu.dynamic_gather %get3A_563[%gather3A] in [0] : vector<16xf32>, vector<16xi32> -> vector<16xf32>
      %add3A_574 = arith.addf %get3A_563, %gather3A_573 : vector<16xf32>
      %broadcast_in_dim3A_575 = vector.shape_cast %xor3A_30 : vector<16xi32> to vector<16x1xi32>
      %gather3A_576 = vector.shape_cast %broadcast_in_dim3A_575 : vector<16x1xi32> to vector<16xi32>
      %gather3A_577 = tpu.dynamic_gather %get3A_572[%gather3A_576] in [0] : vector<16xf32>, vector<16xi32> -> vector<16xf32>
      %add3A_578 = arith.addf %get3A_572, %gather3A_577 : vector<16xf32>
      %select_n3A = arith.select %eq3A_47, %add3A_574, %add3A_578 : vector<16xi1>, vector<16xf32>
      %mul3A_579 = arith.constant 8 : i32
      %mul3A_580 = arith.muli %scan3A_554, %mul3A_579 : i32
      %add3A_581 = arith.constant 2 : i32
      %add3A_582 = arith.addi %mul3A_580, %add3A_581 : i32
      %mul3A_583 = arith.constant 16 : i32
      %mul3A_584 = arith.muli %add3A_582, %mul3A_583 : i32
      %get3A_585 = arith.index_cast %mul3A_584 : i32 to index
      %get3A_586 = tpu.vector_load %arg14[%get3A_585] {strides = array<i32>} : memref<1024xf32, #tpu.memory_space<vmem>>, vector<16xf32>,
      %get3A_587 = vector.shape_cast %get3A_586 : vector<16xf32> to vector<16xf32>
      %mul3A_588 = arith.constant 8 : i32
      %mul3A_589 = arith.muli %scan3A_554, %mul3A_588 : i32
      %add3A_590 = arith.constant 3 : i32
      %add3A_591 = arith.addi %mul3A_589, %add3A_590 : i32
      %mul3A_592 = arith.constant 16 : i32
      %mul3A_593 = arith.muli %add3A_591, %mul3A_592 : i32
      %get3A_594 = arith.index_cast %mul3A_593 : i32 to index
      %get3A_595 = tpu.vector_load %arg14[%get3A_594] {strides = array<i32>} : memref<1024xf32, #tpu.memory_space<vmem>>, vector<16xf32>,
      %get3A_596 = vector.shape_cast %get3A_595 : vector<16xf32> to vector<16xf32>
      %broadcast_in_dim3A_597 = vector.shape_cast %xor3A_30 : vector<16xi32> to vector<16x1xi32>
      %gather3A_598 = vector.shape_cast %broadcast_in_dim3A_597 : vector<16x1xi32> to vector<16xi32>
      %gather3A_599 = tpu.dynamic_gather %get3A_587[%gather3A_598] in [0] : vector<16xf32>, vector<16xi32> -> vector<16xf32>
      %add3A_600 = arith.addf %get3A_587, %gather3A_599 : vector<16xf32>
      %broadcast_in_dim3A_601 = vector.shape_cast %xor3A_30 : vector<16xi32> to vector<16x1xi32>
      %gather3A_602 = vector.shape_cast %broadcast_in_dim3A_601 : vector<16x1xi32> to vector<16xi32>
      %gather3A_603 = tpu.dynamic_gather %get3A_596[%gather3A_602] in [0] : vector<16xf32>, vector<16xi32> -> vector<16xf32>
      %add3A_604 = arith.addf %get3A_596, %gather3A_603 : vector<16xf32>
      %select_n3A_605 = arith.select %eq3A_47, %add3A_600, %add3A_604 : vector<16xi1>, vector<16xf32>
      %broadcast_in_dim3A_606 = vector.shape_cast %xor3A_33 : vector<16xi32> to vector<16x1xi32>
      %gather3A_607 = vector.shape_cast %broadcast_in_dim3A_606 : vector<16x1xi32> to vector<16xi32>
      %gather3A_608 = tpu.dynamic_gather %select_n3A[%gather3A_607] in [0] : vector<16xf32>, vector<16xi32> -> vector<16xf32>
      %add3A_609 = arith.addf %select_n3A, %gather3A_608 : vector<16xf32>
      %broadcast_in_dim3A_610 = vector.shape_cast %xor3A_33 : vector<16xi32> to vector<16x1xi32>
      %gather3A_611 = vector.shape_cast %broadcast_in_dim3A_610 : vector<16x1xi32> to vector<16xi32>
      %gather3A_612 = tpu.dynamic_gather %select_n3A_605[%gather3A_611] in [0] : vector<16xf32>, vector<16xi32> -> vector<16xf32>
      %add3A_613 = arith.addf %select_n3A_605, %gather3A_612 : vector<16xf32>
      %select_n3A_614 = arith.select %eq3A_53, %add3A_609, %add3A_613 : vector<16xi1>, vector<16xf32>
      %mul3A_615 = arith.constant 8 : i32
      %mul3A_616 = arith.muli %scan3A_554, %mul3A_615 : i32
      %add3A_617 = arith.constant 4 : i32
      %add3A_618 = arith.addi %mul3A_616, %add3A_617 : i32
      %mul3A_619 = arith.constant 16 : i32
      %mul3A_620 = arith.muli %add3A_618, %mul3A_619 : i32
      %get3A_621 = arith.index_cast %mul3A_620 : i32 to index
      %get3A_622 = tpu.vector_load %arg14[%get3A_621] {strides = array<i32>} : memref<1024xf32, #tpu.memory_space<vmem>>, vector<16xf32>,
      %get3A_623 = vector.shape_cast %get3A_622 : vector<16xf32> to vector<16xf32>
      %mul3A_624 = arith.constant 8 : i32
      %mul3A_625 = arith.muli %scan3A_554, %mul3A_624 : i32
      %add3A_626 = arith.constant 5 : i32
      %add3A_627 = arith.addi %mul3A_625, %add3A_626 : i32
      %mul3A_628 = arith.constant 16 : i32
      %mul3A_629 = arith.muli %add3A_627, %mul3A_628 : i32
      %get3A_630 = arith.index_cast %mul3A_629 : i32 to index
      %get3A_631 = tpu.vector_load %arg14[%get3A_630] {strides = array<i32>} : memref<1024xf32, #tpu.memory_space<vmem>>, vector<16xf32>,
      %get3A_632 = vector.shape_cast %get3A_631 : vector<16xf32> to vector<16xf32>
      %broadcast_in_dim3A_633 = vector.shape_cast %xor3A_30 : vector<16xi32> to vector<16x1xi32>
      %gather3A_634 = vector.shape_cast %broadcast_in_dim3A_633 : vector<16x1xi32> to vector<16xi32>
      %gather3A_635 = tpu.dynamic_gather %get3A_623[%gather3A_634] in [0] : vector<16xf32>, vector<16xi32> -> vector<16xf32>
      %add3A_636 = arith.addf %get3A_623, %gather3A_635 : vector<16xf32>
      %broadcast_in_dim3A_637 = vector.shape_cast %xor3A_30 : vector<16xi32> to vector<16x1xi32>
      %gather3A_638 = vector.shape_cast %broadcast_in_dim3A_637 : vector<16x1xi32> to vector<16xi32>
      %gather3A_639 = tpu.dynamic_gather %get3A_632[%gather3A_638] in [0] : vector<16xf32>, vector<16xi32> -> vector<16xf32>
      %add3A_640 = arith.addf %get3A_632, %gather3A_639 : vector<16xf32>
      %select_n3A_641 = arith.select %eq3A_47, %add3A_636, %add3A_640 : vector<16xi1>, vector<16xf32>
      %mul3A_642 = arith.constant 8 : i32
      %mul3A_643 = arith.muli %scan3A_554, %mul3A_642 : i32
      %add3A_644 = arith.constant 6 : i32
      %add3A_645 = arith.addi %mul3A_643, %add3A_644 : i32
      %mul3A_646 = arith.constant 16 : i32
      %mul3A_647 = arith.muli %add3A_645, %mul3A_646 : i32
      %get3A_648 = arith.index_cast %mul3A_647 : i32 to index
      %get3A_649 = tpu.vector_load %arg14[%get3A_648] {strides = array<i32>} : memref<1024xf32, #tpu.memory_space<vmem>>, vector<16xf32>,
      %get3A_650 = vector.shape_cast %get3A_649 : vector<16xf32> to vector<16xf32>
      %mul3A_651 = arith.constant 8 : i32
      %mul3A_652 = arith.muli %scan3A_554, %mul3A_651 : i32
      %add3A_653 = arith.constant 7 : i32
      %add3A_654 = arith.addi %mul3A_652, %add3A_653 : i32
      %mul3A_655 = arith.constant 16 : i32
      %mul3A_656 = arith.muli %add3A_654, %mul3A_655 : i32
      %get3A_657 = arith.index_cast %mul3A_656 : i32 to index
      %get3A_658 = tpu.vector_load %arg14[%get3A_657] {strides = array<i32>} : memref<1024xf32, #tpu.memory_space<vmem>>, vector<16xf32>,
      %get3A_659 = vector.shape_cast %get3A_658 : vector<16xf32> to vector<16xf32>
      %broadcast_in_dim3A_660 = vector.shape_cast %xor3A_30 : vector<16xi32> to vector<16x1xi32>
      %gather3A_661 = vector.shape_cast %broadcast_in_dim3A_660 : vector<16x1xi32> to vector<16xi32>
      %gather3A_662 = tpu.dynamic_gather %get3A_650[%gather3A_661] in [0] : vector<16xf32>, vector<16xi32> -> vector<16xf32>
      %add3A_663 = arith.addf %get3A_650, %gather3A_662 : vector<16xf32>
      %broadcast_in_dim3A_664 = vector.shape_cast %xor3A_30 : vector<16xi32> to vector<16x1xi32>
      %gather3A_665 = vector.shape_cast %broadcast_in_dim3A_664 : vector<16x1xi32> to vector<16xi32>
      %gather3A_666 = tpu.dynamic_gather %get3A_659[%gather3A_665] in [0] : vector<16xf32>, vector<16xi32> -> vector<16xf32>
      %add3A_667 = arith.addf %get3A_659, %gather3A_666 : vector<16xf32>
      %select_n3A_668 = arith.select %eq3A_47, %add3A_663, %add3A_667 : vector<16xi1>, vector<16xf32>
      %broadcast_in_dim3A_669 = vector.shape_cast %xor3A_33 : vector<16xi32> to vector<16x1xi32>
      %gather3A_670 = vector.shape_cast %broadcast_in_dim3A_669 : vector<16x1xi32> to vector<16xi32>
      %gather3A_671 = tpu.dynamic_gather %select_n3A_641[%gather3A_670] in [0] : vector<16xf32>, vector<16xi32> -> vector<16xf32>
      %add3A_672 = arith.addf %select_n3A_641, %gather3A_671 : vector<16xf32>
      %broadcast_in_dim3A_673 = vector.shape_cast %xor3A_33 : vector<16xi32> to vector<16x1xi32>
      %gather3A_674 = vector.shape_cast %broadcast_in_dim3A_673 : vector<16x1xi32> to vector<16xi32>
      %gather3A_675 = tpu.dynamic_gather %select_n3A_668[%gather3A_674] in [0] : vector<16xf32>, vector<16xi32> -> vector<16xf32>
      %add3A_676 = arith.addf %select_n3A_668, %gather3A_675 : vector<16xf32>
      %select_n3A_677 = arith.select %eq3A_53, %add3A_672, %add3A_676 : vector<16xi1>, vector<16xf32>
      %broadcast_in_dim3A_678 = vector.shape_cast %xor3A_36 : vector<16xi32> to vector<16x1xi32>
      %gather3A_679 = vector.shape_cast %broadcast_in_dim3A_678 : vector<16x1xi32> to vector<16xi32>
      %gather3A_680 = tpu.dynamic_gather %select_n3A_614[%gather3A_679] in [0] : vector<16xf32>, vector<16xi32> -> vector<16xf32>
      %add3A_681 = arith.addf %select_n3A_614, %gather3A_680 : vector<16xf32>
      %broadcast_in_dim3A_682 = vector.shape_cast %xor3A_36 : vector<16xi32> to vector<16x1xi32>
      %gather3A_683 = vector.shape_cast %broadcast_in_dim3A_682 : vector<16x1xi32> to vector<16xi32>
      %gather3A_684 = tpu.dynamic_gather %select_n3A_677[%gather3A_683] in [0] : vector<16xf32>, vector<16xi32> -> vector<16xf32>
      %add3A_685 = arith.addf %select_n3A_677, %gather3A_684 : vector<16xf32>
      %select_n3A_686 = arith.select %eq3A_59, %add3A_681, %add3A_685 : vector<16xi1>, vector<16xf32>
      %broadcast_in_dim3A_687 = vector.shape_cast %or3A_25 : vector<16xi32> to vector<16x1xi32>
      %gather3A_688 = vector.shape_cast %broadcast_in_dim3A_687 : vector<16x1xi32> to vector<16xi32>
      %gather3A_689 = tpu.dynamic_gather %select_n3A_686[%gather3A_688] in [0] : vector<16xf32>, vector<16xi32> -> vector<16xf32>
      %mul3A_690 = arith.constant 16 : i32
      %mul3A_691 = arith.muli %scan3A_554, %mul3A_690 : i32
      %add3A_692 = arith.constant 128 : i32
      %add3A_693 = arith.addi %add3A_692, %mul3A_691 : i32
      %swap3A = arith.index_cast %add3A_693 : i32 to index
      %swap3A_694 = tpu.vector_load %arg15[%swap3A] {strides = array<i32>} : memref<512xf32, #tpu.memory_space<vmem>>, vector<16xf32>,
      %swap3A_695 = vector.shape_cast %swap3A_694 : vector<16xf32> to vector<16xf32>
      %swap3A_696 = vector.shape_cast %gather3A_689 : vector<16xf32> to vector<16xf32>
      tpu.vector_store %arg15[%swap3A], %swap3A_696 {strides = array<i32>} : memref<512xf32, #tpu.memory_space<vmem>>, vector<16xf32>,
      %scan3A_697 = arith.constant 0 : i32
      scf.yield %scan3A_697 : i32
    }
    %scan3A_389 = arith.constant 8 : i32
    %add3A_390 = arith.constant 128 : i32
    %add3A_391 = arith.addi %mul3A_2, %add3A_390 : i32
    %dma_start3A_392 = arith.constant 128 : i32
    %dma_start3A_393 = tpu.memref_slice %arg15[%dma_start3A_392] : memref<512xf32, #tpu.memory_space<vmem>> -> memref<128xf32, #tpu.memory_space<vmem>>
    %dma_start3A_394 = tpu.memref_slice %arg7[%add3A_391] : memref<16384xf32, #tpu.memory_space<hbm>> -> memref<128xf32, #tpu.memory_space<hbm>>
    %dma_start3A_395 = tpu.memref_slice %arg7[%add3A_391] : memref<16384xf32, #tpu.memory_space<hbm>> -> memref<128xf32, #tpu.memory_space<hbm>>
    %dma_start3A_396 = arith.constant 128 : i32
    %dma_start3A_397 = tpu.memref_slice %arg15[%dma_start3A_396] : memref<512xf32, #tpu.memory_space<vmem>> -> memref<128xf32, #tpu.memory_space<vmem>>
    tpu.enqueue_dma source(%dma_start3A_397 : memref<128xf32, #tpu.memory_space<vmem>>) target(%dma_start3A_395 : memref<128xf32, #tpu.memory_space<hbm>>) target_semaphore(%arg18 : memref<!tpu.dma_semaphore, #tpu.memory_space<semaphore_mem>>)
    %dma_start3A_398 = arith.constant 0 : i32
    %dma_start3A_399 = arith.constant 0 : i32
    %dma_start3A_400 = arith.constant 0 : i32
    %dma_start3A_401 = tpu.memref_slice %arg11[%dma_start3A_398, %dma_start3A_399, %dma_start3A_400] : memref<2x128x128xf32, #tpu.memory_space<vmem>> -> memref<1x128x128xf32, #tpu.memory_space<vmem>>
    %dma_start3A_402 = tpu.memref_squeeze %dma_start3A_401 : memref<1x128x128xf32, #tpu.memory_space<vmem>> -> memref<128x128xf32, #tpu.memory_space<vmem>>
    %dma_start3A_403 = arith.constant 384 : i32
    %dma_start3A_404 = tpu.memref_slice %arg8[%dma_start3A_403] : memref<512xi32, #tpu.memory_space<vmem>> -> memref<128xi32, #tpu.memory_space<vmem>>
    %dma_start3A_405 = arith.constant 0 : i32
    %dma_start3A_406 = arith.constant 0 : i32
    %dma_start3A_407 = tpu.memref_slice %arg5[%dma_start3A_405, %dma_start3A_406] : memref<1000000x128xf32, #tpu.memory_space<hbm>> -> memref<1000000x128xf32, #tpu.memory_space<hbm>>
    tpu.enqueue_indirect_dma source(%dma_start3A_407 : memref<1000000x128xf32, #tpu.memory_space<hbm>>) target(%dma_start3A_402 : memref<128x128xf32, #tpu.memory_space<vmem>>) offsets(%dma_start3A_404 : memref<128xi32, #tpu.memory_space<vmem>>) semaphore(%arg16 : memref<!tpu.dma_semaphore, #tpu.memory_space<semaphore_mem>>)
    %dma_start3A_408 = arith.constant 0 : i32
    %dma_start3A_409 = arith.constant 0 : i32
    %dma_start3A_410 = arith.constant 0 : i32
    %dma_start3A_411 = tpu.memref_slice %arg12[%dma_start3A_408, %dma_start3A_409, %dma_start3A_410] : memref<2x128x128xf32, #tpu.memory_space<vmem>> -> memref<1x128x128xf32, #tpu.memory_space<vmem>>
    %dma_start3A_412 = tpu.memref_squeeze %dma_start3A_411 : memref<1x128x128xf32, #tpu.memory_space<vmem>> -> memref<128x128xf32, #tpu.memory_space<vmem>>
    %dma_start3A_413 = arith.constant 384 : i32
    %dma_start3A_414 = tpu.memref_slice %arg9[%dma_start3A_413] : memref<512xi32, #tpu.memory_space<vmem>> -> memref<128xi32, #tpu.memory_space<vmem>>
    %dma_start3A_415 = arith.constant 0 : i32
    %dma_start3A_416 = arith.constant 0 : i32
    %dma_start3A_417 = tpu.memref_slice %arg6[%dma_start3A_415, %dma_start3A_416] : memref<1000x128xf32, #tpu.memory_space<hbm>> -> memref<1000x128xf32, #tpu.memory_space<hbm>>
    tpu.enqueue_indirect_dma source(%dma_start3A_417 : memref<1000x128xf32, #tpu.memory_space<hbm>>) target(%dma_start3A_412 : memref<128x128xf32, #tpu.memory_space<vmem>>) offsets(%dma_start3A_414 : memref<128xi32, #tpu.memory_space<vmem>>) semaphore(%arg16 : memref<!tpu.dma_semaphore, #tpu.memory_space<semaphore_mem>>)
    %dma_start3A_418 = arith.constant 0 : i32
    %dma_start3A_419 = arith.constant 0 : i32
    %dma_start3A_420 = arith.constant 0 : i32
    %dma_start3A_421 = tpu.memref_slice %arg13[%dma_start3A_418, %dma_start3A_419, %dma_start3A_420] : memref<2x128x128xf32, #tpu.memory_space<vmem>> -> memref<1x128x128xf32, #tpu.memory_space<vmem>>
    %dma_start3A_422 = tpu.memref_squeeze %dma_start3A_421 : memref<1x128x128xf32, #tpu.memory_space<vmem>> -> memref<128x128xf32, #tpu.memory_space<vmem>>
    %dma_start3A_423 = arith.constant 384 : i32
    %dma_start3A_424 = tpu.memref_slice %arg10[%dma_start3A_423] : memref<512xi32, #tpu.memory_space<vmem>> -> memref<128xi32, #tpu.memory_space<vmem>>
    %dma_start3A_425 = arith.constant 0 : i32
    %dma_start3A_426 = arith.constant 0 : i32
    %dma_start3A_427 = tpu.memref_slice %arg5[%dma_start3A_425, %dma_start3A_426] : memref<1000000x128xf32, #tpu.memory_space<hbm>> -> memref<1000000x128xf32, #tpu.memory_space<hbm>>
    tpu.enqueue_indirect_dma source(%dma_start3A_427 : memref<1000000x128xf32, #tpu.memory_space<hbm>>) target(%dma_start3A_422 : memref<128x128xf32, #tpu.memory_space<vmem>>) offsets(%dma_start3A_424 : memref<128xi32, #tpu.memory_space<vmem>>) semaphore(%arg16 : memref<!tpu.dma_semaphore, #tpu.memory_space<semaphore_mem>>)
    %dma_wait3A_428 = arith.constant 1 : i32
    %dma_wait3A_429 = arith.constant 0 : i32
    %dma_wait3A_430 = arith.constant 0 : i32
    %dma_wait3A_431 = tpu.memref_slice %arg11[%dma_wait3A_428, %dma_wait3A_429, %dma_wait3A_430] : memref<2x128x128xf32, #tpu.memory_space<vmem>> -> memref<1x128x128xf32, #tpu.memory_space<vmem>>
    %dma_wait3A_432 = tpu.memref_squeeze %dma_wait3A_431 : memref<1x128x128xf32, #tpu.memory_space<vmem>> -> memref<128x128xf32, #tpu.memory_space<vmem>>
    %dma_wait3A_433 = arith.constant 256 : i32
    %dma_wait3A_434 = tpu.memref_slice %arg8[%dma_wait3A_433] : memref<512xi32, #tpu.memory_space<vmem>> -> memref<128xi32, #tpu.memory_space<vmem>>
    %dma_wait3A_435 = arith.constant 0 : i32
    %dma_wait3A_436 = arith.constant 0 : i32
    %dma_wait3A_437 = tpu.memref_slice %arg5[%dma_wait3A_435, %dma_wait3A_436] : memref<1000000x128xf32, #tpu.memory_space<hbm>> -> memref<1000000x128xf32, #tpu.memory_space<hbm>>
    tpu.wait_indirect_dma semaphore(%arg17 : memref<!tpu.dma_semaphore, #tpu.memory_space<semaphore_mem>>) src(%dma_wait3A_437 : memref<1000000x128xf32, #tpu.memory_space<hbm>>) dst(%dma_wait3A_432 : memref<128x128xf32, #tpu.memory_space<vmem>>)
    %dma_wait3A_438 = arith.constant 1 : i32
    %dma_wait3A_439 = arith.constant 0 : i32
    %dma_wait3A_440 = arith.constant 0 : i32
    %dma_wait3A_441 = tpu.memref_slice %arg12[%dma_wait3A_438, %dma_wait3A_439, %dma_wait3A_440] : memref<2x128x128xf32, #tpu.memory_space<vmem>> -> memref<1x128x128xf32, #tpu.memory_space<vmem>>
    %dma_wait3A_442 = tpu.memref_squeeze %dma_wait3A_441 : memref<1x128x128xf32, #tpu.memory_space<vmem>> -> memref<128x128xf32, #tpu.memory_space<vmem>>
    %dma_wait3A_443 = arith.constant 256 : i32
    %dma_wait3A_444 = tpu.memref_slice %arg9[%dma_wait3A_443] : memref<512xi32, #tpu.memory_space<vmem>> -> memref<128xi32, #tpu.memory_space<vmem>>
    %dma_wait3A_445 = arith.constant 0 : i32
    %dma_wait3A_446 = arith.constant 0 : i32
    %dma_wait3A_447 = tpu.memref_slice %arg6[%dma_wait3A_445, %dma_wait3A_446] : memref<1000x128xf32, #tpu.memory_space<hbm>> -> memref<1000x128xf32, #tpu.memory_space<hbm>>
    tpu.wait_indirect_dma semaphore(%arg17 : memref<!tpu.dma_semaphore, #tpu.memory_space<semaphore_mem>>) src(%dma_wait3A_447 : memref<1000x128xf32, #tpu.memory_space<hbm>>) dst(%dma_wait3A_442 : memref<128x128xf32, #tpu.memory_space<vmem>>)
    %dma_wait3A_448 = arith.constant 1 : i32
    %dma_wait3A_449 = arith.constant 0 : i32
    %dma_wait3A_450 = arith.constant 0 : i32
    %dma_wait3A_451 = tpu.memref_slice %arg13[%dma_wait3A_448, %dma_wait3A_449, %dma_wait3A_450] : memref<2x128x128xf32, #tpu.memory_space<vmem>> -> memref<1x128x128xf32, #tpu.memory_space<vmem>>
    %dma_wait3A_452 = tpu.memref_squeeze %dma_wait3A_451 : memref<1x128x128xf32, #tpu.memory_space<vmem>> -> memref<128x128xf32, #tpu.memory_space<vmem>>
    %dma_wait3A_453 = arith.constant 256 : i32
    %dma_wait3A_454 = tpu.memref_slice %arg10[%dma_wait3A_453] : memref<512xi32, #tpu.memory_space<vmem>> -> memref<128xi32, #tpu.memory_space<vmem>>
    %dma_wait3A_455 = arith.constant 0 : i32
    %dma_wait3A_456 = arith.constant 0 : i32
    %dma_wait3A_457 = tpu.memref_slice %arg5[%dma_wait3A_455, %dma_wait3A_456] : memref<1000000x128xf32, #tpu.memory_space<hbm>> -> memref<1000000x128xf32, #tpu.memory_space<hbm>>
    tpu.wait_indirect_dma semaphore(%arg17 : memref<!tpu.dma_semaphore, #tpu.memory_space<semaphore_mem>>) src(%dma_wait3A_457 : memref<1000000x128xf32, #tpu.memory_space<hbm>>) dst(%dma_wait3A_452 : memref<128x128xf32, #tpu.memory_space<vmem>>)
    %parallel_loop3A_458 = arith.constant 0 : i32
    %parallel_loop3A_459 = arith.constant 64 : i32
    %parallel_loop3A_460 = arith.constant 1 : i32
    scf.for %parallel_loop3A_554 = %parallel_loop3A_458 to %parallel_loop3A_459 step %parallel_loop3A_460  : i32 {
      %parallel_loop3A_555 = arith.constant 2 : i32
      %parallel_loop3A_556 = arith.muli %parallel_loop3A_555, %parallel_loop3A_554 : i32
      %parallel_loop3A_557 = arith.constant 0.000000e+00 : f32
      %parallel_loop3A_558 = vector.broadcast %parallel_loop3A_557 : f32 to vector<16xf32>
      %parallel_loop3A_559 = arith.constant 1 : i32
      %parallel_loop3A_560 = arith.index_cast %parallel_loop3A_559 : i32 to index
      %parallel_loop3A_561 = arith.index_cast %parallel_loop3A_556 : i32 to index
      %parallel_loop3A_562 = arith.constant 0 : index
      %parallel_loop3A_563 = tpu.vector_load %arg11[%parallel_loop3A_560, %parallel_loop3A_561, %parallel_loop3A_562] {strides = array<i32>} : memref<2x128x128xf32, #tpu.memory_space<vmem>>, vector<1x1x16xf32>,
      %parallel_loop3A_564 = vector.shape_cast %parallel_loop3A_563 : vector<1x1x16xf32> to vector<16xf32>
      %parallel_loop3A_565 = arith.constant 1 : i32
      %parallel_loop3A_566 = arith.index_cast %parallel_loop3A_565 : i32 to index
      %parallel_loop3A_567 = arith.index_cast %parallel_loop3A_556 : i32 to index
      %parallel_loop3A_568 = arith.constant 64 : index
      %parallel_loop3A_569 = tpu.vector_load %arg11[%parallel_loop3A_566, %parallel_loop3A_567, %parallel_loop3A_568] {strides = array<i32>} : memref<2x128x128xf32, #tpu.memory_space<vmem>>, vector<1x1x16xf32>,
      %parallel_loop3A_570 = vector.shape_cast %parallel_loop3A_569 : vector<1x1x16xf32> to vector<16xf32>
      %parallel_loop3A_571 = arith.constant 1 : i32
      %parallel_loop3A_572 = arith.index_cast %parallel_loop3A_571 : i32 to index
      %parallel_loop3A_573 = arith.index_cast %parallel_loop3A_556 : i32 to index
      %parallel_loop3A_574 = arith.constant 0 : index
      %parallel_loop3A_575 = tpu.vector_load %arg12[%parallel_loop3A_572, %parallel_loop3A_573, %parallel_loop3A_574] {strides = array<i32>} : memref<2x128x128xf32, #tpu.memory_space<vmem>>, vector<1x1x16xf32>,
      %parallel_loop3A_576 = vector.shape_cast %parallel_loop3A_575 : vector<1x1x16xf32> to vector<16xf32>
      %parallel_loop3A_577 = arith.constant 1 : i32
      %parallel_loop3A_578 = arith.index_cast %parallel_loop3A_577 : i32 to index
      %parallel_loop3A_579 = arith.index_cast %parallel_loop3A_556 : i32 to index
      %parallel_loop3A_580 = arith.constant 64 : index
      %parallel_loop3A_581 = tpu.vector_load %arg12[%parallel_loop3A_578, %parallel_loop3A_579, %parallel_loop3A_580] {strides = array<i32>} : memref<2x128x128xf32, #tpu.memory_space<vmem>>, vector<1x1x16xf32>,
      %parallel_loop3A_582 = vector.shape_cast %parallel_loop3A_581 : vector<1x1x16xf32> to vector<16xf32>
      %parallel_loop3A_583 = arith.constant 1 : i32
      %parallel_loop3A_584 = arith.index_cast %parallel_loop3A_583 : i32 to index
      %parallel_loop3A_585 = arith.index_cast %parallel_loop3A_556 : i32 to index
      %parallel_loop3A_586 = arith.constant 0 : index
      %parallel_loop3A_587 = tpu.vector_load %arg13[%parallel_loop3A_584, %parallel_loop3A_585, %parallel_loop3A_586] {strides = array<i32>} : memref<2x128x128xf32, #tpu.memory_space<vmem>>, vector<1x1x16xf32>,
      %parallel_loop3A_588 = vector.shape_cast %parallel_loop3A_587 : vector<1x1x16xf32> to vector<16xf32>
      %parallel_loop3A_589 = arith.constant 1 : i32
      %parallel_loop3A_590 = arith.index_cast %parallel_loop3A_589 : i32 to index
      %parallel_loop3A_591 = arith.index_cast %parallel_loop3A_556 : i32 to index
      %parallel_loop3A_592 = arith.constant 64 : index
      %parallel_loop3A_593 = tpu.vector_load %arg13[%parallel_loop3A_590, %parallel_loop3A_591, %parallel_loop3A_592] {strides = array<i32>} : memref<2x128x128xf32, #tpu.memory_space<vmem>>, vector<1x1x16xf32>,
      %parallel_loop3A_594 = vector.shape_cast %parallel_loop3A_593 : vector<1x1x16xf32> to vector<16xf32>
      %parallel_loop3A_595 = arith.mulf %parallel_loop3A_564, %parallel_loop3A_576 : vector<16xf32>
      %parallel_loop3A_596 = arith.mulf %parallel_loop3A_570, %parallel_loop3A_582 : vector<16xf32>
      %parallel_loop3A_597 = arith.subf %parallel_loop3A_595, %parallel_loop3A_596 : vector<16xf32>
      %parallel_loop3A_598 = arith.mulf %parallel_loop3A_564, %parallel_loop3A_582 : vector<16xf32>
      %parallel_loop3A_599 = arith.mulf %parallel_loop3A_570, %parallel_loop3A_576 : vector<16xf32>
      %parallel_loop3A_600 = arith.addf %parallel_loop3A_598, %parallel_loop3A_599 : vector<16xf32>
      %parallel_loop3A_601 = arith.mulf %parallel_loop3A_597, %parallel_loop3A_588 : vector<16xf32>
      %parallel_loop3A_602 = arith.addf %parallel_loop3A_558, %parallel_loop3A_601 : vector<16xf32>
      %parallel_loop3A_603 = arith.mulf %parallel_loop3A_600, %parallel_loop3A_594 : vector<16xf32>
      %parallel_loop3A_604 = arith.addf %parallel_loop3A_602, %parallel_loop3A_603 : vector<16xf32>
      %parallel_loop3A_605 = arith.constant 1 : i32
      %parallel_loop3A_606 = arith.index_cast %parallel_loop3A_605 : i32 to index
      %parallel_loop3A_607 = arith.index_cast %parallel_loop3A_556 : i32 to index
      %parallel_loop3A_608 = arith.constant 16 : index
      %parallel_loop3A_609 = tpu.vector_load %arg11[%parallel_loop3A_606, %parallel_loop3A_607, %parallel_loop3A_608] {strides = array<i32>} : memref<2x128x128xf32, #tpu.memory_space<vmem>>, vector<1x1x16xf32>,
      %parallel_loop3A_610 = vector.shape_cast %parallel_loop3A_609 : vector<1x1x16xf32> to vector<16xf32>
      %parallel_loop3A_611 = arith.constant 1 : i32
      %parallel_loop3A_612 = arith.index_cast %parallel_loop3A_611 : i32 to index
      %parallel_loop3A_613 = arith.index_cast %parallel_loop3A_556 : i32 to index
      %parallel_loop3A_614 = arith.constant 80 : index
      %parallel_loop3A_615 = tpu.vector_load %arg11[%parallel_loop3A_612, %parallel_loop3A_613, %parallel_loop3A_614] {strides = array<i32>} : memref<2x128x128xf32, #tpu.memory_space<vmem>>, vector<1x1x16xf32>,
      %parallel_loop3A_616 = vector.shape_cast %parallel_loop3A_615 : vector<1x1x16xf32> to vector<16xf32>
      %parallel_loop3A_617 = arith.constant 1 : i32
      %parallel_loop3A_618 = arith.index_cast %parallel_loop3A_617 : i32 to index
      %parallel_loop3A_619 = arith.index_cast %parallel_loop3A_556 : i32 to index
      %parallel_loop3A_620 = arith.constant 16 : index
      %parallel_loop3A_621 = tpu.vector_load %arg12[%parallel_loop3A_618, %parallel_loop3A_619, %parallel_loop3A_620] {strides = array<i32>} : memref<2x128x128xf32, #tpu.memory_space<vmem>>, vector<1x1x16xf32>,
      %parallel_loop3A_622 = vector.shape_cast %parallel_loop3A_621 : vector<1x1x16xf32> to vector<16xf32>
      %parallel_loop3A_623 = arith.constant 1 : i32
      %parallel_loop3A_624 = arith.index_cast %parallel_loop3A_623 : i32 to index
      %parallel_loop3A_625 = arith.index_cast %parallel_loop3A_556 : i32 to index
      %parallel_loop3A_626 = arith.constant 80 : index
      %parallel_loop3A_627 = tpu.vector_load %arg12[%parallel_loop3A_624, %parallel_loop3A_625, %parallel_loop3A_626] {strides = array<i32>} : memref<2x128x128xf32, #tpu.memory_space<vmem>>, vector<1x1x16xf32>,
      %parallel_loop3A_628 = vector.shape_cast %parallel_loop3A_627 : vector<1x1x16xf32> to vector<16xf32>
      %parallel_loop3A_629 = arith.constant 1 : i32
      %parallel_loop3A_630 = arith.index_cast %parallel_loop3A_629 : i32 to index
      %parallel_loop3A_631 = arith.index_cast %parallel_loop3A_556 : i32 to index
      %parallel_loop3A_632 = arith.constant 16 : index
      %parallel_loop3A_633 = tpu.vector_load %arg13[%parallel_loop3A_630, %parallel_loop3A_631, %parallel_loop3A_632] {strides = array<i32>} : memref<2x128x128xf32, #tpu.memory_space<vmem>>, vector<1x1x16xf32>,
      %parallel_loop3A_634 = vector.shape_cast %parallel_loop3A_633 : vector<1x1x16xf32> to vector<16xf32>
      %parallel_loop3A_635 = arith.constant 1 : i32
      %parallel_loop3A_636 = arith.index_cast %parallel_loop3A_635 : i32 to index
      %parallel_loop3A_637 = arith.index_cast %parallel_loop3A_556 : i32 to index
      %parallel_loop3A_638 = arith.constant 80 : index
      %parallel_loop3A_639 = tpu.vector_load %arg13[%parallel_loop3A_636, %parallel_loop3A_637, %parallel_loop3A_638] {strides = array<i32>} : memref<2x128x128xf32, #tpu.memory_space<vmem>>, vector<1x1x16xf32>,
      %parallel_loop3A_640 = vector.shape_cast %parallel_loop3A_639 : vector<1x1x16xf32> to vector<16xf32>
      %parallel_loop3A_641 = arith.mulf %parallel_loop3A_610, %parallel_loop3A_622 : vector<16xf32>
      %parallel_loop3A_642 = arith.mulf %parallel_loop3A_616, %parallel_loop3A_628 : vector<16xf32>
      %parallel_loop3A_643 = arith.subf %parallel_loop3A_641, %parallel_loop3A_642 : vector<16xf32>
      %parallel_loop3A_644 = arith.mulf %parallel_loop3A_610, %parallel_loop3A_628 : vector<16xf32>
      %parallel_loop3A_645 = arith.mulf %parallel_loop3A_616, %parallel_loop3A_622 : vector<16xf32>
      %parallel_loop3A_646 = arith.addf %parallel_loop3A_644, %parallel_loop3A_645 : vector<16xf32>
      %parallel_loop3A_647 = arith.mulf %parallel_loop3A_643, %parallel_loop3A_634 : vector<16xf32>
      %parallel_loop3A_648 = arith.addf %parallel_loop3A_604, %parallel_loop3A_647 : vector<16xf32>
      %parallel_loop3A_649 = arith.mulf %parallel_loop3A_646, %parallel_loop3A_640 : vector<16xf32>
      %parallel_loop3A_650 = arith.addf %parallel_loop3A_648, %parallel_loop3A_649 : vector<16xf32>
      %parallel_loop3A_651 = arith.constant 1 : i32
      %parallel_loop3A_652 = arith.index_cast %parallel_loop3A_651 : i32 to index
      %parallel_loop3A_653 = arith.index_cast %parallel_loop3A_556 : i32 to index
      %parallel_loop3A_654 = arith.constant 32 : index
      %parallel_loop3A_655 = tpu.vector_load %arg11[%parallel_loop3A_652, %parallel_loop3A_653, %parallel_loop3A_654] {strides = array<i32>} : memref<2x128x128xf32, #tpu.memory_space<vmem>>, vector<1x1x16xf32>,
      %parallel_loop3A_656 = vector.shape_cast %parallel_loop3A_655 : vector<1x1x16xf32> to vector<16xf32>
      %parallel_loop3A_657 = arith.constant 1 : i32
      %parallel_loop3A_658 = arith.index_cast %parallel_loop3A_657 : i32 to index
      %parallel_loop3A_659 = arith.index_cast %parallel_loop3A_556 : i32 to index
      %parallel_loop3A_660 = arith.constant 96 : index
      %parallel_loop3A_661 = tpu.vector_load %arg11[%parallel_loop3A_658, %parallel_loop3A_659, %parallel_loop3A_660] {strides = array<i32>} : memref<2x128x128xf32, #tpu.memory_space<vmem>>, vector<1x1x16xf32>,
      %parallel_loop3A_662 = vector.shape_cast %parallel_loop3A_661 : vector<1x1x16xf32> to vector<16xf32>
      %parallel_loop3A_663 = arith.constant 1 : i32
      %parallel_loop3A_664 = arith.index_cast %parallel_loop3A_663 : i32 to index
      %parallel_loop3A_665 = arith.index_cast %parallel_loop3A_556 : i32 to index
      %parallel_loop3A_666 = arith.constant 32 : index
      %parallel_loop3A_667 = tpu.vector_load %arg12[%parallel_loop3A_664, %parallel_loop3A_665, %parallel_loop3A_666] {strides = array<i32>} : memref<2x128x128xf32, #tpu.memory_space<vmem>>, vector<1x1x16xf32>,
      %parallel_loop3A_668 = vector.shape_cast %parallel_loop3A_667 : vector<1x1x16xf32> to vector<16xf32>
      %parallel_loop3A_669 = arith.constant 1 : i32
      %parallel_loop3A_670 = arith.index_cast %parallel_loop3A_669 : i32 to index
      %parallel_loop3A_671 = arith.index_cast %parallel_loop3A_556 : i32 to index
      %parallel_loop3A_672 = arith.constant 96 : index
      %parallel_loop3A_673 = tpu.vector_load %arg12[%parallel_loop3A_670, %parallel_loop3A_671, %parallel_loop3A_672] {strides = array<i32>} : memref<2x128x128xf32, #tpu.memory_space<vmem>>, vector<1x1x16xf32>,
      %parallel_loop3A_674 = vector.shape_cast %parallel_loop3A_673 : vector<1x1x16xf32> to vector<16xf32>
      %parallel_loop3A_675 = arith.constant 1 : i32
      %parallel_loop3A_676 = arith.index_cast %parallel_loop3A_675 : i32 to index
      %parallel_loop3A_677 = arith.index_cast %parallel_loop3A_556 : i32 to index
      %parallel_loop3A_678 = arith.constant 32 : index
      %parallel_loop3A_679 = tpu.vector_load %arg13[%parallel_loop3A_676, %parallel_loop3A_677, %parallel_loop3A_678] {strides = array<i32>} : memref<2x128x128xf32, #tpu.memory_space<vmem>>, vector<1x1x16xf32>,
      %parallel_loop3A_680 = vector.shape_cast %parallel_loop3A_679 : vector<1x1x16xf32> to vector<16xf32>
      %parallel_loop3A_681 = arith.constant 1 : i32
      %parallel_loop3A_682 = arith.index_cast %parallel_loop3A_681 : i32 to index
      %parallel_loop3A_683 = arith.index_cast %parallel_loop3A_556 : i32 to index
      %parallel_loop3A_684 = arith.constant 96 : index
      %parallel_loop3A_685 = tpu.vector_load %arg13[%parallel_loop3A_682, %parallel_loop3A_683, %parallel_loop3A_684] {strides = array<i32>} : memref<2x128x128xf32, #tpu.memory_space<vmem>>, vector<1x1x16xf32>,
      %parallel_loop3A_686 = vector.shape_cast %parallel_loop3A_685 : vector<1x1x16xf32> to vector<16xf32>
      %parallel_loop3A_687 = arith.mulf %parallel_loop3A_656, %parallel_loop3A_668 : vector<16xf32>
      %parallel_loop3A_688 = arith.mulf %parallel_loop3A_662, %parallel_loop3A_674 : vector<16xf32>
      %parallel_loop3A_689 = arith.subf %parallel_loop3A_687, %parallel_loop3A_688 : vector<16xf32>
      %parallel_loop3A_690 = arith.mulf %parallel_loop3A_656, %parallel_loop3A_674 : vector<16xf32>
      %parallel_loop3A_691 = arith.mulf %parallel_loop3A_662, %parallel_loop3A_668 : vector<16xf32>
      %parallel_loop3A_692 = arith.addf %parallel_loop3A_690, %parallel_loop3A_691 : vector<16xf32>
      %parallel_loop3A_693 = arith.mulf %parallel_loop3A_689, %parallel_loop3A_680 : vector<16xf32>
      %parallel_loop3A_694 = arith.addf %parallel_loop3A_650, %parallel_loop3A_693 : vector<16xf32>
      %parallel_loop3A_695 = arith.mulf %parallel_loop3A_692, %parallel_loop3A_686 : vector<16xf32>
      %parallel_loop3A_696 = arith.addf %parallel_loop3A_694, %parallel_loop3A_695 : vector<16xf32>
      %parallel_loop3A_697 = arith.constant 1 : i32
      %parallel_loop3A_698 = arith.index_cast %parallel_loop3A_697 : i32 to index
      %parallel_loop3A_699 = arith.index_cast %parallel_loop3A_556 : i32 to index
      %parallel_loop3A_700 = arith.constant 48 : index
      %parallel_loop3A_701 = tpu.vector_load %arg11[%parallel_loop3A_698, %parallel_loop3A_699, %parallel_loop3A_700] {strides = array<i32>} : memref<2x128x128xf32, #tpu.memory_space<vmem>>, vector<1x1x16xf32>,
      %parallel_loop3A_702 = vector.shape_cast %parallel_loop3A_701 : vector<1x1x16xf32> to vector<16xf32>
      %parallel_loop3A_703 = arith.constant 1 : i32
      %parallel_loop3A_704 = arith.index_cast %parallel_loop3A_703 : i32 to index
      %parallel_loop3A_705 = arith.index_cast %parallel_loop3A_556 : i32 to index
      %parallel_loop3A_706 = arith.constant 112 : index
      %parallel_loop3A_707 = tpu.vector_load %arg11[%parallel_loop3A_704, %parallel_loop3A_705, %parallel_loop3A_706] {strides = array<i32>} : memref<2x128x128xf32, #tpu.memory_space<vmem>>, vector<1x1x16xf32>,
      %parallel_loop3A_708 = vector.shape_cast %parallel_loop3A_707 : vector<1x1x16xf32> to vector<16xf32>
      %parallel_loop3A_709 = arith.constant 1 : i32
      %parallel_loop3A_710 = arith.index_cast %parallel_loop3A_709 : i32 to index
      %parallel_loop3A_711 = arith.index_cast %parallel_loop3A_556 : i32 to index
      %parallel_loop3A_712 = arith.constant 48 : index
      %parallel_loop3A_713 = tpu.vector_load %arg12[%parallel_loop3A_710, %parallel_loop3A_711, %parallel_loop3A_712] {strides = array<i32>} : memref<2x128x128xf32, #tpu.memory_space<vmem>>, vector<1x1x16xf32>,
      %parallel_loop3A_714 = vector.shape_cast %parallel_loop3A_713 : vector<1x1x16xf32> to vector<16xf32>
      %parallel_loop3A_715 = arith.constant 1 : i32
      %parallel_loop3A_716 = arith.index_cast %parallel_loop3A_715 : i32 to index
      %parallel_loop3A_717 = arith.index_cast %parallel_loop3A_556 : i32 to index
      %parallel_loop3A_718 = arith.constant 112 : index
      %parallel_loop3A_719 = tpu.vector_load %arg12[%parallel_loop3A_716, %parallel_loop3A_717, %parallel_loop3A_718] {strides = array<i32>} : memref<2x128x128xf32, #tpu.memory_space<vmem>>, vector<1x1x16xf32>,
      %parallel_loop3A_720 = vector.shape_cast %parallel_loop3A_719 : vector<1x1x16xf32> to vector<16xf32>
      %parallel_loop3A_721 = arith.constant 1 : i32
      %parallel_loop3A_722 = arith.index_cast %parallel_loop3A_721 : i32 to index
      %parallel_loop3A_723 = arith.index_cast %parallel_loop3A_556 : i32 to index
      %parallel_loop3A_724 = arith.constant 48 : index
      %parallel_loop3A_725 = tpu.vector_load %arg13[%parallel_loop3A_722, %parallel_loop3A_723, %parallel_loop3A_724] {strides = array<i32>} : memref<2x128x128xf32, #tpu.memory_space<vmem>>, vector<1x1x16xf32>,
      %parallel_loop3A_726 = vector.shape_cast %parallel_loop3A_725 : vector<1x1x16xf32> to vector<16xf32>
      %parallel_loop3A_727 = arith.constant 1 : i32
      %parallel_loop3A_728 = arith.index_cast %parallel_loop3A_727 : i32 to index
      %parallel_loop3A_729 = arith.index_cast %parallel_loop3A_556 : i32 to index
      %parallel_loop3A_730 = arith.constant 112 : index
      %parallel_loop3A_731 = tpu.vector_load %arg13[%parallel_loop3A_728, %parallel_loop3A_729, %parallel_loop3A_730] {strides = array<i32>} : memref<2x128x128xf32, #tpu.memory_space<vmem>>, vector<1x1x16xf32>,
      %parallel_loop3A_732 = vector.shape_cast %parallel_loop3A_731 : vector<1x1x16xf32> to vector<16xf32>
      %parallel_loop3A_733 = arith.mulf %parallel_loop3A_702, %parallel_loop3A_714 : vector<16xf32>
      %parallel_loop3A_734 = arith.mulf %parallel_loop3A_708, %parallel_loop3A_720 : vector<16xf32>
      %parallel_loop3A_735 = arith.subf %parallel_loop3A_733, %parallel_loop3A_734 : vector<16xf32>
      %parallel_loop3A_736 = arith.mulf %parallel_loop3A_702, %parallel_loop3A_720 : vector<16xf32>
      %parallel_loop3A_737 = arith.mulf %parallel_loop3A_708, %parallel_loop3A_714 : vector<16xf32>
      %parallel_loop3A_738 = arith.addf %parallel_loop3A_736, %parallel_loop3A_737 : vector<16xf32>
      %parallel_loop3A_739 = arith.mulf %parallel_loop3A_735, %parallel_loop3A_726 : vector<16xf32>
      %parallel_loop3A_740 = arith.addf %parallel_loop3A_696, %parallel_loop3A_739 : vector<16xf32>
      %parallel_loop3A_741 = arith.mulf %parallel_loop3A_738, %parallel_loop3A_732 : vector<16xf32>
      %parallel_loop3A_742 = arith.addf %parallel_loop3A_740, %parallel_loop3A_741 : vector<16xf32>
      %parallel_loop3A_743 = arith.constant 2 : i32
      %parallel_loop3A_744 = arith.muli %parallel_loop3A_743, %parallel_loop3A_554 : i32
      %parallel_loop3A_745 = arith.constant 1 : i32
      %parallel_loop3A_746 = arith.addi %parallel_loop3A_744, %parallel_loop3A_745 : i32
      %parallel_loop3A_747 = arith.constant 0.000000e+00 : f32
      %parallel_loop3A_748 = vector.broadcast %parallel_loop3A_747 : f32 to vector<16xf32>
      %parallel_loop3A_749 = arith.constant 1 : i32
      %parallel_loop3A_750 = arith.index_cast %parallel_loop3A_749 : i32 to index
      %parallel_loop3A_751 = arith.index_cast %parallel_loop3A_746 : i32 to index
      %parallel_loop3A_752 = arith.constant 0 : index
      %parallel_loop3A_753 = tpu.vector_load %arg11[%parallel_loop3A_750, %parallel_loop3A_751, %parallel_loop3A_752] {strides = array<i32>} : memref<2x128x128xf32, #tpu.memory_space<vmem>>, vector<1x1x16xf32>,
      %parallel_loop3A_754 = vector.shape_cast %parallel_loop3A_753 : vector<1x1x16xf32> to vector<16xf32>
      %parallel_loop3A_755 = arith.constant 1 : i32
      %parallel_loop3A_756 = arith.index_cast %parallel_loop3A_755 : i32 to index
      %parallel_loop3A_757 = arith.index_cast %parallel_loop3A_746 : i32 to index
      %parallel_loop3A_758 = arith.constant 64 : index
      %parallel_loop3A_759 = tpu.vector_load %arg11[%parallel_loop3A_756, %parallel_loop3A_757, %parallel_loop3A_758] {strides = array<i32>} : memref<2x128x128xf32, #tpu.memory_space<vmem>>, vector<1x1x16xf32>,
      %parallel_loop3A_760 = vector.shape_cast %parallel_loop3A_759 : vector<1x1x16xf32> to vector<16xf32>
      %parallel_loop3A_761 = arith.constant 1 : i32
      %parallel_loop3A_762 = arith.index_cast %parallel_loop3A_761 : i32 to index
      %parallel_loop3A_763 = arith.index_cast %parallel_loop3A_746 : i32 to index
      %parallel_loop3A_764 = arith.constant 0 : index
      %parallel_loop3A_765 = tpu.vector_load %arg12[%parallel_loop3A_762, %parallel_loop3A_763, %parallel_loop3A_764] {strides = array<i32>} : memref<2x128x128xf32, #tpu.memory_space<vmem>>, vector<1x1x16xf32>,
      %parallel_loop3A_766 = vector.shape_cast %parallel_loop3A_765 : vector<1x1x16xf32> to vector<16xf32>
      %parallel_loop3A_767 = arith.constant 1 : i32
      %parallel_loop3A_768 = arith.index_cast %parallel_loop3A_767 : i32 to index
      %parallel_loop3A_769 = arith.index_cast %parallel_loop3A_746 : i32 to index
      %parallel_loop3A_770 = arith.constant 64 : index
      %parallel_loop3A_771 = tpu.vector_load %arg12[%parallel_loop3A_768, %parallel_loop3A_769, %parallel_loop3A_770] {strides = array<i32>} : memref<2x128x128xf32, #tpu.memory_space<vmem>>, vector<1x1x16xf32>,
      %parallel_loop3A_772 = vector.shape_cast %parallel_loop3A_771 : vector<1x1x16xf32> to vector<16xf32>
      %parallel_loop3A_773 = arith.constant 1 : i32
      %parallel_loop3A_774 = arith.index_cast %parallel_loop3A_773 : i32 to index
      %parallel_loop3A_775 = arith.index_cast %parallel_loop3A_746 : i32 to index
      %parallel_loop3A_776 = arith.constant 0 : index
      %parallel_loop3A_777 = tpu.vector_load %arg13[%parallel_loop3A_774, %parallel_loop3A_775, %parallel_loop3A_776] {strides = array<i32>} : memref<2x128x128xf32, #tpu.memory_space<vmem>>, vector<1x1x16xf32>,
      %parallel_loop3A_778 = vector.shape_cast %parallel_loop3A_777 : vector<1x1x16xf32> to vector<16xf32>
      %parallel_loop3A_779 = arith.constant 1 : i32
      %parallel_loop3A_780 = arith.index_cast %parallel_loop3A_779 : i32 to index
      %parallel_loop3A_781 = arith.index_cast %parallel_loop3A_746 : i32 to index
      %parallel_loop3A_782 = arith.constant 64 : index
      %parallel_loop3A_783 = tpu.vector_load %arg13[%parallel_loop3A_780, %parallel_loop3A_781, %parallel_loop3A_782] {strides = array<i32>} : memref<2x128x128xf32, #tpu.memory_space<vmem>>, vector<1x1x16xf32>,
      %parallel_loop3A_784 = vector.shape_cast %parallel_loop3A_783 : vector<1x1x16xf32> to vector<16xf32>
      %parallel_loop3A_785 = arith.mulf %parallel_loop3A_754, %parallel_loop3A_766 : vector<16xf32>
      %parallel_loop3A_786 = arith.mulf %parallel_loop3A_760, %parallel_loop3A_772 : vector<16xf32>
      %parallel_loop3A_787 = arith.subf %parallel_loop3A_785, %parallel_loop3A_786 : vector<16xf32>
      %parallel_loop3A_788 = arith.mulf %parallel_loop3A_754, %parallel_loop3A_772 : vector<16xf32>
      %parallel_loop3A_789 = arith.mulf %parallel_loop3A_760, %parallel_loop3A_766 : vector<16xf32>
      %parallel_loop3A_790 = arith.addf %parallel_loop3A_788, %parallel_loop3A_789 : vector<16xf32>
      %parallel_loop3A_791 = arith.mulf %parallel_loop3A_787, %parallel_loop3A_778 : vector<16xf32>
      %parallel_loop3A_792 = arith.addf %parallel_loop3A_748, %parallel_loop3A_791 : vector<16xf32>
      %parallel_loop3A_793 = arith.mulf %parallel_loop3A_790, %parallel_loop3A_784 : vector<16xf32>
      %parallel_loop3A_794 = arith.addf %parallel_loop3A_792, %parallel_loop3A_793 : vector<16xf32>
      %parallel_loop3A_795 = arith.constant 1 : i32
      %parallel_loop3A_796 = arith.index_cast %parallel_loop3A_795 : i32 to index
      %parallel_loop3A_797 = arith.index_cast %parallel_loop3A_746 : i32 to index
      %parallel_loop3A_798 = arith.constant 16 : index
      %parallel_loop3A_799 = tpu.vector_load %arg11[%parallel_loop3A_796, %parallel_loop3A_797, %parallel_loop3A_798] {strides = array<i32>} : memref<2x128x128xf32, #tpu.memory_space<vmem>>, vector<1x1x16xf32>,
      %parallel_loop3A_800 = vector.shape_cast %parallel_loop3A_799 : vector<1x1x16xf32> to vector<16xf32>
      %parallel_loop3A_801 = arith.constant 1 : i32
      %parallel_loop3A_802 = arith.index_cast %parallel_loop3A_801 : i32 to index
      %parallel_loop3A_803 = arith.index_cast %parallel_loop3A_746 : i32 to index
      %parallel_loop3A_804 = arith.constant 80 : index
      %parallel_loop3A_805 = tpu.vector_load %arg11[%parallel_loop3A_802, %parallel_loop3A_803, %parallel_loop3A_804] {strides = array<i32>} : memref<2x128x128xf32, #tpu.memory_space<vmem>>, vector<1x1x16xf32>,
      %parallel_loop3A_806 = vector.shape_cast %parallel_loop3A_805 : vector<1x1x16xf32> to vector<16xf32>
      %parallel_loop3A_807 = arith.constant 1 : i32
      %parallel_loop3A_808 = arith.index_cast %parallel_loop3A_807 : i32 to index
      %parallel_loop3A_809 = arith.index_cast %parallel_loop3A_746 : i32 to index
      %parallel_loop3A_810 = arith.constant 16 : index
      %parallel_loop3A_811 = tpu.vector_load %arg12[%parallel_loop3A_808, %parallel_loop3A_809, %parallel_loop3A_810] {strides = array<i32>} : memref<2x128x128xf32, #tpu.memory_space<vmem>>, vector<1x1x16xf32>,
      %parallel_loop3A_812 = vector.shape_cast %parallel_loop3A_811 : vector<1x1x16xf32> to vector<16xf32>
      %parallel_loop3A_813 = arith.constant 1 : i32
      %parallel_loop3A_814 = arith.index_cast %parallel_loop3A_813 : i32 to index
      %parallel_loop3A_815 = arith.index_cast %parallel_loop3A_746 : i32 to index
      %parallel_loop3A_816 = arith.constant 80 : index
      %parallel_loop3A_817 = tpu.vector_load %arg12[%parallel_loop3A_814, %parallel_loop3A_815, %parallel_loop3A_816] {strides = array<i32>} : memref<2x128x128xf32, #tpu.memory_space<vmem>>, vector<1x1x16xf32>,
      %parallel_loop3A_818 = vector.shape_cast %parallel_loop3A_817 : vector<1x1x16xf32> to vector<16xf32>
      %parallel_loop3A_819 = arith.constant 1 : i32
      %parallel_loop3A_820 = arith.index_cast %parallel_loop3A_819 : i32 to index
      %parallel_loop3A_821 = arith.index_cast %parallel_loop3A_746 : i32 to index
      %parallel_loop3A_822 = arith.constant 16 : index
      %parallel_loop3A_823 = tpu.vector_load %arg13[%parallel_loop3A_820, %parallel_loop3A_821, %parallel_loop3A_822] {strides = array<i32>} : memref<2x128x128xf32, #tpu.memory_space<vmem>>, vector<1x1x16xf32>,
      %parallel_loop3A_824 = vector.shape_cast %parallel_loop3A_823 : vector<1x1x16xf32> to vector<16xf32>
      %parallel_loop3A_825 = arith.constant 1 : i32
      %parallel_loop3A_826 = arith.index_cast %parallel_loop3A_825 : i32 to index
      %parallel_loop3A_827 = arith.index_cast %parallel_loop3A_746 : i32 to index
      %parallel_loop3A_828 = arith.constant 80 : index
      %parallel_loop3A_829 = tpu.vector_load %arg13[%parallel_loop3A_826, %parallel_loop3A_827, %parallel_loop3A_828] {strides = array<i32>} : memref<2x128x128xf32, #tpu.memory_space<vmem>>, vector<1x1x16xf32>,
      %parallel_loop3A_830 = vector.shape_cast %parallel_loop3A_829 : vector<1x1x16xf32> to vector<16xf32>
      %parallel_loop3A_831 = arith.mulf %parallel_loop3A_800, %parallel_loop3A_812 : vector<16xf32>
      %parallel_loop3A_832 = arith.mulf %parallel_loop3A_806, %parallel_loop3A_818 : vector<16xf32>
      %parallel_loop3A_833 = arith.subf %parallel_loop3A_831, %parallel_loop3A_832 : vector<16xf32>
      %parallel_loop3A_834 = arith.mulf %parallel_loop3A_800, %parallel_loop3A_818 : vector<16xf32>
      %parallel_loop3A_835 = arith.mulf %parallel_loop3A_806, %parallel_loop3A_812 : vector<16xf32>
      %parallel_loop3A_836 = arith.addf %parallel_loop3A_834, %parallel_loop3A_835 : vector<16xf32>
      %parallel_loop3A_837 = arith.mulf %parallel_loop3A_833, %parallel_loop3A_824 : vector<16xf32>
      %parallel_loop3A_838 = arith.addf %parallel_loop3A_794, %parallel_loop3A_837 : vector<16xf32>
      %parallel_loop3A_839 = arith.mulf %parallel_loop3A_836, %parallel_loop3A_830 : vector<16xf32>
      %parallel_loop3A_840 = arith.addf %parallel_loop3A_838, %parallel_loop3A_839 : vector<16xf32>
      %parallel_loop3A_841 = arith.constant 1 : i32
      %parallel_loop3A_842 = arith.index_cast %parallel_loop3A_841 : i32 to index
      %parallel_loop3A_843 = arith.index_cast %parallel_loop3A_746 : i32 to index
      %parallel_loop3A_844 = arith.constant 32 : index
      %parallel_loop3A_845 = tpu.vector_load %arg11[%parallel_loop3A_842, %parallel_loop3A_843, %parallel_loop3A_844] {strides = array<i32>} : memref<2x128x128xf32, #tpu.memory_space<vmem>>, vector<1x1x16xf32>,
      %parallel_loop3A_846 = vector.shape_cast %parallel_loop3A_845 : vector<1x1x16xf32> to vector<16xf32>
      %parallel_loop3A_847 = arith.constant 1 : i32
      %parallel_loop3A_848 = arith.index_cast %parallel_loop3A_847 : i32 to index
      %parallel_loop3A_849 = arith.index_cast %parallel_loop3A_746 : i32 to index
      %parallel_loop3A_850 = arith.constant 96 : index
      %parallel_loop3A_851 = tpu.vector_load %arg11[%parallel_loop3A_848, %parallel_loop3A_849, %parallel_loop3A_850] {strides = array<i32>} : memref<2x128x128xf32, #tpu.memory_space<vmem>>, vector<1x1x16xf32>,
      %parallel_loop3A_852 = vector.shape_cast %parallel_loop3A_851 : vector<1x1x16xf32> to vector<16xf32>
      %parallel_loop3A_853 = arith.constant 1 : i32
      %parallel_loop3A_854 = arith.index_cast %parallel_loop3A_853 : i32 to index
      %parallel_loop3A_855 = arith.index_cast %parallel_loop3A_746 : i32 to index
      %parallel_loop3A_856 = arith.constant 32 : index
      %parallel_loop3A_857 = tpu.vector_load %arg12[%parallel_loop3A_854, %parallel_loop3A_855, %parallel_loop3A_856] {strides = array<i32>} : memref<2x128x128xf32, #tpu.memory_space<vmem>>, vector<1x1x16xf32>,
      %parallel_loop3A_858 = vector.shape_cast %parallel_loop3A_857 : vector<1x1x16xf32> to vector<16xf32>
      %parallel_loop3A_859 = arith.constant 1 : i32
      %parallel_loop3A_860 = arith.index_cast %parallel_loop3A_859 : i32 to index
      %parallel_loop3A_861 = arith.index_cast %parallel_loop3A_746 : i32 to index
      %parallel_loop3A_862 = arith.constant 96 : index
      %parallel_loop3A_863 = tpu.vector_load %arg12[%parallel_loop3A_860, %parallel_loop3A_861, %parallel_loop3A_862] {strides = array<i32>} : memref<2x128x128xf32, #tpu.memory_space<vmem>>, vector<1x1x16xf32>,
      %parallel_loop3A_864 = vector.shape_cast %parallel_loop3A_863 : vector<1x1x16xf32> to vector<16xf32>
      %parallel_loop3A_865 = arith.constant 1 : i32
      %parallel_loop3A_866 = arith.index_cast %parallel_loop3A_865 : i32 to index
      %parallel_loop3A_867 = arith.index_cast %parallel_loop3A_746 : i32 to index
      %parallel_loop3A_868 = arith.constant 32 : index
      %parallel_loop3A_869 = tpu.vector_load %arg13[%parallel_loop3A_866, %parallel_loop3A_867, %parallel_loop3A_868] {strides = array<i32>} : memref<2x128x128xf32, #tpu.memory_space<vmem>>, vector<1x1x16xf32>,
      %parallel_loop3A_870 = vector.shape_cast %parallel_loop3A_869 : vector<1x1x16xf32> to vector<16xf32>
      %parallel_loop3A_871 = arith.constant 1 : i32
      %parallel_loop3A_872 = arith.index_cast %parallel_loop3A_871 : i32 to index
      %parallel_loop3A_873 = arith.index_cast %parallel_loop3A_746 : i32 to index
      %parallel_loop3A_874 = arith.constant 96 : index
      %parallel_loop3A_875 = tpu.vector_load %arg13[%parallel_loop3A_872, %parallel_loop3A_873, %parallel_loop3A_874] {strides = array<i32>} : memref<2x128x128xf32, #tpu.memory_space<vmem>>, vector<1x1x16xf32>,
      %parallel_loop3A_876 = vector.shape_cast %parallel_loop3A_875 : vector<1x1x16xf32> to vector<16xf32>
      %parallel_loop3A_877 = arith.mulf %parallel_loop3A_846, %parallel_loop3A_858 : vector<16xf32>
      %parallel_loop3A_878 = arith.mulf %parallel_loop3A_852, %parallel_loop3A_864 : vector<16xf32>
      %parallel_loop3A_879 = arith.subf %parallel_loop3A_877, %parallel_loop3A_878 : vector<16xf32>
      %parallel_loop3A_880 = arith.mulf %parallel_loop3A_846, %parallel_loop3A_864 : vector<16xf32>
      %parallel_loop3A_881 = arith.mulf %parallel_loop3A_852, %parallel_loop3A_858 : vector<16xf32>
      %parallel_loop3A_882 = arith.addf %parallel_loop3A_880, %parallel_loop3A_881 : vector<16xf32>
      %parallel_loop3A_883 = arith.mulf %parallel_loop3A_879, %parallel_loop3A_870 : vector<16xf32>
      %parallel_loop3A_884 = arith.addf %parallel_loop3A_840, %parallel_loop3A_883 : vector<16xf32>
      %parallel_loop3A_885 = arith.mulf %parallel_loop3A_882, %parallel_loop3A_876 : vector<16xf32>
      %parallel_loop3A_886 = arith.addf %parallel_loop3A_884, %parallel_loop3A_885 : vector<16xf32>
      %parallel_loop3A_887 = arith.constant 1 : i32
      %parallel_loop3A_888 = arith.index_cast %parallel_loop3A_887 : i32 to index
      %parallel_loop3A_889 = arith.index_cast %parallel_loop3A_746 : i32 to index
      %parallel_loop3A_890 = arith.constant 48 : index
      %parallel_loop3A_891 = tpu.vector_load %arg11[%parallel_loop3A_888, %parallel_loop3A_889, %parallel_loop3A_890] {strides = array<i32>} : memref<2x128x128xf32, #tpu.memory_space<vmem>>, vector<1x1x16xf32>,
      %parallel_loop3A_892 = vector.shape_cast %parallel_loop3A_891 : vector<1x1x16xf32> to vector<16xf32>
      %parallel_loop3A_893 = arith.constant 1 : i32
      %parallel_loop3A_894 = arith.index_cast %parallel_loop3A_893 : i32 to index
      %parallel_loop3A_895 = arith.index_cast %parallel_loop3A_746 : i32 to index
      %parallel_loop3A_896 = arith.constant 112 : index
      %parallel_loop3A_897 = tpu.vector_load %arg11[%parallel_loop3A_894, %parallel_loop3A_895, %parallel_loop3A_896] {strides = array<i32>} : memref<2x128x128xf32, #tpu.memory_space<vmem>>, vector<1x1x16xf32>,
      %parallel_loop3A_898 = vector.shape_cast %parallel_loop3A_897 : vector<1x1x16xf32> to vector<16xf32>
      %parallel_loop3A_899 = arith.constant 1 : i32
      %parallel_loop3A_900 = arith.index_cast %parallel_loop3A_899 : i32 to index
      %parallel_loop3A_901 = arith.index_cast %parallel_loop3A_746 : i32 to index
      %parallel_loop3A_902 = arith.constant 48 : index
      %parallel_loop3A_903 = tpu.vector_load %arg12[%parallel_loop3A_900, %parallel_loop3A_901, %parallel_loop3A_902] {strides = array<i32>} : memref<2x128x128xf32, #tpu.memory_space<vmem>>, vector<1x1x16xf32>,
      %parallel_loop3A_904 = vector.shape_cast %parallel_loop3A_903 : vector<1x1x16xf32> to vector<16xf32>
      %parallel_loop3A_905 = arith.constant 1 : i32
      %parallel_loop3A_906 = arith.index_cast %parallel_loop3A_905 : i32 to index
      %parallel_loop3A_907 = arith.index_cast %parallel_loop3A_746 : i32 to index
      %parallel_loop3A_908 = arith.constant 112 : index
      %parallel_loop3A_909 = tpu.vector_load %arg12[%parallel_loop3A_906, %parallel_loop3A_907, %parallel_loop3A_908] {strides = array<i32>} : memref<2x128x128xf32, #tpu.memory_space<vmem>>, vector<1x1x16xf32>,
      %parallel_loop3A_910 = vector.shape_cast %parallel_loop3A_909 : vector<1x1x16xf32> to vector<16xf32>
      %parallel_loop3A_911 = arith.constant 1 : i32
      %parallel_loop3A_912 = arith.index_cast %parallel_loop3A_911 : i32 to index
      %parallel_loop3A_913 = arith.index_cast %parallel_loop3A_746 : i32 to index
      %parallel_loop3A_914 = arith.constant 48 : index
      %parallel_loop3A_915 = tpu.vector_load %arg13[%parallel_loop3A_912, %parallel_loop3A_913, %parallel_loop3A_914] {strides = array<i32>} : memref<2x128x128xf32, #tpu.memory_space<vmem>>, vector<1x1x16xf32>,
      %parallel_loop3A_916 = vector.shape_cast %parallel_loop3A_915 : vector<1x1x16xf32> to vector<16xf32>
      %parallel_loop3A_917 = arith.constant 1 : i32
      %parallel_loop3A_918 = arith.index_cast %parallel_loop3A_917 : i32 to index
      %parallel_loop3A_919 = arith.index_cast %parallel_loop3A_746 : i32 to index
      %parallel_loop3A_920 = arith.constant 112 : index
      %parallel_loop3A_921 = tpu.vector_load %arg13[%parallel_loop3A_918, %parallel_loop3A_919, %parallel_loop3A_920] {strides = array<i32>} : memref<2x128x128xf32, #tpu.memory_space<vmem>>, vector<1x1x16xf32>,
      %parallel_loop3A_922 = vector.shape_cast %parallel_loop3A_921 : vector<1x1x16xf32> to vector<16xf32>
      %parallel_loop3A_923 = arith.mulf %parallel_loop3A_892, %parallel_loop3A_904 : vector<16xf32>
      %parallel_loop3A_924 = arith.mulf %parallel_loop3A_898, %parallel_loop3A_910 : vector<16xf32>
      %parallel_loop3A_925 = arith.subf %parallel_loop3A_923, %parallel_loop3A_924 : vector<16xf32>
      %parallel_loop3A_926 = arith.mulf %parallel_loop3A_892, %parallel_loop3A_910 : vector<16xf32>
      %parallel_loop3A_927 = arith.mulf %parallel_loop3A_898, %parallel_loop3A_904 : vector<16xf32>
      %parallel_loop3A_928 = arith.addf %parallel_loop3A_926, %parallel_loop3A_927 : vector<16xf32>
      %parallel_loop3A_929 = arith.mulf %parallel_loop3A_925, %parallel_loop3A_916 : vector<16xf32>
      %parallel_loop3A_930 = arith.addf %parallel_loop3A_886, %parallel_loop3A_929 : vector<16xf32>
      %parallel_loop3A_931 = arith.mulf %parallel_loop3A_928, %parallel_loop3A_922 : vector<16xf32>
      %parallel_loop3A_932 = arith.addf %parallel_loop3A_930, %parallel_loop3A_931 : vector<16xf32>
      %parallel_loop3A_933 = vector.shape_cast %xor3A_27 : vector<16xi32> to vector<16x1xi32>
      %parallel_loop3A_934 = vector.shape_cast %parallel_loop3A_933 : vector<16x1xi32> to vector<16xi32>
      %parallel_loop3A_935 = tpu.dynamic_gather %parallel_loop3A_742[%parallel_loop3A_934] in [0] : vector<16xf32>, vector<16xi32> -> vector<16xf32>
      %parallel_loop3A_936 = arith.addf %parallel_loop3A_742, %parallel_loop3A_935 : vector<16xf32>
      %parallel_loop3A_937 = vector.shape_cast %xor3A_27 : vector<16xi32> to vector<16x1xi32>
      %parallel_loop3A_938 = vector.shape_cast %parallel_loop3A_937 : vector<16x1xi32> to vector<16xi32>
      %parallel_loop3A_939 = tpu.dynamic_gather %parallel_loop3A_932[%parallel_loop3A_938] in [0] : vector<16xf32>, vector<16xi32> -> vector<16xf32>
      %parallel_loop3A_940 = arith.addf %parallel_loop3A_932, %parallel_loop3A_939 : vector<16xf32>
      %parallel_loop3A_941 = arith.select %eq3A_41, %parallel_loop3A_936, %parallel_loop3A_940 : vector<16xi1>, vector<16xf32>
      %parallel_loop3A_942 = arith.constant 16 : i32
      %parallel_loop3A_943 = arith.muli %parallel_loop3A_554, %parallel_loop3A_942 : i32
      %parallel_loop3A_944 = arith.index_cast %parallel_loop3A_943 : i32 to index
      %parallel_loop3A_945 = tpu.vector_load %arg14[%parallel_loop3A_944] {strides = array<i32>} : memref<1024xf32, #tpu.memory_space<vmem>>, vector<16xf32>,
      %parallel_loop3A_946 = vector.shape_cast %parallel_loop3A_945 : vector<16xf32> to vector<16xf32>
      %parallel_loop3A_947 = vector.shape_cast %parallel_loop3A_941 : vector<16xf32> to vector<16xf32>
      tpu.vector_store %arg14[%parallel_loop3A_944], %parallel_loop3A_947 {strides = array<i32>} : memref<1024xf32, #tpu.memory_space<vmem>>, vector<16xf32>,
    } {sc.loop_unroll_factor = 2 : i64, sc.parallel_access}
    %scan3A_461 = arith.constant 0 : i32
    %scan3A_462 = arith.constant 0 : i32
    %scan3A_463 = arith.constant 8 : i32
    %scan3A_464 = arith.addi %scan3A_462, %scan3A_463 : i32
    %scan3A_465 = arith.constant 1 : i32
    %scan3A_466 = scf.for %scan3A_554 = %scan3A_462 to %scan3A_464 step %scan3A_465 iter_args(%scan3A_555 = %scan3A_461) -> (i32)  : i32 {
      %mul3A_556 = arith.constant 8 : i32
      %mul3A_557 = arith.muli %scan3A_554, %mul3A_556 : i32
      %add3A_558 = arith.constant 0 : i32
      %add3A_559 = arith.addi %mul3A_557, %add3A_558 : i32
      %mul3A_560 = arith.constant 16 : i32
      %mul3A_561 = arith.muli %add3A_559, %mul3A_560 : i32
      %get3A = arith.index_cast %mul3A_561 : i32 to index
      %get3A_562 = tpu.vector_load %arg14[%get3A] {strides = array<i32>} : memref<1024xf32, #tpu.memory_space<vmem>>, vector<16xf32>,
      %get3A_563 = vector.shape_cast %get3A_562 : vector<16xf32> to vector<16xf32>
      %mul3A_564 = arith.constant 8 : i32
      %mul3A_565 = arith.muli %scan3A_554, %mul3A_564 : i32
      %add3A_566 = arith.constant 1 : i32
      %add3A_567 = arith.addi %mul3A_565, %add3A_566 : i32
      %mul3A_568 = arith.constant 16 : i32
      %mul3A_569 = arith.muli %add3A_567, %mul3A_568 : i32
      %get3A_570 = arith.index_cast %mul3A_569 : i32 to index
      %get3A_571 = tpu.vector_load %arg14[%get3A_570] {strides = array<i32>} : memref<1024xf32, #tpu.memory_space<vmem>>, vector<16xf32>,
      %get3A_572 = vector.shape_cast %get3A_571 : vector<16xf32> to vector<16xf32>
      %broadcast_in_dim3A = vector.shape_cast %xor3A_30 : vector<16xi32> to vector<16x1xi32>
      %gather3A = vector.shape_cast %broadcast_in_dim3A : vector<16x1xi32> to vector<16xi32>
      %gather3A_573 = tpu.dynamic_gather %get3A_563[%gather3A] in [0] : vector<16xf32>, vector<16xi32> -> vector<16xf32>
      %add3A_574 = arith.addf %get3A_563, %gather3A_573 : vector<16xf32>
      %broadcast_in_dim3A_575 = vector.shape_cast %xor3A_30 : vector<16xi32> to vector<16x1xi32>
      %gather3A_576 = vector.shape_cast %broadcast_in_dim3A_575 : vector<16x1xi32> to vector<16xi32>
      %gather3A_577 = tpu.dynamic_gather %get3A_572[%gather3A_576] in [0] : vector<16xf32>, vector<16xi32> -> vector<16xf32>
      %add3A_578 = arith.addf %get3A_572, %gather3A_577 : vector<16xf32>
      %select_n3A = arith.select %eq3A_47, %add3A_574, %add3A_578 : vector<16xi1>, vector<16xf32>
      %mul3A_579 = arith.constant 8 : i32
      %mul3A_580 = arith.muli %scan3A_554, %mul3A_579 : i32
      %add3A_581 = arith.constant 2 : i32
      %add3A_582 = arith.addi %mul3A_580, %add3A_581 : i32
      %mul3A_583 = arith.constant 16 : i32
      %mul3A_584 = arith.muli %add3A_582, %mul3A_583 : i32
      %get3A_585 = arith.index_cast %mul3A_584 : i32 to index
      %get3A_586 = tpu.vector_load %arg14[%get3A_585] {strides = array<i32>} : memref<1024xf32, #tpu.memory_space<vmem>>, vector<16xf32>,
      %get3A_587 = vector.shape_cast %get3A_586 : vector<16xf32> to vector<16xf32>
      %mul3A_588 = arith.constant 8 : i32
      %mul3A_589 = arith.muli %scan3A_554, %mul3A_588 : i32
      %add3A_590 = arith.constant 3 : i32
      %add3A_591 = arith.addi %mul3A_589, %add3A_590 : i32
      %mul3A_592 = arith.constant 16 : i32
      %mul3A_593 = arith.muli %add3A_591, %mul3A_592 : i32
      %get3A_594 = arith.index_cast %mul3A_593 : i32 to index
      %get3A_595 = tpu.vector_load %arg14[%get3A_594] {strides = array<i32>} : memref<1024xf32, #tpu.memory_space<vmem>>, vector<16xf32>,
      %get3A_596 = vector.shape_cast %get3A_595 : vector<16xf32> to vector<16xf32>
      %broadcast_in_dim3A_597 = vector.shape_cast %xor3A_30 : vector<16xi32> to vector<16x1xi32>
      %gather3A_598 = vector.shape_cast %broadcast_in_dim3A_597 : vector<16x1xi32> to vector<16xi32>
      %gather3A_599 = tpu.dynamic_gather %get3A_587[%gather3A_598] in [0] : vector<16xf32>, vector<16xi32> -> vector<16xf32>
      %add3A_600 = arith.addf %get3A_587, %gather3A_599 : vector<16xf32>
      %broadcast_in_dim3A_601 = vector.shape_cast %xor3A_30 : vector<16xi32> to vector<16x1xi32>
      %gather3A_602 = vector.shape_cast %broadcast_in_dim3A_601 : vector<16x1xi32> to vector<16xi32>
      %gather3A_603 = tpu.dynamic_gather %get3A_596[%gather3A_602] in [0] : vector<16xf32>, vector<16xi32> -> vector<16xf32>
      %add3A_604 = arith.addf %get3A_596, %gather3A_603 : vector<16xf32>
      %select_n3A_605 = arith.select %eq3A_47, %add3A_600, %add3A_604 : vector<16xi1>, vector<16xf32>
      %broadcast_in_dim3A_606 = vector.shape_cast %xor3A_33 : vector<16xi32> to vector<16x1xi32>
      %gather3A_607 = vector.shape_cast %broadcast_in_dim3A_606 : vector<16x1xi32> to vector<16xi32>
      %gather3A_608 = tpu.dynamic_gather %select_n3A[%gather3A_607] in [0] : vector<16xf32>, vector<16xi32> -> vector<16xf32>
      %add3A_609 = arith.addf %select_n3A, %gather3A_608 : vector<16xf32>
      %broadcast_in_dim3A_610 = vector.shape_cast %xor3A_33 : vector<16xi32> to vector<16x1xi32>
      %gather3A_611 = vector.shape_cast %broadcast_in_dim3A_610 : vector<16x1xi32> to vector<16xi32>
      %gather3A_612 = tpu.dynamic_gather %select_n3A_605[%gather3A_611] in [0] : vector<16xf32>, vector<16xi32> -> vector<16xf32>
      %add3A_613 = arith.addf %select_n3A_605, %gather3A_612 : vector<16xf32>
      %select_n3A_614 = arith.select %eq3A_53, %add3A_609, %add3A_613 : vector<16xi1>, vector<16xf32>
      %mul3A_615 = arith.constant 8 : i32
      %mul3A_616 = arith.muli %scan3A_554, %mul3A_615 : i32
      %add3A_617 = arith.constant 4 : i32
      %add3A_618 = arith.addi %mul3A_616, %add3A_617 : i32
      %mul3A_619 = arith.constant 16 : i32
      %mul3A_620 = arith.muli %add3A_618, %mul3A_619 : i32
      %get3A_621 = arith.index_cast %mul3A_620 : i32 to index
      %get3A_622 = tpu.vector_load %arg14[%get3A_621] {strides = array<i32>} : memref<1024xf32, #tpu.memory_space<vmem>>, vector<16xf32>,
      %get3A_623 = vector.shape_cast %get3A_622 : vector<16xf32> to vector<16xf32>
      %mul3A_624 = arith.constant 8 : i32
      %mul3A_625 = arith.muli %scan3A_554, %mul3A_624 : i32
      %add3A_626 = arith.constant 5 : i32
      %add3A_627 = arith.addi %mul3A_625, %add3A_626 : i32
      %mul3A_628 = arith.constant 16 : i32
      %mul3A_629 = arith.muli %add3A_627, %mul3A_628 : i32
      %get3A_630 = arith.index_cast %mul3A_629 : i32 to index
      %get3A_631 = tpu.vector_load %arg14[%get3A_630] {strides = array<i32>} : memref<1024xf32, #tpu.memory_space<vmem>>, vector<16xf32>,
      %get3A_632 = vector.shape_cast %get3A_631 : vector<16xf32> to vector<16xf32>
      %broadcast_in_dim3A_633 = vector.shape_cast %xor3A_30 : vector<16xi32> to vector<16x1xi32>
      %gather3A_634 = vector.shape_cast %broadcast_in_dim3A_633 : vector<16x1xi32> to vector<16xi32>
      %gather3A_635 = tpu.dynamic_gather %get3A_623[%gather3A_634] in [0] : vector<16xf32>, vector<16xi32> -> vector<16xf32>
      %add3A_636 = arith.addf %get3A_623, %gather3A_635 : vector<16xf32>
      %broadcast_in_dim3A_637 = vector.shape_cast %xor3A_30 : vector<16xi32> to vector<16x1xi32>
      %gather3A_638 = vector.shape_cast %broadcast_in_dim3A_637 : vector<16x1xi32> to vector<16xi32>
      %gather3A_639 = tpu.dynamic_gather %get3A_632[%gather3A_638] in [0] : vector<16xf32>, vector<16xi32> -> vector<16xf32>
      %add3A_640 = arith.addf %get3A_632, %gather3A_639 : vector<16xf32>
      %select_n3A_641 = arith.select %eq3A_47, %add3A_636, %add3A_640 : vector<16xi1>, vector<16xf32>
      %mul3A_642 = arith.constant 8 : i32
      %mul3A_643 = arith.muli %scan3A_554, %mul3A_642 : i32
      %add3A_644 = arith.constant 6 : i32
      %add3A_645 = arith.addi %mul3A_643, %add3A_644 : i32
      %mul3A_646 = arith.constant 16 : i32
      %mul3A_647 = arith.muli %add3A_645, %mul3A_646 : i32
      %get3A_648 = arith.index_cast %mul3A_647 : i32 to index
      %get3A_649 = tpu.vector_load %arg14[%get3A_648] {strides = array<i32>} : memref<1024xf32, #tpu.memory_space<vmem>>, vector<16xf32>,
      %get3A_650 = vector.shape_cast %get3A_649 : vector<16xf32> to vector<16xf32>
      %mul3A_651 = arith.constant 8 : i32
      %mul3A_652 = arith.muli %scan3A_554, %mul3A_651 : i32
      %add3A_653 = arith.constant 7 : i32
      %add3A_654 = arith.addi %mul3A_652, %add3A_653 : i32
      %mul3A_655 = arith.constant 16 : i32
      %mul3A_656 = arith.muli %add3A_654, %mul3A_655 : i32
      %get3A_657 = arith.index_cast %mul3A_656 : i32 to index
      %get3A_658 = tpu.vector_load %arg14[%get3A_657] {strides = array<i32>} : memref<1024xf32, #tpu.memory_space<vmem>>, vector<16xf32>,
      %get3A_659 = vector.shape_cast %get3A_658 : vector<16xf32> to vector<16xf32>
      %broadcast_in_dim3A_660 = vector.shape_cast %xor3A_30 : vector<16xi32> to vector<16x1xi32>
      %gather3A_661 = vector.shape_cast %broadcast_in_dim3A_660 : vector<16x1xi32> to vector<16xi32>
      %gather3A_662 = tpu.dynamic_gather %get3A_650[%gather3A_661] in [0] : vector<16xf32>, vector<16xi32> -> vector<16xf32>
      %add3A_663 = arith.addf %get3A_650, %gather3A_662 : vector<16xf32>
      %broadcast_in_dim3A_664 = vector.shape_cast %xor3A_30 : vector<16xi32> to vector<16x1xi32>
      %gather3A_665 = vector.shape_cast %broadcast_in_dim3A_664 : vector<16x1xi32> to vector<16xi32>
      %gather3A_666 = tpu.dynamic_gather %get3A_659[%gather3A_665] in [0] : vector<16xf32>, vector<16xi32> -> vector<16xf32>
      %add3A_667 = arith.addf %get3A_659, %gather3A_666 : vector<16xf32>
      %select_n3A_668 = arith.select %eq3A_47, %add3A_663, %add3A_667 : vector<16xi1>, vector<16xf32>
      %broadcast_in_dim3A_669 = vector.shape_cast %xor3A_33 : vector<16xi32> to vector<16x1xi32>
      %gather3A_670 = vector.shape_cast %broadcast_in_dim3A_669 : vector<16x1xi32> to vector<16xi32>
      %gather3A_671 = tpu.dynamic_gather %select_n3A_641[%gather3A_670] in [0] : vector<16xf32>, vector<16xi32> -> vector<16xf32>
      %add3A_672 = arith.addf %select_n3A_641, %gather3A_671 : vector<16xf32>
      %broadcast_in_dim3A_673 = vector.shape_cast %xor3A_33 : vector<16xi32> to vector<16x1xi32>
      %gather3A_674 = vector.shape_cast %broadcast_in_dim3A_673 : vector<16x1xi32> to vector<16xi32>
      %gather3A_675 = tpu.dynamic_gather %select_n3A_668[%gather3A_674] in [0] : vector<16xf32>, vector<16xi32> -> vector<16xf32>
      %add3A_676 = arith.addf %select_n3A_668, %gather3A_675 : vector<16xf32>
      %select_n3A_677 = arith.select %eq3A_53, %add3A_672, %add3A_676 : vector<16xi1>, vector<16xf32>
      %broadcast_in_dim3A_678 = vector.shape_cast %xor3A_36 : vector<16xi32> to vector<16x1xi32>
      %gather3A_679 = vector.shape_cast %broadcast_in_dim3A_678 : vector<16x1xi32> to vector<16xi32>
      %gather3A_680 = tpu.dynamic_gather %select_n3A_614[%gather3A_679] in [0] : vector<16xf32>, vector<16xi32> -> vector<16xf32>
      %add3A_681 = arith.addf %select_n3A_614, %gather3A_680 : vector<16xf32>
      %broadcast_in_dim3A_682 = vector.shape_cast %xor3A_36 : vector<16xi32> to vector<16x1xi32>
      %gather3A_683 = vector.shape_cast %broadcast_in_dim3A_682 : vector<16x1xi32> to vector<16xi32>
      %gather3A_684 = tpu.dynamic_gather %select_n3A_677[%gather3A_683] in [0] : vector<16xf32>, vector<16xi32> -> vector<16xf32>
      %add3A_685 = arith.addf %select_n3A_677, %gather3A_684 : vector<16xf32>
      %select_n3A_686 = arith.select %eq3A_59, %add3A_681, %add3A_685 : vector<16xi1>, vector<16xf32>
      %broadcast_in_dim3A_687 = vector.shape_cast %or3A_25 : vector<16xi32> to vector<16x1xi32>
      %gather3A_688 = vector.shape_cast %broadcast_in_dim3A_687 : vector<16x1xi32> to vector<16xi32>
      %gather3A_689 = tpu.dynamic_gather %select_n3A_686[%gather3A_688] in [0] : vector<16xf32>, vector<16xi32> -> vector<16xf32>
      %mul3A_690 = arith.constant 16 : i32
      %mul3A_691 = arith.muli %scan3A_554, %mul3A_690 : i32
      %add3A_692 = arith.constant 256 : i32
      %add3A_693 = arith.addi %add3A_692, %mul3A_691 : i32
      %swap3A = arith.index_cast %add3A_693 : i32 to index
      %swap3A_694 = tpu.vector_load %arg15[%swap3A] {strides = array<i32>} : memref<512xf32, #tpu.memory_space<vmem>>, vector<16xf32>,
      %swap3A_695 = vector.shape_cast %swap3A_694 : vector<16xf32> to vector<16xf32>
      %swap3A_696 = vector.shape_cast %gather3A_689 : vector<16xf32> to vector<16xf32>
      tpu.vector_store %arg15[%swap3A], %swap3A_696 {strides = array<i32>} : memref<512xf32, #tpu.memory_space<vmem>>, vector<16xf32>,
      %scan3A_697 = arith.constant 0 : i32
      scf.yield %scan3A_697 : i32
    }
    %scan3A_467 = arith.constant 8 : i32
    %add3A_468 = arith.constant 256 : i32
    %add3A_469 = arith.addi %mul3A_2, %add3A_468 : i32
    %dma_start3A_470 = arith.constant 256 : i32
    %dma_start3A_471 = tpu.memref_slice %arg15[%dma_start3A_470] : memref<512xf32, #tpu.memory_space<vmem>> -> memref<128xf32, #tpu.memory_space<vmem>>
    %dma_start3A_472 = tpu.memref_slice %arg7[%add3A_469] : memref<16384xf32, #tpu.memory_space<hbm>> -> memref<128xf32, #tpu.memory_space<hbm>>
    %dma_start3A_473 = tpu.memref_slice %arg7[%add3A_469] : memref<16384xf32, #tpu.memory_space<hbm>> -> memref<128xf32, #tpu.memory_space<hbm>>
    %dma_start3A_474 = arith.constant 256 : i32
    %dma_start3A_475 = tpu.memref_slice %arg15[%dma_start3A_474] : memref<512xf32, #tpu.memory_space<vmem>> -> memref<128xf32, #tpu.memory_space<vmem>>
    tpu.enqueue_dma source(%dma_start3A_475 : memref<128xf32, #tpu.memory_space<vmem>>) target(%dma_start3A_473 : memref<128xf32, #tpu.memory_space<hbm>>) target_semaphore(%arg18 : memref<!tpu.dma_semaphore, #tpu.memory_space<semaphore_mem>>)
    %dma_wait3A_476 = arith.constant 0 : i32
    %dma_wait3A_477 = arith.constant 0 : i32
    %dma_wait3A_478 = arith.constant 0 : i32
    %dma_wait3A_479 = tpu.memref_slice %arg11[%dma_wait3A_476, %dma_wait3A_477, %dma_wait3A_478] : memref<2x128x128xf32, #tpu.memory_space<vmem>> -> memref<1x128x128xf32, #tpu.memory_space<vmem>>
    %dma_wait3A_480 = tpu.memref_squeeze %dma_wait3A_479 : memref<1x128x128xf32, #tpu.memory_space<vmem>> -> memref<128x128xf32, #tpu.memory_space<vmem>>
    %dma_wait3A_481 = arith.constant 384 : i32
    %dma_wait3A_482 = tpu.memref_slice %arg8[%dma_wait3A_481] : memref<512xi32, #tpu.memory_space<vmem>> -> memref<128xi32, #tpu.memory_space<vmem>>
    %dma_wait3A_483 = arith.constant 0 : i32
    %dma_wait3A_484 = arith.constant 0 : i32
    %dma_wait3A_485 = tpu.memref_slice %arg5[%dma_wait3A_483, %dma_wait3A_484] : memref<1000000x128xf32, #tpu.memory_space<hbm>> -> memref<1000000x128xf32, #tpu.memory_space<hbm>>
    tpu.wait_indirect_dma semaphore(%arg16 : memref<!tpu.dma_semaphore, #tpu.memory_space<semaphore_mem>>) src(%dma_wait3A_485 : memref<1000000x128xf32, #tpu.memory_space<hbm>>) dst(%dma_wait3A_480 : memref<128x128xf32, #tpu.memory_space<vmem>>)
    %dma_wait3A_486 = arith.constant 0 : i32
    %dma_wait3A_487 = arith.constant 0 : i32
    %dma_wait3A_488 = arith.constant 0 : i32
    %dma_wait3A_489 = tpu.memref_slice %arg12[%dma_wait3A_486, %dma_wait3A_487, %dma_wait3A_488] : memref<2x128x128xf32, #tpu.memory_space<vmem>> -> memref<1x128x128xf32, #tpu.memory_space<vmem>>
    %dma_wait3A_490 = tpu.memref_squeeze %dma_wait3A_489 : memref<1x128x128xf32, #tpu.memory_space<vmem>> -> memref<128x128xf32, #tpu.memory_space<vmem>>
    %dma_wait3A_491 = arith.constant 384 : i32
    %dma_wait3A_492 = tpu.memref_slice %arg9[%dma_wait3A_491] : memref<512xi32, #tpu.memory_space<vmem>> -> memref<128xi32, #tpu.memory_space<vmem>>
    %dma_wait3A_493 = arith.constant 0 : i32
    %dma_wait3A_494 = arith.constant 0 : i32
    %dma_wait3A_495 = tpu.memref_slice %arg6[%dma_wait3A_493, %dma_wait3A_494] : memref<1000x128xf32, #tpu.memory_space<hbm>> -> memref<1000x128xf32, #tpu.memory_space<hbm>>
    tpu.wait_indirect_dma semaphore(%arg16 : memref<!tpu.dma_semaphore, #tpu.memory_space<semaphore_mem>>) src(%dma_wait3A_495 : memref<1000x128xf32, #tpu.memory_space<hbm>>) dst(%dma_wait3A_490 : memref<128x128xf32, #tpu.memory_space<vmem>>)
    %dma_wait3A_496 = arith.constant 0 : i32
    %dma_wait3A_497 = arith.constant 0 : i32
    %dma_wait3A_498 = arith.constant 0 : i32
    %dma_wait3A_499 = tpu.memref_slice %arg13[%dma_wait3A_496, %dma_wait3A_497, %dma_wait3A_498] : memref<2x128x128xf32, #tpu.memory_space<vmem>> -> memref<1x128x128xf32, #tpu.memory_space<vmem>>
    %dma_wait3A_500 = tpu.memref_squeeze %dma_wait3A_499 : memref<1x128x128xf32, #tpu.memory_space<vmem>> -> memref<128x128xf32, #tpu.memory_space<vmem>>
    %dma_wait3A_501 = arith.constant 384 : i32
    %dma_wait3A_502 = tpu.memref_slice %arg10[%dma_wait3A_501] : memref<512xi32, #tpu.memory_space<vmem>> -> memref<128xi32, #tpu.memory_space<vmem>>
    %dma_wait3A_503 = arith.constant 0 : i32
    %dma_wait3A_504 = arith.constant 0 : i32
    %dma_wait3A_505 = tpu.memref_slice %arg5[%dma_wait3A_503, %dma_wait3A_504] : memref<1000000x128xf32, #tpu.memory_space<hbm>> -> memref<1000000x128xf32, #tpu.memory_space<hbm>>
    tpu.wait_indirect_dma semaphore(%arg16 : memref<!tpu.dma_semaphore, #tpu.memory_space<semaphore_mem>>) src(%dma_wait3A_505 : memref<1000000x128xf32, #tpu.memory_space<hbm>>) dst(%dma_wait3A_500 : memref<128x128xf32, #tpu.memory_space<vmem>>)
    %parallel_loop3A_506 = arith.constant 0 : i32
    %parallel_loop3A_507 = arith.constant 64 : i32
    %parallel_loop3A_508 = arith.constant 1 : i32
    scf.for %parallel_loop3A_554 = %parallel_loop3A_506 to %parallel_loop3A_507 step %parallel_loop3A_508  : i32 {
      %parallel_loop3A_555 = arith.constant 2 : i32
      %parallel_loop3A_556 = arith.muli %parallel_loop3A_555, %parallel_loop3A_554 : i32
      %parallel_loop3A_557 = arith.constant 0.000000e+00 : f32
      %parallel_loop3A_558 = vector.broadcast %parallel_loop3A_557 : f32 to vector<16xf32>
      %parallel_loop3A_559 = arith.constant 0 : i32
      %parallel_loop3A_560 = arith.index_cast %parallel_loop3A_559 : i32 to index
      %parallel_loop3A_561 = arith.index_cast %parallel_loop3A_556 : i32 to index
      %parallel_loop3A_562 = arith.constant 0 : index
      %parallel_loop3A_563 = tpu.vector_load %arg11[%parallel_loop3A_560, %parallel_loop3A_561, %parallel_loop3A_562] {strides = array<i32>} : memref<2x128x128xf32, #tpu.memory_space<vmem>>, vector<1x1x16xf32>,
      %parallel_loop3A_564 = vector.shape_cast %parallel_loop3A_563 : vector<1x1x16xf32> to vector<16xf32>
      %parallel_loop3A_565 = arith.constant 0 : i32
      %parallel_loop3A_566 = arith.index_cast %parallel_loop3A_565 : i32 to index
      %parallel_loop3A_567 = arith.index_cast %parallel_loop3A_556 : i32 to index
      %parallel_loop3A_568 = arith.constant 64 : index
      %parallel_loop3A_569 = tpu.vector_load %arg11[%parallel_loop3A_566, %parallel_loop3A_567, %parallel_loop3A_568] {strides = array<i32>} : memref<2x128x128xf32, #tpu.memory_space<vmem>>, vector<1x1x16xf32>,
      %parallel_loop3A_570 = vector.shape_cast %parallel_loop3A_569 : vector<1x1x16xf32> to vector<16xf32>
      %parallel_loop3A_571 = arith.constant 0 : i32
      %parallel_loop3A_572 = arith.index_cast %parallel_loop3A_571 : i32 to index
      %parallel_loop3A_573 = arith.index_cast %parallel_loop3A_556 : i32 to index
      %parallel_loop3A_574 = arith.constant 0 : index
      %parallel_loop3A_575 = tpu.vector_load %arg12[%parallel_loop3A_572, %parallel_loop3A_573, %parallel_loop3A_574] {strides = array<i32>} : memref<2x128x128xf32, #tpu.memory_space<vmem>>, vector<1x1x16xf32>,
      %parallel_loop3A_576 = vector.shape_cast %parallel_loop3A_575 : vector<1x1x16xf32> to vector<16xf32>
      %parallel_loop3A_577 = arith.constant 0 : i32
      %parallel_loop3A_578 = arith.index_cast %parallel_loop3A_577 : i32 to index
      %parallel_loop3A_579 = arith.index_cast %parallel_loop3A_556 : i32 to index
      %parallel_loop3A_580 = arith.constant 64 : index
      %parallel_loop3A_581 = tpu.vector_load %arg12[%parallel_loop3A_578, %parallel_loop3A_579, %parallel_loop3A_580] {strides = array<i32>} : memref<2x128x128xf32, #tpu.memory_space<vmem>>, vector<1x1x16xf32>,
      %parallel_loop3A_582 = vector.shape_cast %parallel_loop3A_581 : vector<1x1x16xf32> to vector<16xf32>
      %parallel_loop3A_583 = arith.constant 0 : i32
      %parallel_loop3A_584 = arith.index_cast %parallel_loop3A_583 : i32 to index
      %parallel_loop3A_585 = arith.index_cast %parallel_loop3A_556 : i32 to index
      %parallel_loop3A_586 = arith.constant 0 : index
      %parallel_loop3A_587 = tpu.vector_load %arg13[%parallel_loop3A_584, %parallel_loop3A_585, %parallel_loop3A_586] {strides = array<i32>} : memref<2x128x128xf32, #tpu.memory_space<vmem>>, vector<1x1x16xf32>,
      %parallel_loop3A_588 = vector.shape_cast %parallel_loop3A_587 : vector<1x1x16xf32> to vector<16xf32>
      %parallel_loop3A_589 = arith.constant 0 : i32
      %parallel_loop3A_590 = arith.index_cast %parallel_loop3A_589 : i32 to index
      %parallel_loop3A_591 = arith.index_cast %parallel_loop3A_556 : i32 to index
      %parallel_loop3A_592 = arith.constant 64 : index
      %parallel_loop3A_593 = tpu.vector_load %arg13[%parallel_loop3A_590, %parallel_loop3A_591, %parallel_loop3A_592] {strides = array<i32>} : memref<2x128x128xf32, #tpu.memory_space<vmem>>, vector<1x1x16xf32>,
      %parallel_loop3A_594 = vector.shape_cast %parallel_loop3A_593 : vector<1x1x16xf32> to vector<16xf32>
      %parallel_loop3A_595 = arith.mulf %parallel_loop3A_564, %parallel_loop3A_576 : vector<16xf32>
      %parallel_loop3A_596 = arith.mulf %parallel_loop3A_570, %parallel_loop3A_582 : vector<16xf32>
      %parallel_loop3A_597 = arith.subf %parallel_loop3A_595, %parallel_loop3A_596 : vector<16xf32>
      %parallel_loop3A_598 = arith.mulf %parallel_loop3A_564, %parallel_loop3A_582 : vector<16xf32>
      %parallel_loop3A_599 = arith.mulf %parallel_loop3A_570, %parallel_loop3A_576 : vector<16xf32>
      %parallel_loop3A_600 = arith.addf %parallel_loop3A_598, %parallel_loop3A_599 : vector<16xf32>
      %parallel_loop3A_601 = arith.mulf %parallel_loop3A_597, %parallel_loop3A_588 : vector<16xf32>
      %parallel_loop3A_602 = arith.addf %parallel_loop3A_558, %parallel_loop3A_601 : vector<16xf32>
      %parallel_loop3A_603 = arith.mulf %parallel_loop3A_600, %parallel_loop3A_594 : vector<16xf32>
      %parallel_loop3A_604 = arith.addf %parallel_loop3A_602, %parallel_loop3A_603 : vector<16xf32>
      %parallel_loop3A_605 = arith.constant 0 : i32
      %parallel_loop3A_606 = arith.index_cast %parallel_loop3A_605 : i32 to index
      %parallel_loop3A_607 = arith.index_cast %parallel_loop3A_556 : i32 to index
      %parallel_loop3A_608 = arith.constant 16 : index
      %parallel_loop3A_609 = tpu.vector_load %arg11[%parallel_loop3A_606, %parallel_loop3A_607, %parallel_loop3A_608] {strides = array<i32>} : memref<2x128x128xf32, #tpu.memory_space<vmem>>, vector<1x1x16xf32>,
      %parallel_loop3A_610 = vector.shape_cast %parallel_loop3A_609 : vector<1x1x16xf32> to vector<16xf32>
      %parallel_loop3A_611 = arith.constant 0 : i32
      %parallel_loop3A_612 = arith.index_cast %parallel_loop3A_611 : i32 to index
      %parallel_loop3A_613 = arith.index_cast %parallel_loop3A_556 : i32 to index
      %parallel_loop3A_614 = arith.constant 80 : index
      %parallel_loop3A_615 = tpu.vector_load %arg11[%parallel_loop3A_612, %parallel_loop3A_613, %parallel_loop3A_614] {strides = array<i32>} : memref<2x128x128xf32, #tpu.memory_space<vmem>>, vector<1x1x16xf32>,
      %parallel_loop3A_616 = vector.shape_cast %parallel_loop3A_615 : vector<1x1x16xf32> to vector<16xf32>
      %parallel_loop3A_617 = arith.constant 0 : i32
      %parallel_loop3A_618 = arith.index_cast %parallel_loop3A_617 : i32 to index
      %parallel_loop3A_619 = arith.index_cast %parallel_loop3A_556 : i32 to index
      %parallel_loop3A_620 = arith.constant 16 : index
      %parallel_loop3A_621 = tpu.vector_load %arg12[%parallel_loop3A_618, %parallel_loop3A_619, %parallel_loop3A_620] {strides = array<i32>} : memref<2x128x128xf32, #tpu.memory_space<vmem>>, vector<1x1x16xf32>,
      %parallel_loop3A_622 = vector.shape_cast %parallel_loop3A_621 : vector<1x1x16xf32> to vector<16xf32>
      %parallel_loop3A_623 = arith.constant 0 : i32
      %parallel_loop3A_624 = arith.index_cast %parallel_loop3A_623 : i32 to index
      %parallel_loop3A_625 = arith.index_cast %parallel_loop3A_556 : i32 to index
      %parallel_loop3A_626 = arith.constant 80 : index
      %parallel_loop3A_627 = tpu.vector_load %arg12[%parallel_loop3A_624, %parallel_loop3A_625, %parallel_loop3A_626] {strides = array<i32>} : memref<2x128x128xf32, #tpu.memory_space<vmem>>, vector<1x1x16xf32>,
      %parallel_loop3A_628 = vector.shape_cast %parallel_loop3A_627 : vector<1x1x16xf32> to vector<16xf32>
      %parallel_loop3A_629 = arith.constant 0 : i32
      %parallel_loop3A_630 = arith.index_cast %parallel_loop3A_629 : i32 to index
      %parallel_loop3A_631 = arith.index_cast %parallel_loop3A_556 : i32 to index
      %parallel_loop3A_632 = arith.constant 16 : index
      %parallel_loop3A_633 = tpu.vector_load %arg13[%parallel_loop3A_630, %parallel_loop3A_631, %parallel_loop3A_632] {strides = array<i32>} : memref<2x128x128xf32, #tpu.memory_space<vmem>>, vector<1x1x16xf32>,
      %parallel_loop3A_634 = vector.shape_cast %parallel_loop3A_633 : vector<1x1x16xf32> to vector<16xf32>
      %parallel_loop3A_635 = arith.constant 0 : i32
      %parallel_loop3A_636 = arith.index_cast %parallel_loop3A_635 : i32 to index
      %parallel_loop3A_637 = arith.index_cast %parallel_loop3A_556 : i32 to index
      %parallel_loop3A_638 = arith.constant 80 : index
      %parallel_loop3A_639 = tpu.vector_load %arg13[%parallel_loop3A_636, %parallel_loop3A_637, %parallel_loop3A_638] {strides = array<i32>} : memref<2x128x128xf32, #tpu.memory_space<vmem>>, vector<1x1x16xf32>,
      %parallel_loop3A_640 = vector.shape_cast %parallel_loop3A_639 : vector<1x1x16xf32> to vector<16xf32>
      %parallel_loop3A_641 = arith.mulf %parallel_loop3A_610, %parallel_loop3A_622 : vector<16xf32>
      %parallel_loop3A_642 = arith.mulf %parallel_loop3A_616, %parallel_loop3A_628 : vector<16xf32>
      %parallel_loop3A_643 = arith.subf %parallel_loop3A_641, %parallel_loop3A_642 : vector<16xf32>
      %parallel_loop3A_644 = arith.mulf %parallel_loop3A_610, %parallel_loop3A_628 : vector<16xf32>
      %parallel_loop3A_645 = arith.mulf %parallel_loop3A_616, %parallel_loop3A_622 : vector<16xf32>
      %parallel_loop3A_646 = arith.addf %parallel_loop3A_644, %parallel_loop3A_645 : vector<16xf32>
      %parallel_loop3A_647 = arith.mulf %parallel_loop3A_643, %parallel_loop3A_634 : vector<16xf32>
      %parallel_loop3A_648 = arith.addf %parallel_loop3A_604, %parallel_loop3A_647 : vector<16xf32>
      %parallel_loop3A_649 = arith.mulf %parallel_loop3A_646, %parallel_loop3A_640 : vector<16xf32>
      %parallel_loop3A_650 = arith.addf %parallel_loop3A_648, %parallel_loop3A_649 : vector<16xf32>
      %parallel_loop3A_651 = arith.constant 0 : i32
      %parallel_loop3A_652 = arith.index_cast %parallel_loop3A_651 : i32 to index
      %parallel_loop3A_653 = arith.index_cast %parallel_loop3A_556 : i32 to index
      %parallel_loop3A_654 = arith.constant 32 : index
      %parallel_loop3A_655 = tpu.vector_load %arg11[%parallel_loop3A_652, %parallel_loop3A_653, %parallel_loop3A_654] {strides = array<i32>} : memref<2x128x128xf32, #tpu.memory_space<vmem>>, vector<1x1x16xf32>,
      %parallel_loop3A_656 = vector.shape_cast %parallel_loop3A_655 : vector<1x1x16xf32> to vector<16xf32>
      %parallel_loop3A_657 = arith.constant 0 : i32
      %parallel_loop3A_658 = arith.index_cast %parallel_loop3A_657 : i32 to index
      %parallel_loop3A_659 = arith.index_cast %parallel_loop3A_556 : i32 to index
      %parallel_loop3A_660 = arith.constant 96 : index
      %parallel_loop3A_661 = tpu.vector_load %arg11[%parallel_loop3A_658, %parallel_loop3A_659, %parallel_loop3A_660] {strides = array<i32>} : memref<2x128x128xf32, #tpu.memory_space<vmem>>, vector<1x1x16xf32>,
      %parallel_loop3A_662 = vector.shape_cast %parallel_loop3A_661 : vector<1x1x16xf32> to vector<16xf32>
      %parallel_loop3A_663 = arith.constant 0 : i32
      %parallel_loop3A_664 = arith.index_cast %parallel_loop3A_663 : i32 to index
      %parallel_loop3A_665 = arith.index_cast %parallel_loop3A_556 : i32 to index
      %parallel_loop3A_666 = arith.constant 32 : index
      %parallel_loop3A_667 = tpu.vector_load %arg12[%parallel_loop3A_664, %parallel_loop3A_665, %parallel_loop3A_666] {strides = array<i32>} : memref<2x128x128xf32, #tpu.memory_space<vmem>>, vector<1x1x16xf32>,
      %parallel_loop3A_668 = vector.shape_cast %parallel_loop3A_667 : vector<1x1x16xf32> to vector<16xf32>
      %parallel_loop3A_669 = arith.constant 0 : i32
      %parallel_loop3A_670 = arith.index_cast %parallel_loop3A_669 : i32 to index
      %parallel_loop3A_671 = arith.index_cast %parallel_loop3A_556 : i32 to index
      %parallel_loop3A_672 = arith.constant 96 : index
      %parallel_loop3A_673 = tpu.vector_load %arg12[%parallel_loop3A_670, %parallel_loop3A_671, %parallel_loop3A_672] {strides = array<i32>} : memref<2x128x128xf32, #tpu.memory_space<vmem>>, vector<1x1x16xf32>,
      %parallel_loop3A_674 = vector.shape_cast %parallel_loop3A_673 : vector<1x1x16xf32> to vector<16xf32>
      %parallel_loop3A_675 = arith.constant 0 : i32
      %parallel_loop3A_676 = arith.index_cast %parallel_loop3A_675 : i32 to index
      %parallel_loop3A_677 = arith.index_cast %parallel_loop3A_556 : i32 to index
      %parallel_loop3A_678 = arith.constant 32 : index
      %parallel_loop3A_679 = tpu.vector_load %arg13[%parallel_loop3A_676, %parallel_loop3A_677, %parallel_loop3A_678] {strides = array<i32>} : memref<2x128x128xf32, #tpu.memory_space<vmem>>, vector<1x1x16xf32>,
      %parallel_loop3A_680 = vector.shape_cast %parallel_loop3A_679 : vector<1x1x16xf32> to vector<16xf32>
      %parallel_loop3A_681 = arith.constant 0 : i32
      %parallel_loop3A_682 = arith.index_cast %parallel_loop3A_681 : i32 to index
      %parallel_loop3A_683 = arith.index_cast %parallel_loop3A_556 : i32 to index
      %parallel_loop3A_684 = arith.constant 96 : index
      %parallel_loop3A_685 = tpu.vector_load %arg13[%parallel_loop3A_682, %parallel_loop3A_683, %parallel_loop3A_684] {strides = array<i32>} : memref<2x128x128xf32, #tpu.memory_space<vmem>>, vector<1x1x16xf32>,
      %parallel_loop3A_686 = vector.shape_cast %parallel_loop3A_685 : vector<1x1x16xf32> to vector<16xf32>
      %parallel_loop3A_687 = arith.mulf %parallel_loop3A_656, %parallel_loop3A_668 : vector<16xf32>
      %parallel_loop3A_688 = arith.mulf %parallel_loop3A_662, %parallel_loop3A_674 : vector<16xf32>
      %parallel_loop3A_689 = arith.subf %parallel_loop3A_687, %parallel_loop3A_688 : vector<16xf32>
      %parallel_loop3A_690 = arith.mulf %parallel_loop3A_656, %parallel_loop3A_674 : vector<16xf32>
      %parallel_loop3A_691 = arith.mulf %parallel_loop3A_662, %parallel_loop3A_668 : vector<16xf32>
      %parallel_loop3A_692 = arith.addf %parallel_loop3A_690, %parallel_loop3A_691 : vector<16xf32>
      %parallel_loop3A_693 = arith.mulf %parallel_loop3A_689, %parallel_loop3A_680 : vector<16xf32>
      %parallel_loop3A_694 = arith.addf %parallel_loop3A_650, %parallel_loop3A_693 : vector<16xf32>
      %parallel_loop3A_695 = arith.mulf %parallel_loop3A_692, %parallel_loop3A_686 : vector<16xf32>
      %parallel_loop3A_696 = arith.addf %parallel_loop3A_694, %parallel_loop3A_695 : vector<16xf32>
      %parallel_loop3A_697 = arith.constant 0 : i32
      %parallel_loop3A_698 = arith.index_cast %parallel_loop3A_697 : i32 to index
      %parallel_loop3A_699 = arith.index_cast %parallel_loop3A_556 : i32 to index
      %parallel_loop3A_700 = arith.constant 48 : index
      %parallel_loop3A_701 = tpu.vector_load %arg11[%parallel_loop3A_698, %parallel_loop3A_699, %parallel_loop3A_700] {strides = array<i32>} : memref<2x128x128xf32, #tpu.memory_space<vmem>>, vector<1x1x16xf32>,
      %parallel_loop3A_702 = vector.shape_cast %parallel_loop3A_701 : vector<1x1x16xf32> to vector<16xf32>
      %parallel_loop3A_703 = arith.constant 0 : i32
      %parallel_loop3A_704 = arith.index_cast %parallel_loop3A_703 : i32 to index
      %parallel_loop3A_705 = arith.index_cast %parallel_loop3A_556 : i32 to index
      %parallel_loop3A_706 = arith.constant 112 : index
      %parallel_loop3A_707 = tpu.vector_load %arg11[%parallel_loop3A_704, %parallel_loop3A_705, %parallel_loop3A_706] {strides = array<i32>} : memref<2x128x128xf32, #tpu.memory_space<vmem>>, vector<1x1x16xf32>,
      %parallel_loop3A_708 = vector.shape_cast %parallel_loop3A_707 : vector<1x1x16xf32> to vector<16xf32>
      %parallel_loop3A_709 = arith.constant 0 : i32
      %parallel_loop3A_710 = arith.index_cast %parallel_loop3A_709 : i32 to index
      %parallel_loop3A_711 = arith.index_cast %parallel_loop3A_556 : i32 to index
      %parallel_loop3A_712 = arith.constant 48 : index
      %parallel_loop3A_713 = tpu.vector_load %arg12[%parallel_loop3A_710, %parallel_loop3A_711, %parallel_loop3A_712] {strides = array<i32>} : memref<2x128x128xf32, #tpu.memory_space<vmem>>, vector<1x1x16xf32>,
      %parallel_loop3A_714 = vector.shape_cast %parallel_loop3A_713 : vector<1x1x16xf32> to vector<16xf32>
      %parallel_loop3A_715 = arith.constant 0 : i32
      %parallel_loop3A_716 = arith.index_cast %parallel_loop3A_715 : i32 to index
      %parallel_loop3A_717 = arith.index_cast %parallel_loop3A_556 : i32 to index
      %parallel_loop3A_718 = arith.constant 112 : index
      %parallel_loop3A_719 = tpu.vector_load %arg12[%parallel_loop3A_716, %parallel_loop3A_717, %parallel_loop3A_718] {strides = array<i32>} : memref<2x128x128xf32, #tpu.memory_space<vmem>>, vector<1x1x16xf32>,
      %parallel_loop3A_720 = vector.shape_cast %parallel_loop3A_719 : vector<1x1x16xf32> to vector<16xf32>
      %parallel_loop3A_721 = arith.constant 0 : i32
      %parallel_loop3A_722 = arith.index_cast %parallel_loop3A_721 : i32 to index
      %parallel_loop3A_723 = arith.index_cast %parallel_loop3A_556 : i32 to index
      %parallel_loop3A_724 = arith.constant 48 : index
      %parallel_loop3A_725 = tpu.vector_load %arg13[%parallel_loop3A_722, %parallel_loop3A_723, %parallel_loop3A_724] {strides = array<i32>} : memref<2x128x128xf32, #tpu.memory_space<vmem>>, vector<1x1x16xf32>,
      %parallel_loop3A_726 = vector.shape_cast %parallel_loop3A_725 : vector<1x1x16xf32> to vector<16xf32>
      %parallel_loop3A_727 = arith.constant 0 : i32
      %parallel_loop3A_728 = arith.index_cast %parallel_loop3A_727 : i32 to index
      %parallel_loop3A_729 = arith.index_cast %parallel_loop3A_556 : i32 to index
      %parallel_loop3A_730 = arith.constant 112 : index
      %parallel_loop3A_731 = tpu.vector_load %arg13[%parallel_loop3A_728, %parallel_loop3A_729, %parallel_loop3A_730] {strides = array<i32>} : memref<2x128x128xf32, #tpu.memory_space<vmem>>, vector<1x1x16xf32>,
      %parallel_loop3A_732 = vector.shape_cast %parallel_loop3A_731 : vector<1x1x16xf32> to vector<16xf32>
      %parallel_loop3A_733 = arith.mulf %parallel_loop3A_702, %parallel_loop3A_714 : vector<16xf32>
      %parallel_loop3A_734 = arith.mulf %parallel_loop3A_708, %parallel_loop3A_720 : vector<16xf32>
      %parallel_loop3A_735 = arith.subf %parallel_loop3A_733, %parallel_loop3A_734 : vector<16xf32>
      %parallel_loop3A_736 = arith.mulf %parallel_loop3A_702, %parallel_loop3A_720 : vector<16xf32>
      %parallel_loop3A_737 = arith.mulf %parallel_loop3A_708, %parallel_loop3A_714 : vector<16xf32>
      %parallel_loop3A_738 = arith.addf %parallel_loop3A_736, %parallel_loop3A_737 : vector<16xf32>
      %parallel_loop3A_739 = arith.mulf %parallel_loop3A_735, %parallel_loop3A_726 : vector<16xf32>
      %parallel_loop3A_740 = arith.addf %parallel_loop3A_696, %parallel_loop3A_739 : vector<16xf32>
      %parallel_loop3A_741 = arith.mulf %parallel_loop3A_738, %parallel_loop3A_732 : vector<16xf32>
      %parallel_loop3A_742 = arith.addf %parallel_loop3A_740, %parallel_loop3A_741 : vector<16xf32>
      %parallel_loop3A_743 = arith.constant 2 : i32
      %parallel_loop3A_744 = arith.muli %parallel_loop3A_743, %parallel_loop3A_554 : i32
      %parallel_loop3A_745 = arith.constant 1 : i32
      %parallel_loop3A_746 = arith.addi %parallel_loop3A_744, %parallel_loop3A_745 : i32
      %parallel_loop3A_747 = arith.constant 0.000000e+00 : f32
      %parallel_loop3A_748 = vector.broadcast %parallel_loop3A_747 : f32 to vector<16xf32>
      %parallel_loop3A_749 = arith.constant 0 : i32
      %parallel_loop3A_750 = arith.index_cast %parallel_loop3A_749 : i32 to index
      %parallel_loop3A_751 = arith.index_cast %parallel_loop3A_746 : i32 to index
      %parallel_loop3A_752 = arith.constant 0 : index
      %parallel_loop3A_753 = tpu.vector_load %arg11[%parallel_loop3A_750, %parallel_loop3A_751, %parallel_loop3A_752] {strides = array<i32>} : memref<2x128x128xf32, #tpu.memory_space<vmem>>, vector<1x1x16xf32>,
      %parallel_loop3A_754 = vector.shape_cast %parallel_loop3A_753 : vector<1x1x16xf32> to vector<16xf32>
      %parallel_loop3A_755 = arith.constant 0 : i32
      %parallel_loop3A_756 = arith.index_cast %parallel_loop3A_755 : i32 to index
      %parallel_loop3A_757 = arith.index_cast %parallel_loop3A_746 : i32 to index
      %parallel_loop3A_758 = arith.constant 64 : index
      %parallel_loop3A_759 = tpu.vector_load %arg11[%parallel_loop3A_756, %parallel_loop3A_757, %parallel_loop3A_758] {strides = array<i32>} : memref<2x128x128xf32, #tpu.memory_space<vmem>>, vector<1x1x16xf32>,
      %parallel_loop3A_760 = vector.shape_cast %parallel_loop3A_759 : vector<1x1x16xf32> to vector<16xf32>
      %parallel_loop3A_761 = arith.constant 0 : i32
      %parallel_loop3A_762 = arith.index_cast %parallel_loop3A_761 : i32 to index
      %parallel_loop3A_763 = arith.index_cast %parallel_loop3A_746 : i32 to index
      %parallel_loop3A_764 = arith.constant 0 : index
      %parallel_loop3A_765 = tpu.vector_load %arg12[%parallel_loop3A_762, %parallel_loop3A_763, %parallel_loop3A_764] {strides = array<i32>} : memref<2x128x128xf32, #tpu.memory_space<vmem>>, vector<1x1x16xf32>,
      %parallel_loop3A_766 = vector.shape_cast %parallel_loop3A_765 : vector<1x1x16xf32> to vector<16xf32>
      %parallel_loop3A_767 = arith.constant 0 : i32
      %parallel_loop3A_768 = arith.index_cast %parallel_loop3A_767 : i32 to index
      %parallel_loop3A_769 = arith.index_cast %parallel_loop3A_746 : i32 to index
      %parallel_loop3A_770 = arith.constant 64 : index
      %parallel_loop3A_771 = tpu.vector_load %arg12[%parallel_loop3A_768, %parallel_loop3A_769, %parallel_loop3A_770] {strides = array<i32>} : memref<2x128x128xf32, #tpu.memory_space<vmem>>, vector<1x1x16xf32>,
      %parallel_loop3A_772 = vector.shape_cast %parallel_loop3A_771 : vector<1x1x16xf32> to vector<16xf32>
      %parallel_loop3A_773 = arith.constant 0 : i32
      %parallel_loop3A_774 = arith.index_cast %parallel_loop3A_773 : i32 to index
      %parallel_loop3A_775 = arith.index_cast %parallel_loop3A_746 : i32 to index
      %parallel_loop3A_776 = arith.constant 0 : index
      %parallel_loop3A_777 = tpu.vector_load %arg13[%parallel_loop3A_774, %parallel_loop3A_775, %parallel_loop3A_776] {strides = array<i32>} : memref<2x128x128xf32, #tpu.memory_space<vmem>>, vector<1x1x16xf32>,
      %parallel_loop3A_778 = vector.shape_cast %parallel_loop3A_777 : vector<1x1x16xf32> to vector<16xf32>
      %parallel_loop3A_779 = arith.constant 0 : i32
      %parallel_loop3A_780 = arith.index_cast %parallel_loop3A_779 : i32 to index
      %parallel_loop3A_781 = arith.index_cast %parallel_loop3A_746 : i32 to index
      %parallel_loop3A_782 = arith.constant 64 : index
      %parallel_loop3A_783 = tpu.vector_load %arg13[%parallel_loop3A_780, %parallel_loop3A_781, %parallel_loop3A_782] {strides = array<i32>} : memref<2x128x128xf32, #tpu.memory_space<vmem>>, vector<1x1x16xf32>,
      %parallel_loop3A_784 = vector.shape_cast %parallel_loop3A_783 : vector<1x1x16xf32> to vector<16xf32>
      %parallel_loop3A_785 = arith.mulf %parallel_loop3A_754, %parallel_loop3A_766 : vector<16xf32>
      %parallel_loop3A_786 = arith.mulf %parallel_loop3A_760, %parallel_loop3A_772 : vector<16xf32>
      %parallel_loop3A_787 = arith.subf %parallel_loop3A_785, %parallel_loop3A_786 : vector<16xf32>
      %parallel_loop3A_788 = arith.mulf %parallel_loop3A_754, %parallel_loop3A_772 : vector<16xf32>
      %parallel_loop3A_789 = arith.mulf %parallel_loop3A_760, %parallel_loop3A_766 : vector<16xf32>
      %parallel_loop3A_790 = arith.addf %parallel_loop3A_788, %parallel_loop3A_789 : vector<16xf32>
      %parallel_loop3A_791 = arith.mulf %parallel_loop3A_787, %parallel_loop3A_778 : vector<16xf32>
      %parallel_loop3A_792 = arith.addf %parallel_loop3A_748, %parallel_loop3A_791 : vector<16xf32>
      %parallel_loop3A_793 = arith.mulf %parallel_loop3A_790, %parallel_loop3A_784 : vector<16xf32>
      %parallel_loop3A_794 = arith.addf %parallel_loop3A_792, %parallel_loop3A_793 : vector<16xf32>
      %parallel_loop3A_795 = arith.constant 0 : i32
      %parallel_loop3A_796 = arith.index_cast %parallel_loop3A_795 : i32 to index
      %parallel_loop3A_797 = arith.index_cast %parallel_loop3A_746 : i32 to index
      %parallel_loop3A_798 = arith.constant 16 : index
      %parallel_loop3A_799 = tpu.vector_load %arg11[%parallel_loop3A_796, %parallel_loop3A_797, %parallel_loop3A_798] {strides = array<i32>} : memref<2x128x128xf32, #tpu.memory_space<vmem>>, vector<1x1x16xf32>,
      %parallel_loop3A_800 = vector.shape_cast %parallel_loop3A_799 : vector<1x1x16xf32> to vector<16xf32>
      %parallel_loop3A_801 = arith.constant 0 : i32
      %parallel_loop3A_802 = arith.index_cast %parallel_loop3A_801 : i32 to index
      %parallel_loop3A_803 = arith.index_cast %parallel_loop3A_746 : i32 to index
      %parallel_loop3A_804 = arith.constant 80 : index
      %parallel_loop3A_805 = tpu.vector_load %arg11[%parallel_loop3A_802, %parallel_loop3A_803, %parallel_loop3A_804] {strides = array<i32>} : memref<2x128x128xf32, #tpu.memory_space<vmem>>, vector<1x1x16xf32>,
      %parallel_loop3A_806 = vector.shape_cast %parallel_loop3A_805 : vector<1x1x16xf32> to vector<16xf32>
      %parallel_loop3A_807 = arith.constant 0 : i32
      %parallel_loop3A_808 = arith.index_cast %parallel_loop3A_807 : i32 to index
      %parallel_loop3A_809 = arith.index_cast %parallel_loop3A_746 : i32 to index
      %parallel_loop3A_810 = arith.constant 16 : index
      %parallel_loop3A_811 = tpu.vector_load %arg12[%parallel_loop3A_808, %parallel_loop3A_809, %parallel_loop3A_810] {strides = array<i32>} : memref<2x128x128xf32, #tpu.memory_space<vmem>>, vector<1x1x16xf32>,
      %parallel_loop3A_812 = vector.shape_cast %parallel_loop3A_811 : vector<1x1x16xf32> to vector<16xf32>
      %parallel_loop3A_813 = arith.constant 0 : i32
      %parallel_loop3A_814 = arith.index_cast %parallel_loop3A_813 : i32 to index
      %parallel_loop3A_815 = arith.index_cast %parallel_loop3A_746 : i32 to index
      %parallel_loop3A_816 = arith.constant 80 : index
      %parallel_loop3A_817 = tpu.vector_load %arg12[%parallel_loop3A_814, %parallel_loop3A_815, %parallel_loop3A_816] {strides = array<i32>} : memref<2x128x128xf32, #tpu.memory_space<vmem>>, vector<1x1x16xf32>,
      %parallel_loop3A_818 = vector.shape_cast %parallel_loop3A_817 : vector<1x1x16xf32> to vector<16xf32>
      %parallel_loop3A_819 = arith.constant 0 : i32
      %parallel_loop3A_820 = arith.index_cast %parallel_loop3A_819 : i32 to index
      %parallel_loop3A_821 = arith.index_cast %parallel_loop3A_746 : i32 to index
      %parallel_loop3A_822 = arith.constant 16 : index
      %parallel_loop3A_823 = tpu.vector_load %arg13[%parallel_loop3A_820, %parallel_loop3A_821, %parallel_loop3A_822] {strides = array<i32>} : memref<2x128x128xf32, #tpu.memory_space<vmem>>, vector<1x1x16xf32>,
      %parallel_loop3A_824 = vector.shape_cast %parallel_loop3A_823 : vector<1x1x16xf32> to vector<16xf32>
      %parallel_loop3A_825 = arith.constant 0 : i32
      %parallel_loop3A_826 = arith.index_cast %parallel_loop3A_825 : i32 to index
      %parallel_loop3A_827 = arith.index_cast %parallel_loop3A_746 : i32 to index
      %parallel_loop3A_828 = arith.constant 80 : index
      %parallel_loop3A_829 = tpu.vector_load %arg13[%parallel_loop3A_826, %parallel_loop3A_827, %parallel_loop3A_828] {strides = array<i32>} : memref<2x128x128xf32, #tpu.memory_space<vmem>>, vector<1x1x16xf32>,
      %parallel_loop3A_830 = vector.shape_cast %parallel_loop3A_829 : vector<1x1x16xf32> to vector<16xf32>
      %parallel_loop3A_831 = arith.mulf %parallel_loop3A_800, %parallel_loop3A_812 : vector<16xf32>
      %parallel_loop3A_832 = arith.mulf %parallel_loop3A_806, %parallel_loop3A_818 : vector<16xf32>
      %parallel_loop3A_833 = arith.subf %parallel_loop3A_831, %parallel_loop3A_832 : vector<16xf32>
      %parallel_loop3A_834 = arith.mulf %parallel_loop3A_800, %parallel_loop3A_818 : vector<16xf32>
      %parallel_loop3A_835 = arith.mulf %parallel_loop3A_806, %parallel_loop3A_812 : vector<16xf32>
      %parallel_loop3A_836 = arith.addf %parallel_loop3A_834, %parallel_loop3A_835 : vector<16xf32>
      %parallel_loop3A_837 = arith.mulf %parallel_loop3A_833, %parallel_loop3A_824 : vector<16xf32>
      %parallel_loop3A_838 = arith.addf %parallel_loop3A_794, %parallel_loop3A_837 : vector<16xf32>
      %parallel_loop3A_839 = arith.mulf %parallel_loop3A_836, %parallel_loop3A_830 : vector<16xf32>
      %parallel_loop3A_840 = arith.addf %parallel_loop3A_838, %parallel_loop3A_839 : vector<16xf32>
      %parallel_loop3A_841 = arith.constant 0 : i32
      %parallel_loop3A_842 = arith.index_cast %parallel_loop3A_841 : i32 to index
      %parallel_loop3A_843 = arith.index_cast %parallel_loop3A_746 : i32 to index
      %parallel_loop3A_844 = arith.constant 32 : index
      %parallel_loop3A_845 = tpu.vector_load %arg11[%parallel_loop3A_842, %parallel_loop3A_843, %parallel_loop3A_844] {strides = array<i32>} : memref<2x128x128xf32, #tpu.memory_space<vmem>>, vector<1x1x16xf32>,
      %parallel_loop3A_846 = vector.shape_cast %parallel_loop3A_845 : vector<1x1x16xf32> to vector<16xf32>
      %parallel_loop3A_847 = arith.constant 0 : i32
      %parallel_loop3A_848 = arith.index_cast %parallel_loop3A_847 : i32 to index
      %parallel_loop3A_849 = arith.index_cast %parallel_loop3A_746 : i32 to index
      %parallel_loop3A_850 = arith.constant 96 : index
      %parallel_loop3A_851 = tpu.vector_load %arg11[%parallel_loop3A_848, %parallel_loop3A_849, %parallel_loop3A_850] {strides = array<i32>} : memref<2x128x128xf32, #tpu.memory_space<vmem>>, vector<1x1x16xf32>,
      %parallel_loop3A_852 = vector.shape_cast %parallel_loop3A_851 : vector<1x1x16xf32> to vector<16xf32>
      %parallel_loop3A_853 = arith.constant 0 : i32
      %parallel_loop3A_854 = arith.index_cast %parallel_loop3A_853 : i32 to index
      %parallel_loop3A_855 = arith.index_cast %parallel_loop3A_746 : i32 to index
      %parallel_loop3A_856 = arith.constant 32 : index
      %parallel_loop3A_857 = tpu.vector_load %arg12[%parallel_loop3A_854, %parallel_loop3A_855, %parallel_loop3A_856] {strides = array<i32>} : memref<2x128x128xf32, #tpu.memory_space<vmem>>, vector<1x1x16xf32>,
      %parallel_loop3A_858 = vector.shape_cast %parallel_loop3A_857 : vector<1x1x16xf32> to vector<16xf32>
      %parallel_loop3A_859 = arith.constant 0 : i32
      %parallel_loop3A_860 = arith.index_cast %parallel_loop3A_859 : i32 to index
      %parallel_loop3A_861 = arith.index_cast %parallel_loop3A_746 : i32 to index
      %parallel_loop3A_862 = arith.constant 96 : index
      %parallel_loop3A_863 = tpu.vector_load %arg12[%parallel_loop3A_860, %parallel_loop3A_861, %parallel_loop3A_862] {strides = array<i32>} : memref<2x128x128xf32, #tpu.memory_space<vmem>>, vector<1x1x16xf32>,
      %parallel_loop3A_864 = vector.shape_cast %parallel_loop3A_863 : vector<1x1x16xf32> to vector<16xf32>
      %parallel_loop3A_865 = arith.constant 0 : i32
      %parallel_loop3A_866 = arith.index_cast %parallel_loop3A_865 : i32 to index
      %parallel_loop3A_867 = arith.index_cast %parallel_loop3A_746 : i32 to index
      %parallel_loop3A_868 = arith.constant 32 : index
      %parallel_loop3A_869 = tpu.vector_load %arg13[%parallel_loop3A_866, %parallel_loop3A_867, %parallel_loop3A_868] {strides = array<i32>} : memref<2x128x128xf32, #tpu.memory_space<vmem>>, vector<1x1x16xf32>,
      %parallel_loop3A_870 = vector.shape_cast %parallel_loop3A_869 : vector<1x1x16xf32> to vector<16xf32>
      %parallel_loop3A_871 = arith.constant 0 : i32
      %parallel_loop3A_872 = arith.index_cast %parallel_loop3A_871 : i32 to index
      %parallel_loop3A_873 = arith.index_cast %parallel_loop3A_746 : i32 to index
      %parallel_loop3A_874 = arith.constant 96 : index
      %parallel_loop3A_875 = tpu.vector_load %arg13[%parallel_loop3A_872, %parallel_loop3A_873, %parallel_loop3A_874] {strides = array<i32>} : memref<2x128x128xf32, #tpu.memory_space<vmem>>, vector<1x1x16xf32>,
      %parallel_loop3A_876 = vector.shape_cast %parallel_loop3A_875 : vector<1x1x16xf32> to vector<16xf32>
      %parallel_loop3A_877 = arith.mulf %parallel_loop3A_846, %parallel_loop3A_858 : vector<16xf32>
      %parallel_loop3A_878 = arith.mulf %parallel_loop3A_852, %parallel_loop3A_864 : vector<16xf32>
      %parallel_loop3A_879 = arith.subf %parallel_loop3A_877, %parallel_loop3A_878 : vector<16xf32>
      %parallel_loop3A_880 = arith.mulf %parallel_loop3A_846, %parallel_loop3A_864 : vector<16xf32>
      %parallel_loop3A_881 = arith.mulf %parallel_loop3A_852, %parallel_loop3A_858 : vector<16xf32>
      %parallel_loop3A_882 = arith.addf %parallel_loop3A_880, %parallel_loop3A_881 : vector<16xf32>
      %parallel_loop3A_883 = arith.mulf %parallel_loop3A_879, %parallel_loop3A_870 : vector<16xf32>
      %parallel_loop3A_884 = arith.addf %parallel_loop3A_840, %parallel_loop3A_883 : vector<16xf32>
      %parallel_loop3A_885 = arith.mulf %parallel_loop3A_882, %parallel_loop3A_876 : vector<16xf32>
      %parallel_loop3A_886 = arith.addf %parallel_loop3A_884, %parallel_loop3A_885 : vector<16xf32>
      %parallel_loop3A_887 = arith.constant 0 : i32
      %parallel_loop3A_888 = arith.index_cast %parallel_loop3A_887 : i32 to index
      %parallel_loop3A_889 = arith.index_cast %parallel_loop3A_746 : i32 to index
      %parallel_loop3A_890 = arith.constant 48 : index
      %parallel_loop3A_891 = tpu.vector_load %arg11[%parallel_loop3A_888, %parallel_loop3A_889, %parallel_loop3A_890] {strides = array<i32>} : memref<2x128x128xf32, #tpu.memory_space<vmem>>, vector<1x1x16xf32>,
      %parallel_loop3A_892 = vector.shape_cast %parallel_loop3A_891 : vector<1x1x16xf32> to vector<16xf32>
      %parallel_loop3A_893 = arith.constant 0 : i32
      %parallel_loop3A_894 = arith.index_cast %parallel_loop3A_893 : i32 to index
      %parallel_loop3A_895 = arith.index_cast %parallel_loop3A_746 : i32 to index
      %parallel_loop3A_896 = arith.constant 112 : index
      %parallel_loop3A_897 = tpu.vector_load %arg11[%parallel_loop3A_894, %parallel_loop3A_895, %parallel_loop3A_896] {strides = array<i32>} : memref<2x128x128xf32, #tpu.memory_space<vmem>>, vector<1x1x16xf32>,
      %parallel_loop3A_898 = vector.shape_cast %parallel_loop3A_897 : vector<1x1x16xf32> to vector<16xf32>
      %parallel_loop3A_899 = arith.constant 0 : i32
      %parallel_loop3A_900 = arith.index_cast %parallel_loop3A_899 : i32 to index
      %parallel_loop3A_901 = arith.index_cast %parallel_loop3A_746 : i32 to index
      %parallel_loop3A_902 = arith.constant 48 : index
      %parallel_loop3A_903 = tpu.vector_load %arg12[%parallel_loop3A_900, %parallel_loop3A_901, %parallel_loop3A_902] {strides = array<i32>} : memref<2x128x128xf32, #tpu.memory_space<vmem>>, vector<1x1x16xf32>,
      %parallel_loop3A_904 = vector.shape_cast %parallel_loop3A_903 : vector<1x1x16xf32> to vector<16xf32>
      %parallel_loop3A_905 = arith.constant 0 : i32
      %parallel_loop3A_906 = arith.index_cast %parallel_loop3A_905 : i32 to index
      %parallel_loop3A_907 = arith.index_cast %parallel_loop3A_746 : i32 to index
      %parallel_loop3A_908 = arith.constant 112 : index
      %parallel_loop3A_909 = tpu.vector_load %arg12[%parallel_loop3A_906, %parallel_loop3A_907, %parallel_loop3A_908] {strides = array<i32>} : memref<2x128x128xf32, #tpu.memory_space<vmem>>, vector<1x1x16xf32>,
      %parallel_loop3A_910 = vector.shape_cast %parallel_loop3A_909 : vector<1x1x16xf32> to vector<16xf32>
      %parallel_loop3A_911 = arith.constant 0 : i32
      %parallel_loop3A_912 = arith.index_cast %parallel_loop3A_911 : i32 to index
      %parallel_loop3A_913 = arith.index_cast %parallel_loop3A_746 : i32 to index
      %parallel_loop3A_914 = arith.constant 48 : index
      %parallel_loop3A_915 = tpu.vector_load %arg13[%parallel_loop3A_912, %parallel_loop3A_913, %parallel_loop3A_914] {strides = array<i32>} : memref<2x128x128xf32, #tpu.memory_space<vmem>>, vector<1x1x16xf32>,
      %parallel_loop3A_916 = vector.shape_cast %parallel_loop3A_915 : vector<1x1x16xf32> to vector<16xf32>
      %parallel_loop3A_917 = arith.constant 0 : i32
      %parallel_loop3A_918 = arith.index_cast %parallel_loop3A_917 : i32 to index
      %parallel_loop3A_919 = arith.index_cast %parallel_loop3A_746 : i32 to index
      %parallel_loop3A_920 = arith.constant 112 : index
      %parallel_loop3A_921 = tpu.vector_load %arg13[%parallel_loop3A_918, %parallel_loop3A_919, %parallel_loop3A_920] {strides = array<i32>} : memref<2x128x128xf32, #tpu.memory_space<vmem>>, vector<1x1x16xf32>,
      %parallel_loop3A_922 = vector.shape_cast %parallel_loop3A_921 : vector<1x1x16xf32> to vector<16xf32>
      %parallel_loop3A_923 = arith.mulf %parallel_loop3A_892, %parallel_loop3A_904 : vector<16xf32>
      %parallel_loop3A_924 = arith.mulf %parallel_loop3A_898, %parallel_loop3A_910 : vector<16xf32>
      %parallel_loop3A_925 = arith.subf %parallel_loop3A_923, %parallel_loop3A_924 : vector<16xf32>
      %parallel_loop3A_926 = arith.mulf %parallel_loop3A_892, %parallel_loop3A_910 : vector<16xf32>
      %parallel_loop3A_927 = arith.mulf %parallel_loop3A_898, %parallel_loop3A_904 : vector<16xf32>
      %parallel_loop3A_928 = arith.addf %parallel_loop3A_926, %parallel_loop3A_927 : vector<16xf32>
      %parallel_loop3A_929 = arith.mulf %parallel_loop3A_925, %parallel_loop3A_916 : vector<16xf32>
      %parallel_loop3A_930 = arith.addf %parallel_loop3A_886, %parallel_loop3A_929 : vector<16xf32>
      %parallel_loop3A_931 = arith.mulf %parallel_loop3A_928, %parallel_loop3A_922 : vector<16xf32>
      %parallel_loop3A_932 = arith.addf %parallel_loop3A_930, %parallel_loop3A_931 : vector<16xf32>
      %parallel_loop3A_933 = vector.shape_cast %xor3A_27 : vector<16xi32> to vector<16x1xi32>
      %parallel_loop3A_934 = vector.shape_cast %parallel_loop3A_933 : vector<16x1xi32> to vector<16xi32>
      %parallel_loop3A_935 = tpu.dynamic_gather %parallel_loop3A_742[%parallel_loop3A_934] in [0] : vector<16xf32>, vector<16xi32> -> vector<16xf32>
      %parallel_loop3A_936 = arith.addf %parallel_loop3A_742, %parallel_loop3A_935 : vector<16xf32>
      %parallel_loop3A_937 = vector.shape_cast %xor3A_27 : vector<16xi32> to vector<16x1xi32>
      %parallel_loop3A_938 = vector.shape_cast %parallel_loop3A_937 : vector<16x1xi32> to vector<16xi32>
      %parallel_loop3A_939 = tpu.dynamic_gather %parallel_loop3A_932[%parallel_loop3A_938] in [0] : vector<16xf32>, vector<16xi32> -> vector<16xf32>
      %parallel_loop3A_940 = arith.addf %parallel_loop3A_932, %parallel_loop3A_939 : vector<16xf32>
      %parallel_loop3A_941 = arith.select %eq3A_41, %parallel_loop3A_936, %parallel_loop3A_940 : vector<16xi1>, vector<16xf32>
      %parallel_loop3A_942 = arith.constant 16 : i32
      %parallel_loop3A_943 = arith.muli %parallel_loop3A_554, %parallel_loop3A_942 : i32
      %parallel_loop3A_944 = arith.index_cast %parallel_loop3A_943 : i32 to index
      %parallel_loop3A_945 = tpu.vector_load %arg14[%parallel_loop3A_944] {strides = array<i32>} : memref<1024xf32, #tpu.memory_space<vmem>>, vector<16xf32>,
      %parallel_loop3A_946 = vector.shape_cast %parallel_loop3A_945 : vector<16xf32> to vector<16xf32>
      %parallel_loop3A_947 = vector.shape_cast %parallel_loop3A_941 : vector<16xf32> to vector<16xf32>
      tpu.vector_store %arg14[%parallel_loop3A_944], %parallel_loop3A_947 {strides = array<i32>} : memref<1024xf32, #tpu.memory_space<vmem>>, vector<16xf32>,
    } {sc.loop_unroll_factor = 2 : i64, sc.parallel_access}
    %scan3A_509 = arith.constant 0 : i32
    %scan3A_510 = arith.constant 0 : i32
    %scan3A_511 = arith.constant 8 : i32
    %scan3A_512 = arith.addi %scan3A_510, %scan3A_511 : i32
    %scan3A_513 = arith.constant 1 : i32
    %scan3A_514 = scf.for %scan3A_554 = %scan3A_510 to %scan3A_512 step %scan3A_513 iter_args(%scan3A_555 = %scan3A_509) -> (i32)  : i32 {
      %mul3A_556 = arith.constant 8 : i32
      %mul3A_557 = arith.muli %scan3A_554, %mul3A_556 : i32
      %add3A_558 = arith.constant 0 : i32
      %add3A_559 = arith.addi %mul3A_557, %add3A_558 : i32
      %mul3A_560 = arith.constant 16 : i32
      %mul3A_561 = arith.muli %add3A_559, %mul3A_560 : i32
      %get3A = arith.index_cast %mul3A_561 : i32 to index
      %get3A_562 = tpu.vector_load %arg14[%get3A] {strides = array<i32>} : memref<1024xf32, #tpu.memory_space<vmem>>, vector<16xf32>,
      %get3A_563 = vector.shape_cast %get3A_562 : vector<16xf32> to vector<16xf32>
      %mul3A_564 = arith.constant 8 : i32
      %mul3A_565 = arith.muli %scan3A_554, %mul3A_564 : i32
      %add3A_566 = arith.constant 1 : i32
      %add3A_567 = arith.addi %mul3A_565, %add3A_566 : i32
      %mul3A_568 = arith.constant 16 : i32
      %mul3A_569 = arith.muli %add3A_567, %mul3A_568 : i32
      %get3A_570 = arith.index_cast %mul3A_569 : i32 to index
      %get3A_571 = tpu.vector_load %arg14[%get3A_570] {strides = array<i32>} : memref<1024xf32, #tpu.memory_space<vmem>>, vector<16xf32>,
      %get3A_572 = vector.shape_cast %get3A_571 : vector<16xf32> to vector<16xf32>
      %broadcast_in_dim3A = vector.shape_cast %xor3A_30 : vector<16xi32> to vector<16x1xi32>
      %gather3A = vector.shape_cast %broadcast_in_dim3A : vector<16x1xi32> to vector<16xi32>
      %gather3A_573 = tpu.dynamic_gather %get3A_563[%gather3A] in [0] : vector<16xf32>, vector<16xi32> -> vector<16xf32>
      %add3A_574 = arith.addf %get3A_563, %gather3A_573 : vector<16xf32>
      %broadcast_in_dim3A_575 = vector.shape_cast %xor3A_30 : vector<16xi32> to vector<16x1xi32>
      %gather3A_576 = vector.shape_cast %broadcast_in_dim3A_575 : vector<16x1xi32> to vector<16xi32>
      %gather3A_577 = tpu.dynamic_gather %get3A_572[%gather3A_576] in [0] : vector<16xf32>, vector<16xi32> -> vector<16xf32>
      %add3A_578 = arith.addf %get3A_572, %gather3A_577 : vector<16xf32>
      %select_n3A = arith.select %eq3A_47, %add3A_574, %add3A_578 : vector<16xi1>, vector<16xf32>
      %mul3A_579 = arith.constant 8 : i32
      %mul3A_580 = arith.muli %scan3A_554, %mul3A_579 : i32
      %add3A_581 = arith.constant 2 : i32
      %add3A_582 = arith.addi %mul3A_580, %add3A_581 : i32
      %mul3A_583 = arith.constant 16 : i32
      %mul3A_584 = arith.muli %add3A_582, %mul3A_583 : i32
      %get3A_585 = arith.index_cast %mul3A_584 : i32 to index
      %get3A_586 = tpu.vector_load %arg14[%get3A_585] {strides = array<i32>} : memref<1024xf32, #tpu.memory_space<vmem>>, vector<16xf32>,
      %get3A_587 = vector.shape_cast %get3A_586 : vector<16xf32> to vector<16xf32>
      %mul3A_588 = arith.constant 8 : i32
      %mul3A_589 = arith.muli %scan3A_554, %mul3A_588 : i32
      %add3A_590 = arith.constant 3 : i32
      %add3A_591 = arith.addi %mul3A_589, %add3A_590 : i32
      %mul3A_592 = arith.constant 16 : i32
      %mul3A_593 = arith.muli %add3A_591, %mul3A_592 : i32
      %get3A_594 = arith.index_cast %mul3A_593 : i32 to index
      %get3A_595 = tpu.vector_load %arg14[%get3A_594] {strides = array<i32>} : memref<1024xf32, #tpu.memory_space<vmem>>, vector<16xf32>,
      %get3A_596 = vector.shape_cast %get3A_595 : vector<16xf32> to vector<16xf32>
      %broadcast_in_dim3A_597 = vector.shape_cast %xor3A_30 : vector<16xi32> to vector<16x1xi32>
      %gather3A_598 = vector.shape_cast %broadcast_in_dim3A_597 : vector<16x1xi32> to vector<16xi32>
      %gather3A_599 = tpu.dynamic_gather %get3A_587[%gather3A_598] in [0] : vector<16xf32>, vector<16xi32> -> vector<16xf32>
      %add3A_600 = arith.addf %get3A_587, %gather3A_599 : vector<16xf32>
      %broadcast_in_dim3A_601 = vector.shape_cast %xor3A_30 : vector<16xi32> to vector<16x1xi32>
      %gather3A_602 = vector.shape_cast %broadcast_in_dim3A_601 : vector<16x1xi32> to vector<16xi32>
      %gather3A_603 = tpu.dynamic_gather %get3A_596[%gather3A_602] in [0] : vector<16xf32>, vector<16xi32> -> vector<16xf32>
      %add3A_604 = arith.addf %get3A_596, %gather3A_603 : vector<16xf32>
      %select_n3A_605 = arith.select %eq3A_47, %add3A_600, %add3A_604 : vector<16xi1>, vector<16xf32>
      %broadcast_in_dim3A_606 = vector.shape_cast %xor3A_33 : vector<16xi32> to vector<16x1xi32>
      %gather3A_607 = vector.shape_cast %broadcast_in_dim3A_606 : vector<16x1xi32> to vector<16xi32>
      %gather3A_608 = tpu.dynamic_gather %select_n3A[%gather3A_607] in [0] : vector<16xf32>, vector<16xi32> -> vector<16xf32>
      %add3A_609 = arith.addf %select_n3A, %gather3A_608 : vector<16xf32>
      %broadcast_in_dim3A_610 = vector.shape_cast %xor3A_33 : vector<16xi32> to vector<16x1xi32>
      %gather3A_611 = vector.shape_cast %broadcast_in_dim3A_610 : vector<16x1xi32> to vector<16xi32>
      %gather3A_612 = tpu.dynamic_gather %select_n3A_605[%gather3A_611] in [0] : vector<16xf32>, vector<16xi32> -> vector<16xf32>
      %add3A_613 = arith.addf %select_n3A_605, %gather3A_612 : vector<16xf32>
      %select_n3A_614 = arith.select %eq3A_53, %add3A_609, %add3A_613 : vector<16xi1>, vector<16xf32>
      %mul3A_615 = arith.constant 8 : i32
      %mul3A_616 = arith.muli %scan3A_554, %mul3A_615 : i32
      %add3A_617 = arith.constant 4 : i32
      %add3A_618 = arith.addi %mul3A_616, %add3A_617 : i32
      %mul3A_619 = arith.constant 16 : i32
      %mul3A_620 = arith.muli %add3A_618, %mul3A_619 : i32
      %get3A_621 = arith.index_cast %mul3A_620 : i32 to index
      %get3A_622 = tpu.vector_load %arg14[%get3A_621] {strides = array<i32>} : memref<1024xf32, #tpu.memory_space<vmem>>, vector<16xf32>,
      %get3A_623 = vector.shape_cast %get3A_622 : vector<16xf32> to vector<16xf32>
      %mul3A_624 = arith.constant 8 : i32
      %mul3A_625 = arith.muli %scan3A_554, %mul3A_624 : i32
      %add3A_626 = arith.constant 5 : i32
      %add3A_627 = arith.addi %mul3A_625, %add3A_626 : i32
      %mul3A_628 = arith.constant 16 : i32
      %mul3A_629 = arith.muli %add3A_627, %mul3A_628 : i32
      %get3A_630 = arith.index_cast %mul3A_629 : i32 to index
      %get3A_631 = tpu.vector_load %arg14[%get3A_630] {strides = array<i32>} : memref<1024xf32, #tpu.memory_space<vmem>>, vector<16xf32>,
      %get3A_632 = vector.shape_cast %get3A_631 : vector<16xf32> to vector<16xf32>
      %broadcast_in_dim3A_633 = vector.shape_cast %xor3A_30 : vector<16xi32> to vector<16x1xi32>
      %gather3A_634 = vector.shape_cast %broadcast_in_dim3A_633 : vector<16x1xi32> to vector<16xi32>
      %gather3A_635 = tpu.dynamic_gather %get3A_623[%gather3A_634] in [0] : vector<16xf32>, vector<16xi32> -> vector<16xf32>
      %add3A_636 = arith.addf %get3A_623, %gather3A_635 : vector<16xf32>
      %broadcast_in_dim3A_637 = vector.shape_cast %xor3A_30 : vector<16xi32> to vector<16x1xi32>
      %gather3A_638 = vector.shape_cast %broadcast_in_dim3A_637 : vector<16x1xi32> to vector<16xi32>
      %gather3A_639 = tpu.dynamic_gather %get3A_632[%gather3A_638] in [0] : vector<16xf32>, vector<16xi32> -> vector<16xf32>
      %add3A_640 = arith.addf %get3A_632, %gather3A_639 : vector<16xf32>
      %select_n3A_641 = arith.select %eq3A_47, %add3A_636, %add3A_640 : vector<16xi1>, vector<16xf32>
      %mul3A_642 = arith.constant 8 : i32
      %mul3A_643 = arith.muli %scan3A_554, %mul3A_642 : i32
      %add3A_644 = arith.constant 6 : i32
      %add3A_645 = arith.addi %mul3A_643, %add3A_644 : i32
      %mul3A_646 = arith.constant 16 : i32
      %mul3A_647 = arith.muli %add3A_645, %mul3A_646 : i32
      %get3A_648 = arith.index_cast %mul3A_647 : i32 to index
      %get3A_649 = tpu.vector_load %arg14[%get3A_648] {strides = array<i32>} : memref<1024xf32, #tpu.memory_space<vmem>>, vector<16xf32>,
      %get3A_650 = vector.shape_cast %get3A_649 : vector<16xf32> to vector<16xf32>
      %mul3A_651 = arith.constant 8 : i32
      %mul3A_652 = arith.muli %scan3A_554, %mul3A_651 : i32
      %add3A_653 = arith.constant 7 : i32
      %add3A_654 = arith.addi %mul3A_652, %add3A_653 : i32
      %mul3A_655 = arith.constant 16 : i32
      %mul3A_656 = arith.muli %add3A_654, %mul3A_655 : i32
      %get3A_657 = arith.index_cast %mul3A_656 : i32 to index
      %get3A_658 = tpu.vector_load %arg14[%get3A_657] {strides = array<i32>} : memref<1024xf32, #tpu.memory_space<vmem>>, vector<16xf32>,
      %get3A_659 = vector.shape_cast %get3A_658 : vector<16xf32> to vector<16xf32>
      %broadcast_in_dim3A_660 = vector.shape_cast %xor3A_30 : vector<16xi32> to vector<16x1xi32>
      %gather3A_661 = vector.shape_cast %broadcast_in_dim3A_660 : vector<16x1xi32> to vector<16xi32>
      %gather3A_662 = tpu.dynamic_gather %get3A_650[%gather3A_661] in [0] : vector<16xf32>, vector<16xi32> -> vector<16xf32>
      %add3A_663 = arith.addf %get3A_650, %gather3A_662 : vector<16xf32>
      %broadcast_in_dim3A_664 = vector.shape_cast %xor3A_30 : vector<16xi32> to vector<16x1xi32>
      %gather3A_665 = vector.shape_cast %broadcast_in_dim3A_664 : vector<16x1xi32> to vector<16xi32>
      %gather3A_666 = tpu.dynamic_gather %get3A_659[%gather3A_665] in [0] : vector<16xf32>, vector<16xi32> -> vector<16xf32>
      %add3A_667 = arith.addf %get3A_659, %gather3A_666 : vector<16xf32>
      %select_n3A_668 = arith.select %eq3A_47, %add3A_663, %add3A_667 : vector<16xi1>, vector<16xf32>
      %broadcast_in_dim3A_669 = vector.shape_cast %xor3A_33 : vector<16xi32> to vector<16x1xi32>
      %gather3A_670 = vector.shape_cast %broadcast_in_dim3A_669 : vector<16x1xi32> to vector<16xi32>
      %gather3A_671 = tpu.dynamic_gather %select_n3A_641[%gather3A_670] in [0] : vector<16xf32>, vector<16xi32> -> vector<16xf32>
      %add3A_672 = arith.addf %select_n3A_641, %gather3A_671 : vector<16xf32>
      %broadcast_in_dim3A_673 = vector.shape_cast %xor3A_33 : vector<16xi32> to vector<16x1xi32>
      %gather3A_674 = vector.shape_cast %broadcast_in_dim3A_673 : vector<16x1xi32> to vector<16xi32>
      %gather3A_675 = tpu.dynamic_gather %select_n3A_668[%gather3A_674] in [0] : vector<16xf32>, vector<16xi32> -> vector<16xf32>
      %add3A_676 = arith.addf %select_n3A_668, %gather3A_675 : vector<16xf32>
      %select_n3A_677 = arith.select %eq3A_53, %add3A_672, %add3A_676 : vector<16xi1>, vector<16xf32>
      %broadcast_in_dim3A_678 = vector.shape_cast %xor3A_36 : vector<16xi32> to vector<16x1xi32>
      %gather3A_679 = vector.shape_cast %broadcast_in_dim3A_678 : vector<16x1xi32> to vector<16xi32>
      %gather3A_680 = tpu.dynamic_gather %select_n3A_614[%gather3A_679] in [0] : vector<16xf32>, vector<16xi32> -> vector<16xf32>
      %add3A_681 = arith.addf %select_n3A_614, %gather3A_680 : vector<16xf32>
      %broadcast_in_dim3A_682 = vector.shape_cast %xor3A_36 : vector<16xi32> to vector<16x1xi32>
      %gather3A_683 = vector.shape_cast %broadcast_in_dim3A_682 : vector<16x1xi32> to vector<16xi32>
      %gather3A_684 = tpu.dynamic_gather %select_n3A_677[%gather3A_683] in [0] : vector<16xf32>, vector<16xi32> -> vector<16xf32>
      %add3A_685 = arith.addf %select_n3A_677, %gather3A_684 : vector<16xf32>
      %select_n3A_686 = arith.select %eq3A_59, %add3A_681, %add3A_685 : vector<16xi1>, vector<16xf32>
      %broadcast_in_dim3A_687 = vector.shape_cast %or3A_25 : vector<16xi32> to vector<16x1xi32>
      %gather3A_688 = vector.shape_cast %broadcast_in_dim3A_687 : vector<16x1xi32> to vector<16xi32>
      %gather3A_689 = tpu.dynamic_gather %select_n3A_686[%gather3A_688] in [0] : vector<16xf32>, vector<16xi32> -> vector<16xf32>
      %mul3A_690 = arith.constant 16 : i32
      %mul3A_691 = arith.muli %scan3A_554, %mul3A_690 : i32
      %add3A_692 = arith.constant 384 : i32
      %add3A_693 = arith.addi %add3A_692, %mul3A_691 : i32
      %swap3A = arith.index_cast %add3A_693 : i32 to index
      %swap3A_694 = tpu.vector_load %arg15[%swap3A] {strides = array<i32>} : memref<512xf32, #tpu.memory_space<vmem>>, vector<16xf32>,
      %swap3A_695 = vector.shape_cast %swap3A_694 : vector<16xf32> to vector<16xf32>
      %swap3A_696 = vector.shape_cast %gather3A_689 : vector<16xf32> to vector<16xf32>
      tpu.vector_store %arg15[%swap3A], %swap3A_696 {strides = array<i32>} : memref<512xf32, #tpu.memory_space<vmem>>, vector<16xf32>,
      %scan3A_697 = arith.constant 0 : i32
      scf.yield %scan3A_697 : i32
    }
    %scan3A_515 = arith.constant 8 : i32
    %add3A_516 = arith.constant 384 : i32
    %add3A_517 = arith.addi %mul3A_2, %add3A_516 : i32
    %dma_start3A_518 = arith.constant 384 : i32
    %dma_start3A_519 = tpu.memref_slice %arg15[%dma_start3A_518] : memref<512xf32, #tpu.memory_space<vmem>> -> memref<128xf32, #tpu.memory_space<vmem>>
    %dma_start3A_520 = tpu.memref_slice %arg7[%add3A_517] : memref<16384xf32, #tpu.memory_space<hbm>> -> memref<128xf32, #tpu.memory_space<hbm>>
    %dma_start3A_521 = tpu.memref_slice %arg7[%add3A_517] : memref<16384xf32, #tpu.memory_space<hbm>> -> memref<128xf32, #tpu.memory_space<hbm>>
    %dma_start3A_522 = arith.constant 384 : i32
    %dma_start3A_523 = tpu.memref_slice %arg15[%dma_start3A_522] : memref<512xf32, #tpu.memory_space<vmem>> -> memref<128xf32, #tpu.memory_space<vmem>>
    tpu.enqueue_dma source(%dma_start3A_523 : memref<128xf32, #tpu.memory_space<vmem>>) target(%dma_start3A_521 : memref<128xf32, #tpu.memory_space<hbm>>) target_semaphore(%arg18 : memref<!tpu.dma_semaphore, #tpu.memory_space<semaphore_mem>>)
    %dma_wait3A_524 = arith.constant 0 : i32
    %dma_wait3A_525 = tpu.memref_slice %arg15[%dma_wait3A_524] : memref<512xf32, #tpu.memory_space<vmem>> -> memref<32xf32, #tpu.memory_space<vmem>>
    %dma_wait3A_526 = tpu.memref_slice %arg7[%add3A_235] : memref<16384xf32, #tpu.memory_space<hbm>> -> memref<32xf32, #tpu.memory_space<hbm>>
    %dma_wait3A_527 = tpu.memref_slice %arg7[%add3A_235] : memref<16384xf32, #tpu.memory_space<hbm>> -> memref<32xf32, #tpu.memory_space<hbm>>
    %dma_wait3A_528 = arith.constant 0 : i32
    %dma_wait3A_529 = tpu.memref_slice %arg15[%dma_wait3A_528] : memref<512xf32, #tpu.memory_space<vmem>> -> memref<32xf32, #tpu.memory_space<vmem>>
    tpu.wait_dma2 semaphore(%arg18 : memref<!tpu.dma_semaphore, #tpu.memory_space<semaphore_mem>>) src(%dma_wait3A_529 : memref<32xf32, #tpu.memory_space<vmem>>) dst(%dma_wait3A_527 : memref<32xf32, #tpu.memory_space<hbm>>)
    %dma_wait3A_530 = arith.constant 32 : i32
    %dma_wait3A_531 = tpu.memref_slice %arg15[%dma_wait3A_530] : memref<512xf32, #tpu.memory_space<vmem>> -> memref<96xf32, #tpu.memory_space<vmem>>
    %dma_wait3A_532 = tpu.memref_slice %arg7[%add3A_313] : memref<16384xf32, #tpu.memory_space<hbm>> -> memref<96xf32, #tpu.memory_space<hbm>>
    %dma_wait3A_533 = tpu.memref_slice %arg7[%add3A_313] : memref<16384xf32, #tpu.memory_space<hbm>> -> memref<96xf32, #tpu.memory_space<hbm>>
    %dma_wait3A_534 = arith.constant 32 : i32
    %dma_wait3A_535 = tpu.memref_slice %arg15[%dma_wait3A_534] : memref<512xf32, #tpu.memory_space<vmem>> -> memref<96xf32, #tpu.memory_space<vmem>>
    tpu.wait_dma2 semaphore(%arg18 : memref<!tpu.dma_semaphore, #tpu.memory_space<semaphore_mem>>) src(%dma_wait3A_535 : memref<96xf32, #tpu.memory_space<vmem>>) dst(%dma_wait3A_533 : memref<96xf32, #tpu.memory_space<hbm>>)
    %dma_wait3A_536 = arith.constant 128 : i32
    %dma_wait3A_537 = tpu.memref_slice %arg15[%dma_wait3A_536] : memref<512xf32, #tpu.memory_space<vmem>> -> memref<128xf32, #tpu.memory_space<vmem>>
    %dma_wait3A_538 = tpu.memref_slice %arg7[%add3A_391] : memref<16384xf32, #tpu.memory_space<hbm>> -> memref<128xf32, #tpu.memory_space<hbm>>
    %dma_wait3A_539 = tpu.memref_slice %arg7[%add3A_391] : memref<16384xf32, #tpu.memory_space<hbm>> -> memref<128xf32, #tpu.memory_space<hbm>>
    %dma_wait3A_540 = arith.constant 128 : i32
    %dma_wait3A_541 = tpu.memref_slice %arg15[%dma_wait3A_540] : memref<512xf32, #tpu.memory_space<vmem>> -> memref<128xf32, #tpu.memory_space<vmem>>
    tpu.wait_dma2 semaphore(%arg18 : memref<!tpu.dma_semaphore, #tpu.memory_space<semaphore_mem>>) src(%dma_wait3A_541 : memref<128xf32, #tpu.memory_space<vmem>>) dst(%dma_wait3A_539 : memref<128xf32, #tpu.memory_space<hbm>>)
    %dma_wait3A_542 = arith.constant 256 : i32
    %dma_wait3A_543 = tpu.memref_slice %arg15[%dma_wait3A_542] : memref<512xf32, #tpu.memory_space<vmem>> -> memref<128xf32, #tpu.memory_space<vmem>>
    %dma_wait3A_544 = tpu.memref_slice %arg7[%add3A_469] : memref<16384xf32, #tpu.memory_space<hbm>> -> memref<128xf32, #tpu.memory_space<hbm>>
    %dma_wait3A_545 = tpu.memref_slice %arg7[%add3A_469] : memref<16384xf32, #tpu.memory_space<hbm>> -> memref<128xf32, #tpu.memory_space<hbm>>
    %dma_wait3A_546 = arith.constant 256 : i32
    %dma_wait3A_547 = tpu.memref_slice %arg15[%dma_wait3A_546] : memref<512xf32, #tpu.memory_space<vmem>> -> memref<128xf32, #tpu.memory_space<vmem>>
    tpu.wait_dma2 semaphore(%arg18 : memref<!tpu.dma_semaphore, #tpu.memory_space<semaphore_mem>>) src(%dma_wait3A_547 : memref<128xf32, #tpu.memory_space<vmem>>) dst(%dma_wait3A_545 : memref<128xf32, #tpu.memory_space<hbm>>)
    %dma_wait3A_548 = arith.constant 384 : i32
    %dma_wait3A_549 = tpu.memref_slice %arg15[%dma_wait3A_548] : memref<512xf32, #tpu.memory_space<vmem>> -> memref<128xf32, #tpu.memory_space<vmem>>
    %dma_wait3A_550 = tpu.memref_slice %arg7[%add3A_517] : memref<16384xf32, #tpu.memory_space<hbm>> -> memref<128xf32, #tpu.memory_space<hbm>>
    %dma_wait3A_551 = tpu.memref_slice %arg7[%add3A_517] : memref<16384xf32, #tpu.memory_space<hbm>> -> memref<128xf32, #tpu.memory_space<hbm>>
    %dma_wait3A_552 = arith.constant 384 : i32
    %dma_wait3A_553 = tpu.memref_slice %arg15[%dma_wait3A_552] : memref<512xf32, #tpu.memory_space<vmem>> -> memref<128xf32, #tpu.memory_space<vmem>>
    tpu.wait_dma2 semaphore(%arg18 : memref<!tpu.dma_semaphore, #tpu.memory_space<semaphore_mem>>) src(%dma_wait3A_553 : memref<128xf32, #tpu.memory_space<vmem>>) dst(%dma_wait3A_551 : memref<128xf32, #tpu.memory_space<hbm>>)
    return
  }
}

</mosaic_0001>

<sc_bundles>
// kernel: kernel.3.cloned.1.call-start
scs
__scs_entry_jumppad:
0x0: {  	(pc) =	sbr.rel $0x88, $3  }
0x1: {  	(tag) =	ssettag $0x0;
	lr =	simm.s32 $0x1  }
0x2: {  	[smem:$0x3F9C] =	sst lr;
	_ =	strace $0xD0000000  }
0x3: {  	_ = 	snop  }
0x4: {  	_ = 	snop  }
0x5: {  	_ = 	snop  }
0x6: {  	_ = 	snop  }
0x7: {  	_ = 	snop  }
__scs_overlays_trampoline_lowered:
0x8: {  	[smem:$0x3FAB] =	sst s0  }
0x9: {  	[smem:$0x3FAC] =	sst s1  }
0xa: {  	[smem:$0x3FAD] =	sst s2  }
0xb: {  	[smem:$0x3FAE] =	sst s3  }
0xc: {  	[smem:$0x3FAF] =	sst s4  }
0xd: {  	[smem:$0x3FB0] =	sst s5  }
0xe: {  	[smem:$0x3FB1] =	sst s6  }
0xf: {  	[smem:$0x3FB2] =	sst s7  }
0x10: {  	[smem:$0x3FB3] =	sst s8  }
0x11: {  	[smem:$0x3FB4] =	sst s9;
	s0 =	simm.s32 @!p0 $0x0  }
0x12: {  	s1 =	sld [smem:$0x3F9A];
	s0 =	simm.s32 @p0 $0x1  }
0x13: {  	[smem:$0x3FB5] =	sst s0;
	s0 =	simm.s32 @!p1 $0x0  }
0x14: {  	s2 =	sld [smem:$0x3F99];
	s0 =	simm.s32 @p1 $0x1  }
0x15: {  	[smem:$0x3FB6] =	sst s0;
	s0 =	simm.s32 @!p2 $0x0  }
0x16: {  	s3 =	sld [smem:$0x3FDB];
	s0 =	simm.s32 @p2 $0x1  }
0x17: {  	s4 =	simm.s32 $0x1BF5;
	[smem:$0x3FB8] =	sst s0  }
0x18: {  	s0 =	sld [smem:$0x3F9B];
	_ =	swait.ge [sflag:s4], $0x0  }
0x19: {  	s7 =	sld [smem:$0x3F9C]  }
0x1a: {  	s8 =	sadd.s32 $0xFFFFE003, lr  }
0x1b: {  	s9 =	sadd.s32 $0xFFFFFEF7, lr;
	s5 =	simm.s32 $0xFFFFFFFF;
	p2 =	slt.u32 s8, $0xFFFFF086  }
0x1c: {  	p1 =	slt.u32 s9, $0xF7A;
	s5 =	simm.s32 @!p2 $0x0  }
0x1d: {  	s5 =	simm.s32 @p1 $0x1;
	p0 =	seq.s32 s7, s2  }
0x1e: {  	s7 =	smul.u32 @!p0 $0xF7A, s2;
	p2 =	seq.s32 @!p0 s5, $0x0  }
0x1f: {  	s9 =	smul.u32 $0xF7A, s1;
	s8 =	simm.s32 @!p0 $0x1BF5;
	p2 =	por !p2, p0  }
0x20: {  	[sflag:s8] =	ssyncset.s32 @!p0 $0xFFFFF086;
	s6 =	sadd.s32 @!p0 s3, s7;
	s7 =	simm.s32 @!p0 $0x108  }
0x21: {  	s3 =	sadd.s32 s3, s9;
	s6 =	sadd.s32 @!p0 $0x88, s6;
	s7 =	simm.s32 @p2 $0x1082  }
0x22: {  	[simem:s7], [sflag:s8] =	dma.local @!p0 [hbm:s6], $0xF7A  }
0x23: {  	s9 =	sor.u32 $0xD0000000, s2;
	s6 =	simm.s32 $0x108;
	_ =	swait.ge @!p0 [sflag:s8], $0x0  }
0x24: {  	s3 =	sadd.s32 $0x88, s3;
	s6 =	simm.s32 @!p1 $0x1082;
	[sflag:s4] =	ssyncset.s32 $0xFFFFF086  }
0x25: {  	[simem:s6], [sflag:s4] =	dma.local [hbm:s3], $0xF7A  }
0x26: {  	[smem:$0x3F9C] =	sst s1;
	(tag) =	ssettag s2;
	_ =	strace s9  }
0x27: {  	s1 =	sld [smem:$0x3FAC]  }
0x28: {  	s2 =	sld [smem:$0x3FAD]  }
0x29: {  	s4 =	sld [smem:$0x3FAF]  }
0x2a: {  	p0 =	seq.s32 s5, $0x0;
	s5 =	sld [smem:$0x3FB0]  }
0x2b: {  	s6 =	sld [smem:$0x3FB1]  }
0x2c: {  	s7 =	sld [smem:$0x3FB2]  }
0x2d: {  	s3 =	simm.s32 $0x108;
	s8 =	sld [smem:$0x3FB3]  }
0x2e: {  	s3 =	simm.s32 @!p0 $0x1082;
	s9 =	sld [smem:$0x3FB4]  }
0x2f: {  	lr =	sadd.s32 s0, s3;
	s0 =	sld [smem:$0x3FAB]  }
0x30: {  	s3 =	sld [smem:$0x3FAE]  }
0x31: {  	[smem:$0x3FB7] =	sst s10  }
0x32: {  	s10 =	sld [smem:$0x3FB5];
	_ =	sdelay $0x3  }
0x33: {  	p0 =	seq.s32 s10, $0x1;
	s10 =	sld [smem:$0x3FB7];
	_ =	sdelay $0x3  }
0x34: {  	[smem:$0x3FB7] =	sst s10  }
0x35: {  	s10 =	sld [smem:$0x3FB6];
	_ =	sdelay $0x3  }
0x36: {  	p1 =	seq.s32 s10, $0x1;
	s10 =	sld [smem:$0x3FB7];
	_ =	sdelay $0x3  }
0x37: {  	[smem:$0x3FB7] =	sst s10  }
0x38: {  	s10 =	sld [smem:$0x3FB8]  }
0x39: {  	_ = 	snop;
	(pc) =	sbr.ind lr, $3  }
0x3a: {  	_ = 	snop  }
0x3b: {  	_ = 	snop  }
0x3c: {  	p2 =	seq.s32 s10, $0x1;
	s10 =	sld [smem:$0x3FB7]  }
0x3d: {  	_ =	shalt  }
0x3e: {  	_ =	shalt  }
0x3f: {  	_ =	shalt  }
0x40: {  	_ =	shalt  }
0x41: {  	_ =	shalt  }
0x42: {  	_ =	shalt  }
0x43: {  	_ =	shalt  }
0x44: {  	_ =	shalt  }
0x45: {  	_ =	shalt  }
0x46: {  	_ =	shalt  }
0x47: {  	_ =	shalt  }
0x48: {  	_ =	shalt  }
0x49: {  	_ =	shalt  }
0x4a: {  	_ =	shalt  }
0x4b: {  	_ =	shalt  }
0x4c: {  	_ =	shalt  }
0x4d: {  	_ =	shalt  }
0x4e: {  	_ =	shalt  }
0x4f: {  	_ =	shalt  }
0x50: {  	_ =	shalt  }
0x51: {  	_ =	shalt  }
0x52: {  	_ =	shalt  }
0x53: {  	_ =	shalt  }
0x54: {  	_ =	shalt  }
0x55: {  	_ =	shalt  }
0x56: {  	_ =	shalt  }
0x57: {  	_ =	shalt  }
0x58: {  	_ =	shalt  }
0x59: {  	_ =	shalt  }
0x5a: {  	_ =	shalt  }
0x5b: {  	_ =	shalt  }
0x5c: {  	_ =	shalt  }
0x5d: {  	_ =	shalt  }
0x5e: {  	_ =	shalt  }
0x5f: {  	_ =	shalt  }
0x60: {  	_ =	shalt  }
0x61: {  	_ =	shalt  }
0x62: {  	_ =	shalt  }
0x63: {  	_ =	shalt  }
0x64: {  	_ =	shalt  }
0x65: {  	_ =	shalt  }
0x66: {  	_ =	shalt  }
0x67: {  	_ =	shalt  }
0x68: {  	_ =	shalt  }
0x69: {  	_ =	shalt  }
0x6a: {  	_ =	shalt  }
0x6b: {  	_ =	shalt  }
0x6c: {  	_ =	shalt  }
0x6d: {  	_ =	shalt  }
0x6e: {  	_ =	shalt  }
0x6f: {  	_ =	shalt  }
0x70: {  	_ =	shalt  }
0x71: {  	_ =	shalt  }
0x72: {  	_ =	shalt  }
0x73: {  	_ =	shalt  }
0x74: {  	_ =	shalt  }
0x75: {  	_ =	shalt  }
0x76: {  	_ =	shalt  }
0x77: {  	_ =	shalt  }
0x78: {  	_ =	shalt  }
0x79: {  	_ =	shalt  }
0x7a: {  	_ =	shalt  }
0x7b: {  	_ =	shalt  }
0x7c: {  	_ =	shalt  }
0x7d: {  	_ =	shalt  }
0x7e: {  	_ =	shalt  }
0x7f: {  	_ =	shalt  }
0x80: {  	_ =	shalt  }
0x81: {  	_ =	shalt  }
0x82: {  	_ =	shalt  }
0x83: {  	_ =	shalt  }
0x84: {  	_ =	shalt  }
0x85: {  	_ =	shalt  }
0x86: {  	_ =	shalt  }
0x87: {  	_ =	shalt  }
.Lfunc_end0:
.L_simem_size_0:
called_computation_lowered:
.L_overlay_start_0:
0x88: {  	s2 =	sld [smem:$0x3FD9]  }
0x89: {  	s3 =	sld [smem:$0x3FFE];
	_ =	sdelay $0x1  }
0x8a: {  	s1 =	srdreg.scid  }
0x8b: {  	s0 =	sand.u32 $0x1, s1  }
0x8c: {  	s18 =	sshll.u32 s0, $0xA;
	s2 =	sadd.s32 s3, s2  }
0x8d: {  	s2 =	sadd.s32 s2, s18  }
0x8e: {  	[smem:$0x3FC3] =	sst s2  }
0x8f: {  	_ = 	snop  }
0x90: {  	s2 =	sld [smem:$0x3FC9]  }
0x91: {  	s19 =	sld [smem:$0x3FC8]  }
0x92: {  	s4 =	sld [smem:$0x3FC7]  }
0x93: {  	s5 =	sld [smem:$0x3FC6]  }
0x94: {  	s6 =	sld [smem:$0x3FC5]  }
0x95: {  	s7 =	sld [smem:$0x3FD0];
	(tm) =	ssettm $0x1  }
0x96: {  	s8 =	sld [smem:$0x3FFB];
	_ =	sdelay $0x3  }
0x97: {  	_ =	strace s8  }
0x98: {  	s8 =	sld [smem:$0x3FFC];
	_ =	sdelay $0x3  }
0x99: {  	_ =	strace s8  }
0x9a: {  	s8 =	sld [smem:$0x3FFD];
	_ =	sdelay $0x3  }
0x9b: {  	_ =	strace s8  }
0x9c: {  	_ =	strace $0x8FFFFFFF  }
0x9d: {  	s20 =	sld [smem:$0x3FDB];
	_ =	sdelay $0x1  }
0x9e: {  	s9 =	simm.s32 $_scs_section_size  }
0x9f: {  	s10 =	simm.s32 $_size__tile_overlayer_lowered;
	s11 =	simm.s32 $_tile_overlayer_lowered  }
0xa0: {  	s23 =	simm.s32 $0x1BFF;
	s22 =	sshll.u32 s11, $0x1;
	s8 =	sadd.s32 s9, s20  }
0xa1: {  	s12 =	simm.s32 $0x0;
	s21 =	sshll.u32 s10, $0x1;
	s10 =	sadd.s32 s22, s8  }
0xa2: {  	[timem:s12], [sflag:s23] =	dma.local [hbm:s10], s21  }
0xa3: {  	_ =	swait.ge [sflag:s23], s21  }
0xa4: {  	s9 =	ssub.s32 $0x0, s21;
	[sflag:s23] =	ssyncset.done $0x0  }
0xa5: {  	[sflag:s23] =	ssyncadd.s32 s9;
	_ =	sdelay $0x1  }
0xa6: {  	s24 =	simm.s32 $0x1B8B  }
0xa7: {  	_ =	swait.ge [sflag:s24], $0x1  }
0xa8: {  	[sflag:s24] =	ssyncset.done $0x0  }
0xa9: {  	s25 =	simm.s32 $0x1B8E;
	[sflag:s24] =	ssyncadd.s32 $0xFFFFFFFF  }
0xaa: {  	s26 =	simm.s32 $execute0_lowered;
	[smem:$0x3FD2] =	sst s25  }
0xab: {  	s9 =	sshll.u32 s26, $0x1;
	_ =	strace $0x80000046;
	[dreg:$0x1] =	wrdreg $0xFFFFFFFF  }
0xac: {  	s28 =	simm.s32 $_size_execute0_lowered;
	s8 =	sadd.s32 s8, s9;
	[dreg:$0x0] =	wrdreg $0x0  }
0xad: {  	s9 =	sshll.u32 s28, $0x1;
	[dreg:$0x2] =	wrdreg s8  }
0xae: {  	[dreg:$0x3] =	wrdreg s9  }
0xaf: {  	[dreg:$0x4] =	wrdreg $0xC0  }
0xb0: {  	_ =	task [dreg:s12], $0x5FFFF  }
0xb1: {  	[dreg:$0x1] =	wrdreg $0xFFFFFFFF  }
0xb2: {  	[dreg:$0x0] =	wrdreg $0x60  }
0xb3: {  	[dreg:$0x2] =	wrdreg s2  }
0xb4: {  	[dreg:$0x3] =	wrdreg s19  }
0xb5: {  	[dreg:$0x4] =	wrdreg s4  }
0xb6: {  	[dreg:$0x5] =	wrdreg s5  }
0xb7: {  	[dreg:$0x6] =	wrdreg s6  }
0xb8: {  	[dreg:$0x7] =	wrdreg s7  }
0xb9: {  	[dreg:$0x8] =	wrdreg $0x9  }
0xba: {  	_ =	task.clear_ibuf [dreg:s12], $0x9FFFF;
	_ =	strace $0x90000046  }
0xbb: {  	s29 =	simm.s32 $0x9;
	_ =	strace $0x80000048  }
0xbc: {  	_ =	swait.ge [sflag:s29], $0x1  }
0xbd: {  	[sflag:s29] =	ssyncadd.s32 $0xFFFFFFFF  }
0xbe: {  	_ =	strace $0x90000048  }
0xbf: {  	_ =	sfence  }
0xc0: {  	s30 =	sld [smem:$0x0];
	_ =	sdelay $0x2  }
0xc1: {  	s31 =	sshll.u32 s1, $0xD;
	s1 =	sshrl.u32 s1, $0x2  }
0xc2: {  	s3 =	sand.u32 $0x4000, s31;
	s1 =	sadd.s32 s1, s30  }
0xc3: {  	s0 =	sor.u32 s3, s0;
	s1 =	sshll.u32 s1, $0x11  }
0xc4: {  	s0 =	sor.u32 s1, s0  }
0xc5: {  	s0 =	sadd.s32 $0x8F2B, s0  }
0xc6: {  	[sflag:s0] =	ssyncadd.remote.s32 $0x1  }
0xc7: {  	_ =	sfence.sel $0xFFFF  }
0xc8: {  	[dreg:$0x0] =	wrdreg $0xFFFFFFFF;
	(pc) =	sbr.abs _section_cstart, $3  }
0xc9: {  	[dreg:$0x1] =	wrdreg $0xFFFFFFFF  }
0xca: {  	_ =	task.clear_ibuf [dreg:s12], $0x2FFFF;
	_ =	strace $0x9FFFFFFF  }
0xcb: {  	(tm) =	ssettm $0x7FFFFFFF  }
tec
execute0_lowered:
.L_overlay_start_1:
0x0: {  	(tag) =	ssettag $0x1  }
0x1: {  	v0 =	vimm.s32 $0xFEDCBA98;
	v1 =	vimm.s32 $0x76543210  }
0x2: {  	v2 =	vimm.s32 $0xBA98FEDC;
	v3 =	vimm.s32 $0x32107654;
	v4 =	vimm.s32 $0x54761032  }
0x3: {  	vm0 =	vcmask $0x2F20;
	vm1 =	vcmask $0xF00;
	vm2 =	vcmask $0x700  }
0x4: {  	vm3 =	vcmask $0xB08;
	vm4 =	vcmask $0x300;
	v5 =	vimm.s32 $0xF7B3D591  }
0x5: {  	s2 =	rddreg [dreg:$0x0];
	v6 =	vimm.s32 $0xE6A2C480;
	v0 =	vunpack.c.l.s4.s8 v0;
	v1 =	vunpack.c.l.s4.s8 v1  }
0x6: {  	s3 =	rddreg [dreg:$0x1];
	v2 =	vunpack.c.l.s4.s8 v2;
	v3 =	vunpack.c.l.s4.s8 v3;
	v4 =	vunpack.c.l.s4.s8 v4  }
0x7: {  	s5 =	rddreg [dreg:$0x2];
	vm0 =	vmor vm1, vm0;
	vm1 =	vcmask $0x1710;
	v0 =	vunpack.c.0.s8.s32 v0  }
0x8: {  	s0 =	rddreg [dreg:$0x3];
	vm3 =	vmor vm4, vm3;
	vm4 =	vcmask $0x1310;
	v1 =	vunpack.c.0.s8.s32 v1  }
0x9: {  	s1 =	rddreg [dreg:$0x4];
	v5 =	vunpack.c.l.s4.s8 v5;
	v6 =	vunpack.c.l.s4.s8 v6;
	v0 =	vand.u32 $0xF, v0  }
0xa: {  	s12 =	rddreg [dreg:$0x5];
	v0 =	vcombine.low v0, v1;
	v1 =	vunpack.c.0.s8.s32 v2;
	v2 =	vimm.s32 $0xDCFE98BA  }
0xb: {  	s6 =	srdreg.scid;
	s4 =	simm.s32 $0x0;
	s8 =	stileid.u32;
	vm1 =	vmor vm2, vm1;
	v3 =	vunpack.c.0.s8.s32 v3;
	v2 =	vunpack.c.l.s4.s8 v2  }
0xc: {  	s19 =	simm.s32 $0x1;
	s20 =	simm.s32 $0x20;
	s21 =	simm.s32 $0x600;
	vm2 =	vcmask $0x2720;
	vm3 =	vmor vm3, vm4;
	vm4 =	vcmask $0x1B18  }
0xd: {  	s22 =	simm.s32 $0x8600;
	s23 =	simm.s32 $0x10600;
	s26 =	simm.s32 $0x2;
	v1 =	vcombine.low v3, v1;
	v3 =	vunpack.c.0.s8.s32 v4;
	v2 =	vunpack.c.0.s8.s32 v2  }
0xe: {  	s28 =	simm.s32 $0x60;
	s17 =	simm.s32 $0x0;
	s6 =	sand.u32 $0x1, s6;
	vm3 =	vmor vm3, vm4;
	vm4 =	vcmask $0x2320;
	v4 =	vimm.s32 $0xEFCDAB89  }
0xf: {  	s8 =	sshll.u32 s8, $0x7;
	s7 =	ssub.s32 $0x2, s6;
	s6 =	sshll.u32 s6, $0x6;
	v2 =	vcombine.low v3, v2;
	v3 =	vunpack.c.l.s4.s8 v4;
	v4 =	vimm.s32 $0x67452301  }
0x10: {  	[smem:$0x7FF] =	sst s4;
	s9 =	sshrl.u32 s7, $0x1;
	s10 =	sor.u32 s6, s8;
	vm3 =	vmor vm3, vm4;
	vm4 =	vcmask $0x2B28;
	v4 =	vunpack.c.l.s4.s8 v4  }
0x11: {  	_ =	strace $0x80000047;
	vm1 =	vmor vm1, vm2;
	vm2 =	vcmask $0x3730;
	s16 =	ssub.s32 s7, s9;
	s6 =	sadd.s32 s2, s10;
	vm3 =	vmor vm3, vm4  }
0x12: {  	s7 =	sadd.s32 s5, s10;
	s13 =	sor.u32 $0x4, s10;
	[dreg:$0x7] =	wrdreg s6;
	vm4 =	vcmask $0x3330;
	v3 =	vunpack.c.0.s8.s32 v3;
	v4 =	vunpack.c.0.s8.s32 v4  }
0x13: {  	vm1 =	vmor vm1, vm2;
	s6 =	sadd.s32 s3, s10;
	s8 =	sadd.s32 s2, s13;
	s9 =	sadd.s32 s3, s13;
	vm2 =	vmor vm3, vm4;
	vm3 =	vcmask $0x3B38  }
0x14: {  	s10 =	sadd.s32 s12, s10;
	s11 =	sadd.s32 s5, s13;
	s12 =	sadd.s32 s12, s13;
	v3 =	vcombine.low v4, v3;
	v4 =	vunpack.c.0.s8.s32 v5;
	v5 =	vunpack.c.0.s8.s32 v6  }
0x15: {  	s16 =	smax.u32 s16, $0x1;
	s3 =	simm.s32 $0x80;
	s2 =	simm.s32 $0x3;
	vm2 =	vmor vm2, vm3;
	vm3 =	vmmov $0xff;
	v1 =	vand.u32 $0xF, v1  }
0x16: {  	s13 =	sadd.s32 $0x10, s10;
	s14 =	sadd.s32 $0x20, s10;
	s15 =	sadd.s32 $0x30, s10;
	v2 =	vand.u32 $0xF, v2;
	v3 =	vand.u32 $0xF, v3;
	v4 =	vcombine.low v5, v4  }
.LBB2_1:
0x17: {  	s5 =	rddreg [dreg:$0x7]  }
0x18: {  	[tilespmem:s4], [sflag:$0x1] =	stream.linear.gather [hbm4b:s5+s4], $0x20, $0x38;
	[tilespmem:$0x18C00] =	vst v63  }
0x19: {  	s24 =	simm.s32 $0x200  }
0x1a: {  	[tilespmem:s24], [sflag:$0x1] =	stream.linear.gather [hbm4b:s6+s4], $0x20, $0x38;
	[tilespmem:$0x18C00] =	vst v63  }
0x1b: {  	s18 =	simm.s32 $0x400  }
0x1c: {  	[tilespmem:s18], [sflag:$0x1] =	stream.linear.gather [hbm4b:s7+s4], $0x20, $0x38;
	[tilespmem:$0x18C00] =	vst v63  }
0x1d: {  	_ =	swait.ge [sflag:s19], $0x20  }
0x1e: {  	[sflag:s19] =	ssyncset.done $0x0  }
0x1f: {  	[sflag:s19] =	ssyncadd.s32 $0xFFFFFFE0  }
0x20: {  	_ =	swait.ge [sflag:s19], $0x20  }
0x21: {  	[sflag:s19] =	ssyncset.done $0x0  }
0x22: {  	[sflag:s19] =	ssyncadd.s32 $0xFFFFFFE0  }
0x23: {  	_ =	swait.ge [sflag:s19], $0x20  }
0x24: {  	[sflag:s19] =	ssyncset.done $0x0  }
0x25: {  	[sflag:s19] =	ssyncadd.s32 $0xFFFFFFE0  }
0x26: {  	[tilespmem:s21], [sflag:$0x1] =	stream.indirect.gather [hbm4b:s0+s20], $0x80, s4, s20, $0xb8;
	[tilespmem:$0x18C00] =	vst v63  }
0x27: {  	_ = 	snop  }
0x28: {  	[tilespmem:s22], [sflag:$0x1] =	stream.indirect.gather [hbm4b:s1+s20], $0x80, s24, s20, $0xb8;
	[tilespmem:$0x18C00] =	vst v63  }
0x29: {  	_ = 	snop  }
0x2a: {  	[tilespmem:s23], [sflag:$0x1] =	stream.indirect.gather [hbm4b:s0+s20], $0x80, s18, s20, $0xb8;
	[tilespmem:$0x18C00] =	vst v63  }
0x2b: {  	_ = 	snop  }
0x2c: {  	[tilespmem:s20], [sflag:$0x2] =	stream.linear.gather [hbm4b:s8+s4], $0x1E0, $0x38;
	[tilespmem:$0x18C00] =	vst v63  }
0x2d: {  	s25 =	simm.s32 $0x220  }
0x2e: {  	[tilespmem:s25], [sflag:$0x2] =	stream.linear.gather [hbm4b:s9+s4], $0x1E0, $0x38;
	[tilespmem:$0x18C00] =	vst v63  }
0x2f: {  	s18 =	simm.s32 $0x420  }
0x30: {  	[tilespmem:s18], [sflag:$0x2] =	stream.linear.gather [hbm4b:s11+s4], $0x1E0, $0x38;
	[tilespmem:$0x18C00] =	vst v63  }
0x31: {  	_ =	swait.ge [sflag:s26], $0x1E0  }
0x32: {  	[sflag:s26] =	ssyncset.done $0x0  }
0x33: {  	[sflag:s26] =	ssyncadd.s32 $0xFFFFFE20  }
0x34: {  	_ =	swait.ge [sflag:s26], $0x1E0  }
0x35: {  	[sflag:s26] =	ssyncset.done $0x0  }
0x36: {  	[sflag:s26] =	ssyncadd.s32 $0xFFFFFE20  }
0x37: {  	_ =	swait.ge [sflag:s26], $0x1E0  }
0x38: {  	[sflag:s26] =	ssyncset.done $0x0  }
0x39: {  	s24 =	simm.s32 $0x4600;
	[sflag:s26] =	ssyncadd.s32 $0xFFFFFE20  }
0x3a: {  	[tilespmem:s24], [sflag:$0x2] =	stream.indirect.gather [hbm4b:s0+s28], $0x80, s20, s28, $0xb8;
	[tilespmem:$0x18C00] =	vst v63  }
0x3b: {  	s31 =	simm.s32 $0xC600  }
0x3c: {  	[tilespmem:s31], [sflag:$0x2] =	stream.indirect.gather [hbm4b:s1+s28], $0x80, s25, s28, $0xb8;
	[tilespmem:$0x18C00] =	vst v63  }
0x3d: {  	s25 =	simm.s32 $0x14600  }
0x3e: {  	[tilespmem:s25], [sflag:$0x2] =	stream.indirect.gather [hbm4b:s0+s28], $0x80, s18, s28, $0xb8;
	[tilespmem:$0x18C00] =	vst v63  }
0x3f: {  	_ =	swait.ge [sflag:s19], $0x1000  }
0x40: {  	[sflag:s19] =	ssyncset.done $0x0  }
0x41: {  	[sflag:s19] =	ssyncadd.s32 $0xFFFFF000  }
0x42: {  	_ =	swait.ge [sflag:s19], $0x1000  }
0x43: {  	[sflag:s19] =	ssyncset.done $0x0  }
0x44: {  	[sflag:s19] =	ssyncadd.s32 $0xFFFFF000  }
0x45: {  	_ =	swait.ge [sflag:s19], $0x1000  }
0x46: {  	[sflag:s19] =	ssyncset.done $0x0  }
0x47: {  	s31 =	simm.s32 $0x700;
	[sflag:s19] =	ssyncadd.s32 $0xFFFFF000  }
0x48: {  	v6 =	vld [tilespmem:s31+$0x30]  }
0x49: {  	s18 =	simm.s32 $0x8700;
	v7 =	vld [tilespmem:s31+$0x70]  }
0x4a: {  	v8 =	vld [tilespmem:s18+$0x30]  }
0x4b: {  	v9 =	vld [tilespmem:s18+$0x70]  }
0x4c: {  	v10 =	vld [tilespmem:s31+$0xB0]  }
0x4d: {  	v11 =	vld [tilespmem:s31+$0xF0]  }
0x4e: {  	v12 =	vld [tilespmem:s18+$0xB0]  }
0x4f: {  	v13 =	vld [tilespmem:s18+$0xF0]  }
0x50: {  	v14 =	vld [tilespmem:s31+$0x20]  }
0x51: {  	v15 =	vld [tilespmem:s31+$0x60]  }
0x52: {  	v16 =	vld [tilespmem:s18+$0x20]  }
0x53: {  	v17 =	vld [tilespmem:s18+$0x60]  }
0x54: {  	v18 =	vld [tilespmem:s31+$0xA0]  }
0x55: {  	v19 =	vld [tilespmem:s31+$0xE0]  }
0x56: {  	v20 =	vld [tilespmem:s18+$0xA0]  }
0x57: {  	v21 =	vld [tilespmem:s18+$0xE0]  }
0x58: {  	v22 =	vld [tilespmem:s31+$0x10]  }
0x59: {  	v23 =	vld [tilespmem:s31+$0x50]  }
0x5a: {  	v24 =	vld [tilespmem:s18+$0x10]  }
0x5b: {  	v25 =	vld [tilespmem:s18+$0x50]  }
0x5c: {  	v26 =	vld [tilespmem:s31+$0x90]  }
0x5d: {  	v27 =	vld [tilespmem:s31+$0xD0]  }
0x5e: {  	v28 =	vld [tilespmem:s18+$0x90]  }
0x5f: {  	v29 =	vld [tilespmem:s18+$0xD0]  }
0x60: {  	v30 =	vld [tilespmem:s31+$0x0]  }
0x61: {  	v31 =	vld [tilespmem:s31+$0x40]  }
0x62: {  	v32 =	vld [tilespmem:s18+$0x0]  }
0x63: {  	v33 =	vld [tilespmem:s18+$0x40]  }
0x64: {  	v34 =	vld [tilespmem:s31+$0x80]  }
0x65: {  	v35 =	vld [tilespmem:s31+$0xC0]  }
0x66: {  	v36 =	vld [tilespmem:s18+$0x80]  }
0x67: {  	v37 =	vld [tilespmem:s18+$0xC0]  }
0x68: {  	v5 =	vld [tilespmem:s31+$0xFFFFFF40]  }
0x69: {  	s24 =	simm.s32 $0x10700;
	v38 =	vld [tilespmem:s18+$0xFFFFFF00]  }
0x6a: {  	v39 =	vld [tilespmem:s24+$0x0]  }
0x6b: {  	v40 =	vld [tilespmem:s24+$0x80]  }
0x6c: {  	v41 =	vld [tilespmem:s24+$0x40]  }
0x6d: {  	v42 =	vld [tilespmem:s24+$0xC0];
	v43 =	vmul.f32 v9, v6  }
0x6e: {  	v45 =	vld [tilespmem:s24+$0x10];
	v44 =	vmul.f32 v8, v7;
	v46 =	vmul.f32 v13, v10  }
0x6f: {  	v48 =	vld [tilespmem:s24+$0xD0];
	v6 =	vmul.f32 v8, v6;
	v47 =	vmul.f32 v12, v11  }
0x70: {  	v49 =	vld [tilespmem:s24+$0x20];
	v7 =	vmul.f32 v9, v7;
	v10 =	vmul.f32 v12, v10  }
0x71: {  	v52 =	vld [tilespmem:s24+$0xE0];
	v12 =	vmul.f32 v17, v14;
	v11 =	vmul.f32 v13, v11  }
0x72: {  	v53 =	vld [tilespmem:s24+$0x30];
	v13 =	vmul.f32 v16, v15;
	v50 =	vmul.f32 v21, v18  }
0x73: {  	v54 =	vld [tilespmem:s24+$0xB0];
	v14 =	vmul.f32 v16, v14;
	v51 =	vmul.f32 v20, v19  }
0x74: {  	v56 =	vld [tilespmem:s24+$0xF0];
	v15 =	vmul.f32 v17, v15;
	v18 =	vmul.f32 v20, v18  }
0x75: {  	v58 =	vld [tilespmem:s24+$0xFFFFFF00];
	v20 =	vmul.f32 v25, v22;
	v60 =	vmul.f32 v24, v23  }
0x76: {  	v8 =	vld [tilespmem:s24+$0x90];
	v22 =	vmul.f32 v24, v22;
	v61 =	vmul.f32 v33, v30  }
0x77: {  	v9 =	vld [tilespmem:s24+$0x50];
	v23 =	vmul.f32 v25, v23;
	v62 =	vmul.f32 v32, v30  }
0x78: {  	v16 =	vld [tilespmem:s24+$0xA0];
	v33 =	vmul.f32 v33, v31;
	v55 =	vmul.f32 v36, v34  }
0x79: {  	v17 =	vld [tilespmem:s24+$0x60];
	v57 =	vmul.f32 v37, v35;
	v31 =	vmul.f32 v32, v31  }
0x7a: {  	v30 =	vld [tilespmem:s24+$0x70];
	v63 =	vmul.f32 v29, v26;
	v35 =	vmul.f32 v36, v35  }
0x7b: {  	v32 =	vld [tilespmem:s18+$0xFFFFFF40];
	v26 =	vmul.f32 v28, v26;
	v28 =	vmul.f32 v28, v27  }
0x7c: {  	v36 =	vld [tilespmem:s31+$0xFFFFFFC0];
	v27 =	vmul.f32 v29, v27;
	v25 =	vsub.f32 v62, v33;
	v55 =	vsub.f32 v55, v57  }
0x7d: {  	v19 =	vmul.f32 v21, v19;
	v33 =	vld [tilespmem:s31+$0xFFFFFF80];
	v24 =	vadd.f32 v61, v31;
	v22 =	vsub.f32 v22, v23  }
0x7e: {  	v34 =	vmul.f32 v37, v34;
	v31 =	vld [tilespmem:s18+$0xFFFFFF80];
	v26 =	vsub.f32 v26, v27;
	v20 =	vadd.f32 v20, v60  }
0x7f: {  	v61 =	vld [tilespmem:s31+$0xFFFFFF10];
	v62 =	vadd.f32 v63, v28;
	v14 =	vsub.f32 v14, v15;
	v25 =	vmul.f32 v25, v39  }
0x80: {  	v63 =	vld [tilespmem:s31+$0xFFFFFF50];
	v18 =	vsub.f32 v18, v19;
	v39 =	vadd.f32 v34, v35;
	v40 =	vmul.f32 v55, v40  }
0x81: {  	v12 =	vadd.f32 v12, v13;
	v35 =	vld [tilespmem:s18+$0xFFFFFFC0];
	v24 =	vmul.f32 v41, v24;
	v41 =	vadd.f32 $0.0e+00, v25  }
0x82: {  	v10 =	vsub.f32 v10, v11;
	v55 =	vld [tilespmem:s31+$0xFFFFFF00];
	v57 =	vadd.f32 $0.0e+00, v40;
	v29 =	vmul.f32 v42, v39  }
0x83: {  	v59 =	vmul.f32 v22, v45;
	v13 =	vmul.f32 v14, v49;
	v14 =	vld [tilespmem:s24+$0xFFFFFF80];
	v60 =	vadd.f32 v41, v24  }
0x84: {  	v10 =	vmul.f32 v10, v54;
	v54 =	vld [tilespmem:s18+$0xFFFFFFE0];
	v8 =	vmul.f32 v26, v8;
	v27 =	vadd.f32 v57, v29  }
0x85: {  	v6 =	vsub.f32 v6, v7;
	v9 =	vmul.f32 v9, v20;
	v20 =	vld [tilespmem:s18+$0xFFFFFF10];
	v15 =	vadd.f32 v59, v60  }
0x86: {  	v19 =	vmul.f32 v48, v62;
	v16 =	vmul.f32 v18, v16;
	v18 =	vld [tilespmem:s31+$0xFFFFFF90];
	v8 =	vadd.f32 v8, v27  }
0x87: {  	v40 =	vld [tilespmem:s18+$0xFFFFFF50];
	v9 =	vadd.f32 v15, v9  }
0x88: {  	v6 =	vmul.f32 v6, v53;
	v41 =	vld [tilespmem:s18+$0xFFFFFF20];
	v15 =	vadd.f32 v50, v51;
	v8 =	vadd.f32 v8, v19  }
0x89: {  	v12 =	vmul.f32 v17, v12;
	v17 =	vmul.f32 v32, v5;
	v57 =	vld [tilespmem:s24+$0xFFFFFFD0]  }
0x8a: {  	v59 =	vld [tilespmem:s24+$0xFFFFFF20];
	v7 =	vadd.f32 v13, v9;
	v8 =	vadd.f32 v16, v8;
	v11 =	vmul.f32 v52, v15  }
0x8b: {  	v5 =	vmul.f32 v38, v5;
	v60 =	vld [tilespmem:s18+$0xFFFFFF70];
	v15 =	vadd.f32 v43, v44;
	v16 =	vadd.f32 v46, v47  }
0x8c: {  	v45 =	vmul.f32 v35, v36;
	v50 =	vld [tilespmem:s31+$0xFFFFFFE0];
	v7 =	vadd.f32 v7, v12;
	v8 =	vadd.f32 v8, v11  }
0x8d: {  	v48 =	vmul.f32 v32, v55;
	v9 =	vld [tilespmem:s31+$0xFFFFFFD0];
	v15 =	vmul.f32 v30, v15  }
0x8e: {  	v13 =	vld [tilespmem:s18+$0xFFFFFF90];
	v6 =	vadd.f32 v6, v7;
	v8 =	vadd.f32 v10, v8;
	v10 =	vmul.f32 v56, v16  }
0x8f: {  	v21 =	vmul.f32 v40, v61;
	v43 =	vmul.f32 v31, v33;
	v11 =	vld [tilespmem:s24+$0xFFFFFF40]  }
0x90: {  	v51 =	vmul.f32 v35, v33;
	v7 =	vld [tilespmem:s24+$0xFFFFFFC0];
	v6 =	vadd.f32 v6, v15;
	v8 =	vadd.f32 v8, v10  }
0x91: {  	v44 =	vld [tilespmem:s18+$0xFFFFFF60];
	v46 =	vmul.f32 v38, v55;
	v52 =	vmul.f32 v31, v36;
	v49 =	vsub.f32 v43, v45  }
0x92: {  	v5 =	vadd.f32 v48, v5;
	v47 =	vld [tilespmem:s24+$0xFFFFFF90];
	v19 =	vperm.xlane v6, v0;
	v42 =	vperm.xlane v8, v0  }
0x93: {  	v12 =	vld [tilespmem:s18+$0xFFFFFFD0];
	v17 =	vsub.f32 v46, v17;
	v29 =	vadd.f32 v51, v52;
	v14 =	vmul.f32 v49, v14  }
0x94: {  	v55 =	vmul.f32 v40, v63;
	v15 =	vld [tilespmem:s31+$0xFFFFFF20];
	v6 =	vadd.f32 v19, v6;
	v8 =	vadd.f32 v8, v42  }
0x95: {  	v16 =	vld [tilespmem:s24+$0xFFFFFF10];
	v14 =	vadd.f32 $0.0e+00, v14;
	v5 =	vmul.f32 v11, v5;
	v7 =	vmul.f32 v7, v29  }
0x96: {  	v10 =	vld [tilespmem:s31+$0xFFFFFF60];
	v53 =	vsel vm3, v6, v8;
	v8 =	vmul.f32 v17, v58;
	v17 =	vmul.f32 v20, v61  }
0x97: {  	v19 =	vld [tilespmem:s31+$0xFFFFFFA0];
	v58 =	vmul.f32 v13, v18;
	v13 =	vmul.f32 v13, v9  }
0x98: {  	v7 =	vadd.f32 v14, v7;
	v6 =	vld [tilespmem:s18+$0xFFFFFFA0];
	v9 =	vmul.f32 v12, v9;
	v12 =	vmul.f32 v12, v18  }
0x99: {  	v56 =	vld [tilespmem:s24+$0xFFFFFF50];
	v14 =	vmul.f32 v44, v15;
	v8 =	vadd.f32 $0.0e+00, v8;
	v17 =	vsub.f32 v17, v55  }
0x9a: {  	v11 =	vld [tilespmem:s31+$0xFFFFFF70];
	v20 =	vmul.f32 v20, v63;
	v9 =	vsub.f32 v58, v9;
	v12 =	vadd.f32 v12, v13  }
0x9b: {  	v18 =	vld [tilespmem:s31+$0xFFFFFF30];
	v13 =	vmul.f32 v17, v16;
	v5 =	vadd.f32 v8, v5;
	v8 =	vmul.f32 v41, v15  }
0x9c: {  	v61 =	vld [tilespmem:s31+$0xFFFFFFB0];
	v20 =	vadd.f32 v21, v20;
	v17 =	vmul.f32 v41, v10;
	v10 =	vmul.f32 v44, v10  }
0x9d: {  	v16 =	vld [tilespmem:s18+$0xFFFFFF30];
	v13 =	vadd.f32 v13, v5;
	v5 =	vmul.f32 v9, v47;
	v9 =	vmul.f32 v6, v19  }
0x9e: {  	v15 =	vld [tilespmem:s24+$0xFFFFFFA0];
	v8 =	vsub.f32 v8, v10;
	v6 =	vmul.f32 v6, v50;
	v10 =	vmul.f32 v54, v50  }
0x9f: {  	v14 =	vadd.f32 v14, v17;
	v17 =	vmul.f32 v54, v19;
	v19 =	vmul.f32 v56, v20;
	v20 =	vld [tilespmem:s18+$0xFFFFFFB0]  }
0xa0: {  	v62 =	vld [tilespmem:s31+$0xFFFFFFF0];
	v12 =	vmul.f32 v57, v12;
	v7 =	vadd.f32 v5, v7  }
0xa1: {  	v63 =	vld [tilespmem:s18+$0xFFFFFFF0];
	v9 =	vsub.f32 v9, v10;
	v5 =	vadd.f32 v17, v6;
	v8 =	vmul.f32 v8, v59  }
0xa2: {  	v6 =	vadd.f32 v13, v19;
	v19 =	vld [tilespmem:s24+$0xFFFFFF60];
	v17 =	vmul.f32 v60, v11;
	v11 =	vmul.f32 v16, v11  }
0xa3: {  	v13 =	vadd.f32 v7, v12;
	v7 =	vmul.f32 v16, v18;
	v12 =	vld [tilespmem:s24+$0xFFFFFFE0];
	v16 =	vmul.f32 v60, v18  }
0xa4: {  	v10 =	vld [tilespmem:s24+$0xFFFFFF30];
	v6 =	vadd.f32 v8, v6;
	v18 =	vmul.f32 v9, v15;
	v15 =	vmul.f32 v20, v61  }
0xa5: {  	v9 =	vld [tilespmem:s24+$0xFFFFFFB0];
	v8 =	vsub.f32 v7, v17;
	v7 =	vadd.f32 v16, v11;
	v16 =	vmul.f32 v20, v62  }
0xa6: {  	s25 =	simm.s32 $0x18610;
	v11 =	vld [tilespmem:s24+$0xFFFFFF70];
	v17 =	vmul.f32 v63, v62;
	v13 =	vadd.f32 v18, v13;
	v18 =	vmul.f32 v63, v61  }
0xa7: {  	s29 =	simm.s32 $0x0;
	p0 =	por $0x1, $0x1;
	s30 =	simm.s32 $0x900;
	[tilespmem:s25+$0x0] =	vst v53;
	v19 =	vmul.f32 v19, v14;
	v14 =	vld [tilespmem:s24+$0xFFFFFFF0]  }
.LBB2_2:
0xa8: {  	v20 =	vld [tilespmem:s30+$0x30];
	v5 =	vmul.f32 v12, v5;
	v12 =	vsub.f32 v15, v17;
	v15 =	vadd.f32 v18, v16  }
0xa9: {  	s18 =	sadd.s32 $0x200, s18;
	v16 =	vld [tilespmem:s30+$0x70];
	v6 =	vadd.f32 v6, v19;
	v8 =	vmul.f32 v8, v10  }
0xaa: {  	v10 =	vld [tilespmem:s18+$0x30];
	v5 =	vadd.f32 v13, v5;
	v9 =	vmul.f32 v12, v9  }
0xab: {  	v12 =	vld [tilespmem:s18+$0x70];
	v6 =	vadd.f32 v8, v6;
	v7 =	vmul.f32 v11, v7  }
0xac: {  	v8 =	vld [tilespmem:s30+$0xB0];
	v5 =	vadd.f32 v9, v5;
	v9 =	vmul.f32 v14, v15  }
0xad: {  	v11 =	vld [tilespmem:s30+$0xF0];
	v6 =	vadd.f32 v6, v7  }
0xae: {  	v7 =	vld [tilespmem:s18+$0xB0];
	v5 =	vadd.f32 v5, v9  }
0xaf: {  	v9 =	vld [tilespmem:s18+$0xF0];
	v13 =	vperm.xlane v6, v0  }
0xb0: {  	v14 =	vld [tilespmem:s30+$0x20];
	v15 =	vperm.xlane v5, v0  }
0xb1: {  	v17 =	vld [tilespmem:s30+$0x60];
	v6 =	vadd.f32 v13, v6  }
0xb2: {  	v13 =	vld [tilespmem:s18+$0x20];
	v5 =	vadd.f32 v5, v15  }
0xb3: {  	v15 =	vld [tilespmem:s18+$0x60]  }
0xb4: {  	v18 =	vld [tilespmem:s30+$0xA0];
	v5 =	vsel vm3, v6, v5  }
0xb5: {  	v6 =	vld [tilespmem:s30+$0xE0];
	[tilespmem:s25+$0xFFFFFFF0] =	vst v5  }
0xb6: {  	v5 =	vld [tilespmem:s18+$0xA0]  }
0xb7: {  	v19 =	vld [tilespmem:s18+$0xE0]  }
0xb8: {  	v21 =	vld [tilespmem:s30+$0x10]  }
0xb9: {  	v22 =	vld [tilespmem:s30+$0x50]  }
0xba: {  	v23 =	vld [tilespmem:s18+$0x10]  }
0xbb: {  	v24 =	vld [tilespmem:s18+$0x50]  }
0xbc: {  	v25 =	vld [tilespmem:s30+$0x90]  }
0xbd: {  	v26 =	vld [tilespmem:s30+$0xD0]  }
0xbe: {  	v27 =	vld [tilespmem:s18+$0x90]  }
0xbf: {  	v28 =	vmul.f32 v12, v20;
	v29 =	vld [tilespmem:s18+$0xD0]  }
0xc0: {  	v31 =	vmul.f32 v10, v16;
	v32 =	vmul.f32 v9, v8;
	v30 =	vld [tilespmem:s30+$0x0]  }
0xc1: {  	v10 =	vmul.f32 v10, v20;
	v20 =	vmul.f32 v7, v11;
	v33 =	vld [tilespmem:s30+$0x40]  }
0xc2: {  	v12 =	vmul.f32 v12, v16;
	v7 =	vmul.f32 v7, v8;
	v34 =	vld [tilespmem:s18+$0x0]  }
0xc3: {  	v9 =	vmul.f32 v9, v11;
	v16 =	vmul.f32 v15, v14;
	v8 =	vld [tilespmem:s18+$0x40]  }
0xc4: {  	v11 =	vmul.f32 v13, v17;
	v36 =	vmul.f32 v19, v18;
	v35 =	vld [tilespmem:s30+$0x80]  }
0xc5: {  	v13 =	vmul.f32 v13, v14;
	v37 =	vmul.f32 v5, v6;
	v14 =	vld [tilespmem:s30+$0xC0]  }
0xc6: {  	v15 =	vmul.f32 v15, v17;
	v5 =	vmul.f32 v5, v18;
	v17 =	vld [tilespmem:s18+$0x80]  }
0xc7: {  	s29 =	sadd.s32 $0x2, s29;
	v6 =	vmul.f32 v19, v6;
	v18 =	vmul.f32 v24, v21;
	v38 =	vld [tilespmem:s18+$0xC0]  }
0xc8: {  	p1 =	slt.u32 s29, $0xE;
	v39 =	vmul.f32 v23, v22;
	v40 =	vmul.f32 v29, v25;
	v19 =	vld [tilespmem:s30+$0xFFFFFF40]  }
0xc9: {  	s24 =	sadd.s32 $0x200, s24;
	v21 =	vmul.f32 v23, v21;
	v23 =	vmul.f32 v27, v26;
	v41 =	vld [tilespmem:s18+$0xFFFFFF00]  }
0xca: {  	v22 =	vmul.f32 v24, v22;
	v43 =	vmul.f32 v8, v30;
	v42 =	vld [tilespmem:s24+$0x0]  }
0xcb: {  	v24 =	vmul.f32 v34, v30;
	v8 =	vmul.f32 v8, v33;
	v30 =	vld [tilespmem:s24+$0x80]  }
0xcc: {  	v45 =	vmul.f32 v17, v35;
	v44 =	vld [tilespmem:s24+$0x40];
	v46 =	vmul.f32 v38, v14  }
0xcd: {  	v33 =	vmul.f32 v34, v33;
	v35 =	vmul.f32 v38, v35;
	v34 =	vld [tilespmem:s24+$0xC0]  }
0xce: {  	v8 =	vsub.f32 v24, v8;
	v14 =	vmul.f32 v17, v14;
	v24 =	vld [tilespmem:s24+$0x10];
	v38 =	vsub.f32 v45, v46  }
0xcf: {  	v25 =	vmul.f32 v27, v25;
	v26 =	vmul.f32 v29, v26;
	v17 =	vadd.f32 v43, v33;
	v33 =	vld [tilespmem:s24+$0x90]  }
0xd0: {  	v14 =	vadd.f32 v35, v14;
	v8 =	vmul.f32 v8, v42;
	v27 =	vld [tilespmem:s24+$0x50];
	v29 =	vmul.f32 v38, v30  }
0xd1: {  	v21 =	vsub.f32 v21, v22;
	v25 =	vsub.f32 v25, v26;
	v17 =	vmul.f32 v44, v17;
	v22 =	vld [tilespmem:s24+$0xD0]  }
0xd2: {  	v8 =	vadd.f32 $0.0e+00, v8;
	v26 =	vld [tilespmem:s24+$0x20];
	v29 =	vadd.f32 $0.0e+00, v29;
	v14 =	vmul.f32 v34, v14  }
0xd3: {  	v18 =	vadd.f32 v18, v39;
	v23 =	vadd.f32 v40, v23;
	v21 =	vmul.f32 v21, v24;
	v24 =	vld [tilespmem:s24+$0xA0]  }
0xd4: {  	v8 =	vadd.f32 v8, v17;
	v17 =	vld [tilespmem:s24+$0x60];
	v14 =	vadd.f32 v29, v14;
	v25 =	vmul.f32 v25, v33  }
0xd5: {  	v13 =	vsub.f32 v13, v15;
	v5 =	vsub.f32 v5, v6;
	v18 =	vmul.f32 v27, v18;
	v15 =	vld [tilespmem:s24+$0xE0]  }
0xd6: {  	v6 =	vadd.f32 v21, v8;
	v8 =	vld [tilespmem:s24+$0x30];
	v14 =	vadd.f32 v25, v14;
	v21 =	vmul.f32 v22, v23  }
0xd7: {  	v11 =	vadd.f32 v16, v11;
	v16 =	vadd.f32 v36, v37;
	v13 =	vmul.f32 v13, v26;
	v22 =	vld [tilespmem:s24+$0xB0]  }
0xd8: {  	v6 =	vadd.f32 v6, v18;
	v18 =	vld [tilespmem:s24+$0x70];
	v14 =	vadd.f32 v14, v21;
	v5 =	vmul.f32 v5, v24  }
0xd9: {  	v10 =	vsub.f32 v10, v12;
	v7 =	vsub.f32 v7, v9;
	v11 =	vmul.f32 v17, v11;
	v12 =	vld [tilespmem:s24+$0xF0]  }
0xda: {  	v6 =	vadd.f32 v13, v6;
	v9 =	vld [tilespmem:s18+$0xFFFFFF40];
	v5 =	vadd.f32 v5, v14;
	v13 =	vmul.f32 v15, v16  }
0xdb: {  	v15 =	vadd.f32 v28, v31;
	v14 =	vld [tilespmem:s30+$0xFFFFFF80];
	v8 =	vmul.f32 v10, v8;
	v10 =	vadd.f32 v32, v20  }
0xdc: {  	v6 =	vadd.f32 v6, v11;
	v16 =	vld [tilespmem:s30+$0xFFFFFFC0];
	v5 =	vadd.f32 v5, v13;
	v7 =	vmul.f32 v7, v22  }
0xdd: {  	v11 =	vmul.f32 v41, v19;
	v13 =	vld [tilespmem:s18+$0xFFFFFF80];
	v15 =	vmul.f32 v18, v15  }
0xde: {  	v6 =	vadd.f32 v8, v6;
	v17 =	vld [tilespmem:s18+$0xFFFFFFC0];
	v5 =	vadd.f32 v7, v5;
	v7 =	vmul.f32 v12, v10  }
0xdf: {  	v8 =	vld [tilespmem:s30+$0xFFFFFF00];
	v10 =	vmul.f32 v9, v19  }
0xe0: {  	v6 =	vadd.f32 v6, v15;
	v12 =	vld [tilespmem:s24+$0xFFFFFF00];
	v5 =	vadd.f32 v5, v7  }
0xe1: {  	v7 =	vld [tilespmem:s30+$0xFFFFFF10]  }
0xe2: {  	v18 =	vperm.xlane v6, v0;
	v15 =	vld [tilespmem:s30+$0xFFFFFF50];
	v19 =	vperm.xlane v5, v0  }
0xe3: {  	v21 =	vmul.f32 v13, v14;
	v20 =	vld [tilespmem:s18+$0xFFFFFF10];
	v22 =	vmul.f32 v17, v16  }
0xe4: {  	v6 =	vadd.f32 v18, v6;
	v23 =	vmul.f32 v41, v8;
	v24 =	vld [tilespmem:s18+$0xFFFFFF50];
	v5 =	vadd.f32 v5, v19  }
0xe5: {  	v14 =	vmul.f32 v17, v14;
	v8 =	vmul.f32 v9, v8;
	v9 =	vld [tilespmem:s24+$0xFFFFFF80];
	v18 =	vsub.f32 v21, v22  }
0xe6: {  	s25 =	sadd.s32 $0x20, s25;
	v13 =	vmul.f32 v13, v16;
	v10 =	vsub.f32 v23, v10;
	v16 =	vld [tilespmem:s30+$0xFFFFFF90];
	v5 =	vsel vm3, v6, v5  }
0xe7: {  	s5 =	simm.s32 $0x0;
	v6 =	vadd.f32 v8, v11;
	v8 =	vld [tilespmem:s30+$0xFFFFFFD0];
	[tilespmem:s25+$0x0] =	vst v5  }
0xe8: {  	v11 =	vadd.f32 v14, v13;
	v5 =	vmul.f32 v10, v12;
	v10 =	vmul.f32 v20, v7;
	v12 =	vld [tilespmem:s18+$0xFFFFFF90]  }
0xe9: {  	v13 =	vmul.f32 v24, v15;
	v7 =	vmul.f32 v24, v7;
	v14 =	vld [tilespmem:s18+$0xFFFFFFD0]  }
0xea: {  	v15 =	vmul.f32 v20, v15;
	v17 =	vld [tilespmem:s24+$0xFFFFFF40];
	v5 =	vadd.f32 $0.0e+00, v5;
	v9 =	vmul.f32 v18, v9  }
0xeb: {  	v10 =	vsub.f32 v10, v13;
	v13 =	vld [tilespmem:s24+$0xFFFFFFC0]  }
0xec: {  	v7 =	vadd.f32 v7, v15;
	v18 =	vld [tilespmem:s24+$0xFFFFFF10];
	v9 =	vadd.f32 $0.0e+00, v9  }
0xed: {  	v15 =	vld [tilespmem:s30+$0xFFFFFF20];
	v19 =	vmul.f32 v12, v16;
	v12 =	vmul.f32 v12, v8  }
0xee: {  	v20 =	vld [tilespmem:s30+$0xFFFFFF60];
	v8 =	vmul.f32 v14, v8;
	v14 =	vmul.f32 v14, v16  }
0xef: {  	v6 =	vmul.f32 v17, v6;
	v16 =	vld [tilespmem:s18+$0xFFFFFF20]  }
0xf0: {  	v17 =	vld [tilespmem:s18+$0xFFFFFF60];
	v11 =	vmul.f32 v13, v11;
	v8 =	vsub.f32 v19, v8;
	v12 =	vadd.f32 v14, v12  }
0xf1: {  	v5 =	vadd.f32 v5, v6;
	v6 =	vmul.f32 v10, v18;
	v10 =	vld [tilespmem:s24+$0xFFFFFF90]  }
0xf2: {  	v9 =	vadd.f32 v9, v11;
	v11 =	vld [tilespmem:s30+$0xFFFFFFA0]  }
0xf3: {  	v6 =	vadd.f32 v6, v5;
	v5 =	vld [tilespmem:s30+$0xFFFFFFE0]  }
0xf4: {  	v13 =	vmul.f32 v16, v15;
	v14 =	vmul.f32 v16, v20;
	v16 =	vld [tilespmem:s18+$0xFFFFFFA0]  }
0xf5: {  	v18 =	vmul.f32 v17, v20;
	v15 =	vmul.f32 v17, v15;
	v17 =	vld [tilespmem:s18+$0xFFFFFFE0]  }
0xf6: {  	v19 =	vld [tilespmem:s24+$0xFFFFFF50];
	v8 =	vmul.f32 v8, v10  }
0xf7: {  	v10 =	vsub.f32 v13, v18;
	v14 =	vadd.f32 v15, v14;
	v13 =	vld [tilespmem:s24+$0xFFFFFFD0]  }
0xf8: {  	v15 =	vld [tilespmem:s24+$0xFFFFFF20];
	v8 =	vadd.f32 v8, v9  }
0xf9: {  	v9 =	vld [tilespmem:s30+$0xFFFFFF30];
	v18 =	vmul.f32 v16, v11;
	v16 =	vmul.f32 v16, v5  }
0xfa: {  	v20 =	vld [tilespmem:s30+$0xFFFFFF70];
	v5 =	vmul.f32 v17, v5;
	v11 =	vmul.f32 v17, v11  }
0xfb: {  	v7 =	vmul.f32 v19, v7;
	v17 =	vld [tilespmem:s18+$0xFFFFFF30]  }
0xfc: {  	v19 =	vld [tilespmem:s18+$0xFFFFFF70];
	v12 =	vmul.f32 v13, v12;
	v13 =	vsub.f32 v18, v5;
	v5 =	vadd.f32 v11, v16  }
0xfd: {  	v6 =	vadd.f32 v6, v7;
	v7 =	vmul.f32 v10, v15;
	v10 =	vld [tilespmem:s24+$0xFFFFFFA0]  }
0xfe: {  	v11 =	vadd.f32 v8, v12;
	v18 =	vld [tilespmem:s30+$0xFFFFFFB0]  }
0xff: {  	v6 =	vadd.f32 v7, v6;
	v21 =	vld [tilespmem:s30+$0xFFFFFFF0]  }
0x100: {  	v7 =	vmul.f32 v17, v9;
	v12 =	vmul.f32 v17, v20;
	v16 =	vld [tilespmem:s18+$0xFFFFFFB0]  }
0x101: {  	v8 =	vmul.f32 v19, v20;
	v9 =	vmul.f32 v19, v9;
	v19 =	vld [tilespmem:s18+$0xFFFFFFF0]  }
0x102: {  	v20 =	vld [tilespmem:s24+$0xFFFFFF60];
	v13 =	vmul.f32 v13, v10  }
.Ltmp0:
0x103: {  	v8 =	vsub.f32 v7, v8;
	v7 =	vadd.f32 v9, v12;
	v12 =	vld [tilespmem:s24+$0xFFFFFFE0];
	(pc) =	sbr.rel @p1 .LBB2_2-.Ltmp0, $4  }
0x104: {  	v10 =	vld [tilespmem:s24+$0xFFFFFF30];
	v13 =	vadd.f32 v13, v11  }
0x105: {  	v9 =	vld [tilespmem:s24+$0xFFFFFFB0];
	v15 =	vmul.f32 v16, v18;
	v16 =	vmul.f32 v16, v21  }
0x106: {  	v11 =	vld [tilespmem:s24+$0xFFFFFF70];
	v17 =	vmul.f32 v19, v21;
	v18 =	vmul.f32 v19, v18  }
0x107: {  	s30 =	sadd.s32 $0x200, s30;
	v19 =	vmul.f32 v20, v14;
	v14 =	vld [tilespmem:s24+$0xFFFFFFF0]  }
0x108: {  	v5 =	vmul.f32 v12, v5;
	v61 =	vsub.f32 v15, v17  }
0x109: {  	v6 =	vadd.f32 v6, v19;
	v8 =	vmul.f32 v8, v10  }
0x10a: {  	v62 =	vadd.f32 v18, v16;
	v5 =	vadd.f32 v13, v5;
	v9 =	vmul.f32 v61, v9  }
0x10b: {  	v6 =	vadd.f32 v8, v6  }
0x10c: {  	v7 =	vmul.f32 v11, v7;
	v5 =	vadd.f32 v9, v5;
	v63 =	vmul.f32 v14, v62;
	_ =	sdelay $0x1  }
0x10d: {  	v6 =	vadd.f32 v6, v7;
	v5 =	vadd.f32 v5, v63;
	_ =	sdelay $0x1  }
0x10e: {  	v7 =	vperm.xlane v6, v0;
	v8 =	vperm.xlane v5, v0;
	_ =	sdelay $0x1  }
0x10f: {  	v6 =	vadd.f32 v7, v6;
	v5 =	vadd.f32 v5, v8;
	_ =	sdelay $0x1  }
0x110: {  	v5 =	vsel vm3, v6, v5  }
0x111: {  	[tilespmem:s25+$0xFFFFFFF0] =	vst v5  }
.LBB2_4:
0x112: {  	s18 =	sshll.u32 s5, $0x7  }
0x113: {  	s18 =	sand.u32 $0x3FFFFF80, s18  }
0x114: {  	v5 =	vld [tilespmem:s18+$0x18600]  }
0x115: {  	v6 =	vld [tilespmem:s18+$0x18610]  }
0x116: {  	v7 =	vld [tilespmem:s18+$0x18620]  }
0x117: {  	v8 =	vld [tilespmem:s18+$0x18630]  }
0x118: {  	v9 =	vld [tilespmem:s18+$0x18640]  }
0x119: {  	v10 =	vld [tilespmem:s18+$0x18650]  }
0x11a: {  	v11 =	vld [tilespmem:s18+$0x18660]  }
0x11b: {  	v12 =	vld [tilespmem:s18+$0x18670]  }
0x11c: {  	v13 =	vperm.xlane v5, v1;
	v14 =	vperm.xlane v6, v1  }
0x11d: {  	v15 =	vperm.xlane v7, v1;
	v56 =	vperm.xlane v8, v1  }
0x11e: {  	v57 =	vperm.xlane v9, v1;
	v58 =	vperm.xlane v10, v1  }
0x11f: {  	v59 =	vperm.xlane v11, v1;
	v5 =	vadd.f32 v13, v5;
	v6 =	vadd.f32 v14, v6  }
0x120: {  	v16 =	vperm.xlane v12, v1;
	v7 =	vadd.f32 v15, v7;
	v8 =	vadd.f32 v56, v8  }
0x121: {  	v9 =	vadd.f32 v57, v9;
	v10 =	vadd.f32 v58, v10  }
0x122: {  	v60 =	vadd.f32 v16, v12;
	v5 =	vsel vm0, v5, v6;
	v6 =	vadd.f32 v59, v11  }
0x123: {  	v7 =	vsel vm0, v7, v8;
	v9 =	vsel vm0, v9, v10  }
0x124: {  	v61 =	vperm.xlane v5, v2;
	v62 =	vperm.xlane v7, v2;
	v6 =	vsel vm0, v6, v60  }
0x125: {  	v10 =	vperm.xlane v9, v2;
	v11 =	vperm.xlane v6, v2  }
0x126: {  	v5 =	vadd.f32 v61, v5;
	v7 =	vadd.f32 v62, v7  }
0x127: {  	v63 =	vadd.f32 v10, v9;
	v6 =	vadd.f32 v11, v6;
	_ =	sdelay $0x1  }
0x128: {  	v5 =	vsel vm1, v5, v7;
	v6 =	vsel vm1, v63, v6  }
0x129: {  	v7 =	vperm.xlane v5, v3;
	v8 =	vperm.xlane v6, v3;
	_ =	sdelay $0x1  }
0x12a: {  	p1 =	por p0, p0;
	v5 =	vadd.f32 v7, v5;
	v6 =	vadd.f32 v8, v6  }
.Ltmp1:
0x12b: {  	_ = 	snop;
	(pc) =	sbr.rel @p1 .LBB2_4-.Ltmp1, $4  }
0x12c: {  	v5 =	vsel vm2, v5, v6  }
0x12d: {  	s31 =	sshll.u32 s5, $0x4;
	v5 =	vperm.xlane v5, v4  }
0x12e: {  	s5 =	sand.u32 $0x3FFFFFF0, s31  }
0x12f: {  	p0 =	por $0x0, $0x0;
	[tilespmem:s5+$0x18A00] =	vst v5;
	s5 =	simm.s32 $0x1  }
0x130: {  	s5 =	simm.s32 $0x0;
	s18 =	simm.s32 $0x18A00  }
0x131: {  	[hbm4b:s10+s5] =	stream.linear.scatter [tilespmem:s18], [sflag:$0x3], $0x20, $0x38;
	[tilespmem:$0x18C00] =	vst v63  }
0x132: {  	_ = 	snop  }
0x133: {  	[tilespmem:s21], [sflag:$0x1] =	stream.indirect.gather [hbm4b:s0+s3], $0x80, s3, s3, $0xb8;
	[tilespmem:$0x18C00] =	vst v63  }
0x134: {  	s25 =	simm.s32 $0x280  }
0x135: {  	[tilespmem:s22], [sflag:$0x1] =	stream.indirect.gather [hbm4b:s1+s3], $0x80, s25, s3, $0xb8;
	[tilespmem:$0x18C00] =	vst v63  }
0x136: {  	s31 =	simm.s32 $0x480  }
0x137: {  	[tilespmem:s23], [sflag:$0x1] =	stream.indirect.gather [hbm4b:s0+s3], $0x80, s31, s3, $0xb8;
	[tilespmem:$0x18C00] =	vst v63  }
0x138: {  	_ =	swait.ge [sflag:s26], $0x3000  }
0x139: {  	[sflag:s26] =	ssyncset.done $0x0  }
0x13a: {  	[sflag:s26] =	ssyncadd.s32 $0xFFFFD000  }
0x13b: {  	_ =	swait.ge [sflag:s26], $0x3000  }
0x13c: {  	[sflag:s26] =	ssyncset.done $0x0  }
0x13d: {  	[sflag:s26] =	ssyncadd.s32 $0xFFFFD000  }
0x13e: {  	_ =	swait.ge [sflag:s26], $0x3000  }
0x13f: {  	[sflag:s26] =	ssyncset.done $0x0  }
0x140: {  	s18 =	simm.s32 $0x0;
	[sflag:s26] =	ssyncadd.s32 $0xFFFFD000  }
0x141: {  	v5 =	vld [tilespmem:s18+$0x4730]  }
0x142: {  	v6 =	vld [tilespmem:s18+$0x4770]  }
0x143: {  	v7 =	vld [tilespmem:s18+$0xC730]  }
0x144: {  	v8 =	vld [tilespmem:s18+$0xC770]  }
0x145: {  	v9 =	vld [tilespmem:s18+$0x47B0]  }
0x146: {  	v10 =	vld [tilespmem:s18+$0x47F0]  }
0x147: {  	v11 =	vld [tilespmem:s18+$0xC7B0]  }
0x148: {  	v12 =	vld [tilespmem:s18+$0xC7F0]  }
0x149: {  	v13 =	vld [tilespmem:s18+$0x4720]  }
0x14a: {  	v14 =	vld [tilespmem:s18+$0x4760]  }
0x14b: {  	v15 =	vld [tilespmem:s18+$0xC720]  }
0x14c: {  	v16 =	vld [tilespmem:s18+$0xC760]  }
0x14d: {  	v17 =	vld [tilespmem:s18+$0x47A0]  }
0x14e: {  	v18 =	vld [tilespmem:s18+$0x47E0]  }
0x14f: {  	v19 =	vld [tilespmem:s18+$0xC7A0]  }
0x150: {  	v20 =	vld [tilespmem:s18+$0xC7E0]  }
0x151: {  	v21 =	vld [tilespmem:s18+$0x4710]  }
0x152: {  	v22 =	vld [tilespmem:s18+$0x4750]  }
0x153: {  	v23 =	vld [tilespmem:s18+$0xC710]  }
0x154: {  	v24 =	vld [tilespmem:s18+$0xC750]  }
0x155: {  	v25 =	vld [tilespmem:s18+$0x4790]  }
0x156: {  	v26 =	vld [tilespmem:s18+$0x47D0]  }
0x157: {  	v27 =	vld [tilespmem:s18+$0xC790]  }
0x158: {  	v28 =	vld [tilespmem:s18+$0xC7D0]  }
0x159: {  	v29 =	vld [tilespmem:s18+$0x4700]  }
0x15a: {  	v30 =	vld [tilespmem:s18+$0x4740]  }
0x15b: {  	v31 =	vld [tilespmem:s18+$0xC700]  }
0x15c: {  	v32 =	vld [tilespmem:s18+$0xC740]  }
0x15d: {  	v33 =	vld [tilespmem:s18+$0x4780]  }
0x15e: {  	v34 =	vld [tilespmem:s18+$0x47C0]  }
0x15f: {  	v35 =	vld [tilespmem:s18+$0xC780]  }
0x160: {  	v36 =	vld [tilespmem:s18+$0xC7C0]  }
0x161: {  	v37 =	vld [tilespmem:s18+$0x4600]  }
0x162: {  	v38 =	vld [tilespmem:s18+$0x4640]  }
0x163: {  	v39 =	vld [tilespmem:s18+$0x14700]  }
0x164: {  	v40 =	vld [tilespmem:s18+$0x14780]  }
0x165: {  	v41 =	vld [tilespmem:s18+$0x14740]  }
0x166: {  	v42 =	vld [tilespmem:s18+$0x147C0]  }
0x167: {  	v43 =	vld [tilespmem:s18+$0x14710];
	v44 =	vmul.f32 v8, v5;
	v45 =	vmul.f32 v7, v6  }
0x168: {  	v46 =	vld [tilespmem:s18+$0x14790];
	v47 =	vmul.f32 v12, v9;
	v5 =	vmul.f32 v7, v5  }
0x169: {  	v49 =	vld [tilespmem:s18+$0x14720];
	v48 =	vmul.f32 v11, v10;
	v6 =	vmul.f32 v8, v6  }
0x16a: {  	v50 =	vld [tilespmem:s18+$0x147A0];
	v9 =	vmul.f32 v11, v9;
	v11 =	vmul.f32 v16, v13  }
0x16b: {  	v53 =	vld [tilespmem:s18+$0x14730];
	v10 =	vmul.f32 v12, v10;
	v12 =	vmul.f32 v15, v14  }
0x16c: {  	v54 =	vld [tilespmem:s18+$0x147B0];
	v51 =	vmul.f32 v20, v17;
	v13 =	vmul.f32 v15, v13  }
0x16d: {  	v55 =	vld [tilespmem:s18+$0x14770];
	v52 =	vmul.f32 v19, v18;
	v14 =	vmul.f32 v16, v14  }
0x16e: {  	v57 =	vld [tilespmem:s18+$0xC600];
	v17 =	vmul.f32 v19, v17;
	v19 =	vmul.f32 v24, v21  }
0x16f: {  	v60 =	vld [tilespmem:s18+$0x4610];
	v18 =	vmul.f32 v20, v18;
	v20 =	vmul.f32 v23, v22  }
0x170: {  	v7 =	vld [tilespmem:s18+$0x14750];
	v21 =	vmul.f32 v23, v21;
	v61 =	vmul.f32 v32, v29  }
0x171: {  	v8 =	vld [tilespmem:s18+$0x147D0];
	v22 =	vmul.f32 v24, v22;
	v62 =	vmul.f32 v31, v29  }
0x172: {  	v15 =	vld [tilespmem:s18+$0x14760];
	v32 =	vmul.f32 v32, v30;
	v56 =	vmul.f32 v35, v33  }
0x173: {  	v16 =	vld [tilespmem:s18+$0x147E0];
	v58 =	vmul.f32 v36, v34;
	v30 =	vmul.f32 v31, v30  }
0x174: {  	v29 =	vld [tilespmem:s18+$0x147F0];
	v63 =	vmul.f32 v28, v25;
	v34 =	vmul.f32 v35, v34  }
0x175: {  	v31 =	vld [tilespmem:s18+$0xC640];
	v25 =	vmul.f32 v27, v25;
	v27 =	vmul.f32 v27, v26  }
0x176: {  	v35 =	vld [tilespmem:s18+$0x46C0];
	v26 =	vmul.f32 v28, v26;
	v24 =	vsub.f32 v62, v32;
	v56 =	vsub.f32 v56, v58  }
0x177: {  	v33 =	vmul.f32 v36, v33;
	v36 =	vld [tilespmem:s18+$0xC610];
	v23 =	vadd.f32 v61, v30;
	v21 =	vsub.f32 v21, v22  }
0x178: {  	v32 =	vld [tilespmem:s18+$0x4680];
	v25 =	vsub.f32 v25, v26;
	v19 =	vadd.f32 v19, v20  }
0x179: {  	v30 =	vld [tilespmem:s18+$0xC680];
	v63 =	vadd.f32 v63, v27;
	v13 =	vsub.f32 v13, v14;
	v24 =	vmul.f32 v24, v39  }
0x17a: {  	v58 =	vld [tilespmem:s18+$0x14600];
	v17 =	vsub.f32 v17, v18;
	v39 =	vadd.f32 v33, v34;
	v40 =	vmul.f32 v56, v40  }
0x17b: {  	v62 =	vld [tilespmem:s18+$0x4650];
	v11 =	vadd.f32 v11, v12;
	v23 =	vmul.f32 v41, v23;
	v56 =	vadd.f32 $0.0e+00, v24  }
0x17c: {  	v9 =	vsub.f32 v9, v10;
	v34 =	vld [tilespmem:s18+$0xC6C0];
	v59 =	vadd.f32 $0.0e+00, v40;
	v28 =	vmul.f32 v42, v39  }
0x17d: {  	v20 =	vmul.f32 v21, v43;
	v12 =	vmul.f32 v13, v49;
	v13 =	vld [tilespmem:s18+$0x4690];
	v61 =	vadd.f32 v56, v23  }
0x17e: {  	v5 =	vsub.f32 v5, v6;
	v25 =	vmul.f32 v25, v46;
	v41 =	vld [tilespmem:s18+$0xC660];
	v26 =	vadd.f32 v59, v28  }
0x17f: {  	v9 =	vmul.f32 v9, v54;
	v54 =	vld [tilespmem:s18+$0xC6E0];
	v7 =	vmul.f32 v7, v19;
	v14 =	vadd.f32 v20, v61  }
0x180: {  	v17 =	vmul.f32 v17, v50;
	v19 =	vld [tilespmem:s18+$0xC650];
	v8 =	vmul.f32 v8, v63;
	v18 =	vadd.f32 v25, v26  }
0x181: {  	v11 =	vmul.f32 v15, v11;
	v15 =	vadd.f32 v47, v48;
	v47 =	vld [tilespmem:s18+$0x46A0];
	v7 =	vadd.f32 v14, v7  }
0x182: {  	v5 =	vmul.f32 v5, v53;
	v48 =	vld [tilespmem:s18+$0x46E0];
	v14 =	vadd.f32 v51, v52;
	v8 =	vadd.f32 v18, v8  }
0x183: {  	v39 =	vmul.f32 v31, v37;
	v43 =	vmul.f32 v30, v32;
	v20 =	vld [tilespmem:s18+$0x14680]  }
0x184: {  	v18 =	vld [tilespmem:s18+$0x46D0];
	v6 =	vadd.f32 v12, v7;
	v8 =	vadd.f32 v17, v8;
	v10 =	vmul.f32 v16, v14  }
0x185: {  	v46 =	vmul.f32 v34, v35;
	v49 =	vmul.f32 v34, v32;
	v52 =	vld [tilespmem:s18+$0xC6A0];
	v14 =	vadd.f32 v44, v45  }
0x186: {  	v59 =	vmul.f32 v54, v47;
	v7 =	vld [tilespmem:s18+$0xC690];
	v6 =	vadd.f32 v6, v11;
	v8 =	vadd.f32 v8, v10  }
0x187: {  	v12 =	vld [tilespmem:s18+$0xC6D0];
	v16 =	vmul.f32 v57, v37;
	v14 =	vmul.f32 v55, v14  }
0x188: {  	v44 =	vld [tilespmem:s18+$0x14690];
	v5 =	vadd.f32 v5, v6;
	v8 =	vadd.f32 v9, v8;
	v9 =	vmul.f32 v29, v15  }
0x189: {  	v50 =	vsub.f32 v43, v46;
	v17 =	vmul.f32 v57, v38;
	v38 =	vmul.f32 v31, v38;
	v57 =	vld [tilespmem:s18+$0x146D0]  }
0x18a: {  	v51 =	vmul.f32 v36, v60;
	v11 =	vld [tilespmem:s18+$0x14640];
	v5 =	vadd.f32 v5, v14;
	v8 =	vadd.f32 v8, v9  }
0x18b: {  	v45 =	vmul.f32 v30, v35;
	v20 =	vmul.f32 v50, v20;
	v10 =	vld [tilespmem:s18+$0x146C0];
	v16 =	vsub.f32 v16, v38  }
0x18c: {  	v17 =	vadd.f32 v39, v17;
	v55 =	vld [tilespmem:s18+$0x14650];
	v40 =	vperm.xlane v5, v0;
	v42 =	vperm.xlane v8, v0  }
0x18d: {  	v23 =	vadd.f32 v49, v45;
	v6 =	vld [tilespmem:s18+$0x14610];
	v16 =	vmul.f32 v16, v58;
	v56 =	vmul.f32 v7, v13  }
0x18e: {  	v15 =	vld [tilespmem:s18+$0x4620];
	v7 =	vmul.f32 v7, v18;
	v5 =	vadd.f32 v40, v5;
	v8 =	vadd.f32 v8, v42  }
0x18f: {  	v18 =	vmul.f32 v12, v18;
	v12 =	vmul.f32 v12, v13;
	v9 =	vld [tilespmem:s18+$0xC620];
	v16 =	vadd.f32 $0.0e+00, v16  }
0x190: {  	v14 =	vld [tilespmem:s18+$0x4660];
	v11 =	vmul.f32 v11, v17;
	v53 =	vsel vm3, v5, v8;
	v8 =	vmul.f32 v19, v62  }
0x191: {  	v58 =	vld [tilespmem:s18+$0x46B0];
	v18 =	vsub.f32 v56, v18;
	v5 =	vmul.f32 v36, v62;
	v19 =	vmul.f32 v19, v60  }
0x192: {  	v13 =	vld [tilespmem:s18+$0x14620];
	v10 =	vmul.f32 v10, v23;
	v7 =	vadd.f32 v12, v7;
	v8 =	vsub.f32 v51, v8  }
0x193: {  	v17 =	vld [tilespmem:s18+$0x4630];
	v12 =	vmul.f32 v18, v44;
	v19 =	vadd.f32 v19, v5;
	v5 =	vadd.f32 $0.0e+00, v20  }
0x194: {  	v11 =	vadd.f32 v16, v11;
	v16 =	vld [tilespmem:s18+$0xC630];
	v6 =	vmul.f32 v8, v6;
	v8 =	vmul.f32 v9, v15  }
0x195: {  	v20 =	vld [tilespmem:s18+$0x4670];
	v10 =	vadd.f32 v5, v10;
	v5 =	vmul.f32 v9, v14;
	v9 =	vmul.f32 v41, v14  }
0x196: {  	v18 =	vmul.f32 v52, v48;
	v14 =	vld [tilespmem:s18+$0xC670];
	v11 =	vadd.f32 v6, v11;
	v6 =	vmul.f32 v41, v15  }
0x197: {  	v7 =	vmul.f32 v57, v7;
	v60 =	vld [tilespmem:s18+$0x46F0];
	v8 =	vsub.f32 v8, v9;
	v10 =	vadd.f32 v12, v10  }
0x198: {  	v15 =	vld [tilespmem:s18+$0x146A0];
	v9 =	vmul.f32 v52, v47;
	v5 =	vadd.f32 v6, v5;
	v6 =	vmul.f32 v54, v48  }
0x199: {  	v12 =	vmul.f32 v55, v19;
	v19 =	vld [tilespmem:s18+$0xC6B0];
	v8 =	vmul.f32 v8, v13;
	v63 =	vadd.f32 v10, v7  }
0x19a: {  	v10 =	vmul.f32 v16, v20;
	v9 =	vsub.f32 v9, v6;
	v6 =	vadd.f32 v59, v18;
	v18 =	vld [tilespmem:s18+$0xC6F0]  }
0x19b: {  	v11 =	vadd.f32 v11, v12;
	v12 =	vld [tilespmem:s18+$0x14660];
	v62 =	vmul.f32 v14, v20;
	v14 =	vmul.f32 v14, v17  }
0x19c: {  	v61 =	vmul.f32 v16, v17;
	v13 =	vld [tilespmem:s18+$0x146E0]  }
0x19d: {  	v7 =	vadd.f32 v8, v11;
	v11 =	vld [tilespmem:s18+$0x14630];
	v8 =	vadd.f32 v14, v10;
	v15 =	vmul.f32 v9, v15  }
0x19e: {  	s25 =	simm.s32 $0x18610;
	v10 =	vld [tilespmem:s18+$0x146B0];
	v17 =	vmul.f32 v19, v58;
	v16 =	vmul.f32 v19, v60;
	v9 =	vsub.f32 v61, v62  }
0x19f: {  	s29 =	simm.s32 $0x0;
	s24 =	simm.s32 $0x18640;
	s30 =	simm.s32 $0x800;
	[tilespmem:s25+$0x0] =	vst v53;
	v14 =	vld [tilespmem:s18+$0x14670];
	v15 =	vadd.f32 v15, v63;
	v19 =	vmul.f32 v18, v60;
	v18 =	vmul.f32 v18, v58  }
.LBB2_6:
0x1a0: {  	v5 =	vmul.f32 v12, v5;
	v12 =	vld [tilespmem:s18+$0x146F0];
	s18 =	sshra.s32 s30, $0x2  }
0x1a1: {  	v20 =	vld [tilespmem:s18+$0x4730];
	v6 =	vmul.f32 v13, v6;
	v13 =	vsub.f32 v17, v19;
	v16 =	vadd.f32 v18, v16  }
0x1a2: {  	v17 =	vld [tilespmem:s18+$0x4770];
	v5 =	vadd.f32 v7, v5;
	v7 =	vmul.f32 v9, v11  }
0x1a3: {  	v9 =	vld [tilespmem:s18+$0xC730];
	v6 =	vadd.f32 v15, v6;
	v10 =	vmul.f32 v13, v10  }
0x1a4: {  	v11 =	vld [tilespmem:s18+$0xC770];
	v5 =	vadd.f32 v7, v5;
	v7 =	vmul.f32 v14, v8  }
0x1a5: {  	v8 =	vld [tilespmem:s18+$0x47B0];
	v6 =	vadd.f32 v10, v6;
	v10 =	vmul.f32 v12, v16  }
0x1a6: {  	v12 =	vld [tilespmem:s18+$0x47F0];
	v5 =	vadd.f32 v5, v7  }
0x1a7: {  	v7 =	vld [tilespmem:s18+$0xC7B0];
	v6 =	vadd.f32 v6, v10  }
0x1a8: {  	v10 =	vld [tilespmem:s18+$0xC7F0];
	v13 =	vperm.xlane v5, v0  }
0x1a9: {  	v14 =	vld [tilespmem:s18+$0x4720];
	v15 =	vperm.xlane v6, v0  }
0x1aa: {  	v16 =	vld [tilespmem:s18+$0x4760];
	v5 =	vadd.f32 v13, v5  }
0x1ab: {  	v13 =	vld [tilespmem:s18+$0xC720];
	v6 =	vadd.f32 v6, v15  }
0x1ac: {  	v15 =	vld [tilespmem:s18+$0xC760]  }
0x1ad: {  	v18 =	vld [tilespmem:s18+$0x47A0];
	v5 =	vsel vm3, v5, v6  }
0x1ae: {  	v6 =	vld [tilespmem:s18+$0x47E0];
	[tilespmem:s25+$0xFFFFFFF0] =	vst v5  }
0x1af: {  	v5 =	vld [tilespmem:s18+$0xC7A0]  }
0x1b0: {  	v19 =	vld [tilespmem:s18+$0xC7E0]  }
0x1b1: {  	v21 =	vld [tilespmem:s18+$0x4710]  }
0x1b2: {  	v22 =	vld [tilespmem:s18+$0x4750]  }
0x1b3: {  	v23 =	vld [tilespmem:s18+$0xC710]  }
0x1b4: {  	v24 =	vld [tilespmem:s18+$0xC750]  }
0x1b5: {  	v25 =	vld [tilespmem:s18+$0x4790]  }
0x1b6: {  	v26 =	vld [tilespmem:s18+$0x47D0]  }
0x1b7: {  	v27 =	vld [tilespmem:s18+$0xC790]  }
0x1b8: {  	v28 =	vmul.f32 v11, v20;
	v29 =	vld [tilespmem:s18+$0xC7D0]  }
0x1b9: {  	v31 =	vmul.f32 v9, v17;
	v32 =	vmul.f32 v10, v8;
	v30 =	vld [tilespmem:s18+$0x4700]  }
0x1ba: {  	v9 =	vmul.f32 v9, v20;
	v20 =	vmul.f32 v7, v12;
	v33 =	vld [tilespmem:s18+$0x4740]  }
0x1bb: {  	v11 =	vmul.f32 v11, v17;
	v7 =	vmul.f32 v7, v8;
	v34 =	vld [tilespmem:s18+$0xC700]  }
0x1bc: {  	v10 =	vmul.f32 v10, v12;
	v17 =	vmul.f32 v15, v14;
	v8 =	vld [tilespmem:s18+$0xC740]  }
0x1bd: {  	v12 =	vmul.f32 v13, v16;
	v36 =	vmul.f32 v19, v18;
	v35 =	vld [tilespmem:s18+$0x4780]  }
0x1be: {  	v13 =	vmul.f32 v13, v14;
	v37 =	vmul.f32 v5, v6;
	v14 =	vld [tilespmem:s18+$0x47C0]  }
0x1bf: {  	s29 =	sadd.s32 $0x2, s29;
	v15 =	vmul.f32 v15, v16;
	v5 =	vmul.f32 v5, v18;
	v16 =	vld [tilespmem:s18+$0xC780]  }
0x1c0: {  	p0 =	slt.u32 s29, $0x2E;
	v6 =	vmul.f32 v19, v6;
	v18 =	vmul.f32 v24, v21;
	v38 =	vld [tilespmem:s18+$0xC7C0]  }
0x1c1: {  	v39 =	vmul.f32 v23, v22;
	v40 =	vmul.f32 v29, v25;
	v19 =	vld [tilespmem:s18+$0x4600]  }
0x1c2: {  	v21 =	vmul.f32 v23, v21;
	v23 =	vmul.f32 v27, v26;
	v41 =	vld [tilespmem:s18+$0x4640]  }
0x1c3: {  	v22 =	vmul.f32 v24, v22;
	v43 =	vmul.f32 v8, v30;
	v42 =	vld [tilespmem:s18+$0x14700]  }
0x1c4: {  	v24 =	vmul.f32 v34, v30;
	v8 =	vmul.f32 v8, v33;
	v30 =	vld [tilespmem:s18+$0x14780]  }
0x1c5: {  	v45 =	vmul.f32 v16, v35;
	v44 =	vld [tilespmem:s18+$0x14740];
	v46 =	vmul.f32 v38, v14  }
0x1c6: {  	v33 =	vmul.f32 v34, v33;
	v35 =	vmul.f32 v38, v35;
	v34 =	vld [tilespmem:s18+$0x147C0]  }
0x1c7: {  	v8 =	vsub.f32 v24, v8;
	v14 =	vmul.f32 v16, v14;
	v24 =	vld [tilespmem:s18+$0x14710];
	v38 =	vsub.f32 v45, v46  }
0x1c8: {  	v25 =	vmul.f32 v27, v25;
	v26 =	vmul.f32 v29, v26;
	v16 =	vadd.f32 v43, v33;
	v33 =	vld [tilespmem:s18+$0x14790]  }
0x1c9: {  	v14 =	vadd.f32 v35, v14;
	v8 =	vmul.f32 v8, v42;
	v27 =	vld [tilespmem:s18+$0x14750];
	v29 =	vmul.f32 v38, v30  }
0x1ca: {  	v21 =	vsub.f32 v21, v22;
	v25 =	vsub.f32 v25, v26;
	v16 =	vmul.f32 v44, v16;
	v22 =	vld [tilespmem:s18+$0x147D0]  }
0x1cb: {  	v8 =	vadd.f32 $0.0e+00, v8;
	v26 =	vld [tilespmem:s18+$0x14720];
	v29 =	vadd.f32 $0.0e+00, v29;
	v14 =	vmul.f32 v34, v14  }
0x1cc: {  	v18 =	vadd.f32 v18, v39;
	v23 =	vadd.f32 v40, v23;
	v21 =	vmul.f32 v21, v24;
	v24 =	vld [tilespmem:s18+$0x147A0]  }
0x1cd: {  	v8 =	vadd.f32 v8, v16;
	v16 =	vld [tilespmem:s18+$0x14760];
	v14 =	vadd.f32 v29, v14;
	v25 =	vmul.f32 v25, v33  }
0x1ce: {  	v13 =	vsub.f32 v13, v15;
	v5 =	vsub.f32 v5, v6;
	v18 =	vmul.f32 v27, v18;
	v15 =	vld [tilespmem:s18+$0x147E0]  }
0x1cf: {  	v6 =	vadd.f32 v21, v8;
	v8 =	vld [tilespmem:s18+$0x14730];
	v14 =	vadd.f32 v25, v14;
	v21 =	vmul.f32 v22, v23  }
0x1d0: {  	v12 =	vadd.f32 v17, v12;
	v17 =	vadd.f32 v36, v37;
	v13 =	vmul.f32 v13, v26;
	v22 =	vld [tilespmem:s18+$0x147B0]  }
0x1d1: {  	v6 =	vadd.f32 v6, v18;
	v18 =	vld [tilespmem:s18+$0x14770];
	v14 =	vadd.f32 v14, v21;
	v5 =	vmul.f32 v5, v24  }
0x1d2: {  	v9 =	vsub.f32 v9, v11;
	v7 =	vsub.f32 v7, v10;
	v12 =	vmul.f32 v16, v12;
	v11 =	vld [tilespmem:s18+$0x147F0]  }
0x1d3: {  	v6 =	vadd.f32 v13, v6;
	v10 =	vld [tilespmem:s18+$0xC600];
	v5 =	vadd.f32 v5, v14;
	v13 =	vmul.f32 v15, v17  }
0x1d4: {  	v15 =	vadd.f32 v28, v31;
	v14 =	vld [tilespmem:s18+$0xC640];
	v8 =	vmul.f32 v9, v8;
	v9 =	vadd.f32 v32, v20  }
0x1d5: {  	v6 =	vadd.f32 v6, v12;
	v16 =	vld [tilespmem:s18+$0x4680];
	v5 =	vadd.f32 v5, v13;
	v7 =	vmul.f32 v7, v22  }
0x1d6: {  	v12 =	vld [tilespmem:s18+$0x46C0];
	v13 =	vmul.f32 v18, v15  }
0x1d7: {  	v6 =	vadd.f32 v8, v6;
	v15 =	vld [tilespmem:s18+$0xC680];
	v5 =	vadd.f32 v7, v5;
	v7 =	vmul.f32 v11, v9  }
0x1d8: {  	v8 =	vmul.f32 v10, v19;
	v9 =	vmul.f32 v10, v41;
	v10 =	vld [tilespmem:s18+$0xC6C0]  }
0x1d9: {  	v6 =	vadd.f32 v6, v13;
	v11 =	vld [tilespmem:s18+$0x14600];
	v17 =	vmul.f32 v14, v41;
	v5 =	vadd.f32 v5, v7  }
0x1da: {  	v7 =	vmul.f32 v14, v19;
	v13 =	vld [tilespmem:s18+$0x4610]  }
0x1db: {  	v8 =	vsub.f32 v8, v17;
	v14 =	vld [tilespmem:s18+$0x4650];
	v17 =	vperm.xlane v6, v0;
	v18 =	vperm.xlane v5, v0  }
0x1dc: {  	v7 =	vadd.f32 v7, v9;
	v9 =	vld [tilespmem:s18+$0xC610];
	v19 =	vmul.f32 v15, v16;
	v15 =	vmul.f32 v15, v12  }
0x1dd: {  	v20 =	vld [tilespmem:s18+$0xC650];
	v12 =	vmul.f32 v10, v12;
	v6 =	vadd.f32 v17, v6;
	v5 =	vadd.f32 v5, v18  }
0x1de: {  	v10 =	vmul.f32 v10, v16;
	v8 =	vmul.f32 v8, v11;
	v11 =	vld [tilespmem:s18+$0x14680]  }
0x1df: {  	s25 =	sadd.s32 $0x20, s25;
	v12 =	vsub.f32 v19, v12;
	v16 =	vld [tilespmem:s18+$0x4690];
	v5 =	vsel vm3, v6, v5  }
0x1e0: {  	s31 =	simm.s32 $0x80;
	v6 =	vadd.f32 $0.0e+00, v8;
	v8 =	vadd.f32 v10, v15;
	v10 =	vld [tilespmem:s18+$0x46D0];
	[tilespmem:s25+$0x0] =	vst v5  }
0x1e1: {  	v5 =	vmul.f32 v9, v13;
	v9 =	vmul.f32 v9, v14;
	v15 =	vld [tilespmem:s18+$0xC690]  }
0x1e2: {  	v14 =	vmul.f32 v20, v14;
	v13 =	vmul.f32 v20, v13;
	v17 =	vld [tilespmem:s18+$0xC6D0]  }
0x1e3: {  	v18 =	vld [tilespmem:s18+$0x14640];
	v11 =	vmul.f32 v12, v11  }
0x1e4: {  	v5 =	vsub.f32 v5, v14;
	v9 =	vadd.f32 v13, v9;
	v12 =	vld [tilespmem:s18+$0x146C0]  }
0x1e5: {  	v13 =	vld [tilespmem:s18+$0x14610];
	v11 =	vadd.f32 $0.0e+00, v11  }
0x1e6: {  	v14 =	vld [tilespmem:s18+$0x4620];
	v19 =	vmul.f32 v15, v16;
	v15 =	vmul.f32 v15, v10  }
0x1e7: {  	v20 =	vld [tilespmem:s18+$0x4660];
	v10 =	vmul.f32 v17, v10;
	v16 =	vmul.f32 v17, v16  }
0x1e8: {  	v7 =	vmul.f32 v18, v7;
	v17 =	vld [tilespmem:s18+$0xC620]  }
0x1e9: {  	v18 =	vld [tilespmem:s18+$0xC660];
	v8 =	vmul.f32 v12, v8;
	v10 =	vsub.f32 v19, v10;
	v12 =	vadd.f32 v16, v15  }
0x1ea: {  	v6 =	vadd.f32 v6, v7;
	v5 =	vmul.f32 v5, v13;
	v7 =	vld [tilespmem:s18+$0x14690]  }
0x1eb: {  	v8 =	vadd.f32 v11, v8;
	v11 =	vld [tilespmem:s18+$0x46A0]  }
0x1ec: {  	v13 =	vadd.f32 v5, v6;
	v6 =	vld [tilespmem:s18+$0x46E0]  }
0x1ed: {  	v5 =	vmul.f32 v17, v14;
	v15 =	vmul.f32 v17, v20;
	v16 =	vld [tilespmem:s18+$0xC6A0]  }
0x1ee: {  	v17 =	vmul.f32 v18, v20;
	v14 =	vmul.f32 v18, v14;
	v18 =	vld [tilespmem:s18+$0xC6E0]  }
0x1ef: {  	v19 =	vld [tilespmem:s18+$0x14650];
	v7 =	vmul.f32 v10, v7  }
0x1f0: {  	v10 =	vsub.f32 v5, v17;
	v5 =	vadd.f32 v14, v15;
	v14 =	vld [tilespmem:s18+$0x146D0]  }
0x1f1: {  	v15 =	vld [tilespmem:s18+$0x14620];
	v7 =	vadd.f32 v7, v8  }
0x1f2: {  	v8 =	vld [tilespmem:s18+$0x4630];
	v17 =	vmul.f32 v16, v11;
	v16 =	vmul.f32 v16, v6  }
0x1f3: {  	v20 =	vld [tilespmem:s18+$0x4670];
	v6 =	vmul.f32 v18, v6;
	v11 =	vmul.f32 v18, v11  }
0x1f4: {  	v9 =	vmul.f32 v19, v9;
	v18 =	vld [tilespmem:s18+$0xC630]  }
0x1f5: {  	v19 =	vld [tilespmem:s18+$0xC670];
	v12 =	vmul.f32 v14, v12;
	v14 =	vsub.f32 v17, v6;
	v6 =	vadd.f32 v11, v16  }
0x1f6: {  	v9 =	vadd.f32 v13, v9;
	v10 =	vmul.f32 v10, v15;
	v11 =	vld [tilespmem:s18+$0x146A0]  }
0x1f7: {  	v15 =	vadd.f32 v7, v12;
	v21 =	vld [tilespmem:s18+$0x46B0]  }
0x1f8: {  	v7 =	vadd.f32 v10, v9;
	v22 =	vld [tilespmem:s18+$0x46F0]  }
0x1f9: {  	v9 =	vmul.f32 v18, v8;
	v10 =	vmul.f32 v18, v20;
	v16 =	vld [tilespmem:s18+$0xC6B0]  }
0x1fa: {  	v13 =	vmul.f32 v19, v20;
	v8 =	vmul.f32 v19, v8;
	v18 =	vld [tilespmem:s18+$0xC6F0]  }
.Ltmp2:
0x1fb: {  	v12 =	vld [tilespmem:s18+$0x14660];
	v14 =	vmul.f32 v14, v11;
	(pc) =	sbr.rel @p0 .LBB2_6-.Ltmp2, $4  }
0x1fc: {  	v9 =	vsub.f32 v9, v13;
	v8 =	vadd.f32 v8, v10;
	v13 =	vld [tilespmem:s18+$0x146E0]  }
0x1fd: {  	v11 =	vld [tilespmem:s18+$0x14630];
	v15 =	vadd.f32 v14, v15  }
0x1fe: {  	v10 =	vld [tilespmem:s18+$0x146B0];
	v17 =	vmul.f32 v16, v21;
	v16 =	vmul.f32 v16, v22  }
0x1ff: {  	s30 =	sadd.s32 $0x800, s30;
	v14 =	vld [tilespmem:s18+$0x14670];
	v19 =	vmul.f32 v18, v22;
	v18 =	vmul.f32 v18, v21  }
0x200: {  	v5 =	vmul.f32 v12, v5;
	v12 =	vld [tilespmem:s18+$0x146F0]  }
0x201: {  	v6 =	vmul.f32 v13, v6;
	v13 =	vsub.f32 v17, v19  }
0x202: {  	v5 =	vadd.f32 v7, v5;
	v7 =	vmul.f32 v9, v11  }
0x203: {  	v9 =	vadd.f32 v18, v16;
	v6 =	vadd.f32 v15, v6;
	v10 =	vmul.f32 v13, v10  }
0x204: {  	v5 =	vadd.f32 v7, v5  }
0x205: {  	v7 =	vmul.f32 v14, v8;
	v6 =	vadd.f32 v10, v6;
	v8 =	vmul.f32 v12, v9;
	_ =	sdelay $0x1  }
0x206: {  	v5 =	vadd.f32 v5, v7;
	v6 =	vadd.f32 v6, v8;
	_ =	sdelay $0x1  }
0x207: {  	v7 =	vperm.xlane v5, v0;
	v8 =	vperm.xlane v6, v0;
	_ =	sdelay $0x1  }
0x208: {  	v5 =	vadd.f32 v7, v5;
	v6 =	vadd.f32 v6, v8;
	_ =	sdelay $0x1  }
0x209: {  	v5 =	vsel vm3, v5, v6  }
0x20a: {  	[tilespmem:s25+$0xFFFFFFF0] =	vst v5  }
0x20b: {  	v11 =	vld [tilespmem:s24+$0xFFFFFFC0]  }
0x20c: {  	v12 =	vld [tilespmem:s24+$0xFFFFFFD0]  }
0x20d: {  	v10 =	vld [tilespmem:s24+$0xFFFFFFE0]  }
0x20e: {  	v9 =	vld [tilespmem:s24+$0xFFFFFFF0]  }
0x20f: {  	v6 =	vld [tilespmem:s24+$0x0]  }
0x210: {  	v8 =	vld [tilespmem:s24+$0x10]  }
0x211: {  	v5 =	vld [tilespmem:s24+$0x20]  }
0x212: {  	s5 =	simm.s32 $0xC0;
	v7 =	vld [tilespmem:s24+$0x30]  }
.LBB2_8:
0x213: {  	p0 =	sne.s32 s5, $0x1C0;
	v13 =	vperm.xlane v11, v1;
	v14 =	vperm.xlane v12, v1  }
0x214: {  	v15 =	vperm.xlane v10, v1  }
0x215: {  	v11 =	vadd.f32 v13, v11;
	v12 =	vadd.f32 v14, v12;
	v13 =	vperm.xlane v9, v1  }
0x216: {  	v10 =	vadd.f32 v15, v10;
	v14 =	vperm.xlane v6, v1;
	v15 =	vperm.xlane v8, v1  }
0x217: {  	v9 =	vadd.f32 v13, v9;
	v13 =	vperm.xlane v5, v1;
	v16 =	vperm.xlane v7, v1  }
0x218: {  	v6 =	vadd.f32 v14, v6;
	v8 =	vadd.f32 v15, v8  }
0x219: {  	v11 =	vsel vm0, v11, v12;
	v5 =	vadd.f32 v13, v5;
	v7 =	vadd.f32 v16, v7  }
0x21a: {  	v9 =	vsel vm0, v10, v9;
	v10 =	vperm.xlane v11, v2  }
0x21b: {  	v6 =	vsel vm0, v6, v8;
	v12 =	vperm.xlane v9, v2;
	v5 =	vsel vm0, v5, v7  }
0x21c: {  	v7 =	vperm.xlane v6, v2;
	v8 =	vperm.xlane v5, v2  }
0x21d: {  	v10 =	vadd.f32 v10, v11;
	v9 =	vadd.f32 v12, v9  }
0x21e: {  	v6 =	vadd.f32 v7, v6;
	v5 =	vadd.f32 v8, v5;
	_ =	sdelay $0x1  }
0x21f: {  	v7 =	vsel vm1, v10, v9;
	v5 =	vsel vm1, v6, v5  }
0x220: {  	v6 =	vperm.xlane v7, v3;
	v8 =	vperm.xlane v5, v3;
	_ =	sdelay $0x1  }
0x221: {  	v6 =	vadd.f32 v6, v7;
	v5 =	vadd.f32 v8, v5;
	_ =	sdelay $0x1  }
0x222: {  	v5 =	vsel vm2, v6, v5  }
0x223: {  	v5 =	vperm.xlane v5, v4  }
0x224: {  	s18 =	sshra.s32 s31, $0x2;
	s31 =	smov.u32 s5  }
0x225: {  	s24 =	sadd.s32 $0x80, s24;
	[tilespmem:s18+$0x18A00] =	vst v5  }
0x226: {  	v11 =	vld [tilespmem:s24+$0xFFFFFFC0]  }
0x227: {  	v12 =	vld [tilespmem:s24+$0xFFFFFFD0]  }
0x228: {  	v10 =	vld [tilespmem:s24+$0xFFFFFFE0]  }
.Ltmp3:
0x229: {  	v9 =	vld [tilespmem:s24+$0xFFFFFFF0];
	(pc) =	sbr.rel @p0 .LBB2_8-.Ltmp3, $4  }
0x22a: {  	v6 =	vld [tilespmem:s24+$0x0]  }
0x22b: {  	v8 =	vld [tilespmem:s24+$0x10]  }
0x22c: {  	v5 =	vld [tilespmem:s24+$0x20]  }
0x22d: {  	s5 =	sadd.s32 $0x40, s5;
	v7 =	vld [tilespmem:s24+$0x30]  }
0x22e: {  	v13 =	vperm.xlane v11, v1;
	v14 =	vperm.xlane v12, v1  }
0x22f: {  	v15 =	vperm.xlane v10, v1  }
0x230: {  	v11 =	vadd.f32 v13, v11;
	v12 =	vadd.f32 v14, v12;
	v13 =	vperm.xlane v9, v1  }
0x231: {  	v10 =	vadd.f32 v15, v10;
	v14 =	vperm.xlane v6, v1;
	v15 =	vperm.xlane v8, v1  }
0x232: {  	v9 =	vadd.f32 v13, v9;
	v13 =	vperm.xlane v5, v1;
	v16 =	vperm.xlane v7, v1  }
0x233: {  	v6 =	vadd.f32 v14, v6;
	v8 =	vadd.f32 v15, v8  }
0x234: {  	v11 =	vsel vm0, v11, v12;
	v5 =	vadd.f32 v13, v5;
	v7 =	vadd.f32 v16, v7  }
0x235: {  	v9 =	vsel vm0, v10, v9;
	v10 =	vperm.xlane v11, v2  }
0x236: {  	v6 =	vsel vm0, v6, v8;
	v12 =	vperm.xlane v9, v2;
	v5 =	vsel vm0, v5, v7  }
0x237: {  	v7 =	vperm.xlane v6, v2;
	v8 =	vperm.xlane v5, v2  }
0x238: {  	v10 =	vadd.f32 v10, v11;
	v9 =	vadd.f32 v12, v9  }
0x239: {  	v6 =	vadd.f32 v7, v6;
	v5 =	vadd.f32 v8, v5;
	_ =	sdelay $0x1  }
0x23a: {  	v7 =	vsel vm1, v10, v9;
	v5 =	vsel vm1, v6, v5  }
0x23b: {  	v6 =	vperm.xlane v7, v3;
	v8 =	vperm.xlane v5, v3;
	_ =	sdelay $0x1  }
0x23c: {  	v6 =	vadd.f32 v6, v7;
	v5 =	vadd.f32 v8, v5;
	_ =	sdelay $0x1  }
0x23d: {  	v5 =	vsel vm2, v6, v5  }
0x23e: {  	v5 =	vperm.xlane v5, v4  }
0x23f: {  	s5 =	sshra.s32 s31, $0x2  }
0x240: {  	s18 =	simm.s32 $0x18A20;
	[tilespmem:s5+$0x18A00] =	vst v5  }
0x241: {  	[hbm4b:s12+s4] =	stream.linear.scatter [tilespmem:s18], [sflag:$0x3], $0x60, $0x38;
	[tilespmem:$0x18C00] =	vst v63  }
0x242: {  	s24 =	simm.s32 $0x4600;
	s18 =	simm.s32 $0x100  }
0x243: {  	[tilespmem:s24], [sflag:$0x2] =	stream.indirect.gather [hbm4b:s0+s3], $0x80, s18, s3, $0xb8;
	[tilespmem:$0x18C00] =	vst v63  }
0x244: {  	s25 =	simm.s32 $0xC600;
	s31 =	simm.s32 $0x300  }
0x245: {  	[tilespmem:s25], [sflag:$0x2] =	stream.indirect.gather [hbm4b:s1+s3], $0x80, s31, s3, $0xb8;
	[tilespmem:$0x18C00] =	vst v63  }
0x246: {  	s24 =	simm.s32 $0x14600;
	s25 =	simm.s32 $0x500  }
0x247: {  	[tilespmem:s24], [sflag:$0x2] =	stream.indirect.gather [hbm4b:s0+s3], $0x80, s25, s3, $0xb8;
	[tilespmem:$0x18C00] =	vst v63  }
0x248: {  	_ =	swait.ge [sflag:s19], $0x4000  }
0x249: {  	[sflag:s19] =	ssyncset.done $0x0  }
0x24a: {  	[sflag:s19] =	ssyncadd.s32 $0xFFFFC000  }
0x24b: {  	_ =	swait.ge [sflag:s19], $0x4000  }
0x24c: {  	[sflag:s19] =	ssyncset.done $0x0  }
0x24d: {  	[sflag:s19] =	ssyncadd.s32 $0xFFFFC000  }
0x24e: {  	_ =	swait.ge [sflag:s19], $0x4000  }
0x24f: {  	[sflag:s19] =	ssyncset.done $0x0  }
0x250: {  	s31 =	simm.s32 $0x700;
	[sflag:s19] =	ssyncadd.s32 $0xFFFFC000  }
0x251: {  	v6 =	vld [tilespmem:s31+$0x30]  }
0x252: {  	s18 =	simm.s32 $0x8700;
	v7 =	vld [tilespmem:s31+$0x70]  }
0x253: {  	v8 =	vld [tilespmem:s18+$0x30]  }
0x254: {  	v9 =	vld [tilespmem:s18+$0x70]  }
0x255: {  	v10 =	vld [tilespmem:s31+$0xB0]  }
0x256: {  	v11 =	vld [tilespmem:s31+$0xF0]  }
0x257: {  	v12 =	vld [tilespmem:s18+$0xB0]  }
0x258: {  	v13 =	vld [tilespmem:s18+$0xF0]  }
0x259: {  	v14 =	vld [tilespmem:s31+$0x20]  }
0x25a: {  	v15 =	vld [tilespmem:s31+$0x60]  }
0x25b: {  	v16 =	vld [tilespmem:s18+$0x20]  }
0x25c: {  	v17 =	vld [tilespmem:s18+$0x60]  }
0x25d: {  	v18 =	vld [tilespmem:s31+$0xA0]  }
0x25e: {  	v19 =	vld [tilespmem:s31+$0xE0]  }
0x25f: {  	v20 =	vld [tilespmem:s18+$0xA0]  }
0x260: {  	v21 =	vld [tilespmem:s18+$0xE0]  }
0x261: {  	v22 =	vld [tilespmem:s31+$0x10]  }
0x262: {  	v23 =	vld [tilespmem:s31+$0x50]  }
0x263: {  	v24 =	vld [tilespmem:s18+$0x10]  }
0x264: {  	v25 =	vld [tilespmem:s18+$0x50]  }
0x265: {  	v26 =	vld [tilespmem:s31+$0x90]  }
0x266: {  	v27 =	vld [tilespmem:s31+$0xD0]  }
0x267: {  	v28 =	vld [tilespmem:s18+$0x90]  }
0x268: {  	v29 =	vld [tilespmem:s18+$0xD0]  }
0x269: {  	v30 =	vld [tilespmem:s31+$0x0]  }
0x26a: {  	v31 =	vld [tilespmem:s31+$0x40]  }
0x26b: {  	v32 =	vld [tilespmem:s18+$0x0]  }
0x26c: {  	v33 =	vld [tilespmem:s18+$0x40]  }
0x26d: {  	v34 =	vld [tilespmem:s31+$0x80]  }
0x26e: {  	v35 =	vld [tilespmem:s31+$0xC0]  }
0x26f: {  	v36 =	vld [tilespmem:s18+$0x80]  }
0x270: {  	v37 =	vld [tilespmem:s18+$0xC0]  }
0x271: {  	v5 =	vld [tilespmem:s31+$0xFFFFFF40]  }
0x272: {  	s24 =	simm.s32 $0x10700;
	v38 =	vld [tilespmem:s18+$0xFFFFFF00]  }
0x273: {  	v39 =	vld [tilespmem:s24+$0x0]  }
0x274: {  	v40 =	vld [tilespmem:s24+$0x80]  }
0x275: {  	v41 =	vld [tilespmem:s24+$0x40]  }
0x276: {  	v42 =	vld [tilespmem:s24+$0xC0];
	v43 =	vmul.f32 v9, v6  }
0x277: {  	v45 =	vld [tilespmem:s24+$0x10];
	v44 =	vmul.f32 v8, v7;
	v46 =	vmul.f32 v13, v10  }
0x278: {  	v48 =	vld [tilespmem:s24+$0xD0];
	v6 =	vmul.f32 v8, v6;
	v47 =	vmul.f32 v12, v11  }
0x279: {  	v49 =	vld [tilespmem:s24+$0x20];
	v7 =	vmul.f32 v9, v7;
	v10 =	vmul.f32 v12, v10  }
0x27a: {  	v52 =	vld [tilespmem:s24+$0xE0];
	v12 =	vmul.f32 v17, v14;
	v11 =	vmul.f32 v13, v11  }
0x27b: {  	v53 =	vld [tilespmem:s24+$0x30];
	v13 =	vmul.f32 v16, v15;
	v50 =	vmul.f32 v21, v18  }
0x27c: {  	v54 =	vld [tilespmem:s24+$0xB0];
	v14 =	vmul.f32 v16, v14;
	v51 =	vmul.f32 v20, v19  }
0x27d: {  	v56 =	vld [tilespmem:s24+$0xF0];
	v15 =	vmul.f32 v17, v15;
	v18 =	vmul.f32 v20, v18  }
0x27e: {  	v58 =	vld [tilespmem:s24+$0xFFFFFF00];
	v20 =	vmul.f32 v25, v22;
	v60 =	vmul.f32 v24, v23  }
0x27f: {  	v8 =	vld [tilespmem:s24+$0x90];
	v22 =	vmul.f32 v24, v22;
	v61 =	vmul.f32 v33, v30  }
0x280: {  	v9 =	vld [tilespmem:s24+$0x50];
	v23 =	vmul.f32 v25, v23;
	v62 =	vmul.f32 v32, v30  }
0x281: {  	v16 =	vld [tilespmem:s24+$0xA0];
	v33 =	vmul.f32 v33, v31;
	v55 =	vmul.f32 v36, v34  }
0x282: {  	v17 =	vld [tilespmem:s24+$0x60];
	v57 =	vmul.f32 v37, v35;
	v31 =	vmul.f32 v32, v31  }
0x283: {  	v30 =	vld [tilespmem:s24+$0x70];
	v63 =	vmul.f32 v29, v26;
	v35 =	vmul.f32 v36, v35  }
0x284: {  	v32 =	vld [tilespmem:s18+$0xFFFFFF40];
	v26 =	vmul.f32 v28, v26;
	v28 =	vmul.f32 v28, v27  }
0x285: {  	v36 =	vld [tilespmem:s31+$0xFFFFFFC0];
	v27 =	vmul.f32 v29, v27;
	v25 =	vsub.f32 v62, v33;
	v55 =	vsub.f32 v55, v57  }
0x286: {  	v19 =	vmul.f32 v21, v19;
	v33 =	vld [tilespmem:s31+$0xFFFFFF80];
	v24 =	vadd.f32 v61, v31;
	v22 =	vsub.f32 v22, v23  }
0x287: {  	v34 =	vmul.f32 v37, v34;
	v31 =	vld [tilespmem:s18+$0xFFFFFF80];
	v26 =	vsub.f32 v26, v27;
	v20 =	vadd.f32 v20, v60  }
0x288: {  	v61 =	vld [tilespmem:s31+$0xFFFFFF10];
	v62 =	vadd.f32 v63, v28;
	v14 =	vsub.f32 v14, v15;
	v25 =	vmul.f32 v25, v39  }
0x289: {  	v63 =	vld [tilespmem:s31+$0xFFFFFF50];
	v18 =	vsub.f32 v18, v19;
	v39 =	vadd.f32 v34, v35;
	v40 =	vmul.f32 v55, v40  }
0x28a: {  	v12 =	vadd.f32 v12, v13;
	v35 =	vld [tilespmem:s18+$0xFFFFFFC0];
	v24 =	vmul.f32 v41, v24;
	v41 =	vadd.f32 $0.0e+00, v25  }
0x28b: {  	v10 =	vsub.f32 v10, v11;
	v55 =	vld [tilespmem:s31+$0xFFFFFF00];
	v57 =	vadd.f32 $0.0e+00, v40;
	v29 =	vmul.f32 v42, v39  }
0x28c: {  	v59 =	vmul.f32 v22, v45;
	v13 =	vmul.f32 v14, v49;
	v14 =	vld [tilespmem:s24+$0xFFFFFF80];
	v60 =	vadd.f32 v41, v24  }
0x28d: {  	v10 =	vmul.f32 v10, v54;
	v54 =	vld [tilespmem:s18+$0xFFFFFFE0];
	v8 =	vmul.f32 v26, v8;
	v27 =	vadd.f32 v57, v29  }
0x28e: {  	v6 =	vsub.f32 v6, v7;
	v9 =	vmul.f32 v9, v20;
	v20 =	vld [tilespmem:s18+$0xFFFFFF10];
	v15 =	vadd.f32 v59, v60  }
0x28f: {  	v19 =	vmul.f32 v48, v62;
	v16 =	vmul.f32 v18, v16;
	v18 =	vld [tilespmem:s31+$0xFFFFFF90];
	v8 =	vadd.f32 v8, v27  }
0x290: {  	v40 =	vld [tilespmem:s18+$0xFFFFFF50];
	v9 =	vadd.f32 v15, v9  }
0x291: {  	v6 =	vmul.f32 v6, v53;
	v41 =	vld [tilespmem:s18+$0xFFFFFF20];
	v15 =	vadd.f32 v50, v51;
	v8 =	vadd.f32 v8, v19  }
0x292: {  	v12 =	vmul.f32 v17, v12;
	v17 =	vmul.f32 v32, v5;
	v57 =	vld [tilespmem:s24+$0xFFFFFFD0]  }
0x293: {  	v59 =	vld [tilespmem:s24+$0xFFFFFF20];
	v7 =	vadd.f32 v13, v9;
	v8 =	vadd.f32 v16, v8;
	v11 =	vmul.f32 v52, v15  }
0x294: {  	v5 =	vmul.f32 v38, v5;
	v60 =	vld [tilespmem:s18+$0xFFFFFF70];
	v15 =	vadd.f32 v43, v44;
	v16 =	vadd.f32 v46, v47  }
0x295: {  	v45 =	vmul.f32 v35, v36;
	v50 =	vld [tilespmem:s31+$0xFFFFFFE0];
	v7 =	vadd.f32 v7, v12;
	v8 =	vadd.f32 v8, v11  }
0x296: {  	v48 =	vmul.f32 v32, v55;
	v9 =	vld [tilespmem:s31+$0xFFFFFFD0];
	v15 =	vmul.f32 v30, v15  }
0x297: {  	v13 =	vld [tilespmem:s18+$0xFFFFFF90];
	v6 =	vadd.f32 v6, v7;
	v8 =	vadd.f32 v10, v8;
	v10 =	vmul.f32 v56, v16  }
0x298: {  	v21 =	vmul.f32 v40, v61;
	v43 =	vmul.f32 v31, v33;
	v11 =	vld [tilespmem:s24+$0xFFFFFF40]  }
0x299: {  	v51 =	vmul.f32 v35, v33;
	v7 =	vld [tilespmem:s24+$0xFFFFFFC0];
	v6 =	vadd.f32 v6, v15;
	v8 =	vadd.f32 v8, v10  }
0x29a: {  	v44 =	vld [tilespmem:s18+$0xFFFFFF60];
	v46 =	vmul.f32 v38, v55;
	v52 =	vmul.f32 v31, v36;
	v49 =	vsub.f32 v43, v45  }
0x29b: {  	v5 =	vadd.f32 v48, v5;
	v47 =	vld [tilespmem:s24+$0xFFFFFF90];
	v19 =	vperm.xlane v6, v0;
	v42 =	vperm.xlane v8, v0  }
0x29c: {  	v12 =	vld [tilespmem:s18+$0xFFFFFFD0];
	v17 =	vsub.f32 v46, v17;
	v29 =	vadd.f32 v51, v52;
	v14 =	vmul.f32 v49, v14  }
0x29d: {  	v55 =	vmul.f32 v40, v63;
	v15 =	vld [tilespmem:s31+$0xFFFFFF20];
	v6 =	vadd.f32 v19, v6;
	v8 =	vadd.f32 v8, v42  }
0x29e: {  	v16 =	vld [tilespmem:s24+$0xFFFFFF10];
	v14 =	vadd.f32 $0.0e+00, v14;
	v5 =	vmul.f32 v11, v5;
	v7 =	vmul.f32 v7, v29  }
0x29f: {  	v10 =	vld [tilespmem:s31+$0xFFFFFF60];
	v53 =	vsel vm3, v6, v8;
	v8 =	vmul.f32 v17, v58;
	v17 =	vmul.f32 v20, v61  }
0x2a0: {  	v19 =	vld [tilespmem:s31+$0xFFFFFFA0];
	v58 =	vmul.f32 v13, v18;
	v13 =	vmul.f32 v13, v9  }
0x2a1: {  	v7 =	vadd.f32 v14, v7;
	v6 =	vld [tilespmem:s18+$0xFFFFFFA0];
	v9 =	vmul.f32 v12, v9;
	v12 =	vmul.f32 v12, v18  }
0x2a2: {  	v56 =	vld [tilespmem:s24+$0xFFFFFF50];
	v14 =	vmul.f32 v44, v15;
	v8 =	vadd.f32 $0.0e+00, v8;
	v17 =	vsub.f32 v17, v55  }
0x2a3: {  	v11 =	vld [tilespmem:s31+$0xFFFFFF70];
	v20 =	vmul.f32 v20, v63;
	v9 =	vsub.f32 v58, v9;
	v12 =	vadd.f32 v12, v13  }
0x2a4: {  	v18 =	vld [tilespmem:s31+$0xFFFFFF30];
	v13 =	vmul.f32 v17, v16;
	v5 =	vadd.f32 v8, v5;
	v8 =	vmul.f32 v41, v15  }
0x2a5: {  	v61 =	vld [tilespmem:s31+$0xFFFFFFB0];
	v20 =	vadd.f32 v21, v20;
	v17 =	vmul.f32 v41, v10;
	v10 =	vmul.f32 v44, v10  }
0x2a6: {  	v16 =	vld [tilespmem:s18+$0xFFFFFF30];
	v13 =	vadd.f32 v13, v5;
	v5 =	vmul.f32 v9, v47;
	v9 =	vmul.f32 v6, v19  }
0x2a7: {  	v15 =	vld [tilespmem:s24+$0xFFFFFFA0];
	v8 =	vsub.f32 v8, v10;
	v6 =	vmul.f32 v6, v50;
	v10 =	vmul.f32 v54, v50  }
0x2a8: {  	v14 =	vadd.f32 v14, v17;
	v17 =	vmul.f32 v54, v19;
	v19 =	vmul.f32 v56, v20;
	v20 =	vld [tilespmem:s18+$0xFFFFFFB0]  }
0x2a9: {  	v62 =	vld [tilespmem:s31+$0xFFFFFFF0];
	v12 =	vmul.f32 v57, v12;
	v7 =	vadd.f32 v5, v7  }
0x2aa: {  	v63 =	vld [tilespmem:s18+$0xFFFFFFF0];
	v9 =	vsub.f32 v9, v10;
	v5 =	vadd.f32 v17, v6;
	v8 =	vmul.f32 v8, v59  }
0x2ab: {  	v6 =	vadd.f32 v13, v19;
	v19 =	vld [tilespmem:s24+$0xFFFFFF60];
	v17 =	vmul.f32 v60, v11;
	v11 =	vmul.f32 v16, v11  }
0x2ac: {  	v13 =	vadd.f32 v7, v12;
	v7 =	vmul.f32 v16, v18;
	v12 =	vld [tilespmem:s24+$0xFFFFFFE0];
	v16 =	vmul.f32 v60, v18  }
0x2ad: {  	v10 =	vld [tilespmem:s24+$0xFFFFFF30];
	v6 =	vadd.f32 v8, v6;
	v18 =	vmul.f32 v9, v15;
	v15 =	vmul.f32 v20, v61  }
0x2ae: {  	v9 =	vld [tilespmem:s24+$0xFFFFFFB0];
	v8 =	vsub.f32 v7, v17;
	v7 =	vadd.f32 v16, v11;
	v16 =	vmul.f32 v20, v62  }
0x2af: {  	s25 =	simm.s32 $0x18610;
	v11 =	vld [tilespmem:s24+$0xFFFFFF70];
	v17 =	vmul.f32 v63, v62;
	v13 =	vadd.f32 v18, v13;
	v18 =	vmul.f32 v63, v61  }
0x2b0: {  	s29 =	simm.s32 $0x0;
	s30 =	simm.s32 $0x900;
	[tilespmem:s25+$0x0] =	vst v53;
	v19 =	vmul.f32 v19, v14;
	v14 =	vld [tilespmem:s24+$0xFFFFFFF0]  }
.LBB2_10:
0x2b1: {  	v20 =	vld [tilespmem:s30+$0x30];
	v5 =	vmul.f32 v12, v5;
	v12 =	vsub.f32 v15, v17;
	v15 =	vadd.f32 v18, v16  }
0x2b2: {  	s18 =	sadd.s32 $0x200, s18;
	v16 =	vld [tilespmem:s30+$0x70];
	v6 =	vadd.f32 v6, v19;
	v8 =	vmul.f32 v8, v10  }
0x2b3: {  	v10 =	vld [tilespmem:s18+$0x30];
	v5 =	vadd.f32 v13, v5;
	v9 =	vmul.f32 v12, v9  }
0x2b4: {  	v12 =	vld [tilespmem:s18+$0x70];
	v6 =	vadd.f32 v8, v6;
	v7 =	vmul.f32 v11, v7  }
0x2b5: {  	v8 =	vld [tilespmem:s30+$0xB0];
	v5 =	vadd.f32 v9, v5;
	v9 =	vmul.f32 v14, v15  }
0x2b6: {  	v11 =	vld [tilespmem:s30+$0xF0];
	v6 =	vadd.f32 v6, v7  }
0x2b7: {  	v7 =	vld [tilespmem:s18+$0xB0];
	v5 =	vadd.f32 v5, v9  }
0x2b8: {  	v9 =	vld [tilespmem:s18+$0xF0];
	v13 =	vperm.xlane v6, v0  }
0x2b9: {  	v14 =	vld [tilespmem:s30+$0x20];
	v15 =	vperm.xlane v5, v0  }
0x2ba: {  	v17 =	vld [tilespmem:s30+$0x60];
	v6 =	vadd.f32 v13, v6  }
0x2bb: {  	v13 =	vld [tilespmem:s18+$0x20];
	v5 =	vadd.f32 v5, v15  }
0x2bc: {  	v15 =	vld [tilespmem:s18+$0x60]  }
0x2bd: {  	v18 =	vld [tilespmem:s30+$0xA0];
	v5 =	vsel vm3, v6, v5  }
0x2be: {  	v6 =	vld [tilespmem:s30+$0xE0];
	[tilespmem:s25+$0xFFFFFFF0] =	vst v5  }
0x2bf: {  	v5 =	vld [tilespmem:s18+$0xA0]  }
0x2c0: {  	v19 =	vld [tilespmem:s18+$0xE0]  }
0x2c1: {  	v21 =	vld [tilespmem:s30+$0x10]  }
0x2c2: {  	v22 =	vld [tilespmem:s30+$0x50]  }
0x2c3: {  	v23 =	vld [tilespmem:s18+$0x10]  }
0x2c4: {  	v24 =	vld [tilespmem:s18+$0x50]  }
0x2c5: {  	v25 =	vld [tilespmem:s30+$0x90]  }
0x2c6: {  	v26 =	vld [tilespmem:s30+$0xD0]  }
0x2c7: {  	v27 =	vld [tilespmem:s18+$0x90]  }
0x2c8: {  	v28 =	vmul.f32 v12, v20;
	v29 =	vld [tilespmem:s18+$0xD0]  }
0x2c9: {  	v31 =	vmul.f32 v10, v16;
	v32 =	vmul.f32 v9, v8;
	v30 =	vld [tilespmem:s30+$0x0]  }
0x2ca: {  	v10 =	vmul.f32 v10, v20;
	v20 =	vmul.f32 v7, v11;
	v33 =	vld [tilespmem:s30+$0x40]  }
0x2cb: {  	v12 =	vmul.f32 v12, v16;
	v7 =	vmul.f32 v7, v8;
	v34 =	vld [tilespmem:s18+$0x0]  }
0x2cc: {  	v9 =	vmul.f32 v9, v11;
	v16 =	vmul.f32 v15, v14;
	v8 =	vld [tilespmem:s18+$0x40]  }
0x2cd: {  	v11 =	vmul.f32 v13, v17;
	v36 =	vmul.f32 v19, v18;
	v35 =	vld [tilespmem:s30+$0x80]  }
0x2ce: {  	v13 =	vmul.f32 v13, v14;
	v37 =	vmul.f32 v5, v6;
	v14 =	vld [tilespmem:s30+$0xC0]  }
0x2cf: {  	v15 =	vmul.f32 v15, v17;
	v5 =	vmul.f32 v5, v18;
	v17 =	vld [tilespmem:s18+$0x80]  }
0x2d0: {  	s29 =	sadd.s32 $0x2, s29;
	v6 =	vmul.f32 v19, v6;
	v18 =	vmul.f32 v24, v21;
	v38 =	vld [tilespmem:s18+$0xC0]  }
0x2d1: {  	p0 =	slt.u32 s29, $0x3E;
	v39 =	vmul.f32 v23, v22;
	v40 =	vmul.f32 v29, v25;
	v19 =	vld [tilespmem:s30+$0xFFFFFF40]  }
0x2d2: {  	s24 =	sadd.s32 $0x200, s24;
	v21 =	vmul.f32 v23, v21;
	v23 =	vmul.f32 v27, v26;
	v41 =	vld [tilespmem:s18+$0xFFFFFF00]  }
0x2d3: {  	v22 =	vmul.f32 v24, v22;
	v43 =	vmul.f32 v8, v30;
	v42 =	vld [tilespmem:s24+$0x0]  }
0x2d4: {  	v24 =	vmul.f32 v34, v30;
	v8 =	vmul.f32 v8, v33;
	v30 =	vld [tilespmem:s24+$0x80]  }
0x2d5: {  	v45 =	vmul.f32 v17, v35;
	v44 =	vld [tilespmem:s24+$0x40];
	v46 =	vmul.f32 v38, v14  }
0x2d6: {  	v33 =	vmul.f32 v34, v33;
	v35 =	vmul.f32 v38, v35;
	v34 =	vld [tilespmem:s24+$0xC0]  }
0x2d7: {  	v8 =	vsub.f32 v24, v8;
	v14 =	vmul.f32 v17, v14;
	v24 =	vld [tilespmem:s24+$0x10];
	v38 =	vsub.f32 v45, v46  }
0x2d8: {  	v25 =	vmul.f32 v27, v25;
	v26 =	vmul.f32 v29, v26;
	v17 =	vadd.f32 v43, v33;
	v33 =	vld [tilespmem:s24+$0x90]  }
0x2d9: {  	v14 =	vadd.f32 v35, v14;
	v8 =	vmul.f32 v8, v42;
	v27 =	vld [tilespmem:s24+$0x50];
	v29 =	vmul.f32 v38, v30  }
0x2da: {  	v21 =	vsub.f32 v21, v22;
	v25 =	vsub.f32 v25, v26;
	v17 =	vmul.f32 v44, v17;
	v22 =	vld [tilespmem:s24+$0xD0]  }
0x2db: {  	v8 =	vadd.f32 $0.0e+00, v8;
	v26 =	vld [tilespmem:s24+$0x20];
	v29 =	vadd.f32 $0.0e+00, v29;
	v14 =	vmul.f32 v34, v14  }
0x2dc: {  	v18 =	vadd.f32 v18, v39;
	v23 =	vadd.f32 v40, v23;
	v21 =	vmul.f32 v21, v24;
	v24 =	vld [tilespmem:s24+$0xA0]  }
0x2dd: {  	v8 =	vadd.f32 v8, v17;
	v17 =	vld [tilespmem:s24+$0x60];
	v14 =	vadd.f32 v29, v14;
	v25 =	vmul.f32 v25, v33  }
0x2de: {  	v13 =	vsub.f32 v13, v15;
	v5 =	vsub.f32 v5, v6;
	v18 =	vmul.f32 v27, v18;
	v15 =	vld [tilespmem:s24+$0xE0]  }
0x2df: {  	v6 =	vadd.f32 v21, v8;
	v8 =	vld [tilespmem:s24+$0x30];
	v14 =	vadd.f32 v25, v14;
	v21 =	vmul.f32 v22, v23  }
0x2e0: {  	v11 =	vadd.f32 v16, v11;
	v16 =	vadd.f32 v36, v37;
	v13 =	vmul.f32 v13, v26;
	v22 =	vld [tilespmem:s24+$0xB0]  }
0x2e1: {  	v6 =	vadd.f32 v6, v18;
	v18 =	vld [tilespmem:s24+$0x70];
	v14 =	vadd.f32 v14, v21;
	v5 =	vmul.f32 v5, v24  }
0x2e2: {  	v10 =	vsub.f32 v10, v12;
	v7 =	vsub.f32 v7, v9;
	v11 =	vmul.f32 v17, v11;
	v12 =	vld [tilespmem:s24+$0xF0]  }
0x2e3: {  	v6 =	vadd.f32 v13, v6;
	v9 =	vld [tilespmem:s18+$0xFFFFFF40];
	v5 =	vadd.f32 v5, v14;
	v13 =	vmul.f32 v15, v16  }
0x2e4: {  	v15 =	vadd.f32 v28, v31;
	v14 =	vld [tilespmem:s30+$0xFFFFFF80];
	v8 =	vmul.f32 v10, v8;
	v10 =	vadd.f32 v32, v20  }
0x2e5: {  	v6 =	vadd.f32 v6, v11;
	v16 =	vld [tilespmem:s30+$0xFFFFFFC0];
	v5 =	vadd.f32 v5, v13;
	v7 =	vmul.f32 v7, v22  }
0x2e6: {  	v11 =	vmul.f32 v41, v19;
	v13 =	vld [tilespmem:s18+$0xFFFFFF80];
	v15 =	vmul.f32 v18, v15  }
0x2e7: {  	v6 =	vadd.f32 v8, v6;
	v17 =	vld [tilespmem:s18+$0xFFFFFFC0];
	v5 =	vadd.f32 v7, v5;
	v7 =	vmul.f32 v12, v10  }
0x2e8: {  	v8 =	vld [tilespmem:s30+$0xFFFFFF00];
	v10 =	vmul.f32 v9, v19  }
0x2e9: {  	v6 =	vadd.f32 v6, v15;
	v12 =	vld [tilespmem:s24+$0xFFFFFF00];
	v5 =	vadd.f32 v5, v7  }
0x2ea: {  	v7 =	vld [tilespmem:s30+$0xFFFFFF10]  }
0x2eb: {  	v18 =	vperm.xlane v6, v0;
	v15 =	vld [tilespmem:s30+$0xFFFFFF50];
	v19 =	vperm.xlane v5, v0  }
0x2ec: {  	v21 =	vmul.f32 v13, v14;
	v20 =	vld [tilespmem:s18+$0xFFFFFF10];
	v22 =	vmul.f32 v17, v16  }
0x2ed: {  	v6 =	vadd.f32 v18, v6;
	v23 =	vmul.f32 v41, v8;
	v24 =	vld [tilespmem:s18+$0xFFFFFF50];
	v5 =	vadd.f32 v5, v19  }
0x2ee: {  	v14 =	vmul.f32 v17, v14;
	v8 =	vmul.f32 v9, v8;
	v9 =	vld [tilespmem:s24+$0xFFFFFF80];
	v18 =	vsub.f32 v21, v22  }
0x2ef: {  	s25 =	sadd.s32 $0x20, s25;
	v13 =	vmul.f32 v13, v16;
	v10 =	vsub.f32 v23, v10;
	v16 =	vld [tilespmem:s30+$0xFFFFFF90];
	v5 =	vsel vm3, v6, v5  }
0x2f0: {  	s31 =	simm.s32 $0x0;
	s5 =	simm.s32 $0x18640;
	v6 =	vadd.f32 v8, v11;
	v8 =	vld [tilespmem:s30+$0xFFFFFFD0];
	[tilespmem:s25+$0x0] =	vst v5  }
0x2f1: {  	v11 =	vadd.f32 v14, v13;
	v5 =	vmul.f32 v10, v12;
	v10 =	vmul.f32 v20, v7;
	v12 =	vld [tilespmem:s18+$0xFFFFFF90]  }
0x2f2: {  	v13 =	vmul.f32 v24, v15;
	v7 =	vmul.f32 v24, v7;
	v14 =	vld [tilespmem:s18+$0xFFFFFFD0]  }
0x2f3: {  	v15 =	vmul.f32 v20, v15;
	v17 =	vld [tilespmem:s24+$0xFFFFFF40];
	v5 =	vadd.f32 $0.0e+00, v5;
	v9 =	vmul.f32 v18, v9  }
0x2f4: {  	v10 =	vsub.f32 v10, v13;
	v13 =	vld [tilespmem:s24+$0xFFFFFFC0]  }
0x2f5: {  	v7 =	vadd.f32 v7, v15;
	v18 =	vld [tilespmem:s24+$0xFFFFFF10];
	v9 =	vadd.f32 $0.0e+00, v9  }
0x2f6: {  	v15 =	vld [tilespmem:s30+$0xFFFFFF20];
	v19 =	vmul.f32 v12, v16;
	v12 =	vmul.f32 v12, v8  }
0x2f7: {  	v20 =	vld [tilespmem:s30+$0xFFFFFF60];
	v8 =	vmul.f32 v14, v8;
	v14 =	vmul.f32 v14, v16  }
0x2f8: {  	v6 =	vmul.f32 v17, v6;
	v16 =	vld [tilespmem:s18+$0xFFFFFF20]  }
0x2f9: {  	v17 =	vld [tilespmem:s18+$0xFFFFFF60];
	v11 =	vmul.f32 v13, v11;
	v8 =	vsub.f32 v19, v8;
	v12 =	vadd.f32 v14, v12  }
0x2fa: {  	v5 =	vadd.f32 v5, v6;
	v6 =	vmul.f32 v10, v18;
	v10 =	vld [tilespmem:s24+$0xFFFFFF90]  }
0x2fb: {  	v9 =	vadd.f32 v9, v11;
	v11 =	vld [tilespmem:s30+$0xFFFFFFA0]  }
0x2fc: {  	v6 =	vadd.f32 v6, v5;
	v5 =	vld [tilespmem:s30+$0xFFFFFFE0]  }
0x2fd: {  	v13 =	vmul.f32 v16, v15;
	v14 =	vmul.f32 v16, v20;
	v16 =	vld [tilespmem:s18+$0xFFFFFFA0]  }
0x2fe: {  	v18 =	vmul.f32 v17, v20;
	v15 =	vmul.f32 v17, v15;
	v17 =	vld [tilespmem:s18+$0xFFFFFFE0]  }
0x2ff: {  	v19 =	vld [tilespmem:s24+$0xFFFFFF50];
	v8 =	vmul.f32 v8, v10  }
0x300: {  	v10 =	vsub.f32 v13, v18;
	v14 =	vadd.f32 v15, v14;
	v13 =	vld [tilespmem:s24+$0xFFFFFFD0]  }
0x301: {  	v15 =	vld [tilespmem:s24+$0xFFFFFF20];
	v8 =	vadd.f32 v8, v9  }
0x302: {  	v9 =	vld [tilespmem:s30+$0xFFFFFF30];
	v18 =	vmul.f32 v16, v11;
	v16 =	vmul.f32 v16, v5  }
0x303: {  	v20 =	vld [tilespmem:s30+$0xFFFFFF70];
	v5 =	vmul.f32 v17, v5;
	v11 =	vmul.f32 v17, v11  }
0x304: {  	v7 =	vmul.f32 v19, v7;
	v17 =	vld [tilespmem:s18+$0xFFFFFF30]  }
0x305: {  	v19 =	vld [tilespmem:s18+$0xFFFFFF70];
	v12 =	vmul.f32 v13, v12;
	v13 =	vsub.f32 v18, v5;
	v5 =	vadd.f32 v11, v16  }
0x306: {  	v6 =	vadd.f32 v6, v7;
	v7 =	vmul.f32 v10, v15;
	v10 =	vld [tilespmem:s24+$0xFFFFFFA0]  }
0x307: {  	v11 =	vadd.f32 v8, v12;
	v18 =	vld [tilespmem:s30+$0xFFFFFFB0]  }
0x308: {  	v6 =	vadd.f32 v7, v6;
	v21 =	vld [tilespmem:s30+$0xFFFFFFF0]  }
0x309: {  	v7 =	vmul.f32 v17, v9;
	v12 =	vmul.f32 v17, v20;
	v16 =	vld [tilespmem:s18+$0xFFFFFFB0]  }
0x30a: {  	v8 =	vmul.f32 v19, v20;
	v9 =	vmul.f32 v19, v9;
	v19 =	vld [tilespmem:s18+$0xFFFFFFF0]  }
0x30b: {  	v20 =	vld [tilespmem:s24+$0xFFFFFF60];
	v13 =	vmul.f32 v13, v10  }
.Ltmp4:
0x30c: {  	v8 =	vsub.f32 v7, v8;
	v7 =	vadd.f32 v9, v12;
	v12 =	vld [tilespmem:s24+$0xFFFFFFE0];
	(pc) =	sbr.rel @p0 .LBB2_10-.Ltmp4, $4  }
0x30d: {  	v10 =	vld [tilespmem:s24+$0xFFFFFF30];
	v13 =	vadd.f32 v13, v11  }
0x30e: {  	v9 =	vld [tilespmem:s24+$0xFFFFFFB0];
	v15 =	vmul.f32 v16, v18;
	v16 =	vmul.f32 v16, v21  }
0x30f: {  	v11 =	vld [tilespmem:s24+$0xFFFFFF70];
	v17 =	vmul.f32 v19, v21;
	v18 =	vmul.f32 v19, v18  }
0x310: {  	s30 =	sadd.s32 $0x200, s30;
	v19 =	vmul.f32 v20, v14;
	v14 =	vld [tilespmem:s24+$0xFFFFFFF0]  }
0x311: {  	v5 =	vmul.f32 v12, v5;
	v12 =	vsub.f32 v15, v17  }
0x312: {  	v6 =	vadd.f32 v6, v19;
	v8 =	vmul.f32 v8, v10  }
0x313: {  	v10 =	vadd.f32 v18, v16;
	v5 =	vadd.f32 v13, v5;
	v9 =	vmul.f32 v12, v9  }
0x314: {  	v6 =	vadd.f32 v8, v6  }
0x315: {  	v7 =	vmul.f32 v11, v7;
	v5 =	vadd.f32 v9, v5;
	v8 =	vmul.f32 v14, v10;
	_ =	sdelay $0x1  }
0x316: {  	v6 =	vadd.f32 v6, v7;
	v5 =	vadd.f32 v5, v8;
	_ =	sdelay $0x1  }
0x317: {  	v7 =	vperm.xlane v6, v0;
	v8 =	vperm.xlane v5, v0;
	_ =	sdelay $0x1  }
0x318: {  	v6 =	vadd.f32 v7, v6;
	v5 =	vadd.f32 v5, v8;
	_ =	sdelay $0x1  }
0x319: {  	v5 =	vsel vm3, v6, v5  }
0x31a: {  	[tilespmem:s25+$0xFFFFFFF0] =	vst v5  }
0x31b: {  	v11 =	vld [tilespmem:s5+$0xFFFFFFC0]  }
0x31c: {  	v12 =	vld [tilespmem:s5+$0xFFFFFFD0]  }
0x31d: {  	v10 =	vld [tilespmem:s5+$0xFFFFFFE0]  }
0x31e: {  	v9 =	vld [tilespmem:s5+$0xFFFFFFF0]  }
0x31f: {  	v6 =	vld [tilespmem:s5+$0x0]  }
0x320: {  	v8 =	vld [tilespmem:s5+$0x10]  }
0x321: {  	v5 =	vld [tilespmem:s5+$0x20]  }
0x322: {  	s18 =	simm.s32 $0x40;
	v7 =	vld [tilespmem:s5+$0x30]  }
.LBB2_12:
0x323: {  	p0 =	sne.s32 s18, $0x1C0;
	v13 =	vperm.xlane v11, v1;
	v14 =	vperm.xlane v12, v1  }
0x324: {  	v15 =	vperm.xlane v10, v1  }
0x325: {  	v11 =	vadd.f32 v13, v11;
	v12 =	vadd.f32 v14, v12;
	v13 =	vperm.xlane v9, v1  }
0x326: {  	v10 =	vadd.f32 v15, v10;
	v14 =	vperm.xlane v6, v1;
	v15 =	vperm.xlane v8, v1  }
0x327: {  	v9 =	vadd.f32 v13, v9;
	v13 =	vperm.xlane v5, v1;
	v16 =	vperm.xlane v7, v1  }
0x328: {  	v6 =	vadd.f32 v14, v6;
	v8 =	vadd.f32 v15, v8  }
0x329: {  	v11 =	vsel vm0, v11, v12;
	v5 =	vadd.f32 v13, v5;
	v7 =	vadd.f32 v16, v7  }
0x32a: {  	v9 =	vsel vm0, v10, v9;
	v10 =	vperm.xlane v11, v2  }
0x32b: {  	v6 =	vsel vm0, v6, v8;
	v12 =	vperm.xlane v9, v2;
	v5 =	vsel vm0, v5, v7  }
0x32c: {  	v7 =	vperm.xlane v6, v2;
	v8 =	vperm.xlane v5, v2  }
0x32d: {  	v10 =	vadd.f32 v10, v11;
	v9 =	vadd.f32 v12, v9  }
0x32e: {  	v6 =	vadd.f32 v7, v6;
	v5 =	vadd.f32 v8, v5;
	_ =	sdelay $0x1  }
0x32f: {  	v7 =	vsel vm1, v10, v9;
	v5 =	vsel vm1, v6, v5  }
0x330: {  	v6 =	vperm.xlane v7, v3;
	v8 =	vperm.xlane v5, v3;
	_ =	sdelay $0x1  }
0x331: {  	v6 =	vadd.f32 v6, v7;
	v5 =	vadd.f32 v8, v5;
	_ =	sdelay $0x1  }
0x332: {  	v5 =	vsel vm2, v6, v5  }
0x333: {  	v5 =	vperm.xlane v5, v4  }
0x334: {  	s24 =	sshra.s32 s31, $0x2;
	s31 =	smov.u32 s18  }
0x335: {  	s5 =	sadd.s32 $0x80, s5;
	[tilespmem:s24+$0x18A80] =	vst v5  }
0x336: {  	v11 =	vld [tilespmem:s5+$0xFFFFFFC0]  }
0x337: {  	v12 =	vld [tilespmem:s5+$0xFFFFFFD0]  }
0x338: {  	v10 =	vld [tilespmem:s5+$0xFFFFFFE0]  }
.Ltmp5:
0x339: {  	v9 =	vld [tilespmem:s5+$0xFFFFFFF0];
	(pc) =	sbr.rel @p0 .LBB2_12-.Ltmp5, $4  }
0x33a: {  	v6 =	vld [tilespmem:s5+$0x0]  }
0x33b: {  	v8 =	vld [tilespmem:s5+$0x10]  }
0x33c: {  	v5 =	vld [tilespmem:s5+$0x20]  }
0x33d: {  	s18 =	sadd.s32 $0x40, s18;
	v7 =	vld [tilespmem:s5+$0x30]  }
0x33e: {  	v13 =	vperm.xlane v11, v1;
	v14 =	vperm.xlane v12, v1  }
0x33f: {  	v15 =	vperm.xlane v10, v1  }
0x340: {  	v11 =	vadd.f32 v13, v11;
	v12 =	vadd.f32 v14, v12;
	v13 =	vperm.xlane v9, v1  }
0x341: {  	v10 =	vadd.f32 v15, v10;
	v14 =	vperm.xlane v6, v1;
	v15 =	vperm.xlane v8, v1  }
0x342: {  	v9 =	vadd.f32 v13, v9;
	v13 =	vperm.xlane v5, v1;
	v16 =	vperm.xlane v7, v1  }
0x343: {  	v6 =	vadd.f32 v14, v6;
	v8 =	vadd.f32 v15, v8  }
0x344: {  	v11 =	vsel vm0, v11, v12;
	v5 =	vadd.f32 v13, v5;
	v7 =	vadd.f32 v16, v7  }
0x345: {  	v9 =	vsel vm0, v10, v9;
	v10 =	vperm.xlane v11, v2  }
0x346: {  	v6 =	vsel vm0, v6, v8;
	v12 =	vperm.xlane v9, v2;
	v5 =	vsel vm0, v5, v7  }
0x347: {  	v7 =	vperm.xlane v6, v2;
	v8 =	vperm.xlane v5, v2  }
0x348: {  	v10 =	vadd.f32 v10, v11;
	v9 =	vadd.f32 v12, v9  }
0x349: {  	v6 =	vadd.f32 v7, v6;
	v5 =	vadd.f32 v8, v5;
	_ =	sdelay $0x1  }
0x34a: {  	v7 =	vsel vm1, v10, v9;
	v5 =	vsel vm1, v6, v5  }
0x34b: {  	v6 =	vperm.xlane v7, v3;
	v8 =	vperm.xlane v5, v3;
	_ =	sdelay $0x1  }
0x34c: {  	v6 =	vadd.f32 v6, v7;
	v5 =	vadd.f32 v8, v5;
	_ =	sdelay $0x1  }
0x34d: {  	v5 =	vsel vm2, v6, v5  }
0x34e: {  	v5 =	vperm.xlane v5, v4  }
0x34f: {  	s5 =	sshra.s32 s31, $0x2  }
0x350: {  	s18 =	simm.s32 $0x0;
	s31 =	simm.s32 $0x18A80;
	[tilespmem:s5+$0x18A80] =	vst v5  }
0x351: {  	[hbm4b:s13+s18] =	stream.linear.scatter [tilespmem:s31], [sflag:$0x3], $0x80, $0x38;
	[tilespmem:$0x18C00] =	vst v63  }
0x352: {  	s24 =	simm.s32 $0x180  }
0x353: {  	[tilespmem:s21], [sflag:$0x1] =	stream.indirect.gather [hbm4b:s0+s3], $0x80, s24, s3, $0xb8;
	[tilespmem:$0x18C00] =	vst v63  }
0x354: {  	s25 =	simm.s32 $0x380  }
0x355: {  	[tilespmem:s22], [sflag:$0x1] =	stream.indirect.gather [hbm4b:s1+s3], $0x80, s25, s3, $0xb8;
	[tilespmem:$0x18C00] =	vst v63  }
0x356: {  	s31 =	simm.s32 $0x580  }
0x357: {  	[tilespmem:s23], [sflag:$0x1] =	stream.indirect.gather [hbm4b:s0+s3], $0x80, s31, s3, $0xb8;
	[tilespmem:$0x18C00] =	vst v63  }
0x358: {  	_ =	swait.ge [sflag:s26], $0x4000  }
0x359: {  	[sflag:s26] =	ssyncset.done $0x0  }
0x35a: {  	[sflag:s26] =	ssyncadd.s32 $0xFFFFC000  }
0x35b: {  	_ =	swait.ge [sflag:s26], $0x4000  }
0x35c: {  	[sflag:s26] =	ssyncset.done $0x0  }
0x35d: {  	[sflag:s26] =	ssyncadd.s32 $0xFFFFC000  }
0x35e: {  	_ =	swait.ge [sflag:s26], $0x4000  }
0x35f: {  	[sflag:s26] =	ssyncset.done $0x0  }
0x360: {  	s24 =	simm.s32 $0x0;
	[sflag:s26] =	ssyncadd.s32 $0xFFFFC000  }
0x361: {  	v5 =	vld [tilespmem:s24+$0x4730]  }
0x362: {  	v6 =	vld [tilespmem:s24+$0x4770]  }
0x363: {  	v7 =	vld [tilespmem:s24+$0xC730]  }
0x364: {  	v8 =	vld [tilespmem:s24+$0xC770]  }
0x365: {  	v9 =	vld [tilespmem:s24+$0x47B0]  }
0x366: {  	v10 =	vld [tilespmem:s24+$0x47F0]  }
0x367: {  	v11 =	vld [tilespmem:s24+$0xC7B0]  }
0x368: {  	v12 =	vld [tilespmem:s24+$0xC7F0]  }
0x369: {  	v13 =	vld [tilespmem:s24+$0x4720]  }
0x36a: {  	v14 =	vld [tilespmem:s24+$0x4760]  }
0x36b: {  	v15 =	vld [tilespmem:s24+$0xC720]  }
0x36c: {  	v16 =	vld [tilespmem:s24+$0xC760]  }
0x36d: {  	v17 =	vld [tilespmem:s24+$0x47A0]  }
0x36e: {  	v18 =	vld [tilespmem:s24+$0x47E0]  }
0x36f: {  	v19 =	vld [tilespmem:s24+$0xC7A0]  }
0x370: {  	v20 =	vld [tilespmem:s24+$0xC7E0]  }
0x371: {  	v21 =	vld [tilespmem:s24+$0x4710]  }
0x372: {  	v22 =	vld [tilespmem:s24+$0x4750]  }
0x373: {  	v23 =	vld [tilespmem:s24+$0xC710]  }
0x374: {  	v24 =	vld [tilespmem:s24+$0xC750]  }
0x375: {  	v25 =	vld [tilespmem:s24+$0x4790]  }
0x376: {  	v26 =	vld [tilespmem:s24+$0x47D0]  }
0x377: {  	v27 =	vld [tilespmem:s24+$0xC790]  }
0x378: {  	v28 =	vld [tilespmem:s24+$0xC7D0]  }
0x379: {  	v29 =	vld [tilespmem:s24+$0x4700]  }
0x37a: {  	v30 =	vld [tilespmem:s24+$0x4740]  }
0x37b: {  	v31 =	vld [tilespmem:s24+$0xC700]  }
0x37c: {  	v32 =	vld [tilespmem:s24+$0xC740]  }
0x37d: {  	v33 =	vld [tilespmem:s24+$0x4780]  }
0x37e: {  	v34 =	vld [tilespmem:s24+$0x47C0]  }
0x37f: {  	v35 =	vld [tilespmem:s24+$0xC780]  }
0x380: {  	v36 =	vld [tilespmem:s24+$0xC7C0]  }
0x381: {  	v37 =	vld [tilespmem:s24+$0x4600]  }
0x382: {  	v38 =	vld [tilespmem:s24+$0x4640]  }
0x383: {  	v39 =	vld [tilespmem:s24+$0x14700]  }
0x384: {  	v40 =	vld [tilespmem:s24+$0x14780]  }
0x385: {  	v41 =	vld [tilespmem:s24+$0x14740]  }
0x386: {  	v42 =	vld [tilespmem:s24+$0x147C0]  }
0x387: {  	v43 =	vld [tilespmem:s24+$0x14710];
	v44 =	vmul.f32 v8, v5;
	v45 =	vmul.f32 v7, v6  }
0x388: {  	v46 =	vld [tilespmem:s24+$0x14790];
	v47 =	vmul.f32 v12, v9;
	v5 =	vmul.f32 v7, v5  }
0x389: {  	v49 =	vld [tilespmem:s24+$0x14720];
	v48 =	vmul.f32 v11, v10;
	v6 =	vmul.f32 v8, v6  }
0x38a: {  	v50 =	vld [tilespmem:s24+$0x147A0];
	v9 =	vmul.f32 v11, v9;
	v11 =	vmul.f32 v16, v13  }
0x38b: {  	v53 =	vld [tilespmem:s24+$0x14730];
	v10 =	vmul.f32 v12, v10;
	v12 =	vmul.f32 v15, v14  }
0x38c: {  	v54 =	vld [tilespmem:s24+$0x147B0];
	v51 =	vmul.f32 v20, v17;
	v13 =	vmul.f32 v15, v13  }
0x38d: {  	v55 =	vld [tilespmem:s24+$0x14770];
	v52 =	vmul.f32 v19, v18;
	v14 =	vmul.f32 v16, v14  }
0x38e: {  	v57 =	vld [tilespmem:s24+$0xC600];
	v17 =	vmul.f32 v19, v17;
	v19 =	vmul.f32 v24, v21  }
0x38f: {  	v60 =	vld [tilespmem:s24+$0x4610];
	v18 =	vmul.f32 v20, v18;
	v20 =	vmul.f32 v23, v22  }
0x390: {  	v7 =	vld [tilespmem:s24+$0x14750];
	v21 =	vmul.f32 v23, v21;
	v61 =	vmul.f32 v32, v29  }
0x391: {  	v8 =	vld [tilespmem:s24+$0x147D0];
	v22 =	vmul.f32 v24, v22;
	v62 =	vmul.f32 v31, v29  }
0x392: {  	v15 =	vld [tilespmem:s24+$0x14760];
	v32 =	vmul.f32 v32, v30;
	v56 =	vmul.f32 v35, v33  }
0x393: {  	v16 =	vld [tilespmem:s24+$0x147E0];
	v58 =	vmul.f32 v36, v34;
	v30 =	vmul.f32 v31, v30  }
0x394: {  	v29 =	vld [tilespmem:s24+$0x147F0];
	v63 =	vmul.f32 v28, v25;
	v34 =	vmul.f32 v35, v34  }
0x395: {  	v31 =	vld [tilespmem:s24+$0xC640];
	v25 =	vmul.f32 v27, v25;
	v27 =	vmul.f32 v27, v26  }
0x396: {  	v35 =	vld [tilespmem:s24+$0x46C0];
	v26 =	vmul.f32 v28, v26;
	v24 =	vsub.f32 v62, v32;
	v56 =	vsub.f32 v56, v58  }
0x397: {  	v33 =	vmul.f32 v36, v33;
	v36 =	vld [tilespmem:s24+$0xC610];
	v23 =	vadd.f32 v61, v30;
	v21 =	vsub.f32 v21, v22  }
0x398: {  	v32 =	vld [tilespmem:s24+$0x4680];
	v25 =	vsub.f32 v25, v26;
	v19 =	vadd.f32 v19, v20  }
0x399: {  	v30 =	vld [tilespmem:s24+$0xC680];
	v63 =	vadd.f32 v63, v27;
	v13 =	vsub.f32 v13, v14;
	v24 =	vmul.f32 v24, v39  }
0x39a: {  	v58 =	vld [tilespmem:s24+$0x14600];
	v17 =	vsub.f32 v17, v18;
	v39 =	vadd.f32 v33, v34;
	v40 =	vmul.f32 v56, v40  }
0x39b: {  	v62 =	vld [tilespmem:s24+$0x4650];
	v11 =	vadd.f32 v11, v12;
	v23 =	vmul.f32 v41, v23;
	v56 =	vadd.f32 $0.0e+00, v24  }
0x39c: {  	v9 =	vsub.f32 v9, v10;
	v34 =	vld [tilespmem:s24+$0xC6C0];
	v59 =	vadd.f32 $0.0e+00, v40;
	v28 =	vmul.f32 v42, v39  }
0x39d: {  	v20 =	vmul.f32 v21, v43;
	v12 =	vmul.f32 v13, v49;
	v13 =	vld [tilespmem:s24+$0x4690];
	v61 =	vadd.f32 v56, v23  }
0x39e: {  	v5 =	vsub.f32 v5, v6;
	v25 =	vmul.f32 v25, v46;
	v41 =	vld [tilespmem:s24+$0xC660];
	v26 =	vadd.f32 v59, v28  }
0x39f: {  	v9 =	vmul.f32 v9, v54;
	v54 =	vld [tilespmem:s24+$0xC6E0];
	v7 =	vmul.f32 v7, v19;
	v14 =	vadd.f32 v20, v61  }
0x3a0: {  	v17 =	vmul.f32 v17, v50;
	v19 =	vld [tilespmem:s24+$0xC650];
	v8 =	vmul.f32 v8, v63;
	v18 =	vadd.f32 v25, v26  }
0x3a1: {  	v11 =	vmul.f32 v15, v11;
	v15 =	vadd.f32 v47, v48;
	v47 =	vld [tilespmem:s24+$0x46A0];
	v7 =	vadd.f32 v14, v7  }
0x3a2: {  	v5 =	vmul.f32 v5, v53;
	v48 =	vld [tilespmem:s24+$0x46E0];
	v14 =	vadd.f32 v51, v52;
	v8 =	vadd.f32 v18, v8  }
0x3a3: {  	v39 =	vmul.f32 v31, v37;
	v43 =	vmul.f32 v30, v32;
	v20 =	vld [tilespmem:s24+$0x14680]  }
0x3a4: {  	v18 =	vld [tilespmem:s24+$0x46D0];
	v6 =	vadd.f32 v12, v7;
	v8 =	vadd.f32 v17, v8;
	v10 =	vmul.f32 v16, v14  }
0x3a5: {  	v46 =	vmul.f32 v34, v35;
	v49 =	vmul.f32 v34, v32;
	v52 =	vld [tilespmem:s24+$0xC6A0];
	v14 =	vadd.f32 v44, v45  }
0x3a6: {  	v59 =	vmul.f32 v54, v47;
	v7 =	vld [tilespmem:s24+$0xC690];
	v6 =	vadd.f32 v6, v11;
	v8 =	vadd.f32 v8, v10  }
0x3a7: {  	v12 =	vld [tilespmem:s24+$0xC6D0];
	v16 =	vmul.f32 v57, v37;
	v14 =	vmul.f32 v55, v14  }
0x3a8: {  	v44 =	vld [tilespmem:s24+$0x14690];
	v5 =	vadd.f32 v5, v6;
	v8 =	vadd.f32 v9, v8;
	v9 =	vmul.f32 v29, v15  }
0x3a9: {  	v50 =	vsub.f32 v43, v46;
	v17 =	vmul.f32 v57, v38;
	v38 =	vmul.f32 v31, v38;
	v57 =	vld [tilespmem:s24+$0x146D0]  }
0x3aa: {  	v51 =	vmul.f32 v36, v60;
	v11 =	vld [tilespmem:s24+$0x14640];
	v5 =	vadd.f32 v5, v14;
	v8 =	vadd.f32 v8, v9  }
0x3ab: {  	v45 =	vmul.f32 v30, v35;
	v20 =	vmul.f32 v50, v20;
	v10 =	vld [tilespmem:s24+$0x146C0];
	v16 =	vsub.f32 v16, v38  }
0x3ac: {  	v17 =	vadd.f32 v39, v17;
	v55 =	vld [tilespmem:s24+$0x14650];
	v40 =	vperm.xlane v5, v0;
	v42 =	vperm.xlane v8, v0  }
0x3ad: {  	v23 =	vadd.f32 v49, v45;
	v6 =	vld [tilespmem:s24+$0x14610];
	v16 =	vmul.f32 v16, v58;
	v56 =	vmul.f32 v7, v13  }
0x3ae: {  	v15 =	vld [tilespmem:s24+$0x4620];
	v7 =	vmul.f32 v7, v18;
	v5 =	vadd.f32 v40, v5;
	v8 =	vadd.f32 v8, v42  }
0x3af: {  	v18 =	vmul.f32 v12, v18;
	v12 =	vmul.f32 v12, v13;
	v9 =	vld [tilespmem:s24+$0xC620];
	v16 =	vadd.f32 $0.0e+00, v16  }
0x3b0: {  	v14 =	vld [tilespmem:s24+$0x4660];
	v11 =	vmul.f32 v11, v17;
	v53 =	vsel vm3, v5, v8;
	v8 =	vmul.f32 v19, v62  }
0x3b1: {  	v58 =	vld [tilespmem:s24+$0x46B0];
	v18 =	vsub.f32 v56, v18;
	v5 =	vmul.f32 v36, v62;
	v19 =	vmul.f32 v19, v60  }
0x3b2: {  	v13 =	vld [tilespmem:s24+$0x14620];
	v10 =	vmul.f32 v10, v23;
	v7 =	vadd.f32 v12, v7;
	v8 =	vsub.f32 v51, v8  }
0x3b3: {  	v17 =	vld [tilespmem:s24+$0x4630];
	v12 =	vmul.f32 v18, v44;
	v19 =	vadd.f32 v19, v5;
	v5 =	vadd.f32 $0.0e+00, v20  }
0x3b4: {  	v11 =	vadd.f32 v16, v11;
	v16 =	vld [tilespmem:s24+$0xC630];
	v6 =	vmul.f32 v8, v6;
	v8 =	vmul.f32 v9, v15  }
0x3b5: {  	v20 =	vld [tilespmem:s24+$0x4670];
	v10 =	vadd.f32 v5, v10;
	v5 =	vmul.f32 v9, v14;
	v9 =	vmul.f32 v41, v14  }
0x3b6: {  	v18 =	vmul.f32 v52, v48;
	v14 =	vld [tilespmem:s24+$0xC670];
	v11 =	vadd.f32 v6, v11;
	v6 =	vmul.f32 v41, v15  }
0x3b7: {  	v7 =	vmul.f32 v57, v7;
	v60 =	vld [tilespmem:s24+$0x46F0];
	v8 =	vsub.f32 v8, v9;
	v10 =	vadd.f32 v12, v10  }
0x3b8: {  	v15 =	vld [tilespmem:s24+$0x146A0];
	v9 =	vmul.f32 v52, v47;
	v5 =	vadd.f32 v6, v5;
	v6 =	vmul.f32 v54, v48  }
0x3b9: {  	v12 =	vmul.f32 v55, v19;
	v19 =	vld [tilespmem:s24+$0xC6B0];
	v8 =	vmul.f32 v8, v13;
	v63 =	vadd.f32 v10, v7  }
0x3ba: {  	v10 =	vmul.f32 v16, v20;
	v9 =	vsub.f32 v9, v6;
	v6 =	vadd.f32 v59, v18;
	v18 =	vld [tilespmem:s24+$0xC6F0]  }
0x3bb: {  	v11 =	vadd.f32 v11, v12;
	v12 =	vld [tilespmem:s24+$0x14660];
	v62 =	vmul.f32 v14, v20;
	v14 =	vmul.f32 v14, v17  }
0x3bc: {  	v61 =	vmul.f32 v16, v17;
	v13 =	vld [tilespmem:s24+$0x146E0]  }
0x3bd: {  	v7 =	vadd.f32 v8, v11;
	v11 =	vld [tilespmem:s24+$0x14630];
	v8 =	vadd.f32 v14, v10;
	v15 =	vmul.f32 v9, v15  }
0x3be: {  	s25 =	simm.s32 $0x18610;
	v10 =	vld [tilespmem:s24+$0x146B0];
	v17 =	vmul.f32 v19, v58;
	v16 =	vmul.f32 v19, v60;
	v9 =	vsub.f32 v61, v62  }
0x3bf: {  	s29 =	simm.s32 $0x0;
	s30 =	simm.s32 $0x800;
	[tilespmem:s25+$0x0] =	vst v53;
	v14 =	vld [tilespmem:s24+$0x14670];
	v15 =	vadd.f32 v15, v63;
	v19 =	vmul.f32 v18, v60;
	v18 =	vmul.f32 v18, v58  }
.LBB2_14:
0x3c0: {  	v5 =	vmul.f32 v12, v5;
	v12 =	vld [tilespmem:s24+$0x146F0];
	s24 =	sshra.s32 s30, $0x2  }
0x3c1: {  	v20 =	vld [tilespmem:s24+$0x4730];
	v6 =	vmul.f32 v13, v6;
	v13 =	vsub.f32 v17, v19;
	v16 =	vadd.f32 v18, v16  }
0x3c2: {  	v17 =	vld [tilespmem:s24+$0x4770];
	v5 =	vadd.f32 v7, v5;
	v7 =	vmul.f32 v9, v11  }
0x3c3: {  	v9 =	vld [tilespmem:s24+$0xC730];
	v6 =	vadd.f32 v15, v6;
	v10 =	vmul.f32 v13, v10  }
0x3c4: {  	v11 =	vld [tilespmem:s24+$0xC770];
	v5 =	vadd.f32 v7, v5;
	v7 =	vmul.f32 v14, v8  }
0x3c5: {  	v8 =	vld [tilespmem:s24+$0x47B0];
	v6 =	vadd.f32 v10, v6;
	v10 =	vmul.f32 v12, v16  }
0x3c6: {  	v12 =	vld [tilespmem:s24+$0x47F0];
	v5 =	vadd.f32 v5, v7  }
0x3c7: {  	v7 =	vld [tilespmem:s24+$0xC7B0];
	v6 =	vadd.f32 v6, v10  }
0x3c8: {  	v10 =	vld [tilespmem:s24+$0xC7F0];
	v13 =	vperm.xlane v5, v0  }
0x3c9: {  	v14 =	vld [tilespmem:s24+$0x4720];
	v15 =	vperm.xlane v6, v0  }
0x3ca: {  	v16 =	vld [tilespmem:s24+$0x4760];
	v5 =	vadd.f32 v13, v5  }
0x3cb: {  	v13 =	vld [tilespmem:s24+$0xC720];
	v6 =	vadd.f32 v6, v15  }
0x3cc: {  	v15 =	vld [tilespmem:s24+$0xC760]  }
0x3cd: {  	v18 =	vld [tilespmem:s24+$0x47A0];
	v5 =	vsel vm3, v5, v6  }
0x3ce: {  	v6 =	vld [tilespmem:s24+$0x47E0];
	[tilespmem:s25+$0xFFFFFFF0] =	vst v5  }
0x3cf: {  	v5 =	vld [tilespmem:s24+$0xC7A0]  }
0x3d0: {  	v19 =	vld [tilespmem:s24+$0xC7E0]  }
0x3d1: {  	v21 =	vld [tilespmem:s24+$0x4710]  }
0x3d2: {  	v22 =	vld [tilespmem:s24+$0x4750]  }
0x3d3: {  	v23 =	vld [tilespmem:s24+$0xC710]  }
0x3d4: {  	v24 =	vld [tilespmem:s24+$0xC750]  }
0x3d5: {  	v25 =	vld [tilespmem:s24+$0x4790]  }
0x3d6: {  	v26 =	vld [tilespmem:s24+$0x47D0]  }
0x3d7: {  	v27 =	vld [tilespmem:s24+$0xC790]  }
0x3d8: {  	v28 =	vmul.f32 v11, v20;
	v29 =	vld [tilespmem:s24+$0xC7D0]  }
0x3d9: {  	v31 =	vmul.f32 v9, v17;
	v32 =	vmul.f32 v10, v8;
	v30 =	vld [tilespmem:s24+$0x4700]  }
0x3da: {  	v9 =	vmul.f32 v9, v20;
	v20 =	vmul.f32 v7, v12;
	v33 =	vld [tilespmem:s24+$0x4740]  }
0x3db: {  	v11 =	vmul.f32 v11, v17;
	v7 =	vmul.f32 v7, v8;
	v34 =	vld [tilespmem:s24+$0xC700]  }
0x3dc: {  	v10 =	vmul.f32 v10, v12;
	v17 =	vmul.f32 v15, v14;
	v8 =	vld [tilespmem:s24+$0xC740]  }
0x3dd: {  	v12 =	vmul.f32 v13, v16;
	v36 =	vmul.f32 v19, v18;
	v35 =	vld [tilespmem:s24+$0x4780]  }
0x3de: {  	v13 =	vmul.f32 v13, v14;
	v37 =	vmul.f32 v5, v6;
	v14 =	vld [tilespmem:s24+$0x47C0]  }
0x3df: {  	s29 =	sadd.s32 $0x2, s29;
	v15 =	vmul.f32 v15, v16;
	v5 =	vmul.f32 v5, v18;
	v16 =	vld [tilespmem:s24+$0xC780]  }
0x3e0: {  	p0 =	slt.u32 s29, $0x3E;
	v6 =	vmul.f32 v19, v6;
	v18 =	vmul.f32 v24, v21;
	v38 =	vld [tilespmem:s24+$0xC7C0]  }
0x3e1: {  	v39 =	vmul.f32 v23, v22;
	v40 =	vmul.f32 v29, v25;
	v19 =	vld [tilespmem:s24+$0x4600]  }
0x3e2: {  	v21 =	vmul.f32 v23, v21;
	v23 =	vmul.f32 v27, v26;
	v41 =	vld [tilespmem:s24+$0x4640]  }
0x3e3: {  	v22 =	vmul.f32 v24, v22;
	v43 =	vmul.f32 v8, v30;
	v42 =	vld [tilespmem:s24+$0x14700]  }
0x3e4: {  	v24 =	vmul.f32 v34, v30;
	v8 =	vmul.f32 v8, v33;
	v30 =	vld [tilespmem:s24+$0x14780]  }
0x3e5: {  	v45 =	vmul.f32 v16, v35;
	v44 =	vld [tilespmem:s24+$0x14740];
	v46 =	vmul.f32 v38, v14  }
0x3e6: {  	v33 =	vmul.f32 v34, v33;
	v35 =	vmul.f32 v38, v35;
	v34 =	vld [tilespmem:s24+$0x147C0]  }
0x3e7: {  	v8 =	vsub.f32 v24, v8;
	v14 =	vmul.f32 v16, v14;
	v24 =	vld [tilespmem:s24+$0x14710];
	v38 =	vsub.f32 v45, v46  }
0x3e8: {  	v25 =	vmul.f32 v27, v25;
	v26 =	vmul.f32 v29, v26;
	v16 =	vadd.f32 v43, v33;
	v33 =	vld [tilespmem:s24+$0x14790]  }
0x3e9: {  	v14 =	vadd.f32 v35, v14;
	v8 =	vmul.f32 v8, v42;
	v27 =	vld [tilespmem:s24+$0x14750];
	v29 =	vmul.f32 v38, v30  }
0x3ea: {  	v21 =	vsub.f32 v21, v22;
	v25 =	vsub.f32 v25, v26;
	v16 =	vmul.f32 v44, v16;
	v22 =	vld [tilespmem:s24+$0x147D0]  }
0x3eb: {  	v8 =	vadd.f32 $0.0e+00, v8;
	v26 =	vld [tilespmem:s24+$0x14720];
	v29 =	vadd.f32 $0.0e+00, v29;
	v14 =	vmul.f32 v34, v14  }
0x3ec: {  	v18 =	vadd.f32 v18, v39;
	v23 =	vadd.f32 v40, v23;
	v21 =	vmul.f32 v21, v24;
	v24 =	vld [tilespmem:s24+$0x147A0]  }
0x3ed: {  	v8 =	vadd.f32 v8, v16;
	v16 =	vld [tilespmem:s24+$0x14760];
	v14 =	vadd.f32 v29, v14;
	v25 =	vmul.f32 v25, v33  }
0x3ee: {  	v13 =	vsub.f32 v13, v15;
	v5 =	vsub.f32 v5, v6;
	v18 =	vmul.f32 v27, v18;
	v15 =	vld [tilespmem:s24+$0x147E0]  }
0x3ef: {  	v6 =	vadd.f32 v21, v8;
	v8 =	vld [tilespmem:s24+$0x14730];
	v14 =	vadd.f32 v25, v14;
	v21 =	vmul.f32 v22, v23  }
0x3f0: {  	v12 =	vadd.f32 v17, v12;
	v17 =	vadd.f32 v36, v37;
	v13 =	vmul.f32 v13, v26;
	v22 =	vld [tilespmem:s24+$0x147B0]  }
0x3f1: {  	v6 =	vadd.f32 v6, v18;
	v18 =	vld [tilespmem:s24+$0x14770];
	v14 =	vadd.f32 v14, v21;
	v5 =	vmul.f32 v5, v24  }
0x3f2: {  	v9 =	vsub.f32 v9, v11;
	v7 =	vsub.f32 v7, v10;
	v12 =	vmul.f32 v16, v12;
	v11 =	vld [tilespmem:s24+$0x147F0]  }
0x3f3: {  	v6 =	vadd.f32 v13, v6;
	v10 =	vld [tilespmem:s24+$0xC600];
	v5 =	vadd.f32 v5, v14;
	v13 =	vmul.f32 v15, v17  }
0x3f4: {  	v15 =	vadd.f32 v28, v31;
	v14 =	vld [tilespmem:s24+$0xC640];
	v8 =	vmul.f32 v9, v8;
	v9 =	vadd.f32 v32, v20  }
0x3f5: {  	v6 =	vadd.f32 v6, v12;
	v16 =	vld [tilespmem:s24+$0x4680];
	v5 =	vadd.f32 v5, v13;
	v7 =	vmul.f32 v7, v22  }
0x3f6: {  	v12 =	vld [tilespmem:s24+$0x46C0];
	v13 =	vmul.f32 v18, v15  }
0x3f7: {  	v6 =	vadd.f32 v8, v6;
	v15 =	vld [tilespmem:s24+$0xC680];
	v5 =	vadd.f32 v7, v5;
	v7 =	vmul.f32 v11, v9  }
0x3f8: {  	v8 =	vmul.f32 v10, v19;
	v9 =	vmul.f32 v10, v41;
	v10 =	vld [tilespmem:s24+$0xC6C0]  }
0x3f9: {  	v6 =	vadd.f32 v6, v13;
	v11 =	vld [tilespmem:s24+$0x14600];
	v17 =	vmul.f32 v14, v41;
	v5 =	vadd.f32 v5, v7  }
0x3fa: {  	v7 =	vmul.f32 v14, v19;
	v13 =	vld [tilespmem:s24+$0x4610]  }
0x3fb: {  	v8 =	vsub.f32 v8, v17;
	v14 =	vld [tilespmem:s24+$0x4650];
	v17 =	vperm.xlane v6, v0;
	v18 =	vperm.xlane v5, v0  }
0x3fc: {  	v7 =	vadd.f32 v7, v9;
	v9 =	vld [tilespmem:s24+$0xC610];
	v19 =	vmul.f32 v15, v16;
	v15 =	vmul.f32 v15, v12  }
0x3fd: {  	v20 =	vld [tilespmem:s24+$0xC650];
	v12 =	vmul.f32 v10, v12;
	v6 =	vadd.f32 v17, v6;
	v5 =	vadd.f32 v5, v18  }
0x3fe: {  	v10 =	vmul.f32 v10, v16;
	v8 =	vmul.f32 v8, v11;
	v11 =	vld [tilespmem:s24+$0x14680]  }
0x3ff: {  	s25 =	sadd.s32 $0x20, s25;
	v12 =	vsub.f32 v19, v12;
	v16 =	vld [tilespmem:s24+$0x4690];
	v5 =	vsel vm3, v6, v5  }
0x400: {  	s5 =	simm.s32 $0x18640;
	v6 =	vadd.f32 $0.0e+00, v8;
	v8 =	vadd.f32 v10, v15;
	v10 =	vld [tilespmem:s24+$0x46D0];
	[tilespmem:s25+$0x0] =	vst v5  }
0x401: {  	v5 =	vmul.f32 v9, v13;
	v9 =	vmul.f32 v9, v14;
	v15 =	vld [tilespmem:s24+$0xC690]  }
0x402: {  	v14 =	vmul.f32 v20, v14;
	v13 =	vmul.f32 v20, v13;
	v17 =	vld [tilespmem:s24+$0xC6D0]  }
0x403: {  	v18 =	vld [tilespmem:s24+$0x14640];
	v11 =	vmul.f32 v12, v11  }
0x404: {  	v5 =	vsub.f32 v5, v14;
	v9 =	vadd.f32 v13, v9;
	v12 =	vld [tilespmem:s24+$0x146C0]  }
0x405: {  	v13 =	vld [tilespmem:s24+$0x14610];
	v11 =	vadd.f32 $0.0e+00, v11  }
0x406: {  	v14 =	vld [tilespmem:s24+$0x4620];
	v19 =	vmul.f32 v15, v16;
	v15 =	vmul.f32 v15, v10  }
0x407: {  	v20 =	vld [tilespmem:s24+$0x4660];
	v10 =	vmul.f32 v17, v10;
	v16 =	vmul.f32 v17, v16  }
0x408: {  	v7 =	vmul.f32 v18, v7;
	v17 =	vld [tilespmem:s24+$0xC620]  }
0x409: {  	v18 =	vld [tilespmem:s24+$0xC660];
	v8 =	vmul.f32 v12, v8;
	v10 =	vsub.f32 v19, v10;
	v12 =	vadd.f32 v16, v15  }
0x40a: {  	v6 =	vadd.f32 v6, v7;
	v5 =	vmul.f32 v5, v13;
	v7 =	vld [tilespmem:s24+$0x14690]  }
0x40b: {  	v8 =	vadd.f32 v11, v8;
	v11 =	vld [tilespmem:s24+$0x46A0]  }
0x40c: {  	v13 =	vadd.f32 v5, v6;
	v6 =	vld [tilespmem:s24+$0x46E0]  }
0x40d: {  	v5 =	vmul.f32 v17, v14;
	v15 =	vmul.f32 v17, v20;
	v16 =	vld [tilespmem:s24+$0xC6A0]  }
0x40e: {  	v17 =	vmul.f32 v18, v20;
	v14 =	vmul.f32 v18, v14;
	v18 =	vld [tilespmem:s24+$0xC6E0]  }
0x40f: {  	v19 =	vld [tilespmem:s24+$0x14650];
	v7 =	vmul.f32 v10, v7  }
0x410: {  	v10 =	vsub.f32 v5, v17;
	v5 =	vadd.f32 v14, v15;
	v14 =	vld [tilespmem:s24+$0x146D0]  }
0x411: {  	v15 =	vld [tilespmem:s24+$0x14620];
	v7 =	vadd.f32 v7, v8  }
0x412: {  	v8 =	vld [tilespmem:s24+$0x4630];
	v17 =	vmul.f32 v16, v11;
	v16 =	vmul.f32 v16, v6  }
0x413: {  	v20 =	vld [tilespmem:s24+$0x4670];
	v6 =	vmul.f32 v18, v6;
	v11 =	vmul.f32 v18, v11  }
0x414: {  	v9 =	vmul.f32 v19, v9;
	v18 =	vld [tilespmem:s24+$0xC630]  }
0x415: {  	v19 =	vld [tilespmem:s24+$0xC670];
	v12 =	vmul.f32 v14, v12;
	v14 =	vsub.f32 v17, v6;
	v6 =	vadd.f32 v11, v16  }
0x416: {  	v9 =	vadd.f32 v13, v9;
	v10 =	vmul.f32 v10, v15;
	v11 =	vld [tilespmem:s24+$0x146A0]  }
0x417: {  	v15 =	vadd.f32 v7, v12;
	v21 =	vld [tilespmem:s24+$0x46B0]  }
0x418: {  	v7 =	vadd.f32 v10, v9;
	v22 =	vld [tilespmem:s24+$0x46F0]  }
0x419: {  	v9 =	vmul.f32 v18, v8;
	v10 =	vmul.f32 v18, v20;
	v16 =	vld [tilespmem:s24+$0xC6B0]  }
0x41a: {  	v13 =	vmul.f32 v19, v20;
	v8 =	vmul.f32 v19, v8;
	v18 =	vld [tilespmem:s24+$0xC6F0]  }
.Ltmp6:
0x41b: {  	v12 =	vld [tilespmem:s24+$0x14660];
	v14 =	vmul.f32 v14, v11;
	(pc) =	sbr.rel @p0 .LBB2_14-.Ltmp6, $4  }
0x41c: {  	v9 =	vsub.f32 v9, v13;
	v8 =	vadd.f32 v8, v10;
	v13 =	vld [tilespmem:s24+$0x146E0]  }
0x41d: {  	v11 =	vld [tilespmem:s24+$0x14630];
	v15 =	vadd.f32 v14, v15  }
0x41e: {  	v10 =	vld [tilespmem:s24+$0x146B0];
	v17 =	vmul.f32 v16, v21;
	v16 =	vmul.f32 v16, v22  }
0x41f: {  	s30 =	sadd.s32 $0x800, s30;
	v14 =	vld [tilespmem:s24+$0x14670];
	v19 =	vmul.f32 v18, v22;
	v18 =	vmul.f32 v18, v21  }
0x420: {  	v5 =	vmul.f32 v12, v5;
	v12 =	vld [tilespmem:s24+$0x146F0]  }
0x421: {  	v6 =	vmul.f32 v13, v6;
	v13 =	vsub.f32 v17, v19  }
0x422: {  	v5 =	vadd.f32 v7, v5;
	v7 =	vmul.f32 v9, v11  }
0x423: {  	v9 =	vadd.f32 v18, v16;
	v6 =	vadd.f32 v15, v6;
	v10 =	vmul.f32 v13, v10  }
0x424: {  	v5 =	vadd.f32 v7, v5  }
0x425: {  	v7 =	vmul.f32 v14, v8;
	v6 =	vadd.f32 v10, v6;
	v8 =	vmul.f32 v12, v9;
	_ =	sdelay $0x1  }
0x426: {  	v5 =	vadd.f32 v5, v7;
	v6 =	vadd.f32 v6, v8;
	_ =	sdelay $0x1  }
0x427: {  	v7 =	vperm.xlane v5, v0;
	v8 =	vperm.xlane v6, v0;
	_ =	sdelay $0x1  }
0x428: {  	v5 =	vadd.f32 v7, v5;
	v6 =	vadd.f32 v6, v8;
	_ =	sdelay $0x1  }
0x429: {  	v5 =	vsel vm3, v5, v6  }
0x42a: {  	[tilespmem:s25+$0xFFFFFFF0] =	vst v5  }
0x42b: {  	v11 =	vld [tilespmem:s5+$0xFFFFFFC0]  }
0x42c: {  	v12 =	vld [tilespmem:s5+$0xFFFFFFD0]  }
0x42d: {  	v10 =	vld [tilespmem:s5+$0xFFFFFFE0]  }
0x42e: {  	v9 =	vld [tilespmem:s5+$0xFFFFFFF0]  }
0x42f: {  	v6 =	vld [tilespmem:s5+$0x0]  }
0x430: {  	v8 =	vld [tilespmem:s5+$0x10]  }
0x431: {  	v5 =	vld [tilespmem:s5+$0x20]  }
0x432: {  	s24 =	simm.s32 $0x40;
	v7 =	vld [tilespmem:s5+$0x30]  }
.LBB2_16:
0x433: {  	p0 =	sne.s32 s24, $0x1C0;
	v13 =	vperm.xlane v11, v1;
	v14 =	vperm.xlane v12, v1  }
0x434: {  	v15 =	vperm.xlane v10, v1  }
0x435: {  	v11 =	vadd.f32 v13, v11;
	v12 =	vadd.f32 v14, v12;
	v13 =	vperm.xlane v9, v1  }
0x436: {  	v10 =	vadd.f32 v15, v10;
	v14 =	vperm.xlane v6, v1;
	v15 =	vperm.xlane v8, v1  }
0x437: {  	v9 =	vadd.f32 v13, v9;
	v13 =	vperm.xlane v5, v1;
	v16 =	vperm.xlane v7, v1  }
0x438: {  	v6 =	vadd.f32 v14, v6;
	v8 =	vadd.f32 v15, v8  }
0x439: {  	v11 =	vsel vm0, v11, v12;
	v5 =	vadd.f32 v13, v5;
	v7 =	vadd.f32 v16, v7  }
0x43a: {  	v9 =	vsel vm0, v10, v9;
	v10 =	vperm.xlane v11, v2  }
0x43b: {  	v6 =	vsel vm0, v6, v8;
	v12 =	vperm.xlane v9, v2;
	v5 =	vsel vm0, v5, v7  }
0x43c: {  	v7 =	vperm.xlane v6, v2;
	v8 =	vperm.xlane v5, v2  }
0x43d: {  	v10 =	vadd.f32 v10, v11;
	v9 =	vadd.f32 v12, v9  }
0x43e: {  	v6 =	vadd.f32 v7, v6;
	v5 =	vadd.f32 v8, v5;
	_ =	sdelay $0x1  }
0x43f: {  	v7 =	vsel vm1, v10, v9;
	v5 =	vsel vm1, v6, v5  }
0x440: {  	v6 =	vperm.xlane v7, v3;
	v8 =	vperm.xlane v5, v3;
	_ =	sdelay $0x1  }
0x441: {  	v6 =	vadd.f32 v6, v7;
	v5 =	vadd.f32 v8, v5;
	_ =	sdelay $0x1  }
0x442: {  	v5 =	vsel vm2, v6, v5  }
0x443: {  	v5 =	vperm.xlane v5, v4  }
0x444: {  	s25 =	sshra.s32 s18, $0x2;
	s18 =	smov.u32 s24  }
0x445: {  	s5 =	sadd.s32 $0x80, s5;
	[tilespmem:s25+$0x18B00] =	vst v5  }
0x446: {  	v11 =	vld [tilespmem:s5+$0xFFFFFFC0]  }
0x447: {  	v12 =	vld [tilespmem:s5+$0xFFFFFFD0]  }
0x448: {  	v10 =	vld [tilespmem:s5+$0xFFFFFFE0]  }
.Ltmp7:
0x449: {  	v9 =	vld [tilespmem:s5+$0xFFFFFFF0];
	(pc) =	sbr.rel @p0 .LBB2_16-.Ltmp7, $4  }
0x44a: {  	v6 =	vld [tilespmem:s5+$0x0]  }
0x44b: {  	v8 =	vld [tilespmem:s5+$0x10]  }
0x44c: {  	v5 =	vld [tilespmem:s5+$0x20]  }
0x44d: {  	s24 =	sadd.s32 $0x40, s24;
	v7 =	vld [tilespmem:s5+$0x30]  }
0x44e: {  	v13 =	vperm.xlane v11, v1;
	v14 =	vperm.xlane v12, v1  }
0x44f: {  	v15 =	vperm.xlane v10, v1  }
0x450: {  	v11 =	vadd.f32 v13, v11;
	v12 =	vadd.f32 v14, v12;
	v13 =	vperm.xlane v9, v1  }
0x451: {  	v10 =	vadd.f32 v15, v10;
	v14 =	vperm.xlane v6, v1;
	v15 =	vperm.xlane v8, v1  }
0x452: {  	v9 =	vadd.f32 v13, v9;
	v13 =	vperm.xlane v5, v1;
	v16 =	vperm.xlane v7, v1  }
0x453: {  	v6 =	vadd.f32 v14, v6;
	v8 =	vadd.f32 v15, v8  }
0x454: {  	v11 =	vsel vm0, v11, v12;
	v5 =	vadd.f32 v13, v5;
	v7 =	vadd.f32 v16, v7  }
0x455: {  	v9 =	vsel vm0, v10, v9;
	v10 =	vperm.xlane v11, v2  }
0x456: {  	v6 =	vsel vm0, v6, v8;
	v12 =	vperm.xlane v9, v2;
	v5 =	vsel vm0, v5, v7  }
0x457: {  	v7 =	vperm.xlane v6, v2;
	v8 =	vperm.xlane v5, v2  }
0x458: {  	v10 =	vadd.f32 v10, v11;
	v9 =	vadd.f32 v12, v9  }
0x459: {  	v6 =	vadd.f32 v7, v6;
	v5 =	vadd.f32 v8, v5;
	_ =	sdelay $0x1  }
0x45a: {  	v7 =	vsel vm1, v10, v9;
	v5 =	vsel vm1, v6, v5  }
0x45b: {  	v6 =	vperm.xlane v7, v3;
	v8 =	vperm.xlane v5, v3;
	_ =	sdelay $0x1  }
0x45c: {  	v6 =	vadd.f32 v6, v7;
	v5 =	vadd.f32 v8, v5;
	_ =	sdelay $0x1  }
0x45d: {  	v5 =	vsel vm2, v6, v5  }
0x45e: {  	v5 =	vperm.xlane v5, v4  }
0x45f: {  	s5 =	sshra.s32 s18, $0x2  }
0x460: {  	s25 =	simm.s32 $0x18B00;
	[tilespmem:s5+$0x18B00] =	vst v5  }
0x461: {  	[hbm4b:s14+s4] =	stream.linear.scatter [tilespmem:s25], [sflag:$0x3], $0x80, $0x38;
	[tilespmem:$0x18C00] =	vst v63  }
0x462: {  	_ =	swait.ge [sflag:s19], $0x4000  }
0x463: {  	[sflag:s19] =	ssyncset.done $0x0  }
0x464: {  	[sflag:s19] =	ssyncadd.s32 $0xFFFFC000  }
0x465: {  	_ =	swait.ge [sflag:s19], $0x4000  }
0x466: {  	[sflag:s19] =	ssyncset.done $0x0  }
0x467: {  	[sflag:s19] =	ssyncadd.s32 $0xFFFFC000  }
0x468: {  	_ =	swait.ge [sflag:s19], $0x4000  }
0x469: {  	[sflag:s19] =	ssyncset.done $0x0  }
0x46a: {  	s31 =	simm.s32 $0x700;
	[sflag:s19] =	ssyncadd.s32 $0xFFFFC000  }
0x46b: {  	v6 =	vld [tilespmem:s31+$0x30]  }
0x46c: {  	s18 =	simm.s32 $0x8700;
	v7 =	vld [tilespmem:s31+$0x70]  }
0x46d: {  	v8 =	vld [tilespmem:s18+$0x30]  }
0x46e: {  	v9 =	vld [tilespmem:s18+$0x70]  }
0x46f: {  	v10 =	vld [tilespmem:s31+$0xB0]  }
0x470: {  	v11 =	vld [tilespmem:s31+$0xF0]  }
0x471: {  	v12 =	vld [tilespmem:s18+$0xB0]  }
0x472: {  	v13 =	vld [tilespmem:s18+$0xF0]  }
0x473: {  	v14 =	vld [tilespmem:s31+$0x20]  }
0x474: {  	v15 =	vld [tilespmem:s31+$0x60]  }
0x475: {  	v16 =	vld [tilespmem:s18+$0x20]  }
0x476: {  	v17 =	vld [tilespmem:s18+$0x60]  }
0x477: {  	v18 =	vld [tilespmem:s31+$0xA0]  }
0x478: {  	v19 =	vld [tilespmem:s31+$0xE0]  }
0x479: {  	v20 =	vld [tilespmem:s18+$0xA0]  }
0x47a: {  	v21 =	vld [tilespmem:s18+$0xE0]  }
0x47b: {  	v22 =	vld [tilespmem:s31+$0x10]  }
0x47c: {  	v23 =	vld [tilespmem:s31+$0x50]  }
0x47d: {  	v24 =	vld [tilespmem:s18+$0x10]  }
0x47e: {  	v25 =	vld [tilespmem:s18+$0x50]  }
0x47f: {  	v26 =	vld [tilespmem:s31+$0x90]  }
0x480: {  	v27 =	vld [tilespmem:s31+$0xD0]  }
0x481: {  	v28 =	vld [tilespmem:s18+$0x90]  }
0x482: {  	v29 =	vld [tilespmem:s18+$0xD0]  }
0x483: {  	v30 =	vld [tilespmem:s31+$0x0]  }
0x484: {  	v31 =	vld [tilespmem:s31+$0x40]  }
0x485: {  	v32 =	vld [tilespmem:s18+$0x0]  }
0x486: {  	v33 =	vld [tilespmem:s18+$0x40]  }
0x487: {  	v34 =	vld [tilespmem:s31+$0x80]  }
0x488: {  	v35 =	vld [tilespmem:s31+$0xC0]  }
0x489: {  	v36 =	vld [tilespmem:s18+$0x80]  }
0x48a: {  	v37 =	vld [tilespmem:s18+$0xC0]  }
0x48b: {  	v5 =	vld [tilespmem:s31+$0xFFFFFF40]  }
0x48c: {  	s24 =	simm.s32 $0x10700;
	v38 =	vld [tilespmem:s18+$0xFFFFFF00]  }
0x48d: {  	v39 =	vld [tilespmem:s24+$0x0]  }
0x48e: {  	v40 =	vld [tilespmem:s24+$0x80]  }
0x48f: {  	v41 =	vld [tilespmem:s24+$0x40]  }
0x490: {  	v42 =	vld [tilespmem:s24+$0xC0];
	v43 =	vmul.f32 v9, v6  }
0x491: {  	v45 =	vld [tilespmem:s24+$0x10];
	v44 =	vmul.f32 v8, v7;
	v46 =	vmul.f32 v13, v10  }
0x492: {  	v48 =	vld [tilespmem:s24+$0xD0];
	v6 =	vmul.f32 v8, v6;
	v47 =	vmul.f32 v12, v11  }
0x493: {  	v49 =	vld [tilespmem:s24+$0x20];
	v7 =	vmul.f32 v9, v7;
	v10 =	vmul.f32 v12, v10  }
0x494: {  	v52 =	vld [tilespmem:s24+$0xE0];
	v12 =	vmul.f32 v17, v14;
	v11 =	vmul.f32 v13, v11  }
0x495: {  	v53 =	vld [tilespmem:s24+$0x30];
	v13 =	vmul.f32 v16, v15;
	v50 =	vmul.f32 v21, v18  }
0x496: {  	v54 =	vld [tilespmem:s24+$0xB0];
	v14 =	vmul.f32 v16, v14;
	v51 =	vmul.f32 v20, v19  }
0x497: {  	v56 =	vld [tilespmem:s24+$0xF0];
	v15 =	vmul.f32 v17, v15;
	v18 =	vmul.f32 v20, v18  }
0x498: {  	v58 =	vld [tilespmem:s24+$0xFFFFFF00];
	v20 =	vmul.f32 v25, v22;
	v60 =	vmul.f32 v24, v23  }
0x499: {  	v8 =	vld [tilespmem:s24+$0x90];
	v22 =	vmul.f32 v24, v22;
	v61 =	vmul.f32 v33, v30  }
0x49a: {  	v9 =	vld [tilespmem:s24+$0x50];
	v23 =	vmul.f32 v25, v23;
	v62 =	vmul.f32 v32, v30  }
0x49b: {  	v16 =	vld [tilespmem:s24+$0xA0];
	v33 =	vmul.f32 v33, v31;
	v55 =	vmul.f32 v36, v34  }
0x49c: {  	v17 =	vld [tilespmem:s24+$0x60];
	v57 =	vmul.f32 v37, v35;
	v31 =	vmul.f32 v32, v31  }
0x49d: {  	v30 =	vld [tilespmem:s24+$0x70];
	v63 =	vmul.f32 v29, v26;
	v35 =	vmul.f32 v36, v35  }
0x49e: {  	v32 =	vld [tilespmem:s18+$0xFFFFFF40];
	v26 =	vmul.f32 v28, v26;
	v28 =	vmul.f32 v28, v27  }
0x49f: {  	v36 =	vld [tilespmem:s31+$0xFFFFFFC0];
	v27 =	vmul.f32 v29, v27;
	v25 =	vsub.f32 v62, v33;
	v55 =	vsub.f32 v55, v57  }
0x4a0: {  	v19 =	vmul.f32 v21, v19;
	v33 =	vld [tilespmem:s31+$0xFFFFFF80];
	v24 =	vadd.f32 v61, v31;
	v22 =	vsub.f32 v22, v23  }
0x4a1: {  	v34 =	vmul.f32 v37, v34;
	v31 =	vld [tilespmem:s18+$0xFFFFFF80];
	v26 =	vsub.f32 v26, v27;
	v20 =	vadd.f32 v20, v60  }
0x4a2: {  	v61 =	vld [tilespmem:s31+$0xFFFFFF10];
	v62 =	vadd.f32 v63, v28;
	v14 =	vsub.f32 v14, v15;
	v25 =	vmul.f32 v25, v39  }
0x4a3: {  	v63 =	vld [tilespmem:s31+$0xFFFFFF50];
	v18 =	vsub.f32 v18, v19;
	v39 =	vadd.f32 v34, v35;
	v40 =	vmul.f32 v55, v40  }
0x4a4: {  	v12 =	vadd.f32 v12, v13;
	v35 =	vld [tilespmem:s18+$0xFFFFFFC0];
	v24 =	vmul.f32 v41, v24;
	v41 =	vadd.f32 $0.0e+00, v25  }
0x4a5: {  	v10 =	vsub.f32 v10, v11;
	v55 =	vld [tilespmem:s31+$0xFFFFFF00];
	v57 =	vadd.f32 $0.0e+00, v40;
	v29 =	vmul.f32 v42, v39  }
0x4a6: {  	v59 =	vmul.f32 v22, v45;
	v13 =	vmul.f32 v14, v49;
	v14 =	vld [tilespmem:s24+$0xFFFFFF80];
	v60 =	vadd.f32 v41, v24  }
0x4a7: {  	v10 =	vmul.f32 v10, v54;
	v54 =	vld [tilespmem:s18+$0xFFFFFFE0];
	v8 =	vmul.f32 v26, v8;
	v27 =	vadd.f32 v57, v29  }
0x4a8: {  	v6 =	vsub.f32 v6, v7;
	v9 =	vmul.f32 v9, v20;
	v20 =	vld [tilespmem:s18+$0xFFFFFF10];
	v15 =	vadd.f32 v59, v60  }
0x4a9: {  	v19 =	vmul.f32 v48, v62;
	v16 =	vmul.f32 v18, v16;
	v18 =	vld [tilespmem:s31+$0xFFFFFF90];
	v8 =	vadd.f32 v8, v27  }
0x4aa: {  	v40 =	vld [tilespmem:s18+$0xFFFFFF50];
	v9 =	vadd.f32 v15, v9  }
0x4ab: {  	v6 =	vmul.f32 v6, v53;
	v41 =	vld [tilespmem:s18+$0xFFFFFF20];
	v15 =	vadd.f32 v50, v51;
	v8 =	vadd.f32 v8, v19  }
0x4ac: {  	v12 =	vmul.f32 v17, v12;
	v17 =	vmul.f32 v32, v5;
	v57 =	vld [tilespmem:s24+$0xFFFFFFD0]  }
0x4ad: {  	v59 =	vld [tilespmem:s24+$0xFFFFFF20];
	v7 =	vadd.f32 v13, v9;
	v8 =	vadd.f32 v16, v8;
	v11 =	vmul.f32 v52, v15  }
0x4ae: {  	v5 =	vmul.f32 v38, v5;
	v60 =	vld [tilespmem:s18+$0xFFFFFF70];
	v15 =	vadd.f32 v43, v44;
	v16 =	vadd.f32 v46, v47  }
0x4af: {  	v45 =	vmul.f32 v35, v36;
	v50 =	vld [tilespmem:s31+$0xFFFFFFE0];
	v7 =	vadd.f32 v7, v12;
	v8 =	vadd.f32 v8, v11  }
0x4b0: {  	v48 =	vmul.f32 v32, v55;
	v9 =	vld [tilespmem:s31+$0xFFFFFFD0];
	v15 =	vmul.f32 v30, v15  }
0x4b1: {  	v13 =	vld [tilespmem:s18+$0xFFFFFF90];
	v6 =	vadd.f32 v6, v7;
	v8 =	vadd.f32 v10, v8;
	v10 =	vmul.f32 v56, v16  }
0x4b2: {  	v21 =	vmul.f32 v40, v61;
	v43 =	vmul.f32 v31, v33;
	v11 =	vld [tilespmem:s24+$0xFFFFFF40]  }
0x4b3: {  	v51 =	vmul.f32 v35, v33;
	v7 =	vld [tilespmem:s24+$0xFFFFFFC0];
	v6 =	vadd.f32 v6, v15;
	v8 =	vadd.f32 v8, v10  }
0x4b4: {  	v44 =	vld [tilespmem:s18+$0xFFFFFF60];
	v46 =	vmul.f32 v38, v55;
	v52 =	vmul.f32 v31, v36;
	v49 =	vsub.f32 v43, v45  }
0x4b5: {  	v5 =	vadd.f32 v48, v5;
	v47 =	vld [tilespmem:s24+$0xFFFFFF90];
	v19 =	vperm.xlane v6, v0;
	v42 =	vperm.xlane v8, v0  }
0x4b6: {  	v12 =	vld [tilespmem:s18+$0xFFFFFFD0];
	v17 =	vsub.f32 v46, v17;
	v29 =	vadd.f32 v51, v52;
	v14 =	vmul.f32 v49, v14  }
0x4b7: {  	v55 =	vmul.f32 v40, v63;
	v15 =	vld [tilespmem:s31+$0xFFFFFF20];
	v6 =	vadd.f32 v19, v6;
	v8 =	vadd.f32 v8, v42  }
0x4b8: {  	v16 =	vld [tilespmem:s24+$0xFFFFFF10];
	v14 =	vadd.f32 $0.0e+00, v14;
	v5 =	vmul.f32 v11, v5;
	v7 =	vmul.f32 v7, v29  }
0x4b9: {  	v10 =	vld [tilespmem:s31+$0xFFFFFF60];
	v53 =	vsel vm3, v6, v8;
	v8 =	vmul.f32 v17, v58;
	v17 =	vmul.f32 v20, v61  }
0x4ba: {  	v19 =	vld [tilespmem:s31+$0xFFFFFFA0];
	v58 =	vmul.f32 v13, v18;
	v13 =	vmul.f32 v13, v9  }
0x4bb: {  	v7 =	vadd.f32 v14, v7;
	v6 =	vld [tilespmem:s18+$0xFFFFFFA0];
	v9 =	vmul.f32 v12, v9;
	v12 =	vmul.f32 v12, v18  }
0x4bc: {  	v56 =	vld [tilespmem:s24+$0xFFFFFF50];
	v14 =	vmul.f32 v44, v15;
	v8 =	vadd.f32 $0.0e+00, v8;
	v17 =	vsub.f32 v17, v55  }
0x4bd: {  	v11 =	vld [tilespmem:s31+$0xFFFFFF70];
	v20 =	vmul.f32 v20, v63;
	v9 =	vsub.f32 v58, v9;
	v12 =	vadd.f32 v12, v13  }
0x4be: {  	v18 =	vld [tilespmem:s31+$0xFFFFFF30];
	v13 =	vmul.f32 v17, v16;
	v5 =	vadd.f32 v8, v5;
	v8 =	vmul.f32 v41, v15  }
0x4bf: {  	v61 =	vld [tilespmem:s31+$0xFFFFFFB0];
	v20 =	vadd.f32 v21, v20;
	v17 =	vmul.f32 v41, v10;
	v10 =	vmul.f32 v44, v10  }
0x4c0: {  	v16 =	vld [tilespmem:s18+$0xFFFFFF30];
	v13 =	vadd.f32 v13, v5;
	v5 =	vmul.f32 v9, v47;
	v9 =	vmul.f32 v6, v19  }
0x4c1: {  	v15 =	vld [tilespmem:s24+$0xFFFFFFA0];
	v8 =	vsub.f32 v8, v10;
	v6 =	vmul.f32 v6, v50;
	v10 =	vmul.f32 v54, v50  }
0x4c2: {  	v14 =	vadd.f32 v14, v17;
	v17 =	vmul.f32 v54, v19;
	v19 =	vmul.f32 v56, v20;
	v20 =	vld [tilespmem:s18+$0xFFFFFFB0]  }
0x4c3: {  	v62 =	vld [tilespmem:s31+$0xFFFFFFF0];
	v12 =	vmul.f32 v57, v12;
	v7 =	vadd.f32 v5, v7  }
0x4c4: {  	v63 =	vld [tilespmem:s18+$0xFFFFFFF0];
	v9 =	vsub.f32 v9, v10;
	v5 =	vadd.f32 v17, v6;
	v8 =	vmul.f32 v8, v59  }
0x4c5: {  	v6 =	vadd.f32 v13, v19;
	v19 =	vld [tilespmem:s24+$0xFFFFFF60];
	v17 =	vmul.f32 v60, v11;
	v11 =	vmul.f32 v16, v11  }
0x4c6: {  	v13 =	vadd.f32 v7, v12;
	v7 =	vmul.f32 v16, v18;
	v12 =	vld [tilespmem:s24+$0xFFFFFFE0];
	v16 =	vmul.f32 v60, v18  }
0x4c7: {  	v10 =	vld [tilespmem:s24+$0xFFFFFF30];
	v6 =	vadd.f32 v8, v6;
	v18 =	vmul.f32 v9, v15;
	v15 =	vmul.f32 v20, v61  }
0x4c8: {  	v9 =	vld [tilespmem:s24+$0xFFFFFFB0];
	v8 =	vsub.f32 v7, v17;
	v7 =	vadd.f32 v16, v11;
	v16 =	vmul.f32 v20, v62  }
0x4c9: {  	s25 =	simm.s32 $0x18610;
	v11 =	vld [tilespmem:s24+$0xFFFFFF70];
	v17 =	vmul.f32 v63, v62;
	v13 =	vadd.f32 v18, v13;
	v18 =	vmul.f32 v63, v61  }
0x4ca: {  	s29 =	simm.s32 $0x0;
	s30 =	simm.s32 $0x900;
	[tilespmem:s25+$0x0] =	vst v53;
	v19 =	vmul.f32 v19, v14;
	v14 =	vld [tilespmem:s24+$0xFFFFFFF0]  }
.LBB2_18:
0x4cb: {  	v20 =	vld [tilespmem:s30+$0x30];
	v5 =	vmul.f32 v12, v5;
	v12 =	vsub.f32 v15, v17;
	v15 =	vadd.f32 v18, v16  }
0x4cc: {  	s18 =	sadd.s32 $0x200, s18;
	v16 =	vld [tilespmem:s30+$0x70];
	v6 =	vadd.f32 v6, v19;
	v8 =	vmul.f32 v8, v10  }
0x4cd: {  	v10 =	vld [tilespmem:s18+$0x30];
	v5 =	vadd.f32 v13, v5;
	v9 =	vmul.f32 v12, v9  }
0x4ce: {  	v12 =	vld [tilespmem:s18+$0x70];
	v6 =	vadd.f32 v8, v6;
	v7 =	vmul.f32 v11, v7  }
0x4cf: {  	v8 =	vld [tilespmem:s30+$0xB0];
	v5 =	vadd.f32 v9, v5;
	v9 =	vmul.f32 v14, v15  }
0x4d0: {  	v11 =	vld [tilespmem:s30+$0xF0];
	v6 =	vadd.f32 v6, v7  }
0x4d1: {  	v7 =	vld [tilespmem:s18+$0xB0];
	v5 =	vadd.f32 v5, v9  }
0x4d2: {  	v9 =	vld [tilespmem:s18+$0xF0];
	v13 =	vperm.xlane v6, v0  }
0x4d3: {  	v14 =	vld [tilespmem:s30+$0x20];
	v15 =	vperm.xlane v5, v0  }
0x4d4: {  	v17 =	vld [tilespmem:s30+$0x60];
	v6 =	vadd.f32 v13, v6  }
0x4d5: {  	v13 =	vld [tilespmem:s18+$0x20];
	v5 =	vadd.f32 v5, v15  }
0x4d6: {  	v15 =	vld [tilespmem:s18+$0x60]  }
0x4d7: {  	v18 =	vld [tilespmem:s30+$0xA0];
	v5 =	vsel vm3, v6, v5  }
0x4d8: {  	v6 =	vld [tilespmem:s30+$0xE0];
	[tilespmem:s25+$0xFFFFFFF0] =	vst v5  }
0x4d9: {  	v5 =	vld [tilespmem:s18+$0xA0]  }
0x4da: {  	v19 =	vld [tilespmem:s18+$0xE0]  }
0x4db: {  	v21 =	vld [tilespmem:s30+$0x10]  }
0x4dc: {  	v22 =	vld [tilespmem:s30+$0x50]  }
0x4dd: {  	v23 =	vld [tilespmem:s18+$0x10]  }
0x4de: {  	v24 =	vld [tilespmem:s18+$0x50]  }
0x4df: {  	v25 =	vld [tilespmem:s30+$0x90]  }
0x4e0: {  	v26 =	vld [tilespmem:s30+$0xD0]  }
0x4e1: {  	v27 =	vld [tilespmem:s18+$0x90]  }
0x4e2: {  	v28 =	vmul.f32 v12, v20;
	v29 =	vld [tilespmem:s18+$0xD0]  }
0x4e3: {  	v31 =	vmul.f32 v10, v16;
	v32 =	vmul.f32 v9, v8;
	v30 =	vld [tilespmem:s30+$0x0]  }
0x4e4: {  	v10 =	vmul.f32 v10, v20;
	v20 =	vmul.f32 v7, v11;
	v33 =	vld [tilespmem:s30+$0x40]  }
0x4e5: {  	v12 =	vmul.f32 v12, v16;
	v7 =	vmul.f32 v7, v8;
	v34 =	vld [tilespmem:s18+$0x0]  }
0x4e6: {  	v9 =	vmul.f32 v9, v11;
	v16 =	vmul.f32 v15, v14;
	v8 =	vld [tilespmem:s18+$0x40]  }
0x4e7: {  	v11 =	vmul.f32 v13, v17;
	v36 =	vmul.f32 v19, v18;
	v35 =	vld [tilespmem:s30+$0x80]  }
0x4e8: {  	v13 =	vmul.f32 v13, v14;
	v37 =	vmul.f32 v5, v6;
	v14 =	vld [tilespmem:s30+$0xC0]  }
0x4e9: {  	v15 =	vmul.f32 v15, v17;
	v5 =	vmul.f32 v5, v18;
	v17 =	vld [tilespmem:s18+$0x80]  }
0x4ea: {  	s29 =	sadd.s32 $0x2, s29;
	v6 =	vmul.f32 v19, v6;
	v18 =	vmul.f32 v24, v21;
	v38 =	vld [tilespmem:s18+$0xC0]  }
0x4eb: {  	p0 =	slt.u32 s29, $0x3E;
	v39 =	vmul.f32 v23, v22;
	v40 =	vmul.f32 v29, v25;
	v19 =	vld [tilespmem:s30+$0xFFFFFF40]  }
0x4ec: {  	s24 =	sadd.s32 $0x200, s24;
	v21 =	vmul.f32 v23, v21;
	v23 =	vmul.f32 v27, v26;
	v41 =	vld [tilespmem:s18+$0xFFFFFF00]  }
0x4ed: {  	v22 =	vmul.f32 v24, v22;
	v43 =	vmul.f32 v8, v30;
	v42 =	vld [tilespmem:s24+$0x0]  }
0x4ee: {  	v24 =	vmul.f32 v34, v30;
	v8 =	vmul.f32 v8, v33;
	v30 =	vld [tilespmem:s24+$0x80]  }
0x4ef: {  	v45 =	vmul.f32 v17, v35;
	v44 =	vld [tilespmem:s24+$0x40];
	v46 =	vmul.f32 v38, v14  }
0x4f0: {  	v33 =	vmul.f32 v34, v33;
	v35 =	vmul.f32 v38, v35;
	v34 =	vld [tilespmem:s24+$0xC0]  }
0x4f1: {  	v8 =	vsub.f32 v24, v8;
	v14 =	vmul.f32 v17, v14;
	v24 =	vld [tilespmem:s24+$0x10];
	v38 =	vsub.f32 v45, v46  }
0x4f2: {  	v25 =	vmul.f32 v27, v25;
	v26 =	vmul.f32 v29, v26;
	v17 =	vadd.f32 v43, v33;
	v33 =	vld [tilespmem:s24+$0x90]  }
0x4f3: {  	v14 =	vadd.f32 v35, v14;
	v8 =	vmul.f32 v8, v42;
	v27 =	vld [tilespmem:s24+$0x50];
	v29 =	vmul.f32 v38, v30  }
0x4f4: {  	v21 =	vsub.f32 v21, v22;
	v25 =	vsub.f32 v25, v26;
	v17 =	vmul.f32 v44, v17;
	v22 =	vld [tilespmem:s24+$0xD0]  }
0x4f5: {  	v8 =	vadd.f32 $0.0e+00, v8;
	v26 =	vld [tilespmem:s24+$0x20];
	v29 =	vadd.f32 $0.0e+00, v29;
	v14 =	vmul.f32 v34, v14  }
0x4f6: {  	v18 =	vadd.f32 v18, v39;
	v23 =	vadd.f32 v40, v23;
	v21 =	vmul.f32 v21, v24;
	v24 =	vld [tilespmem:s24+$0xA0]  }
0x4f7: {  	v8 =	vadd.f32 v8, v17;
	v17 =	vld [tilespmem:s24+$0x60];
	v14 =	vadd.f32 v29, v14;
	v25 =	vmul.f32 v25, v33  }
0x4f8: {  	v13 =	vsub.f32 v13, v15;
	v5 =	vsub.f32 v5, v6;
	v18 =	vmul.f32 v27, v18;
	v15 =	vld [tilespmem:s24+$0xE0]  }
0x4f9: {  	v6 =	vadd.f32 v21, v8;
	v8 =	vld [tilespmem:s24+$0x30];
	v14 =	vadd.f32 v25, v14;
	v21 =	vmul.f32 v22, v23  }
0x4fa: {  	v11 =	vadd.f32 v16, v11;
	v16 =	vadd.f32 v36, v37;
	v13 =	vmul.f32 v13, v26;
	v22 =	vld [tilespmem:s24+$0xB0]  }
0x4fb: {  	v6 =	vadd.f32 v6, v18;
	v18 =	vld [tilespmem:s24+$0x70];
	v14 =	vadd.f32 v14, v21;
	v5 =	vmul.f32 v5, v24  }
0x4fc: {  	v10 =	vsub.f32 v10, v12;
	v7 =	vsub.f32 v7, v9;
	v11 =	vmul.f32 v17, v11;
	v12 =	vld [tilespmem:s24+$0xF0]  }
0x4fd: {  	v6 =	vadd.f32 v13, v6;
	v9 =	vld [tilespmem:s18+$0xFFFFFF40];
	v5 =	vadd.f32 v5, v14;
	v13 =	vmul.f32 v15, v16  }
0x4fe: {  	v15 =	vadd.f32 v28, v31;
	v14 =	vld [tilespmem:s30+$0xFFFFFF80];
	v8 =	vmul.f32 v10, v8;
	v10 =	vadd.f32 v32, v20  }
0x4ff: {  	v6 =	vadd.f32 v6, v11;
	v16 =	vld [tilespmem:s30+$0xFFFFFFC0];
	v5 =	vadd.f32 v5, v13;
	v7 =	vmul.f32 v7, v22  }
0x500: {  	v11 =	vmul.f32 v41, v19;
	v13 =	vld [tilespmem:s18+$0xFFFFFF80];
	v15 =	vmul.f32 v18, v15  }
0x501: {  	v6 =	vadd.f32 v8, v6;
	v17 =	vld [tilespmem:s18+$0xFFFFFFC0];
	v5 =	vadd.f32 v7, v5;
	v7 =	vmul.f32 v12, v10  }
0x502: {  	v8 =	vld [tilespmem:s30+$0xFFFFFF00];
	v10 =	vmul.f32 v9, v19  }
0x503: {  	v6 =	vadd.f32 v6, v15;
	v12 =	vld [tilespmem:s24+$0xFFFFFF00];
	v5 =	vadd.f32 v5, v7  }
0x504: {  	v7 =	vld [tilespmem:s30+$0xFFFFFF10]  }
0x505: {  	v18 =	vperm.xlane v6, v0;
	v15 =	vld [tilespmem:s30+$0xFFFFFF50];
	v19 =	vperm.xlane v5, v0  }
0x506: {  	v21 =	vmul.f32 v13, v14;
	v20 =	vld [tilespmem:s18+$0xFFFFFF10];
	v22 =	vmul.f32 v17, v16  }
0x507: {  	v6 =	vadd.f32 v18, v6;
	v23 =	vmul.f32 v41, v8;
	v24 =	vld [tilespmem:s18+$0xFFFFFF50];
	v5 =	vadd.f32 v5, v19  }
0x508: {  	v14 =	vmul.f32 v17, v14;
	v8 =	vmul.f32 v9, v8;
	v9 =	vld [tilespmem:s24+$0xFFFFFF80];
	v18 =	vsub.f32 v21, v22  }
0x509: {  	s25 =	sadd.s32 $0x20, s25;
	v13 =	vmul.f32 v13, v16;
	v10 =	vsub.f32 v23, v10;
	v16 =	vld [tilespmem:s30+$0xFFFFFF90];
	v5 =	vsel vm3, v6, v5  }
0x50a: {  	s31 =	simm.s32 $0x0;
	s5 =	simm.s32 $0x18640;
	v6 =	vadd.f32 v8, v11;
	v8 =	vld [tilespmem:s30+$0xFFFFFFD0];
	[tilespmem:s25+$0x0] =	vst v5  }
0x50b: {  	v11 =	vadd.f32 v14, v13;
	v5 =	vmul.f32 v10, v12;
	v10 =	vmul.f32 v20, v7;
	v12 =	vld [tilespmem:s18+$0xFFFFFF90]  }
0x50c: {  	v13 =	vmul.f32 v24, v15;
	v7 =	vmul.f32 v24, v7;
	v14 =	vld [tilespmem:s18+$0xFFFFFFD0]  }
0x50d: {  	v15 =	vmul.f32 v20, v15;
	v17 =	vld [tilespmem:s24+$0xFFFFFF40];
	v5 =	vadd.f32 $0.0e+00, v5;
	v9 =	vmul.f32 v18, v9  }
0x50e: {  	v10 =	vsub.f32 v10, v13;
	v13 =	vld [tilespmem:s24+$0xFFFFFFC0]  }
0x50f: {  	v7 =	vadd.f32 v7, v15;
	v18 =	vld [tilespmem:s24+$0xFFFFFF10];
	v9 =	vadd.f32 $0.0e+00, v9  }
0x510: {  	v15 =	vld [tilespmem:s30+$0xFFFFFF20];
	v19 =	vmul.f32 v12, v16;
	v12 =	vmul.f32 v12, v8  }
0x511: {  	v20 =	vld [tilespmem:s30+$0xFFFFFF60];
	v8 =	vmul.f32 v14, v8;
	v14 =	vmul.f32 v14, v16  }
0x512: {  	v6 =	vmul.f32 v17, v6;
	v16 =	vld [tilespmem:s18+$0xFFFFFF20]  }
0x513: {  	v17 =	vld [tilespmem:s18+$0xFFFFFF60];
	v11 =	vmul.f32 v13, v11;
	v8 =	vsub.f32 v19, v8;
	v12 =	vadd.f32 v14, v12  }
0x514: {  	v5 =	vadd.f32 v5, v6;
	v6 =	vmul.f32 v10, v18;
	v10 =	vld [tilespmem:s24+$0xFFFFFF90]  }
0x515: {  	v9 =	vadd.f32 v9, v11;
	v11 =	vld [tilespmem:s30+$0xFFFFFFA0]  }
0x516: {  	v6 =	vadd.f32 v6, v5;
	v5 =	vld [tilespmem:s30+$0xFFFFFFE0]  }
0x517: {  	v13 =	vmul.f32 v16, v15;
	v14 =	vmul.f32 v16, v20;
	v16 =	vld [tilespmem:s18+$0xFFFFFFA0]  }
0x518: {  	v18 =	vmul.f32 v17, v20;
	v15 =	vmul.f32 v17, v15;
	v17 =	vld [tilespmem:s18+$0xFFFFFFE0]  }
0x519: {  	v19 =	vld [tilespmem:s24+$0xFFFFFF50];
	v8 =	vmul.f32 v8, v10  }
0x51a: {  	v10 =	vsub.f32 v13, v18;
	v14 =	vadd.f32 v15, v14;
	v13 =	vld [tilespmem:s24+$0xFFFFFFD0]  }
0x51b: {  	v15 =	vld [tilespmem:s24+$0xFFFFFF20];
	v8 =	vadd.f32 v8, v9  }
0x51c: {  	v9 =	vld [tilespmem:s30+$0xFFFFFF30];
	v18 =	vmul.f32 v16, v11;
	v16 =	vmul.f32 v16, v5  }
0x51d: {  	v20 =	vld [tilespmem:s30+$0xFFFFFF70];
	v5 =	vmul.f32 v17, v5;
	v11 =	vmul.f32 v17, v11  }
0x51e: {  	v7 =	vmul.f32 v19, v7;
	v17 =	vld [tilespmem:s18+$0xFFFFFF30]  }
0x51f: {  	v19 =	vld [tilespmem:s18+$0xFFFFFF70];
	v12 =	vmul.f32 v13, v12;
	v13 =	vsub.f32 v18, v5;
	v5 =	vadd.f32 v11, v16  }
0x520: {  	v6 =	vadd.f32 v6, v7;
	v7 =	vmul.f32 v10, v15;
	v10 =	vld [tilespmem:s24+$0xFFFFFFA0]  }
0x521: {  	v11 =	vadd.f32 v8, v12;
	v18 =	vld [tilespmem:s30+$0xFFFFFFB0]  }
0x522: {  	v6 =	vadd.f32 v7, v6;
	v21 =	vld [tilespmem:s30+$0xFFFFFFF0]  }
0x523: {  	v7 =	vmul.f32 v17, v9;
	v12 =	vmul.f32 v17, v20;
	v16 =	vld [tilespmem:s18+$0xFFFFFFB0]  }
0x524: {  	v8 =	vmul.f32 v19, v20;
	v9 =	vmul.f32 v19, v9;
	v19 =	vld [tilespmem:s18+$0xFFFFFFF0]  }
0x525: {  	v20 =	vld [tilespmem:s24+$0xFFFFFF60];
	v13 =	vmul.f32 v13, v10  }
.Ltmp8:
0x526: {  	v8 =	vsub.f32 v7, v8;
	v7 =	vadd.f32 v9, v12;
	v12 =	vld [tilespmem:s24+$0xFFFFFFE0];
	(pc) =	sbr.rel @p0 .LBB2_18-.Ltmp8, $4  }
0x527: {  	v10 =	vld [tilespmem:s24+$0xFFFFFF30];
	v13 =	vadd.f32 v13, v11  }
0x528: {  	v9 =	vld [tilespmem:s24+$0xFFFFFFB0];
	v15 =	vmul.f32 v16, v18;
	v16 =	vmul.f32 v16, v21  }
0x529: {  	v11 =	vld [tilespmem:s24+$0xFFFFFF70];
	v17 =	vmul.f32 v19, v21;
	v18 =	vmul.f32 v19, v18  }
0x52a: {  	s30 =	sadd.s32 $0x200, s30;
	v19 =	vmul.f32 v20, v14;
	v14 =	vld [tilespmem:s24+$0xFFFFFFF0]  }
0x52b: {  	v5 =	vmul.f32 v12, v5;
	v12 =	vsub.f32 v15, v17  }
0x52c: {  	v6 =	vadd.f32 v6, v19;
	v8 =	vmul.f32 v8, v10  }
0x52d: {  	v10 =	vadd.f32 v18, v16;
	v5 =	vadd.f32 v13, v5;
	v9 =	vmul.f32 v12, v9  }
0x52e: {  	v6 =	vadd.f32 v8, v6  }
0x52f: {  	v7 =	vmul.f32 v11, v7;
	v5 =	vadd.f32 v9, v5;
	v8 =	vmul.f32 v14, v10;
	_ =	sdelay $0x1  }
0x530: {  	v6 =	vadd.f32 v6, v7;
	v5 =	vadd.f32 v5, v8;
	_ =	sdelay $0x1  }
0x531: {  	v7 =	vperm.xlane v6, v0;
	v8 =	vperm.xlane v5, v0;
	_ =	sdelay $0x1  }
0x532: {  	v6 =	vadd.f32 v7, v6;
	v5 =	vadd.f32 v5, v8;
	_ =	sdelay $0x1  }
0x533: {  	v5 =	vsel vm3, v6, v5  }
0x534: {  	[tilespmem:s25+$0xFFFFFFF0] =	vst v5  }
0x535: {  	v11 =	vld [tilespmem:s5+$0xFFFFFFC0]  }
0x536: {  	v12 =	vld [tilespmem:s5+$0xFFFFFFD0]  }
0x537: {  	v10 =	vld [tilespmem:s5+$0xFFFFFFE0]  }
0x538: {  	v9 =	vld [tilespmem:s5+$0xFFFFFFF0]  }
0x539: {  	v6 =	vld [tilespmem:s5+$0x0]  }
0x53a: {  	v8 =	vld [tilespmem:s5+$0x10]  }
0x53b: {  	v5 =	vld [tilespmem:s5+$0x20]  }
0x53c: {  	s18 =	simm.s32 $0x40;
	v7 =	vld [tilespmem:s5+$0x30]  }
.LBB2_20:
0x53d: {  	p0 =	sne.s32 s18, $0x1C0;
	v13 =	vperm.xlane v11, v1;
	v14 =	vperm.xlane v12, v1  }
0x53e: {  	v15 =	vperm.xlane v10, v1  }
0x53f: {  	v11 =	vadd.f32 v13, v11;
	v12 =	vadd.f32 v14, v12;
	v13 =	vperm.xlane v9, v1  }
0x540: {  	v10 =	vadd.f32 v15, v10;
	v14 =	vperm.xlane v6, v1;
	v15 =	vperm.xlane v8, v1  }
0x541: {  	v9 =	vadd.f32 v13, v9;
	v13 =	vperm.xlane v5, v1;
	v16 =	vperm.xlane v7, v1  }
0x542: {  	v6 =	vadd.f32 v14, v6;
	v8 =	vadd.f32 v15, v8  }
0x543: {  	v11 =	vsel vm0, v11, v12;
	v5 =	vadd.f32 v13, v5;
	v7 =	vadd.f32 v16, v7  }
0x544: {  	v9 =	vsel vm0, v10, v9;
	v10 =	vperm.xlane v11, v2  }
0x545: {  	v6 =	vsel vm0, v6, v8;
	v12 =	vperm.xlane v9, v2;
	v5 =	vsel vm0, v5, v7  }
0x546: {  	v7 =	vperm.xlane v6, v2;
	v8 =	vperm.xlane v5, v2  }
0x547: {  	v10 =	vadd.f32 v10, v11;
	v9 =	vadd.f32 v12, v9  }
0x548: {  	v6 =	vadd.f32 v7, v6;
	v5 =	vadd.f32 v8, v5;
	_ =	sdelay $0x1  }
0x549: {  	v7 =	vsel vm1, v10, v9;
	v5 =	vsel vm1, v6, v5  }
0x54a: {  	v6 =	vperm.xlane v7, v3;
	v8 =	vperm.xlane v5, v3;
	_ =	sdelay $0x1  }
0x54b: {  	v6 =	vadd.f32 v6, v7;
	v5 =	vadd.f32 v8, v5;
	_ =	sdelay $0x1  }
0x54c: {  	v5 =	vsel vm2, v6, v5  }
0x54d: {  	v5 =	vperm.xlane v5, v4  }
0x54e: {  	s24 =	sshra.s32 s31, $0x2;
	s31 =	smov.u32 s18  }
0x54f: {  	s5 =	sadd.s32 $0x80, s5;
	[tilespmem:s24+$0x18B80] =	vst v5  }
0x550: {  	v11 =	vld [tilespmem:s5+$0xFFFFFFC0]  }
0x551: {  	v12 =	vld [tilespmem:s5+$0xFFFFFFD0]  }
0x552: {  	v10 =	vld [tilespmem:s5+$0xFFFFFFE0]  }
.Ltmp9:
0x553: {  	v9 =	vld [tilespmem:s5+$0xFFFFFFF0];
	(pc) =	sbr.rel @p0 .LBB2_20-.Ltmp9, $4  }
0x554: {  	v6 =	vld [tilespmem:s5+$0x0]  }
0x555: {  	v8 =	vld [tilespmem:s5+$0x10]  }
0x556: {  	v5 =	vld [tilespmem:s5+$0x20]  }
0x557: {  	s18 =	sadd.s32 $0x40, s18;
	v7 =	vld [tilespmem:s5+$0x30]  }
0x558: {  	v13 =	vperm.xlane v11, v1  }
0x559: {  	v14 =	vperm.xlane v12, v1;
	v15 =	vperm.xlane v10, v1  }
0x55a: {  	v56 =	vperm.xlane v9, v1;
	v57 =	vperm.xlane v6, v1;
	v11 =	vadd.f32 v13, v11  }
0x55b: {  	v12 =	vadd.f32 v14, v12;
	v10 =	vadd.f32 v15, v10;
	v58 =	vperm.xlane v8, v1  }
0x55c: {  	v9 =	vadd.f32 v56, v9;
	v59 =	vperm.xlane v5, v1;
	v16 =	vperm.xlane v7, v1  }
0x55d: {  	v6 =	vadd.f32 v57, v6;
	v8 =	vadd.f32 v58, v8  }
0x55e: {  	v11 =	vsel vm0, v11, v12;
	v5 =	vadd.f32 v59, v5;
	v7 =	vadd.f32 v16, v7  }
0x55f: {  	v9 =	vsel vm0, v10, v9;
	v60 =	vperm.xlane v11, v2  }
0x560: {  	v61 =	vperm.xlane v9, v2;
	v6 =	vsel vm0, v6, v8;
	v5 =	vsel vm0, v5, v7  }
0x561: {  	v7 =	vperm.xlane v6, v2;
	v62 =	vperm.xlane v5, v2  }
0x562: {  	v10 =	vadd.f32 v60, v11;
	v9 =	vadd.f32 v61, v9  }
0x563: {  	v6 =	vadd.f32 v7, v6;
	v5 =	vadd.f32 v62, v5;
	_ =	sdelay $0x1  }
0x564: {  	v7 =	vsel vm1, v10, v9;
	v5 =	vsel vm1, v6, v5  }
0x565: {  	v6 =	vperm.xlane v7, v3;
	v63 =	vperm.xlane v5, v3;
	_ =	sdelay $0x1  }
0x566: {  	v6 =	vadd.f32 v6, v7;
	v5 =	vadd.f32 v63, v5;
	_ =	sdelay $0x1  }
0x567: {  	v5 =	vsel vm2, v6, v5  }
0x568: {  	v5 =	vperm.xlane v5, v4  }
0x569: {  	s5 =	sshra.s32 s31, $0x2  }
0x56a: {  	s31 =	simm.s32 $0x18B80;
	[tilespmem:s5+$0x18B80] =	vst v5  }
0x56b: {  	[hbm4b:s15+s4] =	stream.linear.scatter [tilespmem:s31], [sflag:$0x3], $0x80, $0x38;
	[tilespmem:$0x18C00] =	vst v63  }
0x56c: {  	_ =	swait.ge [sflag:s2], $0x20  }
0x56d: {  	[sflag:s2] =	ssyncset.done $0x0  }
0x56e: {  	[sflag:s2] =	ssyncadd.s32 $0xFFFFFFE0  }
0x56f: {  	_ =	swait.ge [sflag:s2], $0x60  }
0x570: {  	[sflag:s2] =	ssyncset.done $0x0  }
0x571: {  	[sflag:s2] =	ssyncadd.s32 $0xFFFFFFA0  }
0x572: {  	_ =	swait.ge [sflag:s2], $0x80  }
0x573: {  	[sflag:s2] =	ssyncset.done $0x0  }
0x574: {  	s17 =	sadd.s32 $0x1, s17;
	[sflag:s2] =	ssyncadd.s32 $0xFFFFFF80  }
0x575: {  	p0 =	sne.s32 s17, s16;
	_ =	swait.ge [sflag:s2], $0x80  }
.Ltmp10:
0x576: {  	[sflag:s2] =	ssyncset.done $0x0;
	(pc) =	sbr.rel @p0 .LBB2_1-.Ltmp10, $4  }
0x577: {  	[sflag:s2] =	ssyncadd.s32 $0xFFFFFF80  }
0x578: {  	_ =	swait.ge [sflag:s2], $0x80  }
0x579: {  	[sflag:s2] =	ssyncset.done $0x0  }
0x57a: {  	[sflag:s2] =	ssyncadd.s32 $0xFFFFFF80  }
0x57b: {  	_ =	sfence.sel $0x180000  }
0x57c: {  	[bflag:$0x0] =	sbarrier.arrive $0xFFFF  }
0x57d: {  	_ =	strace $0x90000047  }
0x57e: {  	s0 =	stileid.u32;
	[bflag:$0x2] =	sbarrier.arrive $0xFFFF  }
0x57f: {  	p0 =	sne.s32 s0, $0x0;
	s0 =	rddreg [dreg:$0x6]  }
0x580: {  	s0 =	sadd.s32 @!p0 $0x100000, s0  }
0x581: {  	[sflag:s0] =	ssyncadd.tile.s32 @!p0 $0x1;
	_ =	shalt  }
.Lfunc_end2:
_tile_overlayer_lowered:
.L_overlay_start_2:
0x582: {  	(tag) =	ssettag $0x2  }
0x583: {  	s0 =	rddreg [dreg:$0x0];
	s2 =	stileid.u32  }
0x584: {  	s1 =	rddreg [dreg:$0x1];
	p0 =	sne.s32 s2, $0x0  }
0x585: {  	s3 =	rddreg [dreg:$0x2];
	[bflag:$0x3] =	sbarrier.arrive $0xFFFF;
	s2 =	simm.s32 @!p0 $0x1C04  }
0x586: {  	[timem:s3], [sflag:s2] =	dma.local @!p0 [hbm:s0], s1  }
0x587: {  	s0 =	simm.s32 @!p0 $0x4  }
0x588: {  	_ =	swait.ge @!p0 [sflag:s0], s1  }
0x589: {  	s1 =	ssub.s32 @!p0 $0x0, s1;
	[sflag:s0] =	ssyncset.done @!p0 $0x0  }
0x58a: {  	[sflag:s0] =	ssyncadd.s32 @!p0 s1  }
0x58b: {  	[bflag:$0x3] =	sbarrier.arrive $0xFFFF  }
0x58c: {  	_ =	shalt  }

</sc_bundles>
